<compile_context>
chip_gen: v7x
topology: tpu7x:2x2x1
jax: 0.10.2.dev20260603
libtpu: 0.0.44.dev20260713+nightly
codegen_flags: <defaults>
</compile_context>

<pallas_src>
import functools

import jax
import jax.numpy as jnp
from jax import lax
from jax.experimental import pallas as pl
from jax.experimental.pallas import tpu as pltpu
from jax.experimental.pallas import tpu_sc as plsc

N = 10000
D = 128
FH = 64
E = 320000
NC = 2
NS = 16
NW = NC * NS
NPAD = 10240
RPT = NPAD // NS

CH = 128
EPT_DEG = 10240
NCH = EPT_DEG // CH
E_PAD = NW * EPT_DEG

ACH = 64
EPT = E_PAD // NS
ANCH = EPT // ACH
QTR = ANCH // 4
NBUF = 2

_MESH = plsc.VectorSubcoreMesh(core_axis_name="c", subcore_axis_name="s")



def _deg_body(dstg_hbm, cnt_out, cnt_sh, idxd_v, ones_v, zer_v):
    c = lax.axis_index("c")
    s = lax.axis_index("s")
    w = c * NS + s
    for i in range(8):
        ones_v[pl.ds(i * 16, 16)] = jnp.ones((16,), jnp.float32)
    for i in range(RPT // 16):
        zer_v[pl.ds(i * 16, 16)] = jnp.zeros((16,), jnp.float32)
    pltpu.sync_copy(zer_v, cnt_sh.at[pl.ds(s * RPT, RPT)])
    pltpu.sync_copy(dstg_hbm.at[w], idxd_v)
    plsc.subcore_barrier()

    @pl.loop(0, NCH)
    def _chunk(g):
        pltpu.sync_copy(ones_v, cnt_sh.at[idxd_v.at[g]], add=True)

    plsc.subcore_barrier()
    pltpu.sync_copy(cnt_sh.at[pl.ds(s * RPT, RPT)],
                    cnt_out.at[c, pl.ds(s * RPT, RPT)])


_deg_kernel = pl.kernel(
    _deg_body,
    out_type=jax.ShapeDtypeStruct((NC, NPAD), jnp.float32),
    mesh=_MESH,
    scratch_types=[
        pltpu.VMEM_SHARED((NPAD,), jnp.float32),
        pltpu.VMEM((NCH, CH), jnp.int32),
        pltpu.VMEM((CH,), jnp.float32),
        pltpu.VMEM((RPT,), jnp.float32),
    ],
)


def _agg_body(hs_hbm, srcg_hbm, dstg_hbm, agg_out,
              hs_sh, agg_sh, idxs_v, idxd_v, rows0, rows1,
              sem0, sem1, ssem0, ssem1):
    c = lax.axis_index("c")
    s = lax.axis_index("s")
    rows = (rows0, rows1)
    sems = (sem0, sem1)
    ssems = (ssem0, ssem1)

    @pl.loop(0, ACH)
    def _zr(i):
        @pl.loop(0, FH // 16)
        def _zc(j):
            rows0[i, pl.ds(j * 16, 16)] = jnp.zeros((16,), jnp.float32)

    @pl.loop(0, RPT // ACH)
    def _z(j):
        pltpu.sync_copy(rows0, agg_sh.at[pl.ds(s * RPT + j * ACH, ACH)])
        pltpu.sync_copy(hs_hbm.at[pl.ds(s * RPT + j * ACH, ACH),
                                  pl.ds(c * FH, FH)],
                        hs_sh.at[pl.ds(s * RPT + j * ACH, ACH)])

    plsc.subcore_barrier()

    for h in range(ANCH // QTR):
        pltpu.sync_copy(srcg_hbm.at[s, pl.ds(h * QTR, QTR)], idxs_v)
        pltpu.sync_copy(dstg_hbm.at[s, pl.ds(h * QTR, QTR)], idxd_v)
        for b in range(NBUF):
            pltpu.async_copy(hs_sh.at[idxs_v.at[b]], rows[b], sems[b])

        @pl.loop(0, QTR, step=NBUF)
        def _chunks(g):
            for b in range(NBUF):
                pltpu.make_async_copy(hs_sh.at[idxs_v.at[0]],
                                      rows[b], sems[b]).wait()
                pltpu.async_copy(rows[b], agg_sh.at[idxd_v.at[g + b]],
                                 ssems[b], add=True)

                @pl.when(g + b + NBUF < QTR)
                def _(b=b, g=g):
                    pltpu.make_async_copy(rows[b], agg_sh.at[idxd_v.at[0]],
                                          ssems[b]).wait()
                    pltpu.async_copy(hs_sh.at[idxs_v.at[g + b + NBUF]],
                                     rows[b], sems[b])

        for b in range(NBUF):
            @pl.when(QTR - NBUF + b >= 0)
            def _(b=b):
                pltpu.make_async_copy(rows[b], agg_sh.at[idxd_v.at[0]],
                                      ssems[b]).wait()

    plsc.subcore_barrier()

    @pl.loop(0, RPT // ACH)
    def _wb(j):
        pltpu.sync_copy(agg_sh.at[pl.ds(s * RPT + j * ACH, ACH)], rows0)
        pltpu.sync_copy(rows0, agg_out.at[pl.ds(s * RPT + j * ACH, ACH),
                                          pl.ds(c * FH, FH)])


_agg_kernel = pl.kernel(
    _agg_body,
    out_type=jax.ShapeDtypeStruct((NPAD, D), jnp.float32),
    mesh=_MESH,
    compiler_params=pltpu.CompilerParams(use_tc_tiling_on_sc=False),
    scratch_types=[
        pltpu.VMEM_SHARED((NPAD, FH), jnp.float32),
        pltpu.VMEM_SHARED((NPAD, FH), jnp.float32),
        pltpu.VMEM((QTR, ACH), jnp.int32),
        pltpu.VMEM((QTR, ACH), jnp.int32),
        pltpu.VMEM((ACH, FH), jnp.float32),
        pltpu.VMEM((ACH, FH), jnp.float32),
        pltpu.SemaphoreType.DMA,
        pltpu.SemaphoreType.DMA,
        pltpu.SemaphoreType.DMA,
        pltpu.SemaphoreType.DMA,
    ],
)



_R = 10240


def _dinv_of(cnt_ref):
    return lax.rsqrt(cnt_ref[0, :] + cnt_ref[1, :] + 1.0)


def _mm_first_body(x_ref, w_ref, cnt_ref, out_ref):
    dinv = _dinv_of(cnt_ref)
    h = jnp.dot(x_ref[...], w_ref[...], preferred_element_type=jnp.float32)
    out_ref[...] = h * dinv[:, None]


def _mm_mid_body(agg_ref, hs_ref, cnt_ref, w_ref, b_ref, out_ref, *, leaky):
    dinv = _dinv_of(cnt_ref)
    a = agg_ref[...] + hs_ref[...]
    xn = dinv[:, None] * a + b_ref[...]
    if leaky:
        xn = jnp.where(xn >= 0, xn, 0.01 * xn)
    h = jnp.dot(xn, w_ref[...], preferred_element_type=jnp.float32)
    out_ref[...] = h * dinv[:, None]


def _fin_body(agg_ref, hs_ref, cnt_ref, b_ref, out_ref):
    dinv = _dinv_of(cnt_ref)
    a = agg_ref[...] + hs_ref[...]
    xn = dinv[:, None] * a + b_ref[...]
    out_ref[...] = jnp.where(xn >= 0, xn, 0.01 * xn)


_spec_rows = pl.BlockSpec((_R, D), lambda i: (i, 0))
_spec_w = pl.BlockSpec((D, D), lambda i: (0, 0))
_spec_cnt = pl.BlockSpec((NC, _R), lambda i: (0, i))
_spec_b = pl.BlockSpec((1, D), lambda i: (0, 0))
_out_rows = jax.ShapeDtypeStruct((NPAD, D), jnp.float32)

_mm_first = pl.pallas_call(
    _mm_first_body,
    grid=(NPAD // _R,),
    in_specs=[_spec_rows, _spec_w, _spec_cnt],
    out_specs=_spec_rows,
    out_shape=_out_rows,
)

_mm_mid_leaky = pl.pallas_call(
    functools.partial(_mm_mid_body, leaky=True),
    grid=(NPAD // _R,),
    in_specs=[_spec_rows, _spec_rows, _spec_cnt, _spec_w, _spec_b],
    out_specs=_spec_rows,
    out_shape=_out_rows,
)

_mm_mid_plain = pl.pallas_call(
    functools.partial(_mm_mid_body, leaky=False),
    grid=(NPAD // _R,),
    in_specs=[_spec_rows, _spec_rows, _spec_cnt, _spec_w, _spec_b],
    out_specs=_spec_rows,
    out_shape=_out_rows,
)

_fin = pl.pallas_call(
    _fin_body,
    grid=(NPAD // _R,),
    in_specs=[_spec_rows, _spec_rows, _spec_cnt, _spec_b],
    out_specs=_spec_rows,
    out_shape=_out_rows,
)



def kernel(x, edge_index, W1, b1, W2, b2, W3, b3):
    ei = edge_index.astype(jnp.int32)
    pad = jnp.full((E_PAD - E,), N, jnp.int32)
    src_flat = jnp.concatenate([ei[0], pad])
    dst_flat = jnp.concatenate([ei[1], pad])
    srcg = src_flat.reshape(NS, ANCH, ACH)
    dstg = dst_flat.reshape(NS, ANCH, ACH)
    xp = jnp.pad(x, ((0, NPAD - N), (0, 0)))

    cnt = _deg_kernel(dst_flat.reshape(NW, NCH, CH))

    hs = _mm_first(xp, W1, cnt)
    agg = _agg_kernel(hs, srcg, dstg)
    hs = _mm_mid_leaky(agg, hs, cnt, W2, b1.reshape(1, D))
    agg = _agg_kernel(hs, srcg, dstg)
    hs = _mm_mid_plain(agg, hs, cnt, W3, b2.reshape(1, D))
    agg = _agg_kernel(hs, srcg, dstg)
    out = _fin(agg, hs, cnt, b3.reshape(1, D))
    return out[:N]

# --- scband reference (transcript-rebuilt; emitter-appended) ---
"""Pipeline reference for scband-gcn-2-16896401342682 (READ-ONLY COPY).

The authoritative reference and input builder live on the scoring server;
editing this copy changes nothing except your own understanding.
"""

import jax, jax.numpy as jnp
import numpy as np

N_NODES = 10000
D = 128
N_EDGES = 320000

def gcn_conv(x, edge_index, W, b):
    num_nodes = x.shape[0]
    src = edge_index[0]
    dst = edge_index[1]
    loop = jnp.arange(num_nodes, dtype=edge_index.dtype)
    src = jnp.concatenate([src, loop])
    dst = jnp.concatenate([dst, loop])
    ones = jnp.ones(src.shape[0], dtype=x.dtype)
    deg = jnp.zeros((num_nodes,), dtype=x.dtype).at[dst].add(ones)
    dinv = jnp.where(deg > 0, jax.lax.rsqrt(deg), 0.0)
    norm = dinv[src] * dinv[dst]
    h = x @ W
    msg = h[src] * norm[:, None]
    out = jnp.zeros((num_nodes, h.shape[1]), dtype=x.dtype).at[dst].add(msg)
    return out + b

def leaky_relu(x):
    return jnp.where(x >= 0, x, 0.01 * x)

def setup_inputs(seed: int = 0) -> dict:
    key = jax.random.key(seed)
    ks = jax.random.split(key, 8)
    x = jax.random.normal(ks[0], (N_NODES, D), dtype=jnp.float32)
    edge_index = jax.random.randint(ks[1], (2, N_EDGES), 0, N_NODES, dtype=jnp.int64)
    scale = 1.0 / np.sqrt(D)
    W1 = jax.random.uniform(ks[2], (D, D), dtype=jnp.float32, minval=-scale, maxval=scale)
    b1 = jnp.zeros((D,), dtype=jnp.float32)
    W2 = jax.random.uniform(ks[3], (D, D), dtype=jnp.float32, minval=-scale, maxval=scale)
    b2 = jnp.zeros((D,), dtype=jnp.float32)
    W3 = jax.random.uniform(ks[4], (D, D), dtype=jnp.float32, minval=-scale, maxval=scale)
    b3 = jnp.zeros((D,), dtype=jnp.float32)
    return {"x": x, "edge_index": edge_index, "W1": W1, "b1": b1, "W2": W2, "b2": b2, "W3": W3, "b3": b3}

def reference(x, edge_index, W1, b1, W2, b2, W3, b3):
    # conv1 -> leaky_relu -> dropout(eval: identity)
    h = leaky_relu(gcn_conv(x, edge_index, W1, b1))
    # conv2 (checkpoint is math-identity)
    h = gcn_conv(h, edge_index, W2, b2)
    # conv3 -> leaky_relu
    h = leaky_relu(gcn_conv(h, edge_index, W3, b3))
    return h

if __name__ == "__main__":
    import jax
    _d = setup_inputs()
    print(jax.jit(kernel)(*tuple(_d.values())))

</pallas_src>

<mosaic_0001>
#map = affine_map<(d0, d1) -> (0, 0)>
#map1 = affine_map<(d0, d1) -> (0, 0, 0)>
module attributes {stable_mosaic.version = 14 : i64} {
  func.func @_agg_body(%arg0: i32, %arg1: i32, %arg2: memref<10240x128xf32, #tpu.memory_space<hbm>>, %arg3: memref<16x320x64xi32, #tpu.memory_space<hbm>>, %arg4: memref<16x320x64xi32, #tpu.memory_space<hbm>>, %arg5: memref<10240x128xf32, #tpu.memory_space<hbm>>, %arg6: memref<10240x64xf32, #tpu.memory_space<vmem_shared>>, %arg7: memref<10240x64xf32, #tpu.memory_space<vmem_shared>>, %arg8: memref<80x64xi32, #tpu.memory_space<vmem>>, %arg9: memref<80x64xi32, #tpu.memory_space<vmem>>, %arg10: memref<64x64xf32, #tpu.memory_space<vmem>>, %arg11: memref<64x64xf32, #tpu.memory_space<vmem>>, %arg12: memref<!tpu.dma_semaphore, #tpu.memory_space<semaphore_mem>>, %arg13: memref<!tpu.dma_semaphore, #tpu.memory_space<semaphore_mem>>, %arg14: memref<!tpu.dma_semaphore, #tpu.memory_space<semaphore_mem>>, %arg15: memref<!tpu.dma_semaphore, #tpu.memory_space<semaphore_mem>>) attributes {dimension_semantics = [#tpu.dimension_semantics<core_parallel>, #tpu.dimension_semantics<subcore_parallel>], iteration_bounds = array<i64: 2, 16>, scalar_prefetch = 0 : i64, scratch_operands = 10 : i64, tpu.core_type = #tpu.core_type<sc_vector_subcore>, window_params = [{transform_indices = #map}, {transform_indices = #map1}, {transform_indices = #map1}, {transform_indices = #map}]} {
    %scan3A = arith.constant 0 : i32
    %scan3A_0 = arith.constant 64 : i32
    %scan3A_1 = arith.addi %scan3A, %scan3A_0 : i32
    %scan3A_2 = arith.constant 1 : i32
    scf.for %scan3A_145 = %scan3A to %scan3A_1 step %scan3A_2  : i32 {
      %mul3A = arith.constant 1 : i32
      %mul3A_146 = arith.muli %scan3A_145, %mul3A : i32
      %add3A = arith.constant 0 : i32
      %add3A_147 = arith.addi %add3A, %mul3A_146 : i32
      %scan3A_148 = arith.constant 0 : i32
      %scan3A_149 = arith.constant 4 : i32
      %scan3A_150 = arith.addi %scan3A_148, %scan3A_149 : i32
      %scan3A_151 = arith.constant 1 : i32
      scf.for %scan3A_153 = %scan3A_148 to %scan3A_150 step %scan3A_151  : i32 {
        %mul3A_154 = arith.constant 1 : i32
        %mul3A_155 = arith.muli %scan3A_153, %mul3A_154 : i32
        %add3A_156 = arith.constant 0 : i32
        %add3A_157 = arith.addi %add3A_156, %mul3A_155 : i32
        %broadcast_in_dim3A = arith.constant 0.000000e+00 : f32
        %broadcast_in_dim3A_158 = vector.broadcast %broadcast_in_dim3A : f32 to vector<16xf32>
        %mul3A_159 = arith.constant 16 : i32
        %mul3A_160 = arith.muli %add3A_157, %mul3A_159 : i32
        %swap3A = arith.index_cast %add3A_147 : i32 to index
        %swap3A_161 = arith.index_cast %mul3A_160 : i32 to index
        %swap3A_162 = tpu.vector_load %arg10[%swap3A, %swap3A_161] {strides = array<i32>} : memref<64x64xf32, #tpu.memory_space<vmem>>, vector<1x16xf32>,
        %swap3A_163 = vector.shape_cast %swap3A_162 : vector<1x16xf32> to vector<16xf32>
        %swap3A_164 = vector.shape_cast %broadcast_in_dim3A_158 : vector<16xf32> to vector<1x16xf32>
        tpu.vector_store %arg10[%swap3A, %swap3A_161], %swap3A_164 {strides = array<i32>} : memref<64x64xf32, #tpu.memory_space<vmem>>, vector<1x16xf32>,
      }
      %scan3A_152 = arith.constant 4 : i32
    }
    %scan3A_3 = arith.constant 64 : i32
    %scan3A_4 = arith.constant 0 : i32
    %scan3A_5 = arith.constant 10 : i32
    %scan3A_6 = arith.addi %scan3A_4, %scan3A_5 : i32
    %scan3A_7 = arith.constant 1 : i32
    scf.for %scan3A_145 = %scan3A_4 to %scan3A_6 step %scan3A_7  : i32 {
      %mul3A = arith.constant 1 : i32
      %mul3A_146 = arith.muli %scan3A_145, %mul3A : i32
      %add3A = arith.constant 0 : i32
      %add3A_147 = arith.addi %add3A, %mul3A_146 : i32
      %mul3A_148 = arith.constant 640 : i32
      %mul3A_149 = arith.muli %arg1, %mul3A_148 : i32
      %mul3A_150 = arith.constant 64 : i32
      %mul3A_151 = arith.muli %add3A_147, %mul3A_150 : i32
      %add3A_152 = arith.addi %mul3A_149, %mul3A_151 : i32
      "tpu.region"() ({
        %run_scoped3A = tpu.sem_alloc : memref<!tpu.dma_semaphore, #tpu.memory_space<semaphore_mem>>
        %dma_start3A_165 = arith.constant 0 : i32
        %dma_start3A_166 = tpu.memref_slice %arg7[%add3A_152, %dma_start3A_165] : memref<10240x64xf32, #tpu.memory_space<vmem_shared>> -> memref<64x64xf32, #tpu.memory_space<vmem_shared>>
        %dma_start3A_167 = arith.constant 0 : i32
        %dma_start3A_168 = tpu.memref_slice %arg7[%add3A_152, %dma_start3A_167] : memref<10240x64xf32, #tpu.memory_space<vmem_shared>> -> memref<64x64xf32, #tpu.memory_space<vmem_shared>>
        tpu.enqueue_dma source(%arg10 : memref<64x64xf32, #tpu.memory_space<vmem>>) target(%dma_start3A_168 : memref<64x64xf32, #tpu.memory_space<vmem_shared>>) target_semaphore(%run_scoped3A : memref<!tpu.dma_semaphore, #tpu.memory_space<semaphore_mem>>)
        %dma_wait3A_169 = arith.constant 0 : i32
        %dma_wait3A_170 = tpu.memref_slice %arg7[%add3A_152, %dma_wait3A_169] : memref<10240x64xf32, #tpu.memory_space<vmem_shared>> -> memref<64x64xf32, #tpu.memory_space<vmem_shared>>
        %dma_wait3A_171 = arith.constant 0 : i32
        %dma_wait3A_172 = tpu.memref_slice %arg7[%add3A_152, %dma_wait3A_171] : memref<10240x64xf32, #tpu.memory_space<vmem_shared>> -> memref<64x64xf32, #tpu.memory_space<vmem_shared>>
        tpu.wait_dma2 semaphore(%run_scoped3A : memref<!tpu.dma_semaphore, #tpu.memory_space<semaphore_mem>>) src(%arg10 : memref<64x64xf32, #tpu.memory_space<vmem>>) dst(%dma_wait3A_172 : memref<64x64xf32, #tpu.memory_space<vmem_shared>>)
        tpu.yield
      }) : () -> ()
      %mul3A_153 = arith.constant 640 : i32
      %mul3A_154 = arith.muli %arg1, %mul3A_153 : i32
      %mul3A_155 = arith.constant 64 : i32
      %mul3A_156 = arith.muli %add3A_147, %mul3A_155 : i32
      %add3A_157 = arith.addi %mul3A_154, %mul3A_156 : i32
      %mul3A_158 = arith.constant 64 : i32
      %mul3A_159 = arith.muli %arg0, %mul3A_158 : i32
      %mul3A_160 = arith.constant 640 : i32
      %mul3A_161 = arith.muli %arg1, %mul3A_160 : i32
      %mul3A_162 = arith.constant 64 : i32
      %mul3A_163 = arith.muli %add3A_147, %mul3A_162 : i32
      %add3A_164 = arith.addi %mul3A_161, %mul3A_163 : i32
      "tpu.region"() ({
        %run_scoped3A = tpu.sem_alloc : memref<!tpu.dma_semaphore, #tpu.memory_space<semaphore_mem>>
        %dma_start3A_165 = arith.constant 0 : i32
        %dma_start3A_166 = tpu.memref_slice %arg6[%add3A_164, %dma_start3A_165] : memref<10240x64xf32, #tpu.memory_space<vmem_shared>> -> memref<64x64xf32, #tpu.memory_space<vmem_shared>>
        %dma_start3A_167 = tpu.memref_slice %arg2[%add3A_157, %mul3A_159] : memref<10240x128xf32, #tpu.memory_space<hbm>> -> memref<64x64xf32, #tpu.memory_space<hbm>>
        tpu.enqueue_dma source(%dma_start3A_167 : memref<64x64xf32, #tpu.memory_space<hbm>>) target(%dma_start3A_166 : memref<64x64xf32, #tpu.memory_space<vmem_shared>>) target_semaphore(%run_scoped3A : memref<!tpu.dma_semaphore, #tpu.memory_space<semaphore_mem>>)
        %dma_wait3A_168 = arith.constant 0 : i32
        %dma_wait3A_169 = tpu.memref_slice %arg6[%add3A_164, %dma_wait3A_168] : memref<10240x64xf32, #tpu.memory_space<vmem_shared>> -> memref<64x64xf32, #tpu.memory_space<vmem_shared>>
        %dma_wait3A_170 = tpu.memref_slice %arg2[%add3A_157, %mul3A_159] : memref<10240x128xf32, #tpu.memory_space<hbm>> -> memref<64x64xf32, #tpu.memory_space<hbm>>
        tpu.wait_dma2 semaphore(%run_scoped3A : memref<!tpu.dma_semaphore, #tpu.memory_space<semaphore_mem>>) src(%dma_wait3A_170 : memref<64x64xf32, #tpu.memory_space<hbm>>) dst(%dma_wait3A_169 : memref<64x64xf32, #tpu.memory_space<vmem_shared>>)
        tpu.yield
      }) : () -> ()
    }
    %scan3A_8 = arith.constant 10 : i32
    %barrier3A = arith.constant 0 : index
    tpu.barrier barrier_id(%barrier3A)
    "tpu.region"() ({
      %run_scoped3A = tpu.sem_alloc : memref<!tpu.dma_semaphore, #tpu.memory_space<semaphore_mem>>
      %dma_start3A_145 = arith.constant 0 : i32
      %dma_start3A_146 = arith.constant 0 : i32
      %dma_start3A_147 = tpu.memref_slice %arg3[%arg1, %dma_start3A_145, %dma_start3A_146] : memref<16x320x64xi32, #tpu.memory_space<hbm>> -> memref<1x80x64xi32, #tpu.memory_space<hbm>>
      %dma_start3A_148 = tpu.memref_squeeze %dma_start3A_147 : memref<1x80x64xi32, #tpu.memory_space<hbm>> -> memref<80x64xi32, #tpu.memory_space<hbm>>
      %dma_start3A_149 = arith.constant 0 : i32
      %dma_start3A_150 = arith.constant 0 : i32
      %dma_start3A_151 = tpu.memref_slice %arg3[%arg1, %dma_start3A_149, %dma_start3A_150] : memref<16x320x64xi32, #tpu.memory_space<hbm>> -> memref<1x80x64xi32, #tpu.memory_space<hbm>>
      %dma_start3A_152 = tpu.memref_squeeze %dma_start3A_151 : memref<1x80x64xi32, #tpu.memory_space<hbm>> -> memref<80x64xi32, #tpu.memory_space<hbm>>
      tpu.enqueue_dma source(%dma_start3A_152 : memref<80x64xi32, #tpu.memory_space<hbm>>) target(%arg8 : memref<80x64xi32, #tpu.memory_space<vmem>>) target_semaphore(%run_scoped3A : memref<!tpu.dma_semaphore, #tpu.memory_space<semaphore_mem>>)
      %dma_wait3A_153 = arith.constant 0 : i32
      %dma_wait3A_154 = arith.constant 0 : i32
      %dma_wait3A_155 = tpu.memref_slice %arg3[%arg1, %dma_wait3A_153, %dma_wait3A_154] : memref<16x320x64xi32, #tpu.memory_space<hbm>> -> memref<1x80x64xi32, #tpu.memory_space<hbm>>
      %dma_wait3A_156 = tpu.memref_squeeze %dma_wait3A_155 : memref<1x80x64xi32, #tpu.memory_space<hbm>> -> memref<80x64xi32, #tpu.memory_space<hbm>>
      %dma_wait3A_157 = arith.constant 0 : i32
      %dma_wait3A_158 = arith.constant 0 : i32
      %dma_wait3A_159 = tpu.memref_slice %arg3[%arg1, %dma_wait3A_157, %dma_wait3A_158] : memref<16x320x64xi32, #tpu.memory_space<hbm>> -> memref<1x80x64xi32, #tpu.memory_space<hbm>>
      %dma_wait3A_160 = tpu.memref_squeeze %dma_wait3A_159 : memref<1x80x64xi32, #tpu.memory_space<hbm>> -> memref<80x64xi32, #tpu.memory_space<hbm>>
      tpu.wait_dma2 semaphore(%run_scoped3A : memref<!tpu.dma_semaphore, #tpu.memory_space<semaphore_mem>>) src(%dma_wait3A_160 : memref<80x64xi32, #tpu.memory_space<hbm>>) dst(%arg8 : memref<80x64xi32, #tpu.memory_space<vmem>>)
      tpu.yield
    }) : () -> ()
    "tpu.region"() ({
      %run_scoped3A = tpu.sem_alloc : memref<!tpu.dma_semaphore, #tpu.memory_space<semaphore_mem>>
      %dma_start3A_145 = arith.constant 0 : i32
      %dma_start3A_146 = arith.constant 0 : i32
      %dma_start3A_147 = tpu.memref_slice %arg4[%arg1, %dma_start3A_145, %dma_start3A_146] : memref<16x320x64xi32, #tpu.memory_space<hbm>> -> memref<1x80x64xi32, #tpu.memory_space<hbm>>
      %dma_start3A_148 = tpu.memref_squeeze %dma_start3A_147 : memref<1x80x64xi32, #tpu.memory_space<hbm>> -> memref<80x64xi32, #tpu.memory_space<hbm>>
      %dma_start3A_149 = arith.constant 0 : i32
      %dma_start3A_150 = arith.constant 0 : i32
      %dma_start3A_151 = tpu.memref_slice %arg4[%arg1, %dma_start3A_149, %dma_start3A_150] : memref<16x320x64xi32, #tpu.memory_space<hbm>> -> memref<1x80x64xi32, #tpu.memory_space<hbm>>
      %dma_start3A_152 = tpu.memref_squeeze %dma_start3A_151 : memref<1x80x64xi32, #tpu.memory_space<hbm>> -> memref<80x64xi32, #tpu.memory_space<hbm>>
      tpu.enqueue_dma source(%dma_start3A_152 : memref<80x64xi32, #tpu.memory_space<hbm>>) target(%arg9 : memref<80x64xi32, #tpu.memory_space<vmem>>) target_semaphore(%run_scoped3A : memref<!tpu.dma_semaphore, #tpu.memory_space<semaphore_mem>>)
      %dma_wait3A_153 = arith.constant 0 : i32
      %dma_wait3A_154 = arith.constant 0 : i32
      %dma_wait3A_155 = tpu.memref_slice %arg4[%arg1, %dma_wait3A_153, %dma_wait3A_154] : memref<16x320x64xi32, #tpu.memory_space<hbm>> -> memref<1x80x64xi32, #tpu.memory_space<hbm>>
      %dma_wait3A_156 = tpu.memref_squeeze %dma_wait3A_155 : memref<1x80x64xi32, #tpu.memory_space<hbm>> -> memref<80x64xi32, #tpu.memory_space<hbm>>
      %dma_wait3A_157 = arith.constant 0 : i32
      %dma_wait3A_158 = arith.constant 0 : i32
      %dma_wait3A_159 = tpu.memref_slice %arg4[%arg1, %dma_wait3A_157, %dma_wait3A_158] : memref<16x320x64xi32, #tpu.memory_space<hbm>> -> memref<1x80x64xi32, #tpu.memory_space<hbm>>
      %dma_wait3A_160 = tpu.memref_squeeze %dma_wait3A_159 : memref<1x80x64xi32, #tpu.memory_space<hbm>> -> memref<80x64xi32, #tpu.memory_space<hbm>>
      tpu.wait_dma2 semaphore(%run_scoped3A : memref<!tpu.dma_semaphore, #tpu.memory_space<semaphore_mem>>) src(%dma_wait3A_160 : memref<80x64xi32, #tpu.memory_space<hbm>>) dst(%arg9 : memref<80x64xi32, #tpu.memory_space<vmem>>)
      tpu.yield
    }) : () -> ()
    %dma_start3A = arith.constant 0 : i32
    %dma_start3A_9 = arith.constant 0 : i32
    %dma_start3A_10 = tpu.memref_slice %arg8[%dma_start3A, %dma_start3A_9] : memref<80x64xi32, #tpu.memory_space<vmem>> -> memref<1x64xi32, #tpu.memory_space<vmem>>
    %dma_start3A_11 = tpu.memref_squeeze %dma_start3A_10 : memref<1x64xi32, #tpu.memory_space<vmem>> -> memref<64xi32, #tpu.memory_space<vmem>>
    %dma_start3A_12 = arith.constant 0 : i32
    %dma_start3A_13 = arith.constant 0 : i32
    %dma_start3A_14 = tpu.memref_slice %arg6[%dma_start3A_12, %dma_start3A_13] : memref<10240x64xf32, #tpu.memory_space<vmem_shared>> -> memref<10240x64xf32, #tpu.memory_space<vmem_shared>>
    tpu.enqueue_indirect_dma source(%dma_start3A_14 : memref<10240x64xf32, #tpu.memory_space<vmem_shared>>) target(%arg10 : memref<64x64xf32, #tpu.memory_space<vmem>>) offsets(%dma_start3A_11 : memref<64xi32, #tpu.memory_space<vmem>>) semaphore(%arg12 : memref<!tpu.dma_semaphore, #tpu.memory_space<semaphore_mem>>)
    %dma_start3A_15 = arith.constant 1 : i32
    %dma_start3A_16 = arith.constant 0 : i32
    %dma_start3A_17 = tpu.memref_slice %arg8[%dma_start3A_15, %dma_start3A_16] : memref<80x64xi32, #tpu.memory_space<vmem>> -> memref<1x64xi32, #tpu.memory_space<vmem>>
    %dma_start3A_18 = tpu.memref_squeeze %dma_start3A_17 : memref<1x64xi32, #tpu.memory_space<vmem>> -> memref<64xi32, #tpu.memory_space<vmem>>
    %dma_start3A_19 = arith.constant 0 : i32
    %dma_start3A_20 = arith.constant 0 : i32
    %dma_start3A_21 = tpu.memref_slice %arg6[%dma_start3A_19, %dma_start3A_20] : memref<10240x64xf32, #tpu.memory_space<vmem_shared>> -> memref<10240x64xf32, #tpu.memory_space<vmem_shared>>
    tpu.enqueue_indirect_dma source(%dma_start3A_21 : memref<10240x64xf32, #tpu.memory_space<vmem_shared>>) target(%arg11 : memref<64x64xf32, #tpu.memory_space<vmem>>) offsets(%dma_start3A_18 : memref<64xi32, #tpu.memory_space<vmem>>) semaphore(%arg13 : memref<!tpu.dma_semaphore, #tpu.memory_space<semaphore_mem>>)
    %scan3A_22 = arith.constant 0 : i32
    %scan3A_23 = arith.constant 40 : i32
    %scan3A_24 = arith.addi %scan3A_22, %scan3A_23 : i32
    %scan3A_25 = arith.constant 1 : i32
    scf.for %scan3A_145 = %scan3A_22 to %scan3A_24 step %scan3A_25  : i32 {
      %mul3A = arith.constant 2 : i32
      %mul3A_146 = arith.muli %scan3A_145, %mul3A : i32
      %add3A = arith.constant 0 : i32
      %add3A_147 = arith.addi %add3A, %mul3A_146 : i32
      %dma_wait3A_148 = arith.constant 0 : i32
      %dma_wait3A_149 = arith.constant 0 : i32
      %dma_wait3A_150 = tpu.memref_slice %arg8[%dma_wait3A_148, %dma_wait3A_149] : memref<80x64xi32, #tpu.memory_space<vmem>> -> memref<1x64xi32, #tpu.memory_space<vmem>>
      %dma_wait3A_151 = tpu.memref_squeeze %dma_wait3A_150 : memref<1x64xi32, #tpu.memory_space<vmem>> -> memref<64xi32, #tpu.memory_space<vmem>>
      %dma_wait3A_152 = arith.constant 0 : i32
      %dma_wait3A_153 = arith.constant 0 : i32
      %dma_wait3A_154 = tpu.memref_slice %arg6[%dma_wait3A_152, %dma_wait3A_153] : memref<10240x64xf32, #tpu.memory_space<vmem_shared>> -> memref<10240x64xf32, #tpu.memory_space<vmem_shared>>
      tpu.wait_indirect_dma semaphore(%arg12 : memref<!tpu.dma_semaphore, #tpu.memory_space<semaphore_mem>>) src(%dma_wait3A_154 : memref<10240x64xf32, #tpu.memory_space<vmem_shared>>) dst(%arg10 : memref<64x64xf32, #tpu.memory_space<vmem>>)
      %add3A_155 = arith.constant 0 : i32
      %add3A_156 = arith.addi %add3A_147, %add3A_155 : i32
      %dma_start3A_157 = arith.constant 0 : i32
      %dma_start3A_158 = tpu.memref_slice %arg9[%add3A_156, %dma_start3A_157] : memref<80x64xi32, #tpu.memory_space<vmem>> -> memref<1x64xi32, #tpu.memory_space<vmem>>
      %dma_start3A_159 = tpu.memref_squeeze %dma_start3A_158 : memref<1x64xi32, #tpu.memory_space<vmem>> -> memref<64xi32, #tpu.memory_space<vmem>>
      %dma_start3A_160 = arith.constant 0 : i32
      %dma_start3A_161 = arith.constant 0 : i32
      %dma_start3A_162 = tpu.memref_slice %arg7[%dma_start3A_160, %dma_start3A_161] : memref<10240x64xf32, #tpu.memory_space<vmem_shared>> -> memref<10240x64xf32, #tpu.memory_space<vmem_shared>>
      tpu.enqueue_indirect_dma source(%arg10 : memref<64x64xf32, #tpu.memory_space<vmem>>) target(%dma_start3A_162 : memref<10240x64xf32, #tpu.memory_space<vmem_shared>>) offsets(%dma_start3A_159 : memref<64xi32, #tpu.memory_space<vmem>>) semaphore(%arg14 : memref<!tpu.dma_semaphore, #tpu.memory_space<semaphore_mem>>) {add = true}
      %add3A_163 = arith.constant 0 : i32
      %add3A_164 = arith.addi %add3A_147, %add3A_163 : i32
      %add3A_165 = arith.constant 2 : i32
      %add3A_166 = arith.addi %add3A_164, %add3A_165 : i32
      %lt3A = arith.constant 80 : i32
      %lt3A_167 = arith.cmpi slt, %add3A_166, %lt3A : i32
      %convert_element_type3A = arith.extui %lt3A_167 : i1 to i32
      %cond3A = arith.constant 0 : i32
      %cond3A_168 = arith.cmpi ne, %convert_element_type3A, %cond3A : i32
      scf.if %cond3A_168 {
        %dma_wait3A_193 = arith.constant 0 : i32
        %dma_wait3A_194 = arith.constant 0 : i32
        %dma_wait3A_195 = tpu.memref_slice %arg9[%dma_wait3A_193, %dma_wait3A_194] : memref<80x64xi32, #tpu.memory_space<vmem>> -> memref<1x64xi32, #tpu.memory_space<vmem>>
        %dma_wait3A_196 = tpu.memref_squeeze %dma_wait3A_195 : memref<1x64xi32, #tpu.memory_space<vmem>> -> memref<64xi32, #tpu.memory_space<vmem>>
        %dma_wait3A_197 = arith.constant 0 : i32
        %dma_wait3A_198 = arith.constant 0 : i32
        %dma_wait3A_199 = tpu.memref_slice %arg7[%dma_wait3A_197, %dma_wait3A_198] : memref<10240x64xf32, #tpu.memory_space<vmem_shared>> -> memref<10240x64xf32, #tpu.memory_space<vmem_shared>>
        tpu.wait_indirect_dma semaphore(%arg14 : memref<!tpu.dma_semaphore, #tpu.memory_space<semaphore_mem>>) src(%arg10 : memref<64x64xf32, #tpu.memory_space<vmem>>) dst(%dma_wait3A_199 : memref<10240x64xf32, #tpu.memory_space<vmem_shared>>)
        %add3A_200 = arith.constant 0 : i32
        %add3A_201 = arith.addi %add3A_147, %add3A_200 : i32
        %add3A_202 = arith.constant 2 : i32
        %add3A_203 = arith.addi %add3A_201, %add3A_202 : i32
        %dma_start3A_204 = arith.constant 0 : i32
        %dma_start3A_205 = tpu.memref_slice %arg8[%add3A_203, %dma_start3A_204] : memref<80x64xi32, #tpu.memory_space<vmem>> -> memref<1x64xi32, #tpu.memory_space<vmem>>
        %dma_start3A_206 = tpu.memref_squeeze %dma_start3A_205 : memref<1x64xi32, #tpu.memory_space<vmem>> -> memref<64xi32, #tpu.memory_space<vmem>>
        %dma_start3A_207 = arith.constant 0 : i32
        %dma_start3A_208 = arith.constant 0 : i32
        %dma_start3A_209 = tpu.memref_slice %arg6[%dma_start3A_207, %dma_start3A_208] : memref<10240x64xf32, #tpu.memory_space<vmem_shared>> -> memref<10240x64xf32, #tpu.memory_space<vmem_shared>>
        tpu.enqueue_indirect_dma source(%dma_start3A_209 : memref<10240x64xf32, #tpu.memory_space<vmem_shared>>) target(%arg10 : memref<64x64xf32, #tpu.memory_space<vmem>>) offsets(%dma_start3A_206 : memref<64xi32, #tpu.memory_space<vmem>>) semaphore(%arg12 : memref<!tpu.dma_semaphore, #tpu.memory_space<semaphore_mem>>)
      } else {
      }
      %dma_wait3A_169 = arith.constant 0 : i32
      %dma_wait3A_170 = arith.constant 0 : i32
      %dma_wait3A_171 = tpu.memref_slice %arg8[%dma_wait3A_169, %dma_wait3A_170] : memref<80x64xi32, #tpu.memory_space<vmem>> -> memref<1x64xi32, #tpu.memory_space<vmem>>
      %dma_wait3A_172 = tpu.memref_squeeze %dma_wait3A_171 : memref<1x64xi32, #tpu.memory_space<vmem>> -> memref<64xi32, #tpu.memory_space<vmem>>
      %dma_wait3A_173 = arith.constant 0 : i32
      %dma_wait3A_174 = arith.constant 0 : i32
      %dma_wait3A_175 = tpu.memref_slice %arg6[%dma_wait3A_173, %dma_wait3A_174] : memref<10240x64xf32, #tpu.memory_space<vmem_shared>> -> memref<10240x64xf32, #tpu.memory_space<vmem_shared>>
      tpu.wait_indirect_dma semaphore(%arg13 : memref<!tpu.dma_semaphore, #tpu.memory_space<semaphore_mem>>) src(%dma_wait3A_175 : memref<10240x64xf32, #tpu.memory_space<vmem_shared>>) dst(%arg11 : memref<64x64xf32, #tpu.memory_space<vmem>>)
      %add3A_176 = arith.constant 1 : i32
      %add3A_177 = arith.addi %add3A_147, %add3A_176 : i32
      %dma_start3A_178 = arith.constant 0 : i32
      %dma_start3A_179 = tpu.memref_slice %arg9[%add3A_177, %dma_start3A_178] : memref<80x64xi32, #tpu.memory_space<vmem>> -> memref<1x64xi32, #tpu.memory_space<vmem>>
      %dma_start3A_180 = tpu.memref_squeeze %dma_start3A_179 : memref<1x64xi32, #tpu.memory_space<vmem>> -> memref<64xi32, #tpu.memory_space<vmem>>
      %dma_start3A_181 = arith.constant 0 : i32
      %dma_start3A_182 = arith.constant 0 : i32
      %dma_start3A_183 = tpu.memref_slice %arg7[%dma_start3A_181, %dma_start3A_182] : memref<10240x64xf32, #tpu.memory_space<vmem_shared>> -> memref<10240x64xf32, #tpu.memory_space<vmem_shared>>
      tpu.enqueue_indirect_dma source(%arg11 : memref<64x64xf32, #tpu.memory_space<vmem>>) target(%dma_start3A_183 : memref<10240x64xf32, #tpu.memory_space<vmem_shared>>) offsets(%dma_start3A_180 : memref<64xi32, #tpu.memory_space<vmem>>) semaphore(%arg15 : memref<!tpu.dma_semaphore, #tpu.memory_space<semaphore_mem>>) {add = true}
      %add3A_184 = arith.constant 1 : i32
      %add3A_185 = arith.addi %add3A_147, %add3A_184 : i32
      %add3A_186 = arith.constant 2 : i32
      %add3A_187 = arith.addi %add3A_185, %add3A_186 : i32
      %lt3A_188 = arith.constant 80 : i32
      %lt3A_189 = arith.cmpi slt, %add3A_187, %lt3A_188 : i32
      %convert_element_type3A_190 = arith.extui %lt3A_189 : i1 to i32
      %cond3A_191 = arith.constant 0 : i32
      %cond3A_192 = arith.cmpi ne, %convert_element_type3A_190, %cond3A_191 : i32
      scf.if %cond3A_192 {
        %dma_wait3A_193 = arith.constant 0 : i32
        %dma_wait3A_194 = arith.constant 0 : i32
        %dma_wait3A_195 = tpu.memref_slice %arg9[%dma_wait3A_193, %dma_wait3A_194] : memref<80x64xi32, #tpu.memory_space<vmem>> -> memref<1x64xi32, #tpu.memory_space<vmem>>
        %dma_wait3A_196 = tpu.memref_squeeze %dma_wait3A_195 : memref<1x64xi32, #tpu.memory_space<vmem>> -> memref<64xi32, #tpu.memory_space<vmem>>
        %dma_wait3A_197 = arith.constant 0 : i32
        %dma_wait3A_198 = arith.constant 0 : i32
        %dma_wait3A_199 = tpu.memref_slice %arg7[%dma_wait3A_197, %dma_wait3A_198] : memref<10240x64xf32, #tpu.memory_space<vmem_shared>> -> memref<10240x64xf32, #tpu.memory_space<vmem_shared>>
        tpu.wait_indirect_dma semaphore(%arg15 : memref<!tpu.dma_semaphore, #tpu.memory_space<semaphore_mem>>) src(%arg11 : memref<64x64xf32, #tpu.memory_space<vmem>>) dst(%dma_wait3A_199 : memref<10240x64xf32, #tpu.memory_space<vmem_shared>>)
        %add3A_200 = arith.constant 1 : i32
        %add3A_201 = arith.addi %add3A_147, %add3A_200 : i32
        %add3A_202 = arith.constant 2 : i32
        %add3A_203 = arith.addi %add3A_201, %add3A_202 : i32
        %dma_start3A_204 = arith.constant 0 : i32
        %dma_start3A_205 = tpu.memref_slice %arg8[%add3A_203, %dma_start3A_204] : memref<80x64xi32, #tpu.memory_space<vmem>> -> memref<1x64xi32, #tpu.memory_space<vmem>>
        %dma_start3A_206 = tpu.memref_squeeze %dma_start3A_205 : memref<1x64xi32, #tpu.memory_space<vmem>> -> memref<64xi32, #tpu.memory_space<vmem>>
        %dma_start3A_207 = arith.constant 0 : i32
        %dma_start3A_208 = arith.constant 0 : i32
        %dma_start3A_209 = tpu.memref_slice %arg6[%dma_start3A_207, %dma_start3A_208] : memref<10240x64xf32, #tpu.memory_space<vmem_shared>> -> memref<10240x64xf32, #tpu.memory_space<vmem_shared>>
        tpu.enqueue_indirect_dma source(%dma_start3A_209 : memref<10240x64xf32, #tpu.memory_space<vmem_shared>>) target(%arg11 : memref<64x64xf32, #tpu.memory_space<vmem>>) offsets(%dma_start3A_206 : memref<64xi32, #tpu.memory_space<vmem>>) semaphore(%arg13 : memref<!tpu.dma_semaphore, #tpu.memory_space<semaphore_mem>>)
      } else {
      }
    }
    %scan3A_26 = arith.constant 40 : i32
    %dma_wait3A = arith.constant 0 : i32
    %dma_wait3A_27 = arith.constant 0 : i32
    %dma_wait3A_28 = tpu.memref_slice %arg9[%dma_wait3A, %dma_wait3A_27] : memref<80x64xi32, #tpu.memory_space<vmem>> -> memref<1x64xi32, #tpu.memory_space<vmem>>
    %dma_wait3A_29 = tpu.memref_squeeze %dma_wait3A_28 : memref<1x64xi32, #tpu.memory_space<vmem>> -> memref<64xi32, #tpu.memory_space<vmem>>
    %dma_wait3A_30 = arith.constant 0 : i32
    %dma_wait3A_31 = arith.constant 0 : i32
    %dma_wait3A_32 = tpu.memref_slice %arg7[%dma_wait3A_30, %dma_wait3A_31] : memref<10240x64xf32, #tpu.memory_space<vmem_shared>> -> memref<10240x64xf32, #tpu.memory_space<vmem_shared>>
    tpu.wait_indirect_dma semaphore(%arg14 : memref<!tpu.dma_semaphore, #tpu.memory_space<semaphore_mem>>) src(%arg10 : memref<64x64xf32, #tpu.memory_space<vmem>>) dst(%dma_wait3A_32 : memref<10240x64xf32, #tpu.memory_space<vmem_shared>>)
    %dma_wait3A_33 = arith.constant 0 : i32
    %dma_wait3A_34 = arith.constant 0 : i32
    %dma_wait3A_35 = tpu.memref_slice %arg9[%dma_wait3A_33, %dma_wait3A_34] : memref<80x64xi32, #tpu.memory_space<vmem>> -> memref<1x64xi32, #tpu.memory_space<vmem>>
    %dma_wait3A_36 = tpu.memref_squeeze %dma_wait3A_35 : memref<1x64xi32, #tpu.memory_space<vmem>> -> memref<64xi32, #tpu.memory_space<vmem>>
    %dma_wait3A_37 = arith.constant 0 : i32
    %dma_wait3A_38 = arith.constant 0 : i32
    %dma_wait3A_39 = tpu.memref_slice %arg7[%dma_wait3A_37, %dma_wait3A_38] : memref<10240x64xf32, #tpu.memory_space<vmem_shared>> -> memref<10240x64xf32, #tpu.memory_space<vmem_shared>>
    tpu.wait_indirect_dma semaphore(%arg15 : memref<!tpu.dma_semaphore, #tpu.memory_space<semaphore_mem>>) src(%arg11 : memref<64x64xf32, #tpu.memory_space<vmem>>) dst(%dma_wait3A_39 : memref<10240x64xf32, #tpu.memory_space<vmem_shared>>)
    "tpu.region"() ({
      %run_scoped3A = tpu.sem_alloc : memref<!tpu.dma_semaphore, #tpu.memory_space<semaphore_mem>>
      %dma_start3A_145 = arith.constant 80 : i32
      %dma_start3A_146 = arith.constant 0 : i32
      %dma_start3A_147 = tpu.memref_slice %arg3[%arg1, %dma_start3A_145, %dma_start3A_146] : memref<16x320x64xi32, #tpu.memory_space<hbm>> -> memref<1x80x64xi32, #tpu.memory_space<hbm>>
      %dma_start3A_148 = tpu.memref_squeeze %dma_start3A_147 : memref<1x80x64xi32, #tpu.memory_space<hbm>> -> memref<80x64xi32, #tpu.memory_space<hbm>>
      %dma_start3A_149 = arith.constant 80 : i32
      %dma_start3A_150 = arith.constant 0 : i32
      %dma_start3A_151 = tpu.memref_slice %arg3[%arg1, %dma_start3A_149, %dma_start3A_150] : memref<16x320x64xi32, #tpu.memory_space<hbm>> -> memref<1x80x64xi32, #tpu.memory_space<hbm>>
      %dma_start3A_152 = tpu.memref_squeeze %dma_start3A_151 : memref<1x80x64xi32, #tpu.memory_space<hbm>> -> memref<80x64xi32, #tpu.memory_space<hbm>>
      tpu.enqueue_dma source(%dma_start3A_152 : memref<80x64xi32, #tpu.memory_space<hbm>>) target(%arg8 : memref<80x64xi32, #tpu.memory_space<vmem>>) target_semaphore(%run_scoped3A : memref<!tpu.dma_semaphore, #tpu.memory_space<semaphore_mem>>)
      %dma_wait3A_153 = arith.constant 80 : i32
      %dma_wait3A_154 = arith.constant 0 : i32
      %dma_wait3A_155 = tpu.memref_slice %arg3[%arg1, %dma_wait3A_153, %dma_wait3A_154] : memref<16x320x64xi32, #tpu.memory_space<hbm>> -> memref<1x80x64xi32, #tpu.memory_space<hbm>>
      %dma_wait3A_156 = tpu.memref_squeeze %dma_wait3A_155 : memref<1x80x64xi32, #tpu.memory_space<hbm>> -> memref<80x64xi32, #tpu.memory_space<hbm>>
      %dma_wait3A_157 = arith.constant 80 : i32
      %dma_wait3A_158 = arith.constant 0 : i32
      %dma_wait3A_159 = tpu.memref_slice %arg3[%arg1, %dma_wait3A_157, %dma_wait3A_158] : memref<16x320x64xi32, #tpu.memory_space<hbm>> -> memref<1x80x64xi32, #tpu.memory_space<hbm>>
      %dma_wait3A_160 = tpu.memref_squeeze %dma_wait3A_159 : memref<1x80x64xi32, #tpu.memory_space<hbm>> -> memref<80x64xi32, #tpu.memory_space<hbm>>
      tpu.wait_dma2 semaphore(%run_scoped3A : memref<!tpu.dma_semaphore, #tpu.memory_space<semaphore_mem>>) src(%dma_wait3A_160 : memref<80x64xi32, #tpu.memory_space<hbm>>) dst(%arg8 : memref<80x64xi32, #tpu.memory_space<vmem>>)
      tpu.yield
    }) : () -> ()
    "tpu.region"() ({
      %run_scoped3A = tpu.sem_alloc : memref<!tpu.dma_semaphore, #tpu.memory_space<semaphore_mem>>
      %dma_start3A_145 = arith.constant 80 : i32
      %dma_start3A_146 = arith.constant 0 : i32
      %dma_start3A_147 = tpu.memref_slice %arg4[%arg1, %dma_start3A_145, %dma_start3A_146] : memref<16x320x64xi32, #tpu.memory_space<hbm>> -> memref<1x80x64xi32, #tpu.memory_space<hbm>>
      %dma_start3A_148 = tpu.memref_squeeze %dma_start3A_147 : memref<1x80x64xi32, #tpu.memory_space<hbm>> -> memref<80x64xi32, #tpu.memory_space<hbm>>
      %dma_start3A_149 = arith.constant 80 : i32
      %dma_start3A_150 = arith.constant 0 : i32
      %dma_start3A_151 = tpu.memref_slice %arg4[%arg1, %dma_start3A_149, %dma_start3A_150] : memref<16x320x64xi32, #tpu.memory_space<hbm>> -> memref<1x80x64xi32, #tpu.memory_space<hbm>>
      %dma_start3A_152 = tpu.memref_squeeze %dma_start3A_151 : memref<1x80x64xi32, #tpu.memory_space<hbm>> -> memref<80x64xi32, #tpu.memory_space<hbm>>
      tpu.enqueue_dma source(%dma_start3A_152 : memref<80x64xi32, #tpu.memory_space<hbm>>) target(%arg9 : memref<80x64xi32, #tpu.memory_space<vmem>>) target_semaphore(%run_scoped3A : memref<!tpu.dma_semaphore, #tpu.memory_space<semaphore_mem>>)
      %dma_wait3A_153 = arith.constant 80 : i32
      %dma_wait3A_154 = arith.constant 0 : i32
      %dma_wait3A_155 = tpu.memref_slice %arg4[%arg1, %dma_wait3A_153, %dma_wait3A_154] : memref<16x320x64xi32, #tpu.memory_space<hbm>> -> memref<1x80x64xi32, #tpu.memory_space<hbm>>
      %dma_wait3A_156 = tpu.memref_squeeze %dma_wait3A_155 : memref<1x80x64xi32, #tpu.memory_space<hbm>> -> memref<80x64xi32, #tpu.memory_space<hbm>>
      %dma_wait3A_157 = arith.constant 80 : i32
      %dma_wait3A_158 = arith.constant 0 : i32
      %dma_wait3A_159 = tpu.memref_slice %arg4[%arg1, %dma_wait3A_157, %dma_wait3A_158] : memref<16x320x64xi32, #tpu.memory_space<hbm>> -> memref<1x80x64xi32, #tpu.memory_space<hbm>>
      %dma_wait3A_160 = tpu.memref_squeeze %dma_wait3A_159 : memref<1x80x64xi32, #tpu.memory_space<hbm>> -> memref<80x64xi32, #tpu.memory_space<hbm>>
      tpu.wait_dma2 semaphore(%run_scoped3A : memref<!tpu.dma_semaphore, #tpu.memory_space<semaphore_mem>>) src(%dma_wait3A_160 : memref<80x64xi32, #tpu.memory_space<hbm>>) dst(%arg9 : memref<80x64xi32, #tpu.memory_space<vmem>>)
      tpu.yield
    }) : () -> ()
    %dma_start3A_40 = arith.constant 0 : i32
    %dma_start3A_41 = arith.constant 0 : i32
    %dma_start3A_42 = tpu.memref_slice %arg8[%dma_start3A_40, %dma_start3A_41] : memref<80x64xi32, #tpu.memory_space<vmem>> -> memref<1x64xi32, #tpu.memory_space<vmem>>
    %dma_start3A_43 = tpu.memref_squeeze %dma_start3A_42 : memref<1x64xi32, #tpu.memory_space<vmem>> -> memref<64xi32, #tpu.memory_space<vmem>>
    %dma_start3A_44 = arith.constant 0 : i32
    %dma_start3A_45 = arith.constant 0 : i32
    %dma_start3A_46 = tpu.memref_slice %arg6[%dma_start3A_44, %dma_start3A_45] : memref<10240x64xf32, #tpu.memory_space<vmem_shared>> -> memref<10240x64xf32, #tpu.memory_space<vmem_shared>>
    tpu.enqueue_indirect_dma source(%dma_start3A_46 : memref<10240x64xf32, #tpu.memory_space<vmem_shared>>) target(%arg10 : memref<64x64xf32, #tpu.memory_space<vmem>>) offsets(%dma_start3A_43 : memref<64xi32, #tpu.memory_space<vmem>>) semaphore(%arg12 : memref<!tpu.dma_semaphore, #tpu.memory_space<semaphore_mem>>)
    %dma_start3A_47 = arith.constant 1 : i32
    %dma_start3A_48 = arith.constant 0 : i32
    %dma_start3A_49 = tpu.memref_slice %arg8[%dma_start3A_47, %dma_start3A_48] : memref<80x64xi32, #tpu.memory_space<vmem>> -> memref<1x64xi32, #tpu.memory_space<vmem>>
    %dma_start3A_50 = tpu.memref_squeeze %dma_start3A_49 : memref<1x64xi32, #tpu.memory_space<vmem>> -> memref<64xi32, #tpu.memory_space<vmem>>
    %dma_start3A_51 = arith.constant 0 : i32
    %dma_start3A_52 = arith.constant 0 : i32
    %dma_start3A_53 = tpu.memref_slice %arg6[%dma_start3A_51, %dma_start3A_52] : memref<10240x64xf32, #tpu.memory_space<vmem_shared>> -> memref<10240x64xf32, #tpu.memory_space<vmem_shared>>
    tpu.enqueue_indirect_dma source(%dma_start3A_53 : memref<10240x64xf32, #tpu.memory_space<vmem_shared>>) target(%arg11 : memref<64x64xf32, #tpu.memory_space<vmem>>) offsets(%dma_start3A_50 : memref<64xi32, #tpu.memory_space<vmem>>) semaphore(%arg13 : memref<!tpu.dma_semaphore, #tpu.memory_space<semaphore_mem>>)
    %scan3A_54 = arith.constant 0 : i32
    %scan3A_55 = arith.constant 40 : i32
    %scan3A_56 = arith.addi %scan3A_54, %scan3A_55 : i32
    %scan3A_57 = arith.constant 1 : i32
    scf.for %scan3A_145 = %scan3A_54 to %scan3A_56 step %scan3A_57  : i32 {
      %mul3A = arith.constant 2 : i32
      %mul3A_146 = arith.muli %scan3A_145, %mul3A : i32
      %add3A = arith.constant 0 : i32
      %add3A_147 = arith.addi %add3A, %mul3A_146 : i32
      %dma_wait3A_148 = arith.constant 0 : i32
      %dma_wait3A_149 = arith.constant 0 : i32
      %dma_wait3A_150 = tpu.memref_slice %arg8[%dma_wait3A_148, %dma_wait3A_149] : memref<80x64xi32, #tpu.memory_space<vmem>> -> memref<1x64xi32, #tpu.memory_space<vmem>>
      %dma_wait3A_151 = tpu.memref_squeeze %dma_wait3A_150 : memref<1x64xi32, #tpu.memory_space<vmem>> -> memref<64xi32, #tpu.memory_space<vmem>>
      %dma_wait3A_152 = arith.constant 0 : i32
      %dma_wait3A_153 = arith.constant 0 : i32
      %dma_wait3A_154 = tpu.memref_slice %arg6[%dma_wait3A_152, %dma_wait3A_153] : memref<10240x64xf32, #tpu.memory_space<vmem_shared>> -> memref<10240x64xf32, #tpu.memory_space<vmem_shared>>
      tpu.wait_indirect_dma semaphore(%arg12 : memref<!tpu.dma_semaphore, #tpu.memory_space<semaphore_mem>>) src(%dma_wait3A_154 : memref<10240x64xf32, #tpu.memory_space<vmem_shared>>) dst(%arg10 : memref<64x64xf32, #tpu.memory_space<vmem>>)
      %add3A_155 = arith.constant 0 : i32
      %add3A_156 = arith.addi %add3A_147, %add3A_155 : i32
      %dma_start3A_157 = arith.constant 0 : i32
      %dma_start3A_158 = tpu.memref_slice %arg9[%add3A_156, %dma_start3A_157] : memref<80x64xi32, #tpu.memory_space<vmem>> -> memref<1x64xi32, #tpu.memory_space<vmem>>
      %dma_start3A_159 = tpu.memref_squeeze %dma_start3A_158 : memref<1x64xi32, #tpu.memory_space<vmem>> -> memref<64xi32, #tpu.memory_space<vmem>>
      %dma_start3A_160 = arith.constant 0 : i32
      %dma_start3A_161 = arith.constant 0 : i32
      %dma_start3A_162 = tpu.memref_slice %arg7[%dma_start3A_160, %dma_start3A_161] : memref<10240x64xf32, #tpu.memory_space<vmem_shared>> -> memref<10240x64xf32, #tpu.memory_space<vmem_shared>>
      tpu.enqueue_indirect_dma source(%arg10 : memref<64x64xf32, #tpu.memory_space<vmem>>) target(%dma_start3A_162 : memref<10240x64xf32, #tpu.memory_space<vmem_shared>>) offsets(%dma_start3A_159 : memref<64xi32, #tpu.memory_space<vmem>>) semaphore(%arg14 : memref<!tpu.dma_semaphore, #tpu.memory_space<semaphore_mem>>) {add = true}
      %add3A_163 = arith.constant 0 : i32
      %add3A_164 = arith.addi %add3A_147, %add3A_163 : i32
      %add3A_165 = arith.constant 2 : i32
      %add3A_166 = arith.addi %add3A_164, %add3A_165 : i32
      %lt3A = arith.constant 80 : i32
      %lt3A_167 = arith.cmpi slt, %add3A_166, %lt3A : i32
      %convert_element_type3A = arith.extui %lt3A_167 : i1 to i32
      %cond3A = arith.constant 0 : i32
      %cond3A_168 = arith.cmpi ne, %convert_element_type3A, %cond3A : i32
      scf.if %cond3A_168 {
        %dma_wait3A_193 = arith.constant 0 : i32
        %dma_wait3A_194 = arith.constant 0 : i32
        %dma_wait3A_195 = tpu.memref_slice %arg9[%dma_wait3A_193, %dma_wait3A_194] : memref<80x64xi32, #tpu.memory_space<vmem>> -> memref<1x64xi32, #tpu.memory_space<vmem>>
        %dma_wait3A_196 = tpu.memref_squeeze %dma_wait3A_195 : memref<1x64xi32, #tpu.memory_space<vmem>> -> memref<64xi32, #tpu.memory_space<vmem>>
        %dma_wait3A_197 = arith.constant 0 : i32
        %dma_wait3A_198 = arith.constant 0 : i32
        %dma_wait3A_199 = tpu.memref_slice %arg7[%dma_wait3A_197, %dma_wait3A_198] : memref<10240x64xf32, #tpu.memory_space<vmem_shared>> -> memref<10240x64xf32, #tpu.memory_space<vmem_shared>>
        tpu.wait_indirect_dma semaphore(%arg14 : memref<!tpu.dma_semaphore, #tpu.memory_space<semaphore_mem>>) src(%arg10 : memref<64x64xf32, #tpu.memory_space<vmem>>) dst(%dma_wait3A_199 : memref<10240x64xf32, #tpu.memory_space<vmem_shared>>)
        %add3A_200 = arith.constant 0 : i32
        %add3A_201 = arith.addi %add3A_147, %add3A_200 : i32
        %add3A_202 = arith.constant 2 : i32
        %add3A_203 = arith.addi %add3A_201, %add3A_202 : i32
        %dma_start3A_204 = arith.constant 0 : i32
        %dma_start3A_205 = tpu.memref_slice %arg8[%add3A_203, %dma_start3A_204] : memref<80x64xi32, #tpu.memory_space<vmem>> -> memref<1x64xi32, #tpu.memory_space<vmem>>
        %dma_start3A_206 = tpu.memref_squeeze %dma_start3A_205 : memref<1x64xi32, #tpu.memory_space<vmem>> -> memref<64xi32, #tpu.memory_space<vmem>>
        %dma_start3A_207 = arith.constant 0 : i32
        %dma_start3A_208 = arith.constant 0 : i32
        %dma_start3A_209 = tpu.memref_slice %arg6[%dma_start3A_207, %dma_start3A_208] : memref<10240x64xf32, #tpu.memory_space<vmem_shared>> -> memref<10240x64xf32, #tpu.memory_space<vmem_shared>>
        tpu.enqueue_indirect_dma source(%dma_start3A_209 : memref<10240x64xf32, #tpu.memory_space<vmem_shared>>) target(%arg10 : memref<64x64xf32, #tpu.memory_space<vmem>>) offsets(%dma_start3A_206 : memref<64xi32, #tpu.memory_space<vmem>>) semaphore(%arg12 : memref<!tpu.dma_semaphore, #tpu.memory_space<semaphore_mem>>)
      } else {
      }
      %dma_wait3A_169 = arith.constant 0 : i32
      %dma_wait3A_170 = arith.constant 0 : i32
      %dma_wait3A_171 = tpu.memref_slice %arg8[%dma_wait3A_169, %dma_wait3A_170] : memref<80x64xi32, #tpu.memory_space<vmem>> -> memref<1x64xi32, #tpu.memory_space<vmem>>
      %dma_wait3A_172 = tpu.memref_squeeze %dma_wait3A_171 : memref<1x64xi32, #tpu.memory_space<vmem>> -> memref<64xi32, #tpu.memory_space<vmem>>
      %dma_wait3A_173 = arith.constant 0 : i32
      %dma_wait3A_174 = arith.constant 0 : i32
      %dma_wait3A_175 = tpu.memref_slice %arg6[%dma_wait3A_173, %dma_wait3A_174] : memref<10240x64xf32, #tpu.memory_space<vmem_shared>> -> memref<10240x64xf32, #tpu.memory_space<vmem_shared>>
      tpu.wait_indirect_dma semaphore(%arg13 : memref<!tpu.dma_semaphore, #tpu.memory_space<semaphore_mem>>) src(%dma_wait3A_175 : memref<10240x64xf32, #tpu.memory_space<vmem_shared>>) dst(%arg11 : memref<64x64xf32, #tpu.memory_space<vmem>>)
      %add3A_176 = arith.constant 1 : i32
      %add3A_177 = arith.addi %add3A_147, %add3A_176 : i32
      %dma_start3A_178 = arith.constant 0 : i32
      %dma_start3A_179 = tpu.memref_slice %arg9[%add3A_177, %dma_start3A_178] : memref<80x64xi32, #tpu.memory_space<vmem>> -> memref<1x64xi32, #tpu.memory_space<vmem>>
      %dma_start3A_180 = tpu.memref_squeeze %dma_start3A_179 : memref<1x64xi32, #tpu.memory_space<vmem>> -> memref<64xi32, #tpu.memory_space<vmem>>
      %dma_start3A_181 = arith.constant 0 : i32
      %dma_start3A_182 = arith.constant 0 : i32
      %dma_start3A_183 = tpu.memref_slice %arg7[%dma_start3A_181, %dma_start3A_182] : memref<10240x64xf32, #tpu.memory_space<vmem_shared>> -> memref<10240x64xf32, #tpu.memory_space<vmem_shared>>
      tpu.enqueue_indirect_dma source(%arg11 : memref<64x64xf32, #tpu.memory_space<vmem>>) target(%dma_start3A_183 : memref<10240x64xf32, #tpu.memory_space<vmem_shared>>) offsets(%dma_start3A_180 : memref<64xi32, #tpu.memory_space<vmem>>) semaphore(%arg15 : memref<!tpu.dma_semaphore, #tpu.memory_space<semaphore_mem>>) {add = true}
      %add3A_184 = arith.constant 1 : i32
      %add3A_185 = arith.addi %add3A_147, %add3A_184 : i32
      %add3A_186 = arith.constant 2 : i32
      %add3A_187 = arith.addi %add3A_185, %add3A_186 : i32
      %lt3A_188 = arith.constant 80 : i32
      %lt3A_189 = arith.cmpi slt, %add3A_187, %lt3A_188 : i32
      %convert_element_type3A_190 = arith.extui %lt3A_189 : i1 to i32
      %cond3A_191 = arith.constant 0 : i32
      %cond3A_192 = arith.cmpi ne, %convert_element_type3A_190, %cond3A_191 : i32
      scf.if %cond3A_192 {
        %dma_wait3A_193 = arith.constant 0 : i32
        %dma_wait3A_194 = arith.constant 0 : i32
        %dma_wait3A_195 = tpu.memref_slice %arg9[%dma_wait3A_193, %dma_wait3A_194] : memref<80x64xi32, #tpu.memory_space<vmem>> -> memref<1x64xi32, #tpu.memory_space<vmem>>
        %dma_wait3A_196 = tpu.memref_squeeze %dma_wait3A_195 : memref<1x64xi32, #tpu.memory_space<vmem>> -> memref<64xi32, #tpu.memory_space<vmem>>
        %dma_wait3A_197 = arith.constant 0 : i32
        %dma_wait3A_198 = arith.constant 0 : i32
        %dma_wait3A_199 = tpu.memref_slice %arg7[%dma_wait3A_197, %dma_wait3A_198] : memref<10240x64xf32, #tpu.memory_space<vmem_shared>> -> memref<10240x64xf32, #tpu.memory_space<vmem_shared>>
        tpu.wait_indirect_dma semaphore(%arg15 : memref<!tpu.dma_semaphore, #tpu.memory_space<semaphore_mem>>) src(%arg11 : memref<64x64xf32, #tpu.memory_space<vmem>>) dst(%dma_wait3A_199 : memref<10240x64xf32, #tpu.memory_space<vmem_shared>>)
        %add3A_200 = arith.constant 1 : i32
        %add3A_201 = arith.addi %add3A_147, %add3A_200 : i32
        %add3A_202 = arith.constant 2 : i32
        %add3A_203 = arith.addi %add3A_201, %add3A_202 : i32
        %dma_start3A_204 = arith.constant 0 : i32
        %dma_start3A_205 = tpu.memref_slice %arg8[%add3A_203, %dma_start3A_204] : memref<80x64xi32, #tpu.memory_space<vmem>> -> memref<1x64xi32, #tpu.memory_space<vmem>>
        %dma_start3A_206 = tpu.memref_squeeze %dma_start3A_205 : memref<1x64xi32, #tpu.memory_space<vmem>> -> memref<64xi32, #tpu.memory_space<vmem>>
        %dma_start3A_207 = arith.constant 0 : i32
        %dma_start3A_208 = arith.constant 0 : i32
        %dma_start3A_209 = tpu.memref_slice %arg6[%dma_start3A_207, %dma_start3A_208] : memref<10240x64xf32, #tpu.memory_space<vmem_shared>> -> memref<10240x64xf32, #tpu.memory_space<vmem_shared>>
        tpu.enqueue_indirect_dma source(%dma_start3A_209 : memref<10240x64xf32, #tpu.memory_space<vmem_shared>>) target(%arg11 : memref<64x64xf32, #tpu.memory_space<vmem>>) offsets(%dma_start3A_206 : memref<64xi32, #tpu.memory_space<vmem>>) semaphore(%arg13 : memref<!tpu.dma_semaphore, #tpu.memory_space<semaphore_mem>>)
      } else {
      }
    }
    %scan3A_58 = arith.constant 40 : i32
    %dma_wait3A_59 = arith.constant 0 : i32
    %dma_wait3A_60 = arith.constant 0 : i32
    %dma_wait3A_61 = tpu.memref_slice %arg9[%dma_wait3A_59, %dma_wait3A_60] : memref<80x64xi32, #tpu.memory_space<vmem>> -> memref<1x64xi32, #tpu.memory_space<vmem>>
    %dma_wait3A_62 = tpu.memref_squeeze %dma_wait3A_61 : memref<1x64xi32, #tpu.memory_space<vmem>> -> memref<64xi32, #tpu.memory_space<vmem>>
    %dma_wait3A_63 = arith.constant 0 : i32
    %dma_wait3A_64 = arith.constant 0 : i32
    %dma_wait3A_65 = tpu.memref_slice %arg7[%dma_wait3A_63, %dma_wait3A_64] : memref<10240x64xf32, #tpu.memory_space<vmem_shared>> -> memref<10240x64xf32, #tpu.memory_space<vmem_shared>>
    tpu.wait_indirect_dma semaphore(%arg14 : memref<!tpu.dma_semaphore, #tpu.memory_space<semaphore_mem>>) src(%arg10 : memref<64x64xf32, #tpu.memory_space<vmem>>) dst(%dma_wait3A_65 : memref<10240x64xf32, #tpu.memory_space<vmem_shared>>)
    %dma_wait3A_66 = arith.constant 0 : i32
    %dma_wait3A_67 = arith.constant 0 : i32
    %dma_wait3A_68 = tpu.memref_slice %arg9[%dma_wait3A_66, %dma_wait3A_67] : memref<80x64xi32, #tpu.memory_space<vmem>> -> memref<1x64xi32, #tpu.memory_space<vmem>>
    %dma_wait3A_69 = tpu.memref_squeeze %dma_wait3A_68 : memref<1x64xi32, #tpu.memory_space<vmem>> -> memref<64xi32, #tpu.memory_space<vmem>>
    %dma_wait3A_70 = arith.constant 0 : i32
    %dma_wait3A_71 = arith.constant 0 : i32
    %dma_wait3A_72 = tpu.memref_slice %arg7[%dma_wait3A_70, %dma_wait3A_71] : memref<10240x64xf32, #tpu.memory_space<vmem_shared>> -> memref<10240x64xf32, #tpu.memory_space<vmem_shared>>
    tpu.wait_indirect_dma semaphore(%arg15 : memref<!tpu.dma_semaphore, #tpu.memory_space<semaphore_mem>>) src(%arg11 : memref<64x64xf32, #tpu.memory_space<vmem>>) dst(%dma_wait3A_72 : memref<10240x64xf32, #tpu.memory_space<vmem_shared>>)
    "tpu.region"() ({
      %run_scoped3A = tpu.sem_alloc : memref<!tpu.dma_semaphore, #tpu.memory_space<semaphore_mem>>
      %dma_start3A_145 = arith.constant 160 : i32
      %dma_start3A_146 = arith.constant 0 : i32
      %dma_start3A_147 = tpu.memref_slice %arg3[%arg1, %dma_start3A_145, %dma_start3A_146] : memref<16x320x64xi32, #tpu.memory_space<hbm>> -> memref<1x80x64xi32, #tpu.memory_space<hbm>>
      %dma_start3A_148 = tpu.memref_squeeze %dma_start3A_147 : memref<1x80x64xi32, #tpu.memory_space<hbm>> -> memref<80x64xi32, #tpu.memory_space<hbm>>
      %dma_start3A_149 = arith.constant 160 : i32
      %dma_start3A_150 = arith.constant 0 : i32
      %dma_start3A_151 = tpu.memref_slice %arg3[%arg1, %dma_start3A_149, %dma_start3A_150] : memref<16x320x64xi32, #tpu.memory_space<hbm>> -> memref<1x80x64xi32, #tpu.memory_space<hbm>>
      %dma_start3A_152 = tpu.memref_squeeze %dma_start3A_151 : memref<1x80x64xi32, #tpu.memory_space<hbm>> -> memref<80x64xi32, #tpu.memory_space<hbm>>
      tpu.enqueue_dma source(%dma_start3A_152 : memref<80x64xi32, #tpu.memory_space<hbm>>) target(%arg8 : memref<80x64xi32, #tpu.memory_space<vmem>>) target_semaphore(%run_scoped3A : memref<!tpu.dma_semaphore, #tpu.memory_space<semaphore_mem>>)
      %dma_wait3A_153 = arith.constant 160 : i32
      %dma_wait3A_154 = arith.constant 0 : i32
      %dma_wait3A_155 = tpu.memref_slice %arg3[%arg1, %dma_wait3A_153, %dma_wait3A_154] : memref<16x320x64xi32, #tpu.memory_space<hbm>> -> memref<1x80x64xi32, #tpu.memory_space<hbm>>
      %dma_wait3A_156 = tpu.memref_squeeze %dma_wait3A_155 : memref<1x80x64xi32, #tpu.memory_space<hbm>> -> memref<80x64xi32, #tpu.memory_space<hbm>>
      %dma_wait3A_157 = arith.constant 160 : i32
      %dma_wait3A_158 = arith.constant 0 : i32
      %dma_wait3A_159 = tpu.memref_slice %arg3[%arg1, %dma_wait3A_157, %dma_wait3A_158] : memref<16x320x64xi32, #tpu.memory_space<hbm>> -> memref<1x80x64xi32, #tpu.memory_space<hbm>>
      %dma_wait3A_160 = tpu.memref_squeeze %dma_wait3A_159 : memref<1x80x64xi32, #tpu.memory_space<hbm>> -> memref<80x64xi32, #tpu.memory_space<hbm>>
      tpu.wait_dma2 semaphore(%run_scoped3A : memref<!tpu.dma_semaphore, #tpu.memory_space<semaphore_mem>>) src(%dma_wait3A_160 : memref<80x64xi32, #tpu.memory_space<hbm>>) dst(%arg8 : memref<80x64xi32, #tpu.memory_space<vmem>>)
      tpu.yield
    }) : () -> ()
    "tpu.region"() ({
      %run_scoped3A = tpu.sem_alloc : memref<!tpu.dma_semaphore, #tpu.memory_space<semaphore_mem>>
      %dma_start3A_145 = arith.constant 160 : i32
      %dma_start3A_146 = arith.constant 0 : i32
      %dma_start3A_147 = tpu.memref_slice %arg4[%arg1, %dma_start3A_145, %dma_start3A_146] : memref<16x320x64xi32, #tpu.memory_space<hbm>> -> memref<1x80x64xi32, #tpu.memory_space<hbm>>
      %dma_start3A_148 = tpu.memref_squeeze %dma_start3A_147 : memref<1x80x64xi32, #tpu.memory_space<hbm>> -> memref<80x64xi32, #tpu.memory_space<hbm>>
      %dma_start3A_149 = arith.constant 160 : i32
      %dma_start3A_150 = arith.constant 0 : i32
      %dma_start3A_151 = tpu.memref_slice %arg4[%arg1, %dma_start3A_149, %dma_start3A_150] : memref<16x320x64xi32, #tpu.memory_space<hbm>> -> memref<1x80x64xi32, #tpu.memory_space<hbm>>
      %dma_start3A_152 = tpu.memref_squeeze %dma_start3A_151 : memref<1x80x64xi32, #tpu.memory_space<hbm>> -> memref<80x64xi32, #tpu.memory_space<hbm>>
      tpu.enqueue_dma source(%dma_start3A_152 : memref<80x64xi32, #tpu.memory_space<hbm>>) target(%arg9 : memref<80x64xi32, #tpu.memory_space<vmem>>) target_semaphore(%run_scoped3A : memref<!tpu.dma_semaphore, #tpu.memory_space<semaphore_mem>>)
      %dma_wait3A_153 = arith.constant 160 : i32
      %dma_wait3A_154 = arith.constant 0 : i32
      %dma_wait3A_155 = tpu.memref_slice %arg4[%arg1, %dma_wait3A_153, %dma_wait3A_154] : memref<16x320x64xi32, #tpu.memory_space<hbm>> -> memref<1x80x64xi32, #tpu.memory_space<hbm>>
      %dma_wait3A_156 = tpu.memref_squeeze %dma_wait3A_155 : memref<1x80x64xi32, #tpu.memory_space<hbm>> -> memref<80x64xi32, #tpu.memory_space<hbm>>
      %dma_wait3A_157 = arith.constant 160 : i32
      %dma_wait3A_158 = arith.constant 0 : i32
      %dma_wait3A_159 = tpu.memref_slice %arg4[%arg1, %dma_wait3A_157, %dma_wait3A_158] : memref<16x320x64xi32, #tpu.memory_space<hbm>> -> memref<1x80x64xi32, #tpu.memory_space<hbm>>
      %dma_wait3A_160 = tpu.memref_squeeze %dma_wait3A_159 : memref<1x80x64xi32, #tpu.memory_space<hbm>> -> memref<80x64xi32, #tpu.memory_space<hbm>>
      tpu.wait_dma2 semaphore(%run_scoped3A : memref<!tpu.dma_semaphore, #tpu.memory_space<semaphore_mem>>) src(%dma_wait3A_160 : memref<80x64xi32, #tpu.memory_space<hbm>>) dst(%arg9 : memref<80x64xi32, #tpu.memory_space<vmem>>)
      tpu.yield
    }) : () -> ()
    %dma_start3A_73 = arith.constant 0 : i32
    %dma_start3A_74 = arith.constant 0 : i32
    %dma_start3A_75 = tpu.memref_slice %arg8[%dma_start3A_73, %dma_start3A_74] : memref<80x64xi32, #tpu.memory_space<vmem>> -> memref<1x64xi32, #tpu.memory_space<vmem>>
    %dma_start3A_76 = tpu.memref_squeeze %dma_start3A_75 : memref<1x64xi32, #tpu.memory_space<vmem>> -> memref<64xi32, #tpu.memory_space<vmem>>
    %dma_start3A_77 = arith.constant 0 : i32
    %dma_start3A_78 = arith.constant 0 : i32
    %dma_start3A_79 = tpu.memref_slice %arg6[%dma_start3A_77, %dma_start3A_78] : memref<10240x64xf32, #tpu.memory_space<vmem_shared>> -> memref<10240x64xf32, #tpu.memory_space<vmem_shared>>
    tpu.enqueue_indirect_dma source(%dma_start3A_79 : memref<10240x64xf32, #tpu.memory_space<vmem_shared>>) target(%arg10 : memref<64x64xf32, #tpu.memory_space<vmem>>) offsets(%dma_start3A_76 : memref<64xi32, #tpu.memory_space<vmem>>) semaphore(%arg12 : memref<!tpu.dma_semaphore, #tpu.memory_space<semaphore_mem>>)
    %dma_start3A_80 = arith.constant 1 : i32
    %dma_start3A_81 = arith.constant 0 : i32
    %dma_start3A_82 = tpu.memref_slice %arg8[%dma_start3A_80, %dma_start3A_81] : memref<80x64xi32, #tpu.memory_space<vmem>> -> memref<1x64xi32, #tpu.memory_space<vmem>>
    %dma_start3A_83 = tpu.memref_squeeze %dma_start3A_82 : memref<1x64xi32, #tpu.memory_space<vmem>> -> memref<64xi32, #tpu.memory_space<vmem>>
    %dma_start3A_84 = arith.constant 0 : i32
    %dma_start3A_85 = arith.constant 0 : i32
    %dma_start3A_86 = tpu.memref_slice %arg6[%dma_start3A_84, %dma_start3A_85] : memref<10240x64xf32, #tpu.memory_space<vmem_shared>> -> memref<10240x64xf32, #tpu.memory_space<vmem_shared>>
    tpu.enqueue_indirect_dma source(%dma_start3A_86 : memref<10240x64xf32, #tpu.memory_space<vmem_shared>>) target(%arg11 : memref<64x64xf32, #tpu.memory_space<vmem>>) offsets(%dma_start3A_83 : memref<64xi32, #tpu.memory_space<vmem>>) semaphore(%arg13 : memref<!tpu.dma_semaphore, #tpu.memory_space<semaphore_mem>>)
    %scan3A_87 = arith.constant 0 : i32
    %scan3A_88 = arith.constant 40 : i32
    %scan3A_89 = arith.addi %scan3A_87, %scan3A_88 : i32
    %scan3A_90 = arith.constant 1 : i32
    scf.for %scan3A_145 = %scan3A_87 to %scan3A_89 step %scan3A_90  : i32 {
      %mul3A = arith.constant 2 : i32
      %mul3A_146 = arith.muli %scan3A_145, %mul3A : i32
      %add3A = arith.constant 0 : i32
      %add3A_147 = arith.addi %add3A, %mul3A_146 : i32
      %dma_wait3A_148 = arith.constant 0 : i32
      %dma_wait3A_149 = arith.constant 0 : i32
      %dma_wait3A_150 = tpu.memref_slice %arg8[%dma_wait3A_148, %dma_wait3A_149] : memref<80x64xi32, #tpu.memory_space<vmem>> -> memref<1x64xi32, #tpu.memory_space<vmem>>
      %dma_wait3A_151 = tpu.memref_squeeze %dma_wait3A_150 : memref<1x64xi32, #tpu.memory_space<vmem>> -> memref<64xi32, #tpu.memory_space<vmem>>
      %dma_wait3A_152 = arith.constant 0 : i32
      %dma_wait3A_153 = arith.constant 0 : i32
      %dma_wait3A_154 = tpu.memref_slice %arg6[%dma_wait3A_152, %dma_wait3A_153] : memref<10240x64xf32, #tpu.memory_space<vmem_shared>> -> memref<10240x64xf32, #tpu.memory_space<vmem_shared>>
      tpu.wait_indirect_dma semaphore(%arg12 : memref<!tpu.dma_semaphore, #tpu.memory_space<semaphore_mem>>) src(%dma_wait3A_154 : memref<10240x64xf32, #tpu.memory_space<vmem_shared>>) dst(%arg10 : memref<64x64xf32, #tpu.memory_space<vmem>>)
      %add3A_155 = arith.constant 0 : i32
      %add3A_156 = arith.addi %add3A_147, %add3A_155 : i32
      %dma_start3A_157 = arith.constant 0 : i32
      %dma_start3A_158 = tpu.memref_slice %arg9[%add3A_156, %dma_start3A_157] : memref<80x64xi32, #tpu.memory_space<vmem>> -> memref<1x64xi32, #tpu.memory_space<vmem>>
      %dma_start3A_159 = tpu.memref_squeeze %dma_start3A_158 : memref<1x64xi32, #tpu.memory_space<vmem>> -> memref<64xi32, #tpu.memory_space<vmem>>
      %dma_start3A_160 = arith.constant 0 : i32
      %dma_start3A_161 = arith.constant 0 : i32
      %dma_start3A_162 = tpu.memref_slice %arg7[%dma_start3A_160, %dma_start3A_161] : memref<10240x64xf32, #tpu.memory_space<vmem_shared>> -> memref<10240x64xf32, #tpu.memory_space<vmem_shared>>
      tpu.enqueue_indirect_dma source(%arg10 : memref<64x64xf32, #tpu.memory_space<vmem>>) target(%dma_start3A_162 : memref<10240x64xf32, #tpu.memory_space<vmem_shared>>) offsets(%dma_start3A_159 : memref<64xi32, #tpu.memory_space<vmem>>) semaphore(%arg14 : memref<!tpu.dma_semaphore, #tpu.memory_space<semaphore_mem>>) {add = true}
      %add3A_163 = arith.constant 0 : i32
      %add3A_164 = arith.addi %add3A_147, %add3A_163 : i32
      %add3A_165 = arith.constant 2 : i32
      %add3A_166 = arith.addi %add3A_164, %add3A_165 : i32
      %lt3A = arith.constant 80 : i32
      %lt3A_167 = arith.cmpi slt, %add3A_166, %lt3A : i32
      %convert_element_type3A = arith.extui %lt3A_167 : i1 to i32
      %cond3A = arith.constant 0 : i32
      %cond3A_168 = arith.cmpi ne, %convert_element_type3A, %cond3A : i32
      scf.if %cond3A_168 {
        %dma_wait3A_193 = arith.constant 0 : i32
        %dma_wait3A_194 = arith.constant 0 : i32
        %dma_wait3A_195 = tpu.memref_slice %arg9[%dma_wait3A_193, %dma_wait3A_194] : memref<80x64xi32, #tpu.memory_space<vmem>> -> memref<1x64xi32, #tpu.memory_space<vmem>>
        %dma_wait3A_196 = tpu.memref_squeeze %dma_wait3A_195 : memref<1x64xi32, #tpu.memory_space<vmem>> -> memref<64xi32, #tpu.memory_space<vmem>>
        %dma_wait3A_197 = arith.constant 0 : i32
        %dma_wait3A_198 = arith.constant 0 : i32
        %dma_wait3A_199 = tpu.memref_slice %arg7[%dma_wait3A_197, %dma_wait3A_198] : memref<10240x64xf32, #tpu.memory_space<vmem_shared>> -> memref<10240x64xf32, #tpu.memory_space<vmem_shared>>
        tpu.wait_indirect_dma semaphore(%arg14 : memref<!tpu.dma_semaphore, #tpu.memory_space<semaphore_mem>>) src(%arg10 : memref<64x64xf32, #tpu.memory_space<vmem>>) dst(%dma_wait3A_199 : memref<10240x64xf32, #tpu.memory_space<vmem_shared>>)
        %add3A_200 = arith.constant 0 : i32
        %add3A_201 = arith.addi %add3A_147, %add3A_200 : i32
        %add3A_202 = arith.constant 2 : i32
        %add3A_203 = arith.addi %add3A_201, %add3A_202 : i32
        %dma_start3A_204 = arith.constant 0 : i32
        %dma_start3A_205 = tpu.memref_slice %arg8[%add3A_203, %dma_start3A_204] : memref<80x64xi32, #tpu.memory_space<vmem>> -> memref<1x64xi32, #tpu.memory_space<vmem>>
        %dma_start3A_206 = tpu.memref_squeeze %dma_start3A_205 : memref<1x64xi32, #tpu.memory_space<vmem>> -> memref<64xi32, #tpu.memory_space<vmem>>
        %dma_start3A_207 = arith.constant 0 : i32
        %dma_start3A_208 = arith.constant 0 : i32
        %dma_start3A_209 = tpu.memref_slice %arg6[%dma_start3A_207, %dma_start3A_208] : memref<10240x64xf32, #tpu.memory_space<vmem_shared>> -> memref<10240x64xf32, #tpu.memory_space<vmem_shared>>
        tpu.enqueue_indirect_dma source(%dma_start3A_209 : memref<10240x64xf32, #tpu.memory_space<vmem_shared>>) target(%arg10 : memref<64x64xf32, #tpu.memory_space<vmem>>) offsets(%dma_start3A_206 : memref<64xi32, #tpu.memory_space<vmem>>) semaphore(%arg12 : memref<!tpu.dma_semaphore, #tpu.memory_space<semaphore_mem>>)
      } else {
      }
      %dma_wait3A_169 = arith.constant 0 : i32
      %dma_wait3A_170 = arith.constant 0 : i32
      %dma_wait3A_171 = tpu.memref_slice %arg8[%dma_wait3A_169, %dma_wait3A_170] : memref<80x64xi32, #tpu.memory_space<vmem>> -> memref<1x64xi32, #tpu.memory_space<vmem>>
      %dma_wait3A_172 = tpu.memref_squeeze %dma_wait3A_171 : memref<1x64xi32, #tpu.memory_space<vmem>> -> memref<64xi32, #tpu.memory_space<vmem>>
      %dma_wait3A_173 = arith.constant 0 : i32
      %dma_wait3A_174 = arith.constant 0 : i32
      %dma_wait3A_175 = tpu.memref_slice %arg6[%dma_wait3A_173, %dma_wait3A_174] : memref<10240x64xf32, #tpu.memory_space<vmem_shared>> -> memref<10240x64xf32, #tpu.memory_space<vmem_shared>>
      tpu.wait_indirect_dma semaphore(%arg13 : memref<!tpu.dma_semaphore, #tpu.memory_space<semaphore_mem>>) src(%dma_wait3A_175 : memref<10240x64xf32, #tpu.memory_space<vmem_shared>>) dst(%arg11 : memref<64x64xf32, #tpu.memory_space<vmem>>)
      %add3A_176 = arith.constant 1 : i32
      %add3A_177 = arith.addi %add3A_147, %add3A_176 : i32
      %dma_start3A_178 = arith.constant 0 : i32
      %dma_start3A_179 = tpu.memref_slice %arg9[%add3A_177, %dma_start3A_178] : memref<80x64xi32, #tpu.memory_space<vmem>> -> memref<1x64xi32, #tpu.memory_space<vmem>>
      %dma_start3A_180 = tpu.memref_squeeze %dma_start3A_179 : memref<1x64xi32, #tpu.memory_space<vmem>> -> memref<64xi32, #tpu.memory_space<vmem>>
      %dma_start3A_181 = arith.constant 0 : i32
      %dma_start3A_182 = arith.constant 0 : i32
      %dma_start3A_183 = tpu.memref_slice %arg7[%dma_start3A_181, %dma_start3A_182] : memref<10240x64xf32, #tpu.memory_space<vmem_shared>> -> memref<10240x64xf32, #tpu.memory_space<vmem_shared>>
      tpu.enqueue_indirect_dma source(%arg11 : memref<64x64xf32, #tpu.memory_space<vmem>>) target(%dma_start3A_183 : memref<10240x64xf32, #tpu.memory_space<vmem_shared>>) offsets(%dma_start3A_180 : memref<64xi32, #tpu.memory_space<vmem>>) semaphore(%arg15 : memref<!tpu.dma_semaphore, #tpu.memory_space<semaphore_mem>>) {add = true}
      %add3A_184 = arith.constant 1 : i32
      %add3A_185 = arith.addi %add3A_147, %add3A_184 : i32
      %add3A_186 = arith.constant 2 : i32
      %add3A_187 = arith.addi %add3A_185, %add3A_186 : i32
      %lt3A_188 = arith.constant 80 : i32
      %lt3A_189 = arith.cmpi slt, %add3A_187, %lt3A_188 : i32
      %convert_element_type3A_190 = arith.extui %lt3A_189 : i1 to i32
      %cond3A_191 = arith.constant 0 : i32
      %cond3A_192 = arith.cmpi ne, %convert_element_type3A_190, %cond3A_191 : i32
      scf.if %cond3A_192 {
        %dma_wait3A_193 = arith.constant 0 : i32
        %dma_wait3A_194 = arith.constant 0 : i32
        %dma_wait3A_195 = tpu.memref_slice %arg9[%dma_wait3A_193, %dma_wait3A_194] : memref<80x64xi32, #tpu.memory_space<vmem>> -> memref<1x64xi32, #tpu.memory_space<vmem>>
        %dma_wait3A_196 = tpu.memref_squeeze %dma_wait3A_195 : memref<1x64xi32, #tpu.memory_space<vmem>> -> memref<64xi32, #tpu.memory_space<vmem>>
        %dma_wait3A_197 = arith.constant 0 : i32
        %dma_wait3A_198 = arith.constant 0 : i32
        %dma_wait3A_199 = tpu.memref_slice %arg7[%dma_wait3A_197, %dma_wait3A_198] : memref<10240x64xf32, #tpu.memory_space<vmem_shared>> -> memref<10240x64xf32, #tpu.memory_space<vmem_shared>>
        tpu.wait_indirect_dma semaphore(%arg15 : memref<!tpu.dma_semaphore, #tpu.memory_space<semaphore_mem>>) src(%arg11 : memref<64x64xf32, #tpu.memory_space<vmem>>) dst(%dma_wait3A_199 : memref<10240x64xf32, #tpu.memory_space<vmem_shared>>)
        %add3A_200 = arith.constant 1 : i32
        %add3A_201 = arith.addi %add3A_147, %add3A_200 : i32
        %add3A_202 = arith.constant 2 : i32
        %add3A_203 = arith.addi %add3A_201, %add3A_202 : i32
        %dma_start3A_204 = arith.constant 0 : i32
        %dma_start3A_205 = tpu.memref_slice %arg8[%add3A_203, %dma_start3A_204] : memref<80x64xi32, #tpu.memory_space<vmem>> -> memref<1x64xi32, #tpu.memory_space<vmem>>
        %dma_start3A_206 = tpu.memref_squeeze %dma_start3A_205 : memref<1x64xi32, #tpu.memory_space<vmem>> -> memref<64xi32, #tpu.memory_space<vmem>>
        %dma_start3A_207 = arith.constant 0 : i32
        %dma_start3A_208 = arith.constant 0 : i32
        %dma_start3A_209 = tpu.memref_slice %arg6[%dma_start3A_207, %dma_start3A_208] : memref<10240x64xf32, #tpu.memory_space<vmem_shared>> -> memref<10240x64xf32, #tpu.memory_space<vmem_shared>>
        tpu.enqueue_indirect_dma source(%dma_start3A_209 : memref<10240x64xf32, #tpu.memory_space<vmem_shared>>) target(%arg11 : memref<64x64xf32, #tpu.memory_space<vmem>>) offsets(%dma_start3A_206 : memref<64xi32, #tpu.memory_space<vmem>>) semaphore(%arg13 : memref<!tpu.dma_semaphore, #tpu.memory_space<semaphore_mem>>)
      } else {
      }
    }
    %scan3A_91 = arith.constant 40 : i32
    %dma_wait3A_92 = arith.constant 0 : i32
    %dma_wait3A_93 = arith.constant 0 : i32
    %dma_wait3A_94 = tpu.memref_slice %arg9[%dma_wait3A_92, %dma_wait3A_93] : memref<80x64xi32, #tpu.memory_space<vmem>> -> memref<1x64xi32, #tpu.memory_space<vmem>>
    %dma_wait3A_95 = tpu.memref_squeeze %dma_wait3A_94 : memref<1x64xi32, #tpu.memory_space<vmem>> -> memref<64xi32, #tpu.memory_space<vmem>>
    %dma_wait3A_96 = arith.constant 0 : i32
    %dma_wait3A_97 = arith.constant 0 : i32
    %dma_wait3A_98 = tpu.memref_slice %arg7[%dma_wait3A_96, %dma_wait3A_97] : memref<10240x64xf32, #tpu.memory_space<vmem_shared>> -> memref<10240x64xf32, #tpu.memory_space<vmem_shared>>
    tpu.wait_indirect_dma semaphore(%arg14 : memref<!tpu.dma_semaphore, #tpu.memory_space<semaphore_mem>>) src(%arg10 : memref<64x64xf32, #tpu.memory_space<vmem>>) dst(%dma_wait3A_98 : memref<10240x64xf32, #tpu.memory_space<vmem_shared>>)
    %dma_wait3A_99 = arith.constant 0 : i32
    %dma_wait3A_100 = arith.constant 0 : i32
    %dma_wait3A_101 = tpu.memref_slice %arg9[%dma_wait3A_99, %dma_wait3A_100] : memref<80x64xi32, #tpu.memory_space<vmem>> -> memref<1x64xi32, #tpu.memory_space<vmem>>
    %dma_wait3A_102 = tpu.memref_squeeze %dma_wait3A_101 : memref<1x64xi32, #tpu.memory_space<vmem>> -> memref<64xi32, #tpu.memory_space<vmem>>
    %dma_wait3A_103 = arith.constant 0 : i32
    %dma_wait3A_104 = arith.constant 0 : i32
    %dma_wait3A_105 = tpu.memref_slice %arg7[%dma_wait3A_103, %dma_wait3A_104] : memref<10240x64xf32, #tpu.memory_space<vmem_shared>> -> memref<10240x64xf32, #tpu.memory_space<vmem_shared>>
    tpu.wait_indirect_dma semaphore(%arg15 : memref<!tpu.dma_semaphore, #tpu.memory_space<semaphore_mem>>) src(%arg11 : memref<64x64xf32, #tpu.memory_space<vmem>>) dst(%dma_wait3A_105 : memref<10240x64xf32, #tpu.memory_space<vmem_shared>>)
    "tpu.region"() ({
      %run_scoped3A = tpu.sem_alloc : memref<!tpu.dma_semaphore, #tpu.memory_space<semaphore_mem>>
      %dma_start3A_145 = arith.constant 240 : i32
      %dma_start3A_146 = arith.constant 0 : i32
      %dma_start3A_147 = tpu.memref_slice %arg3[%arg1, %dma_start3A_145, %dma_start3A_146] : memref<16x320x64xi32, #tpu.memory_space<hbm>> -> memref<1x80x64xi32, #tpu.memory_space<hbm>>
      %dma_start3A_148 = tpu.memref_squeeze %dma_start3A_147 : memref<1x80x64xi32, #tpu.memory_space<hbm>> -> memref<80x64xi32, #tpu.memory_space<hbm>>
      %dma_start3A_149 = arith.constant 240 : i32
      %dma_start3A_150 = arith.constant 0 : i32
      %dma_start3A_151 = tpu.memref_slice %arg3[%arg1, %dma_start3A_149, %dma_start3A_150] : memref<16x320x64xi32, #tpu.memory_space<hbm>> -> memref<1x80x64xi32, #tpu.memory_space<hbm>>
      %dma_start3A_152 = tpu.memref_squeeze %dma_start3A_151 : memref<1x80x64xi32, #tpu.memory_space<hbm>> -> memref<80x64xi32, #tpu.memory_space<hbm>>
      tpu.enqueue_dma source(%dma_start3A_152 : memref<80x64xi32, #tpu.memory_space<hbm>>) target(%arg8 : memref<80x64xi32, #tpu.memory_space<vmem>>) target_semaphore(%run_scoped3A : memref<!tpu.dma_semaphore, #tpu.memory_space<semaphore_mem>>)
      %dma_wait3A_153 = arith.constant 240 : i32
      %dma_wait3A_154 = arith.constant 0 : i32
      %dma_wait3A_155 = tpu.memref_slice %arg3[%arg1, %dma_wait3A_153, %dma_wait3A_154] : memref<16x320x64xi32, #tpu.memory_space<hbm>> -> memref<1x80x64xi32, #tpu.memory_space<hbm>>
      %dma_wait3A_156 = tpu.memref_squeeze %dma_wait3A_155 : memref<1x80x64xi32, #tpu.memory_space<hbm>> -> memref<80x64xi32, #tpu.memory_space<hbm>>
      %dma_wait3A_157 = arith.constant 240 : i32
      %dma_wait3A_158 = arith.constant 0 : i32
      %dma_wait3A_159 = tpu.memref_slice %arg3[%arg1, %dma_wait3A_157, %dma_wait3A_158] : memref<16x320x64xi32, #tpu.memory_space<hbm>> -> memref<1x80x64xi32, #tpu.memory_space<hbm>>
      %dma_wait3A_160 = tpu.memref_squeeze %dma_wait3A_159 : memref<1x80x64xi32, #tpu.memory_space<hbm>> -> memref<80x64xi32, #tpu.memory_space<hbm>>
      tpu.wait_dma2 semaphore(%run_scoped3A : memref<!tpu.dma_semaphore, #tpu.memory_space<semaphore_mem>>) src(%dma_wait3A_160 : memref<80x64xi32, #tpu.memory_space<hbm>>) dst(%arg8 : memref<80x64xi32, #tpu.memory_space<vmem>>)
      tpu.yield
    }) : () -> ()
    "tpu.region"() ({
      %run_scoped3A = tpu.sem_alloc : memref<!tpu.dma_semaphore, #tpu.memory_space<semaphore_mem>>
      %dma_start3A_145 = arith.constant 240 : i32
      %dma_start3A_146 = arith.constant 0 : i32
      %dma_start3A_147 = tpu.memref_slice %arg4[%arg1, %dma_start3A_145, %dma_start3A_146] : memref<16x320x64xi32, #tpu.memory_space<hbm>> -> memref<1x80x64xi32, #tpu.memory_space<hbm>>
      %dma_start3A_148 = tpu.memref_squeeze %dma_start3A_147 : memref<1x80x64xi32, #tpu.memory_space<hbm>> -> memref<80x64xi32, #tpu.memory_space<hbm>>
      %dma_start3A_149 = arith.constant 240 : i32
      %dma_start3A_150 = arith.constant 0 : i32
      %dma_start3A_151 = tpu.memref_slice %arg4[%arg1, %dma_start3A_149, %dma_start3A_150] : memref<16x320x64xi32, #tpu.memory_space<hbm>> -> memref<1x80x64xi32, #tpu.memory_space<hbm>>
      %dma_start3A_152 = tpu.memref_squeeze %dma_start3A_151 : memref<1x80x64xi32, #tpu.memory_space<hbm>> -> memref<80x64xi32, #tpu.memory_space<hbm>>
      tpu.enqueue_dma source(%dma_start3A_152 : memref<80x64xi32, #tpu.memory_space<hbm>>) target(%arg9 : memref<80x64xi32, #tpu.memory_space<vmem>>) target_semaphore(%run_scoped3A : memref<!tpu.dma_semaphore, #tpu.memory_space<semaphore_mem>>)
      %dma_wait3A_153 = arith.constant 240 : i32
      %dma_wait3A_154 = arith.constant 0 : i32
      %dma_wait3A_155 = tpu.memref_slice %arg4[%arg1, %dma_wait3A_153, %dma_wait3A_154] : memref<16x320x64xi32, #tpu.memory_space<hbm>> -> memref<1x80x64xi32, #tpu.memory_space<hbm>>
      %dma_wait3A_156 = tpu.memref_squeeze %dma_wait3A_155 : memref<1x80x64xi32, #tpu.memory_space<hbm>> -> memref<80x64xi32, #tpu.memory_space<hbm>>
      %dma_wait3A_157 = arith.constant 240 : i32
      %dma_wait3A_158 = arith.constant 0 : i32
      %dma_wait3A_159 = tpu.memref_slice %arg4[%arg1, %dma_wait3A_157, %dma_wait3A_158] : memref<16x320x64xi32, #tpu.memory_space<hbm>> -> memref<1x80x64xi32, #tpu.memory_space<hbm>>
      %dma_wait3A_160 = tpu.memref_squeeze %dma_wait3A_159 : memref<1x80x64xi32, #tpu.memory_space<hbm>> -> memref<80x64xi32, #tpu.memory_space<hbm>>
      tpu.wait_dma2 semaphore(%run_scoped3A : memref<!tpu.dma_semaphore, #tpu.memory_space<semaphore_mem>>) src(%dma_wait3A_160 : memref<80x64xi32, #tpu.memory_space<hbm>>) dst(%arg9 : memref<80x64xi32, #tpu.memory_space<vmem>>)
      tpu.yield
    }) : () -> ()
    %dma_start3A_106 = arith.constant 0 : i32
    %dma_start3A_107 = arith.constant 0 : i32
    %dma_start3A_108 = tpu.memref_slice %arg8[%dma_start3A_106, %dma_start3A_107] : memref<80x64xi32, #tpu.memory_space<vmem>> -> memref<1x64xi32, #tpu.memory_space<vmem>>
    %dma_start3A_109 = tpu.memref_squeeze %dma_start3A_108 : memref<1x64xi32, #tpu.memory_space<vmem>> -> memref<64xi32, #tpu.memory_space<vmem>>
    %dma_start3A_110 = arith.constant 0 : i32
    %dma_start3A_111 = arith.constant 0 : i32
    %dma_start3A_112 = tpu.memref_slice %arg6[%dma_start3A_110, %dma_start3A_111] : memref<10240x64xf32, #tpu.memory_space<vmem_shared>> -> memref<10240x64xf32, #tpu.memory_space<vmem_shared>>
    tpu.enqueue_indirect_dma source(%dma_start3A_112 : memref<10240x64xf32, #tpu.memory_space<vmem_shared>>) target(%arg10 : memref<64x64xf32, #tpu.memory_space<vmem>>) offsets(%dma_start3A_109 : memref<64xi32, #tpu.memory_space<vmem>>) semaphore(%arg12 : memref<!tpu.dma_semaphore, #tpu.memory_space<semaphore_mem>>)
    %dma_start3A_113 = arith.constant 1 : i32
    %dma_start3A_114 = arith.constant 0 : i32
    %dma_start3A_115 = tpu.memref_slice %arg8[%dma_start3A_113, %dma_start3A_114] : memref<80x64xi32, #tpu.memory_space<vmem>> -> memref<1x64xi32, #tpu.memory_space<vmem>>
    %dma_start3A_116 = tpu.memref_squeeze %dma_start3A_115 : memref<1x64xi32, #tpu.memory_space<vmem>> -> memref<64xi32, #tpu.memory_space<vmem>>
    %dma_start3A_117 = arith.constant 0 : i32
    %dma_start3A_118 = arith.constant 0 : i32
    %dma_start3A_119 = tpu.memref_slice %arg6[%dma_start3A_117, %dma_start3A_118] : memref<10240x64xf32, #tpu.memory_space<vmem_shared>> -> memref<10240x64xf32, #tpu.memory_space<vmem_shared>>
    tpu.enqueue_indirect_dma source(%dma_start3A_119 : memref<10240x64xf32, #tpu.memory_space<vmem_shared>>) target(%arg11 : memref<64x64xf32, #tpu.memory_space<vmem>>) offsets(%dma_start3A_116 : memref<64xi32, #tpu.memory_space<vmem>>) semaphore(%arg13 : memref<!tpu.dma_semaphore, #tpu.memory_space<semaphore_mem>>)
    %scan3A_120 = arith.constant 0 : i32
    %scan3A_121 = arith.constant 40 : i32
    %scan3A_122 = arith.addi %scan3A_120, %scan3A_121 : i32
    %scan3A_123 = arith.constant 1 : i32
    scf.for %scan3A_145 = %scan3A_120 to %scan3A_122 step %scan3A_123  : i32 {
      %mul3A = arith.constant 2 : i32
      %mul3A_146 = arith.muli %scan3A_145, %mul3A : i32
      %add3A = arith.constant 0 : i32
      %add3A_147 = arith.addi %add3A, %mul3A_146 : i32
      %dma_wait3A_148 = arith.constant 0 : i32
      %dma_wait3A_149 = arith.constant 0 : i32
      %dma_wait3A_150 = tpu.memref_slice %arg8[%dma_wait3A_148, %dma_wait3A_149] : memref<80x64xi32, #tpu.memory_space<vmem>> -> memref<1x64xi32, #tpu.memory_space<vmem>>
      %dma_wait3A_151 = tpu.memref_squeeze %dma_wait3A_150 : memref<1x64xi32, #tpu.memory_space<vmem>> -> memref<64xi32, #tpu.memory_space<vmem>>
      %dma_wait3A_152 = arith.constant 0 : i32
      %dma_wait3A_153 = arith.constant 0 : i32
      %dma_wait3A_154 = tpu.memref_slice %arg6[%dma_wait3A_152, %dma_wait3A_153] : memref<10240x64xf32, #tpu.memory_space<vmem_shared>> -> memref<10240x64xf32, #tpu.memory_space<vmem_shared>>
      tpu.wait_indirect_dma semaphore(%arg12 : memref<!tpu.dma_semaphore, #tpu.memory_space<semaphore_mem>>) src(%dma_wait3A_154 : memref<10240x64xf32, #tpu.memory_space<vmem_shared>>) dst(%arg10 : memref<64x64xf32, #tpu.memory_space<vmem>>)
      %add3A_155 = arith.constant 0 : i32
      %add3A_156 = arith.addi %add3A_147, %add3A_155 : i32
      %dma_start3A_157 = arith.constant 0 : i32
      %dma_start3A_158 = tpu.memref_slice %arg9[%add3A_156, %dma_start3A_157] : memref<80x64xi32, #tpu.memory_space<vmem>> -> memref<1x64xi32, #tpu.memory_space<vmem>>
      %dma_start3A_159 = tpu.memref_squeeze %dma_start3A_158 : memref<1x64xi32, #tpu.memory_space<vmem>> -> memref<64xi32, #tpu.memory_space<vmem>>
      %dma_start3A_160 = arith.constant 0 : i32
      %dma_start3A_161 = arith.constant 0 : i32
      %dma_start3A_162 = tpu.memref_slice %arg7[%dma_start3A_160, %dma_start3A_161] : memref<10240x64xf32, #tpu.memory_space<vmem_shared>> -> memref<10240x64xf32, #tpu.memory_space<vmem_shared>>
      tpu.enqueue_indirect_dma source(%arg10 : memref<64x64xf32, #tpu.memory_space<vmem>>) target(%dma_start3A_162 : memref<10240x64xf32, #tpu.memory_space<vmem_shared>>) offsets(%dma_start3A_159 : memref<64xi32, #tpu.memory_space<vmem>>) semaphore(%arg14 : memref<!tpu.dma_semaphore, #tpu.memory_space<semaphore_mem>>) {add = true}
      %add3A_163 = arith.constant 0 : i32
      %add3A_164 = arith.addi %add3A_147, %add3A_163 : i32
      %add3A_165 = arith.constant 2 : i32
      %add3A_166 = arith.addi %add3A_164, %add3A_165 : i32
      %lt3A = arith.constant 80 : i32
      %lt3A_167 = arith.cmpi slt, %add3A_166, %lt3A : i32
      %convert_element_type3A = arith.extui %lt3A_167 : i1 to i32
      %cond3A = arith.constant 0 : i32
      %cond3A_168 = arith.cmpi ne, %convert_element_type3A, %cond3A : i32
      scf.if %cond3A_168 {
        %dma_wait3A_193 = arith.constant 0 : i32
        %dma_wait3A_194 = arith.constant 0 : i32
        %dma_wait3A_195 = tpu.memref_slice %arg9[%dma_wait3A_193, %dma_wait3A_194] : memref<80x64xi32, #tpu.memory_space<vmem>> -> memref<1x64xi32, #tpu.memory_space<vmem>>
        %dma_wait3A_196 = tpu.memref_squeeze %dma_wait3A_195 : memref<1x64xi32, #tpu.memory_space<vmem>> -> memref<64xi32, #tpu.memory_space<vmem>>
        %dma_wait3A_197 = arith.constant 0 : i32
        %dma_wait3A_198 = arith.constant 0 : i32
        %dma_wait3A_199 = tpu.memref_slice %arg7[%dma_wait3A_197, %dma_wait3A_198] : memref<10240x64xf32, #tpu.memory_space<vmem_shared>> -> memref<10240x64xf32, #tpu.memory_space<vmem_shared>>
        tpu.wait_indirect_dma semaphore(%arg14 : memref<!tpu.dma_semaphore, #tpu.memory_space<semaphore_mem>>) src(%arg10 : memref<64x64xf32, #tpu.memory_space<vmem>>) dst(%dma_wait3A_199 : memref<10240x64xf32, #tpu.memory_space<vmem_shared>>)
        %add3A_200 = arith.constant 0 : i32
        %add3A_201 = arith.addi %add3A_147, %add3A_200 : i32
        %add3A_202 = arith.constant 2 : i32
        %add3A_203 = arith.addi %add3A_201, %add3A_202 : i32
        %dma_start3A_204 = arith.constant 0 : i32
        %dma_start3A_205 = tpu.memref_slice %arg8[%add3A_203, %dma_start3A_204] : memref<80x64xi32, #tpu.memory_space<vmem>> -> memref<1x64xi32, #tpu.memory_space<vmem>>
        %dma_start3A_206 = tpu.memref_squeeze %dma_start3A_205 : memref<1x64xi32, #tpu.memory_space<vmem>> -> memref<64xi32, #tpu.memory_space<vmem>>
        %dma_start3A_207 = arith.constant 0 : i32
        %dma_start3A_208 = arith.constant 0 : i32
        %dma_start3A_209 = tpu.memref_slice %arg6[%dma_start3A_207, %dma_start3A_208] : memref<10240x64xf32, #tpu.memory_space<vmem_shared>> -> memref<10240x64xf32, #tpu.memory_space<vmem_shared>>
        tpu.enqueue_indirect_dma source(%dma_start3A_209 : memref<10240x64xf32, #tpu.memory_space<vmem_shared>>) target(%arg10 : memref<64x64xf32, #tpu.memory_space<vmem>>) offsets(%dma_start3A_206 : memref<64xi32, #tpu.memory_space<vmem>>) semaphore(%arg12 : memref<!tpu.dma_semaphore, #tpu.memory_space<semaphore_mem>>)
      } else {
      }
      %dma_wait3A_169 = arith.constant 0 : i32
      %dma_wait3A_170 = arith.constant 0 : i32
      %dma_wait3A_171 = tpu.memref_slice %arg8[%dma_wait3A_169, %dma_wait3A_170] : memref<80x64xi32, #tpu.memory_space<vmem>> -> memref<1x64xi32, #tpu.memory_space<vmem>>
      %dma_wait3A_172 = tpu.memref_squeeze %dma_wait3A_171 : memref<1x64xi32, #tpu.memory_space<vmem>> -> memref<64xi32, #tpu.memory_space<vmem>>
      %dma_wait3A_173 = arith.constant 0 : i32
      %dma_wait3A_174 = arith.constant 0 : i32
      %dma_wait3A_175 = tpu.memref_slice %arg6[%dma_wait3A_173, %dma_wait3A_174] : memref<10240x64xf32, #tpu.memory_space<vmem_shared>> -> memref<10240x64xf32, #tpu.memory_space<vmem_shared>>
      tpu.wait_indirect_dma semaphore(%arg13 : memref<!tpu.dma_semaphore, #tpu.memory_space<semaphore_mem>>) src(%dma_wait3A_175 : memref<10240x64xf32, #tpu.memory_space<vmem_shared>>) dst(%arg11 : memref<64x64xf32, #tpu.memory_space<vmem>>)
      %add3A_176 = arith.constant 1 : i32
      %add3A_177 = arith.addi %add3A_147, %add3A_176 : i32
      %dma_start3A_178 = arith.constant 0 : i32
      %dma_start3A_179 = tpu.memref_slice %arg9[%add3A_177, %dma_start3A_178] : memref<80x64xi32, #tpu.memory_space<vmem>> -> memref<1x64xi32, #tpu.memory_space<vmem>>
      %dma_start3A_180 = tpu.memref_squeeze %dma_start3A_179 : memref<1x64xi32, #tpu.memory_space<vmem>> -> memref<64xi32, #tpu.memory_space<vmem>>
      %dma_start3A_181 = arith.constant 0 : i32
      %dma_start3A_182 = arith.constant 0 : i32
      %dma_start3A_183 = tpu.memref_slice %arg7[%dma_start3A_181, %dma_start3A_182] : memref<10240x64xf32, #tpu.memory_space<vmem_shared>> -> memref<10240x64xf32, #tpu.memory_space<vmem_shared>>
      tpu.enqueue_indirect_dma source(%arg11 : memref<64x64xf32, #tpu.memory_space<vmem>>) target(%dma_start3A_183 : memref<10240x64xf32, #tpu.memory_space<vmem_shared>>) offsets(%dma_start3A_180 : memref<64xi32, #tpu.memory_space<vmem>>) semaphore(%arg15 : memref<!tpu.dma_semaphore, #tpu.memory_space<semaphore_mem>>) {add = true}
      %add3A_184 = arith.constant 1 : i32
      %add3A_185 = arith.addi %add3A_147, %add3A_184 : i32
      %add3A_186 = arith.constant 2 : i32
      %add3A_187 = arith.addi %add3A_185, %add3A_186 : i32
      %lt3A_188 = arith.constant 80 : i32
      %lt3A_189 = arith.cmpi slt, %add3A_187, %lt3A_188 : i32
      %convert_element_type3A_190 = arith.extui %lt3A_189 : i1 to i32
      %cond3A_191 = arith.constant 0 : i32
      %cond3A_192 = arith.cmpi ne, %convert_element_type3A_190, %cond3A_191 : i32
      scf.if %cond3A_192 {
        %dma_wait3A_193 = arith.constant 0 : i32
        %dma_wait3A_194 = arith.constant 0 : i32
        %dma_wait3A_195 = tpu.memref_slice %arg9[%dma_wait3A_193, %dma_wait3A_194] : memref<80x64xi32, #tpu.memory_space<vmem>> -> memref<1x64xi32, #tpu.memory_space<vmem>>
        %dma_wait3A_196 = tpu.memref_squeeze %dma_wait3A_195 : memref<1x64xi32, #tpu.memory_space<vmem>> -> memref<64xi32, #tpu.memory_space<vmem>>
        %dma_wait3A_197 = arith.constant 0 : i32
        %dma_wait3A_198 = arith.constant 0 : i32
        %dma_wait3A_199 = tpu.memref_slice %arg7[%dma_wait3A_197, %dma_wait3A_198] : memref<10240x64xf32, #tpu.memory_space<vmem_shared>> -> memref<10240x64xf32, #tpu.memory_space<vmem_shared>>
        tpu.wait_indirect_dma semaphore(%arg15 : memref<!tpu.dma_semaphore, #tpu.memory_space<semaphore_mem>>) src(%arg11 : memref<64x64xf32, #tpu.memory_space<vmem>>) dst(%dma_wait3A_199 : memref<10240x64xf32, #tpu.memory_space<vmem_shared>>)
        %add3A_200 = arith.constant 1 : i32
        %add3A_201 = arith.addi %add3A_147, %add3A_200 : i32
        %add3A_202 = arith.constant 2 : i32
        %add3A_203 = arith.addi %add3A_201, %add3A_202 : i32
        %dma_start3A_204 = arith.constant 0 : i32
        %dma_start3A_205 = tpu.memref_slice %arg8[%add3A_203, %dma_start3A_204] : memref<80x64xi32, #tpu.memory_space<vmem>> -> memref<1x64xi32, #tpu.memory_space<vmem>>
        %dma_start3A_206 = tpu.memref_squeeze %dma_start3A_205 : memref<1x64xi32, #tpu.memory_space<vmem>> -> memref<64xi32, #tpu.memory_space<vmem>>
        %dma_start3A_207 = arith.constant 0 : i32
        %dma_start3A_208 = arith.constant 0 : i32
        %dma_start3A_209 = tpu.memref_slice %arg6[%dma_start3A_207, %dma_start3A_208] : memref<10240x64xf32, #tpu.memory_space<vmem_shared>> -> memref<10240x64xf32, #tpu.memory_space<vmem_shared>>
        tpu.enqueue_indirect_dma source(%dma_start3A_209 : memref<10240x64xf32, #tpu.memory_space<vmem_shared>>) target(%arg11 : memref<64x64xf32, #tpu.memory_space<vmem>>) offsets(%dma_start3A_206 : memref<64xi32, #tpu.memory_space<vmem>>) semaphore(%arg13 : memref<!tpu.dma_semaphore, #tpu.memory_space<semaphore_mem>>)
      } else {
      }
    }
    %scan3A_124 = arith.constant 40 : i32
    %dma_wait3A_125 = arith.constant 0 : i32
    %dma_wait3A_126 = arith.constant 0 : i32
    %dma_wait3A_127 = tpu.memref_slice %arg9[%dma_wait3A_125, %dma_wait3A_126] : memref<80x64xi32, #tpu.memory_space<vmem>> -> memref<1x64xi32, #tpu.memory_space<vmem>>
    %dma_wait3A_128 = tpu.memref_squeeze %dma_wait3A_127 : memref<1x64xi32, #tpu.memory_space<vmem>> -> memref<64xi32, #tpu.memory_space<vmem>>
    %dma_wait3A_129 = arith.constant 0 : i32
    %dma_wait3A_130 = arith.constant 0 : i32
    %dma_wait3A_131 = tpu.memref_slice %arg7[%dma_wait3A_129, %dma_wait3A_130] : memref<10240x64xf32, #tpu.memory_space<vmem_shared>> -> memref<10240x64xf32, #tpu.memory_space<vmem_shared>>
    tpu.wait_indirect_dma semaphore(%arg14 : memref<!tpu.dma_semaphore, #tpu.memory_space<semaphore_mem>>) src(%arg10 : memref<64x64xf32, #tpu.memory_space<vmem>>) dst(%dma_wait3A_131 : memref<10240x64xf32, #tpu.memory_space<vmem_shared>>)
    %dma_wait3A_132 = arith.constant 0 : i32
    %dma_wait3A_133 = arith.constant 0 : i32
    %dma_wait3A_134 = tpu.memref_slice %arg9[%dma_wait3A_132, %dma_wait3A_133] : memref<80x64xi32, #tpu.memory_space<vmem>> -> memref<1x64xi32, #tpu.memory_space<vmem>>
    %dma_wait3A_135 = tpu.memref_squeeze %dma_wait3A_134 : memref<1x64xi32, #tpu.memory_space<vmem>> -> memref<64xi32, #tpu.memory_space<vmem>>
    %dma_wait3A_136 = arith.constant 0 : i32
    %dma_wait3A_137 = arith.constant 0 : i32
    %dma_wait3A_138 = tpu.memref_slice %arg7[%dma_wait3A_136, %dma_wait3A_137] : memref<10240x64xf32, #tpu.memory_space<vmem_shared>> -> memref<10240x64xf32, #tpu.memory_space<vmem_shared>>
    tpu.wait_indirect_dma semaphore(%arg15 : memref<!tpu.dma_semaphore, #tpu.memory_space<semaphore_mem>>) src(%arg11 : memref<64x64xf32, #tpu.memory_space<vmem>>) dst(%dma_wait3A_138 : memref<10240x64xf32, #tpu.memory_space<vmem_shared>>)
    %barrier3A_139 = arith.constant 0 : index
    tpu.barrier barrier_id(%barrier3A_139)
    %scan3A_140 = arith.constant 0 : i32
    %scan3A_141 = arith.constant 10 : i32
    %scan3A_142 = arith.addi %scan3A_140, %scan3A_141 : i32
    %scan3A_143 = arith.constant 1 : i32
    scf.for %scan3A_145 = %scan3A_140 to %scan3A_142 step %scan3A_143  : i32 {
      %mul3A = arith.constant 1 : i32
      %mul3A_146 = arith.muli %scan3A_145, %mul3A : i32
      %add3A = arith.constant 0 : i32
      %add3A_147 = arith.addi %add3A, %mul3A_146 : i32
      %mul3A_148 = arith.constant 640 : i32
      %mul3A_149 = arith.muli %arg1, %mul3A_148 : i32
      %mul3A_150 = arith.constant 64 : i32
      %mul3A_151 = arith.muli %add3A_147, %mul3A_150 : i32
      %add3A_152 = arith.addi %mul3A_149, %mul3A_151 : i32
      "tpu.region"() ({
        %run_scoped3A = tpu.sem_alloc : memref<!tpu.dma_semaphore, #tpu.memory_space<semaphore_mem>>
        %dma_start3A_160 = arith.constant 0 : i32
        %dma_start3A_161 = tpu.memref_slice %arg7[%add3A_152, %dma_start3A_160] : memref<10240x64xf32, #tpu.memory_space<vmem_shared>> -> memref<64x64xf32, #tpu.memory_space<vmem_shared>>
        %dma_start3A_162 = arith.constant 0 : i32
        %dma_start3A_163 = tpu.memref_slice %arg7[%add3A_152, %dma_start3A_162] : memref<10240x64xf32, #tpu.memory_space<vmem_shared>> -> memref<64x64xf32, #tpu.memory_space<vmem_shared>>
        tpu.enqueue_dma source(%dma_start3A_163 : memref<64x64xf32, #tpu.memory_space<vmem_shared>>) target(%arg10 : memref<64x64xf32, #tpu.memory_space<vmem>>) target_semaphore(%run_scoped3A : memref<!tpu.dma_semaphore, #tpu.memory_space<semaphore_mem>>)
        %dma_wait3A_164 = arith.constant 0 : i32
        %dma_wait3A_165 = tpu.memref_slice %arg7[%add3A_152, %dma_wait3A_164] : memref<10240x64xf32, #tpu.memory_space<vmem_shared>> -> memref<64x64xf32, #tpu.memory_space<vmem_shared>>
        %dma_wait3A_166 = arith.constant 0 : i32
        %dma_wait3A_167 = tpu.memref_slice %arg7[%add3A_152, %dma_wait3A_166] : memref<10240x64xf32, #tpu.memory_space<vmem_shared>> -> memref<64x64xf32, #tpu.memory_space<vmem_shared>>
        tpu.wait_dma2 semaphore(%run_scoped3A : memref<!tpu.dma_semaphore, #tpu.memory_space<semaphore_mem>>) src(%dma_wait3A_167 : memref<64x64xf32, #tpu.memory_space<vmem_shared>>) dst(%arg10 : memref<64x64xf32, #tpu.memory_space<vmem>>)
        tpu.yield
      }) : () -> ()
      %mul3A_153 = arith.constant 640 : i32
      %mul3A_154 = arith.muli %arg1, %mul3A_153 : i32
      %mul3A_155 = arith.constant 64 : i32
      %mul3A_156 = arith.muli %add3A_147, %mul3A_155 : i32
      %add3A_157 = arith.addi %mul3A_154, %mul3A_156 : i32
      %mul3A_158 = arith.constant 64 : i32
      %mul3A_159 = arith.muli %arg0, %mul3A_158 : i32
      "tpu.region"() ({
        %run_scoped3A = tpu.sem_alloc : memref<!tpu.dma_semaphore, #tpu.memory_space<semaphore_mem>>
        %dma_start3A_160 = tpu.memref_slice %arg5[%add3A_157, %mul3A_159] : memref<10240x128xf32, #tpu.memory_space<hbm>> -> memref<64x64xf32, #tpu.memory_space<hbm>>
        %dma_start3A_161 = tpu.memref_slice %arg5[%add3A_157, %mul3A_159] : memref<10240x128xf32, #tpu.memory_space<hbm>> -> memref<64x64xf32, #tpu.memory_space<hbm>>
        tpu.enqueue_dma source(%arg10 : memref<64x64xf32, #tpu.memory_space<vmem>>) target(%dma_start3A_161 : memref<64x64xf32, #tpu.memory_space<hbm>>) target_semaphore(%run_scoped3A : memref<!tpu.dma_semaphore, #tpu.memory_space<semaphore_mem>>)
        %dma_wait3A_162 = tpu.memref_slice %arg5[%add3A_157, %mul3A_159] : memref<10240x128xf32, #tpu.memory_space<hbm>> -> memref<64x64xf32, #tpu.memory_space<hbm>>
        %dma_wait3A_163 = tpu.memref_slice %arg5[%add3A_157, %mul3A_159] : memref<10240x128xf32, #tpu.memory_space<hbm>> -> memref<64x64xf32, #tpu.memory_space<hbm>>
        tpu.wait_dma2 semaphore(%run_scoped3A : memref<!tpu.dma_semaphore, #tpu.memory_space<semaphore_mem>>) src(%arg10 : memref<64x64xf32, #tpu.memory_space<vmem>>) dst(%dma_wait3A_163 : memref<64x64xf32, #tpu.memory_space<hbm>>)
        tpu.yield
      }) : () -> ()
    }
    %scan3A_144 = arith.constant 10 : i32
    return
  }
}

#map = affine_map<(d0, d1) -> (0, 0, 0)>
#map1 = affine_map<(d0, d1) -> (0, 0)>
module attributes {stable_mosaic.version = 14 : i64} {
  func.func @_deg_body(%arg0: i32, %arg1: i32, %arg2: memref<32x80x128xi32, #tpu.memory_space<hbm>>, %arg3: memref<2x10240xf32, #tpu.memory_space<hbm>>, %arg4: memref<10240xf32, #tpu.memory_space<vmem_shared>>, %arg5: memref<80x128xi32, #tpu.memory_space<vmem>>, %arg6: memref<128xf32, #tpu.memory_space<vmem>>, %arg7: memref<640xf32, #tpu.memory_space<vmem>>) attributes {dimension_semantics = [#tpu.dimension_semantics<core_parallel>, #tpu.dimension_semantics<subcore_parallel>], iteration_bounds = array<i64: 2, 16>, scalar_prefetch = 0 : i64, scratch_operands = 4 : i64, tpu.core_type = #tpu.core_type<sc_vector_subcore>, window_params = [{transform_indices = #map}, {transform_indices = #map1}]} {
    %mul3A = arith.constant 16 : i32
    %mul3A_0 = arith.muli %arg0, %mul3A : i32
    %add3A = arith.addi %mul3A_0, %arg1 : i32
    %broadcast_in_dim3A = arith.constant 1.000000e+00 : f32
    %broadcast_in_dim3A_1 = vector.broadcast %broadcast_in_dim3A : f32 to vector<16xf32>
    %swap3A = arith.constant 0 : index
    %swap3A_2 = tpu.vector_load %arg6[%swap3A] {strides = array<i32>} : memref<128xf32, #tpu.memory_space<vmem>>, vector<16xf32>,
    %swap3A_3 = vector.shape_cast %swap3A_2 : vector<16xf32> to vector<16xf32>
    %swap3A_4 = vector.shape_cast %broadcast_in_dim3A_1 : vector<16xf32> to vector<16xf32>
    tpu.vector_store %arg6[%swap3A], %swap3A_4 {strides = array<i32>} : memref<128xf32, #tpu.memory_space<vmem>>, vector<16xf32>,
    %broadcast_in_dim3A_5 = arith.constant 1.000000e+00 : f32
    %broadcast_in_dim3A_6 = vector.broadcast %broadcast_in_dim3A_5 : f32 to vector<16xf32>
    %swap3A_7 = arith.constant 16 : index
    %swap3A_8 = tpu.vector_load %arg6[%swap3A_7] {strides = array<i32>} : memref<128xf32, #tpu.memory_space<vmem>>, vector<16xf32>,
    %swap3A_9 = vector.shape_cast %swap3A_8 : vector<16xf32> to vector<16xf32>
    %swap3A_10 = vector.shape_cast %broadcast_in_dim3A_6 : vector<16xf32> to vector<16xf32>
    tpu.vector_store %arg6[%swap3A_7], %swap3A_10 {strides = array<i32>} : memref<128xf32, #tpu.memory_space<vmem>>, vector<16xf32>,
    %broadcast_in_dim3A_11 = arith.constant 1.000000e+00 : f32
    %broadcast_in_dim3A_12 = vector.broadcast %broadcast_in_dim3A_11 : f32 to vector<16xf32>
    %swap3A_13 = arith.constant 32 : index
    %swap3A_14 = tpu.vector_load %arg6[%swap3A_13] {strides = array<i32>} : memref<128xf32, #tpu.memory_space<vmem>>, vector<16xf32>,
    %swap3A_15 = vector.shape_cast %swap3A_14 : vector<16xf32> to vector<16xf32>
    %swap3A_16 = vector.shape_cast %broadcast_in_dim3A_12 : vector<16xf32> to vector<16xf32>
    tpu.vector_store %arg6[%swap3A_13], %swap3A_16 {strides = array<i32>} : memref<128xf32, #tpu.memory_space<vmem>>, vector<16xf32>,
    %broadcast_in_dim3A_17 = arith.constant 1.000000e+00 : f32
    %broadcast_in_dim3A_18 = vector.broadcast %broadcast_in_dim3A_17 : f32 to vector<16xf32>
    %swap3A_19 = arith.constant 48 : index
    %swap3A_20 = tpu.vector_load %arg6[%swap3A_19] {strides = array<i32>} : memref<128xf32, #tpu.memory_space<vmem>>, vector<16xf32>,
    %swap3A_21 = vector.shape_cast %swap3A_20 : vector<16xf32> to vector<16xf32>
    %swap3A_22 = vector.shape_cast %broadcast_in_dim3A_18 : vector<16xf32> to vector<16xf32>
    tpu.vector_store %arg6[%swap3A_19], %swap3A_22 {strides = array<i32>} : memref<128xf32, #tpu.memory_space<vmem>>, vector<16xf32>,
    %broadcast_in_dim3A_23 = arith.constant 1.000000e+00 : f32
    %broadcast_in_dim3A_24 = vector.broadcast %broadcast_in_dim3A_23 : f32 to vector<16xf32>
    %swap3A_25 = arith.constant 64 : index
    %swap3A_26 = tpu.vector_load %arg6[%swap3A_25] {strides = array<i32>} : memref<128xf32, #tpu.memory_space<vmem>>, vector<16xf32>,
    %swap3A_27 = vector.shape_cast %swap3A_26 : vector<16xf32> to vector<16xf32>
    %swap3A_28 = vector.shape_cast %broadcast_in_dim3A_24 : vector<16xf32> to vector<16xf32>
    tpu.vector_store %arg6[%swap3A_25], %swap3A_28 {strides = array<i32>} : memref<128xf32, #tpu.memory_space<vmem>>, vector<16xf32>,
    %broadcast_in_dim3A_29 = arith.constant 1.000000e+00 : f32
    %broadcast_in_dim3A_30 = vector.broadcast %broadcast_in_dim3A_29 : f32 to vector<16xf32>
    %swap3A_31 = arith.constant 80 : index
    %swap3A_32 = tpu.vector_load %arg6[%swap3A_31] {strides = array<i32>} : memref<128xf32, #tpu.memory_space<vmem>>, vector<16xf32>,
    %swap3A_33 = vector.shape_cast %swap3A_32 : vector<16xf32> to vector<16xf32>
    %swap3A_34 = vector.shape_cast %broadcast_in_dim3A_30 : vector<16xf32> to vector<16xf32>
    tpu.vector_store %arg6[%swap3A_31], %swap3A_34 {strides = array<i32>} : memref<128xf32, #tpu.memory_space<vmem>>, vector<16xf32>,
    %broadcast_in_dim3A_35 = arith.constant 1.000000e+00 : f32
    %broadcast_in_dim3A_36 = vector.broadcast %broadcast_in_dim3A_35 : f32 to vector<16xf32>
    %swap3A_37 = arith.constant 96 : index
    %swap3A_38 = tpu.vector_load %arg6[%swap3A_37] {strides = array<i32>} : memref<128xf32, #tpu.memory_space<vmem>>, vector<16xf32>,
    %swap3A_39 = vector.shape_cast %swap3A_38 : vector<16xf32> to vector<16xf32>
    %swap3A_40 = vector.shape_cast %broadcast_in_dim3A_36 : vector<16xf32> to vector<16xf32>
    tpu.vector_store %arg6[%swap3A_37], %swap3A_40 {strides = array<i32>} : memref<128xf32, #tpu.memory_space<vmem>>, vector<16xf32>,
    %broadcast_in_dim3A_41 = arith.constant 1.000000e+00 : f32
    %broadcast_in_dim3A_42 = vector.broadcast %broadcast_in_dim3A_41 : f32 to vector<16xf32>
    %swap3A_43 = arith.constant 112 : index
    %swap3A_44 = tpu.vector_load %arg6[%swap3A_43] {strides = array<i32>} : memref<128xf32, #tpu.memory_space<vmem>>, vector<16xf32>,
    %swap3A_45 = vector.shape_cast %swap3A_44 : vector<16xf32> to vector<16xf32>
    %swap3A_46 = vector.shape_cast %broadcast_in_dim3A_42 : vector<16xf32> to vector<16xf32>
    tpu.vector_store %arg6[%swap3A_43], %swap3A_46 {strides = array<i32>} : memref<128xf32, #tpu.memory_space<vmem>>, vector<16xf32>,
    %broadcast_in_dim3A_47 = arith.constant 0.000000e+00 : f32
    %broadcast_in_dim3A_48 = vector.broadcast %broadcast_in_dim3A_47 : f32 to vector<16xf32>
    %swap3A_49 = arith.constant 0 : index
    %swap3A_50 = tpu.vector_load %arg7[%swap3A_49] {strides = array<i32>} : memref<640xf32, #tpu.memory_space<vmem>>, vector<16xf32>,
    %swap3A_51 = vector.shape_cast %swap3A_50 : vector<16xf32> to vector<16xf32>
    %swap3A_52 = vector.shape_cast %broadcast_in_dim3A_48 : vector<16xf32> to vector<16xf32>
    tpu.vector_store %arg7[%swap3A_49], %swap3A_52 {strides = array<i32>} : memref<640xf32, #tpu.memory_space<vmem>>, vector<16xf32>,
    %broadcast_in_dim3A_53 = arith.constant 0.000000e+00 : f32
    %broadcast_in_dim3A_54 = vector.broadcast %broadcast_in_dim3A_53 : f32 to vector<16xf32>
    %swap3A_55 = arith.constant 16 : index
    %swap3A_56 = tpu.vector_load %arg7[%swap3A_55] {strides = array<i32>} : memref<640xf32, #tpu.memory_space<vmem>>, vector<16xf32>,
    %swap3A_57 = vector.shape_cast %swap3A_56 : vector<16xf32> to vector<16xf32>
    %swap3A_58 = vector.shape_cast %broadcast_in_dim3A_54 : vector<16xf32> to vector<16xf32>
    tpu.vector_store %arg7[%swap3A_55], %swap3A_58 {strides = array<i32>} : memref<640xf32, #tpu.memory_space<vmem>>, vector<16xf32>,
    %broadcast_in_dim3A_59 = arith.constant 0.000000e+00 : f32
    %broadcast_in_dim3A_60 = vector.broadcast %broadcast_in_dim3A_59 : f32 to vector<16xf32>
    %swap3A_61 = arith.constant 32 : index
    %swap3A_62 = tpu.vector_load %arg7[%swap3A_61] {strides = array<i32>} : memref<640xf32, #tpu.memory_space<vmem>>, vector<16xf32>,
    %swap3A_63 = vector.shape_cast %swap3A_62 : vector<16xf32> to vector<16xf32>
    %swap3A_64 = vector.shape_cast %broadcast_in_dim3A_60 : vector<16xf32> to vector<16xf32>
    tpu.vector_store %arg7[%swap3A_61], %swap3A_64 {strides = array<i32>} : memref<640xf32, #tpu.memory_space<vmem>>, vector<16xf32>,
    %broadcast_in_dim3A_65 = arith.constant 0.000000e+00 : f32
    %broadcast_in_dim3A_66 = vector.broadcast %broadcast_in_dim3A_65 : f32 to vector<16xf32>
    %swap3A_67 = arith.constant 48 : index
    %swap3A_68 = tpu.vector_load %arg7[%swap3A_67] {strides = array<i32>} : memref<640xf32, #tpu.memory_space<vmem>>, vector<16xf32>,
    %swap3A_69 = vector.shape_cast %swap3A_68 : vector<16xf32> to vector<16xf32>
    %swap3A_70 = vector.shape_cast %broadcast_in_dim3A_66 : vector<16xf32> to vector<16xf32>
    tpu.vector_store %arg7[%swap3A_67], %swap3A_70 {strides = array<i32>} : memref<640xf32, #tpu.memory_space<vmem>>, vector<16xf32>,
    %broadcast_in_dim3A_71 = arith.constant 0.000000e+00 : f32
    %broadcast_in_dim3A_72 = vector.broadcast %broadcast_in_dim3A_71 : f32 to vector<16xf32>
    %swap3A_73 = arith.constant 64 : index
    %swap3A_74 = tpu.vector_load %arg7[%swap3A_73] {strides = array<i32>} : memref<640xf32, #tpu.memory_space<vmem>>, vector<16xf32>,
    %swap3A_75 = vector.shape_cast %swap3A_74 : vector<16xf32> to vector<16xf32>
    %swap3A_76 = vector.shape_cast %broadcast_in_dim3A_72 : vector<16xf32> to vector<16xf32>
    tpu.vector_store %arg7[%swap3A_73], %swap3A_76 {strides = array<i32>} : memref<640xf32, #tpu.memory_space<vmem>>, vector<16xf32>,
    %broadcast_in_dim3A_77 = arith.constant 0.000000e+00 : f32
    %broadcast_in_dim3A_78 = vector.broadcast %broadcast_in_dim3A_77 : f32 to vector<16xf32>
    %swap3A_79 = arith.constant 80 : index
    %swap3A_80 = tpu.vector_load %arg7[%swap3A_79] {strides = array<i32>} : memref<640xf32, #tpu.memory_space<vmem>>, vector<16xf32>,
    %swap3A_81 = vector.shape_cast %swap3A_80 : vector<16xf32> to vector<16xf32>
    %swap3A_82 = vector.shape_cast %broadcast_in_dim3A_78 : vector<16xf32> to vector<16xf32>
    tpu.vector_store %arg7[%swap3A_79], %swap3A_82 {strides = array<i32>} : memref<640xf32, #tpu.memory_space<vmem>>, vector<16xf32>,
    %broadcast_in_dim3A_83 = arith.constant 0.000000e+00 : f32
    %broadcast_in_dim3A_84 = vector.broadcast %broadcast_in_dim3A_83 : f32 to vector<16xf32>
    %swap3A_85 = arith.constant 96 : index
    %swap3A_86 = tpu.vector_load %arg7[%swap3A_85] {strides = array<i32>} : memref<640xf32, #tpu.memory_space<vmem>>, vector<16xf32>,
    %swap3A_87 = vector.shape_cast %swap3A_86 : vector<16xf32> to vector<16xf32>
    %swap3A_88 = vector.shape_cast %broadcast_in_dim3A_84 : vector<16xf32> to vector<16xf32>
    tpu.vector_store %arg7[%swap3A_85], %swap3A_88 {strides = array<i32>} : memref<640xf32, #tpu.memory_space<vmem>>, vector<16xf32>,
    %broadcast_in_dim3A_89 = arith.constant 0.000000e+00 : f32
    %broadcast_in_dim3A_90 = vector.broadcast %broadcast_in_dim3A_89 : f32 to vector<16xf32>
    %swap3A_91 = arith.constant 112 : index
    %swap3A_92 = tpu.vector_load %arg7[%swap3A_91] {strides = array<i32>} : memref<640xf32, #tpu.memory_space<vmem>>, vector<16xf32>,
    %swap3A_93 = vector.shape_cast %swap3A_92 : vector<16xf32> to vector<16xf32>
    %swap3A_94 = vector.shape_cast %broadcast_in_dim3A_90 : vector<16xf32> to vector<16xf32>
    tpu.vector_store %arg7[%swap3A_91], %swap3A_94 {strides = array<i32>} : memref<640xf32, #tpu.memory_space<vmem>>, vector<16xf32>,
    %broadcast_in_dim3A_95 = arith.constant 0.000000e+00 : f32
    %broadcast_in_dim3A_96 = vector.broadcast %broadcast_in_dim3A_95 : f32 to vector<16xf32>
    %swap3A_97 = arith.constant 128 : index
    %swap3A_98 = tpu.vector_load %arg7[%swap3A_97] {strides = array<i32>} : memref<640xf32, #tpu.memory_space<vmem>>, vector<16xf32>,
    %swap3A_99 = vector.shape_cast %swap3A_98 : vector<16xf32> to vector<16xf32>
    %swap3A_100 = vector.shape_cast %broadcast_in_dim3A_96 : vector<16xf32> to vector<16xf32>
    tpu.vector_store %arg7[%swap3A_97], %swap3A_100 {strides = array<i32>} : memref<640xf32, #tpu.memory_space<vmem>>, vector<16xf32>,
    %broadcast_in_dim3A_101 = arith.constant 0.000000e+00 : f32
    %broadcast_in_dim3A_102 = vector.broadcast %broadcast_in_dim3A_101 : f32 to vector<16xf32>
    %swap3A_103 = arith.constant 144 : index
    %swap3A_104 = tpu.vector_load %arg7[%swap3A_103] {strides = array<i32>} : memref<640xf32, #tpu.memory_space<vmem>>, vector<16xf32>,
    %swap3A_105 = vector.shape_cast %swap3A_104 : vector<16xf32> to vector<16xf32>
    %swap3A_106 = vector.shape_cast %broadcast_in_dim3A_102 : vector<16xf32> to vector<16xf32>
    tpu.vector_store %arg7[%swap3A_103], %swap3A_106 {strides = array<i32>} : memref<640xf32, #tpu.memory_space<vmem>>, vector<16xf32>,
    %broadcast_in_dim3A_107 = arith.constant 0.000000e+00 : f32
    %broadcast_in_dim3A_108 = vector.broadcast %broadcast_in_dim3A_107 : f32 to vector<16xf32>
    %swap3A_109 = arith.constant 160 : index
    %swap3A_110 = tpu.vector_load %arg7[%swap3A_109] {strides = array<i32>} : memref<640xf32, #tpu.memory_space<vmem>>, vector<16xf32>,
    %swap3A_111 = vector.shape_cast %swap3A_110 : vector<16xf32> to vector<16xf32>
    %swap3A_112 = vector.shape_cast %broadcast_in_dim3A_108 : vector<16xf32> to vector<16xf32>
    tpu.vector_store %arg7[%swap3A_109], %swap3A_112 {strides = array<i32>} : memref<640xf32, #tpu.memory_space<vmem>>, vector<16xf32>,
    %broadcast_in_dim3A_113 = arith.constant 0.000000e+00 : f32
    %broadcast_in_dim3A_114 = vector.broadcast %broadcast_in_dim3A_113 : f32 to vector<16xf32>
    %swap3A_115 = arith.constant 176 : index
    %swap3A_116 = tpu.vector_load %arg7[%swap3A_115] {strides = array<i32>} : memref<640xf32, #tpu.memory_space<vmem>>, vector<16xf32>,
    %swap3A_117 = vector.shape_cast %swap3A_116 : vector<16xf32> to vector<16xf32>
    %swap3A_118 = vector.shape_cast %broadcast_in_dim3A_114 : vector<16xf32> to vector<16xf32>
    tpu.vector_store %arg7[%swap3A_115], %swap3A_118 {strides = array<i32>} : memref<640xf32, #tpu.memory_space<vmem>>, vector<16xf32>,
    %broadcast_in_dim3A_119 = arith.constant 0.000000e+00 : f32
    %broadcast_in_dim3A_120 = vector.broadcast %broadcast_in_dim3A_119 : f32 to vector<16xf32>
    %swap3A_121 = arith.constant 192 : index
    %swap3A_122 = tpu.vector_load %arg7[%swap3A_121] {strides = array<i32>} : memref<640xf32, #tpu.memory_space<vmem>>, vector<16xf32>,
    %swap3A_123 = vector.shape_cast %swap3A_122 : vector<16xf32> to vector<16xf32>
    %swap3A_124 = vector.shape_cast %broadcast_in_dim3A_120 : vector<16xf32> to vector<16xf32>
    tpu.vector_store %arg7[%swap3A_121], %swap3A_124 {strides = array<i32>} : memref<640xf32, #tpu.memory_space<vmem>>, vector<16xf32>,
    %broadcast_in_dim3A_125 = arith.constant 0.000000e+00 : f32
    %broadcast_in_dim3A_126 = vector.broadcast %broadcast_in_dim3A_125 : f32 to vector<16xf32>
    %swap3A_127 = arith.constant 208 : index
    %swap3A_128 = tpu.vector_load %arg7[%swap3A_127] {strides = array<i32>} : memref<640xf32, #tpu.memory_space<vmem>>, vector<16xf32>,
    %swap3A_129 = vector.shape_cast %swap3A_128 : vector<16xf32> to vector<16xf32>
    %swap3A_130 = vector.shape_cast %broadcast_in_dim3A_126 : vector<16xf32> to vector<16xf32>
    tpu.vector_store %arg7[%swap3A_127], %swap3A_130 {strides = array<i32>} : memref<640xf32, #tpu.memory_space<vmem>>, vector<16xf32>,
    %broadcast_in_dim3A_131 = arith.constant 0.000000e+00 : f32
    %broadcast_in_dim3A_132 = vector.broadcast %broadcast_in_dim3A_131 : f32 to vector<16xf32>
    %swap3A_133 = arith.constant 224 : index
    %swap3A_134 = tpu.vector_load %arg7[%swap3A_133] {strides = array<i32>} : memref<640xf32, #tpu.memory_space<vmem>>, vector<16xf32>,
    %swap3A_135 = vector.shape_cast %swap3A_134 : vector<16xf32> to vector<16xf32>
    %swap3A_136 = vector.shape_cast %broadcast_in_dim3A_132 : vector<16xf32> to vector<16xf32>
    tpu.vector_store %arg7[%swap3A_133], %swap3A_136 {strides = array<i32>} : memref<640xf32, #tpu.memory_space<vmem>>, vector<16xf32>,
    %broadcast_in_dim3A_137 = arith.constant 0.000000e+00 : f32
    %broadcast_in_dim3A_138 = vector.broadcast %broadcast_in_dim3A_137 : f32 to vector<16xf32>
    %swap3A_139 = arith.constant 240 : index
    %swap3A_140 = tpu.vector_load %arg7[%swap3A_139] {strides = array<i32>} : memref<640xf32, #tpu.memory_space<vmem>>, vector<16xf32>,
    %swap3A_141 = vector.shape_cast %swap3A_140 : vector<16xf32> to vector<16xf32>
    %swap3A_142 = vector.shape_cast %broadcast_in_dim3A_138 : vector<16xf32> to vector<16xf32>
    tpu.vector_store %arg7[%swap3A_139], %swap3A_142 {strides = array<i32>} : memref<640xf32, #tpu.memory_space<vmem>>, vector<16xf32>,
    %broadcast_in_dim3A_143 = arith.constant 0.000000e+00 : f32
    %broadcast_in_dim3A_144 = vector.broadcast %broadcast_in_dim3A_143 : f32 to vector<16xf32>
    %swap3A_145 = arith.constant 256 : index
    %swap3A_146 = tpu.vector_load %arg7[%swap3A_145] {strides = array<i32>} : memref<640xf32, #tpu.memory_space<vmem>>, vector<16xf32>,
    %swap3A_147 = vector.shape_cast %swap3A_146 : vector<16xf32> to vector<16xf32>
    %swap3A_148 = vector.shape_cast %broadcast_in_dim3A_144 : vector<16xf32> to vector<16xf32>
    tpu.vector_store %arg7[%swap3A_145], %swap3A_148 {strides = array<i32>} : memref<640xf32, #tpu.memory_space<vmem>>, vector<16xf32>,
    %broadcast_in_dim3A_149 = arith.constant 0.000000e+00 : f32
    %broadcast_in_dim3A_150 = vector.broadcast %broadcast_in_dim3A_149 : f32 to vector<16xf32>
    %swap3A_151 = arith.constant 272 : index
    %swap3A_152 = tpu.vector_load %arg7[%swap3A_151] {strides = array<i32>} : memref<640xf32, #tpu.memory_space<vmem>>, vector<16xf32>,
    %swap3A_153 = vector.shape_cast %swap3A_152 : vector<16xf32> to vector<16xf32>
    %swap3A_154 = vector.shape_cast %broadcast_in_dim3A_150 : vector<16xf32> to vector<16xf32>
    tpu.vector_store %arg7[%swap3A_151], %swap3A_154 {strides = array<i32>} : memref<640xf32, #tpu.memory_space<vmem>>, vector<16xf32>,
    %broadcast_in_dim3A_155 = arith.constant 0.000000e+00 : f32
    %broadcast_in_dim3A_156 = vector.broadcast %broadcast_in_dim3A_155 : f32 to vector<16xf32>
    %swap3A_157 = arith.constant 288 : index
    %swap3A_158 = tpu.vector_load %arg7[%swap3A_157] {strides = array<i32>} : memref<640xf32, #tpu.memory_space<vmem>>, vector<16xf32>,
    %swap3A_159 = vector.shape_cast %swap3A_158 : vector<16xf32> to vector<16xf32>
    %swap3A_160 = vector.shape_cast %broadcast_in_dim3A_156 : vector<16xf32> to vector<16xf32>
    tpu.vector_store %arg7[%swap3A_157], %swap3A_160 {strides = array<i32>} : memref<640xf32, #tpu.memory_space<vmem>>, vector<16xf32>,
    %broadcast_in_dim3A_161 = arith.constant 0.000000e+00 : f32
    %broadcast_in_dim3A_162 = vector.broadcast %broadcast_in_dim3A_161 : f32 to vector<16xf32>
    %swap3A_163 = arith.constant 304 : index
    %swap3A_164 = tpu.vector_load %arg7[%swap3A_163] {strides = array<i32>} : memref<640xf32, #tpu.memory_space<vmem>>, vector<16xf32>,
    %swap3A_165 = vector.shape_cast %swap3A_164 : vector<16xf32> to vector<16xf32>
    %swap3A_166 = vector.shape_cast %broadcast_in_dim3A_162 : vector<16xf32> to vector<16xf32>
    tpu.vector_store %arg7[%swap3A_163], %swap3A_166 {strides = array<i32>} : memref<640xf32, #tpu.memory_space<vmem>>, vector<16xf32>,
    %broadcast_in_dim3A_167 = arith.constant 0.000000e+00 : f32
    %broadcast_in_dim3A_168 = vector.broadcast %broadcast_in_dim3A_167 : f32 to vector<16xf32>
    %swap3A_169 = arith.constant 320 : index
    %swap3A_170 = tpu.vector_load %arg7[%swap3A_169] {strides = array<i32>} : memref<640xf32, #tpu.memory_space<vmem>>, vector<16xf32>,
    %swap3A_171 = vector.shape_cast %swap3A_170 : vector<16xf32> to vector<16xf32>
    %swap3A_172 = vector.shape_cast %broadcast_in_dim3A_168 : vector<16xf32> to vector<16xf32>
    tpu.vector_store %arg7[%swap3A_169], %swap3A_172 {strides = array<i32>} : memref<640xf32, #tpu.memory_space<vmem>>, vector<16xf32>,
    %broadcast_in_dim3A_173 = arith.constant 0.000000e+00 : f32
    %broadcast_in_dim3A_174 = vector.broadcast %broadcast_in_dim3A_173 : f32 to vector<16xf32>
    %swap3A_175 = arith.constant 336 : index
    %swap3A_176 = tpu.vector_load %arg7[%swap3A_175] {strides = array<i32>} : memref<640xf32, #tpu.memory_space<vmem>>, vector<16xf32>,
    %swap3A_177 = vector.shape_cast %swap3A_176 : vector<16xf32> to vector<16xf32>
    %swap3A_178 = vector.shape_cast %broadcast_in_dim3A_174 : vector<16xf32> to vector<16xf32>
    tpu.vector_store %arg7[%swap3A_175], %swap3A_178 {strides = array<i32>} : memref<640xf32, #tpu.memory_space<vmem>>, vector<16xf32>,
    %broadcast_in_dim3A_179 = arith.constant 0.000000e+00 : f32
    %broadcast_in_dim3A_180 = vector.broadcast %broadcast_in_dim3A_179 : f32 to vector<16xf32>
    %swap3A_181 = arith.constant 352 : index
    %swap3A_182 = tpu.vector_load %arg7[%swap3A_181] {strides = array<i32>} : memref<640xf32, #tpu.memory_space<vmem>>, vector<16xf32>,
    %swap3A_183 = vector.shape_cast %swap3A_182 : vector<16xf32> to vector<16xf32>
    %swap3A_184 = vector.shape_cast %broadcast_in_dim3A_180 : vector<16xf32> to vector<16xf32>
    tpu.vector_store %arg7[%swap3A_181], %swap3A_184 {strides = array<i32>} : memref<640xf32, #tpu.memory_space<vmem>>, vector<16xf32>,
    %broadcast_in_dim3A_185 = arith.constant 0.000000e+00 : f32
    %broadcast_in_dim3A_186 = vector.broadcast %broadcast_in_dim3A_185 : f32 to vector<16xf32>
    %swap3A_187 = arith.constant 368 : index
    %swap3A_188 = tpu.vector_load %arg7[%swap3A_187] {strides = array<i32>} : memref<640xf32, #tpu.memory_space<vmem>>, vector<16xf32>,
    %swap3A_189 = vector.shape_cast %swap3A_188 : vector<16xf32> to vector<16xf32>
    %swap3A_190 = vector.shape_cast %broadcast_in_dim3A_186 : vector<16xf32> to vector<16xf32>
    tpu.vector_store %arg7[%swap3A_187], %swap3A_190 {strides = array<i32>} : memref<640xf32, #tpu.memory_space<vmem>>, vector<16xf32>,
    %broadcast_in_dim3A_191 = arith.constant 0.000000e+00 : f32
    %broadcast_in_dim3A_192 = vector.broadcast %broadcast_in_dim3A_191 : f32 to vector<16xf32>
    %swap3A_193 = arith.constant 384 : index
    %swap3A_194 = tpu.vector_load %arg7[%swap3A_193] {strides = array<i32>} : memref<640xf32, #tpu.memory_space<vmem>>, vector<16xf32>,
    %swap3A_195 = vector.shape_cast %swap3A_194 : vector<16xf32> to vector<16xf32>
    %swap3A_196 = vector.shape_cast %broadcast_in_dim3A_192 : vector<16xf32> to vector<16xf32>
    tpu.vector_store %arg7[%swap3A_193], %swap3A_196 {strides = array<i32>} : memref<640xf32, #tpu.memory_space<vmem>>, vector<16xf32>,
    %broadcast_in_dim3A_197 = arith.constant 0.000000e+00 : f32
    %broadcast_in_dim3A_198 = vector.broadcast %broadcast_in_dim3A_197 : f32 to vector<16xf32>
    %swap3A_199 = arith.constant 400 : index
    %swap3A_200 = tpu.vector_load %arg7[%swap3A_199] {strides = array<i32>} : memref<640xf32, #tpu.memory_space<vmem>>, vector<16xf32>,
    %swap3A_201 = vector.shape_cast %swap3A_200 : vector<16xf32> to vector<16xf32>
    %swap3A_202 = vector.shape_cast %broadcast_in_dim3A_198 : vector<16xf32> to vector<16xf32>
    tpu.vector_store %arg7[%swap3A_199], %swap3A_202 {strides = array<i32>} : memref<640xf32, #tpu.memory_space<vmem>>, vector<16xf32>,
    %broadcast_in_dim3A_203 = arith.constant 0.000000e+00 : f32
    %broadcast_in_dim3A_204 = vector.broadcast %broadcast_in_dim3A_203 : f32 to vector<16xf32>
    %swap3A_205 = arith.constant 416 : index
    %swap3A_206 = tpu.vector_load %arg7[%swap3A_205] {strides = array<i32>} : memref<640xf32, #tpu.memory_space<vmem>>, vector<16xf32>,
    %swap3A_207 = vector.shape_cast %swap3A_206 : vector<16xf32> to vector<16xf32>
    %swap3A_208 = vector.shape_cast %broadcast_in_dim3A_204 : vector<16xf32> to vector<16xf32>
    tpu.vector_store %arg7[%swap3A_205], %swap3A_208 {strides = array<i32>} : memref<640xf32, #tpu.memory_space<vmem>>, vector<16xf32>,
    %broadcast_in_dim3A_209 = arith.constant 0.000000e+00 : f32
    %broadcast_in_dim3A_210 = vector.broadcast %broadcast_in_dim3A_209 : f32 to vector<16xf32>
    %swap3A_211 = arith.constant 432 : index
    %swap3A_212 = tpu.vector_load %arg7[%swap3A_211] {strides = array<i32>} : memref<640xf32, #tpu.memory_space<vmem>>, vector<16xf32>,
    %swap3A_213 = vector.shape_cast %swap3A_212 : vector<16xf32> to vector<16xf32>
    %swap3A_214 = vector.shape_cast %broadcast_in_dim3A_210 : vector<16xf32> to vector<16xf32>
    tpu.vector_store %arg7[%swap3A_211], %swap3A_214 {strides = array<i32>} : memref<640xf32, #tpu.memory_space<vmem>>, vector<16xf32>,
    %broadcast_in_dim3A_215 = arith.constant 0.000000e+00 : f32
    %broadcast_in_dim3A_216 = vector.broadcast %broadcast_in_dim3A_215 : f32 to vector<16xf32>
    %swap3A_217 = arith.constant 448 : index
    %swap3A_218 = tpu.vector_load %arg7[%swap3A_217] {strides = array<i32>} : memref<640xf32, #tpu.memory_space<vmem>>, vector<16xf32>,
    %swap3A_219 = vector.shape_cast %swap3A_218 : vector<16xf32> to vector<16xf32>
    %swap3A_220 = vector.shape_cast %broadcast_in_dim3A_216 : vector<16xf32> to vector<16xf32>
    tpu.vector_store %arg7[%swap3A_217], %swap3A_220 {strides = array<i32>} : memref<640xf32, #tpu.memory_space<vmem>>, vector<16xf32>,
    %broadcast_in_dim3A_221 = arith.constant 0.000000e+00 : f32
    %broadcast_in_dim3A_222 = vector.broadcast %broadcast_in_dim3A_221 : f32 to vector<16xf32>
    %swap3A_223 = arith.constant 464 : index
    %swap3A_224 = tpu.vector_load %arg7[%swap3A_223] {strides = array<i32>} : memref<640xf32, #tpu.memory_space<vmem>>, vector<16xf32>,
    %swap3A_225 = vector.shape_cast %swap3A_224 : vector<16xf32> to vector<16xf32>
    %swap3A_226 = vector.shape_cast %broadcast_in_dim3A_222 : vector<16xf32> to vector<16xf32>
    tpu.vector_store %arg7[%swap3A_223], %swap3A_226 {strides = array<i32>} : memref<640xf32, #tpu.memory_space<vmem>>, vector<16xf32>,
    %broadcast_in_dim3A_227 = arith.constant 0.000000e+00 : f32
    %broadcast_in_dim3A_228 = vector.broadcast %broadcast_in_dim3A_227 : f32 to vector<16xf32>
    %swap3A_229 = arith.constant 480 : index
    %swap3A_230 = tpu.vector_load %arg7[%swap3A_229] {strides = array<i32>} : memref<640xf32, #tpu.memory_space<vmem>>, vector<16xf32>,
    %swap3A_231 = vector.shape_cast %swap3A_230 : vector<16xf32> to vector<16xf32>
    %swap3A_232 = vector.shape_cast %broadcast_in_dim3A_228 : vector<16xf32> to vector<16xf32>
    tpu.vector_store %arg7[%swap3A_229], %swap3A_232 {strides = array<i32>} : memref<640xf32, #tpu.memory_space<vmem>>, vector<16xf32>,
    %broadcast_in_dim3A_233 = arith.constant 0.000000e+00 : f32
    %broadcast_in_dim3A_234 = vector.broadcast %broadcast_in_dim3A_233 : f32 to vector<16xf32>
    %swap3A_235 = arith.constant 496 : index
    %swap3A_236 = tpu.vector_load %arg7[%swap3A_235] {strides = array<i32>} : memref<640xf32, #tpu.memory_space<vmem>>, vector<16xf32>,
    %swap3A_237 = vector.shape_cast %swap3A_236 : vector<16xf32> to vector<16xf32>
    %swap3A_238 = vector.shape_cast %broadcast_in_dim3A_234 : vector<16xf32> to vector<16xf32>
    tpu.vector_store %arg7[%swap3A_235], %swap3A_238 {strides = array<i32>} : memref<640xf32, #tpu.memory_space<vmem>>, vector<16xf32>,
    %broadcast_in_dim3A_239 = arith.constant 0.000000e+00 : f32
    %broadcast_in_dim3A_240 = vector.broadcast %broadcast_in_dim3A_239 : f32 to vector<16xf32>
    %swap3A_241 = arith.constant 512 : index
    %swap3A_242 = tpu.vector_load %arg7[%swap3A_241] {strides = array<i32>} : memref<640xf32, #tpu.memory_space<vmem>>, vector<16xf32>,
    %swap3A_243 = vector.shape_cast %swap3A_242 : vector<16xf32> to vector<16xf32>
    %swap3A_244 = vector.shape_cast %broadcast_in_dim3A_240 : vector<16xf32> to vector<16xf32>
    tpu.vector_store %arg7[%swap3A_241], %swap3A_244 {strides = array<i32>} : memref<640xf32, #tpu.memory_space<vmem>>, vector<16xf32>,
    %broadcast_in_dim3A_245 = arith.constant 0.000000e+00 : f32
    %broadcast_in_dim3A_246 = vector.broadcast %broadcast_in_dim3A_245 : f32 to vector<16xf32>
    %swap3A_247 = arith.constant 528 : index
    %swap3A_248 = tpu.vector_load %arg7[%swap3A_247] {strides = array<i32>} : memref<640xf32, #tpu.memory_space<vmem>>, vector<16xf32>,
    %swap3A_249 = vector.shape_cast %swap3A_248 : vector<16xf32> to vector<16xf32>
    %swap3A_250 = vector.shape_cast %broadcast_in_dim3A_246 : vector<16xf32> to vector<16xf32>
    tpu.vector_store %arg7[%swap3A_247], %swap3A_250 {strides = array<i32>} : memref<640xf32, #tpu.memory_space<vmem>>, vector<16xf32>,
    %broadcast_in_dim3A_251 = arith.constant 0.000000e+00 : f32
    %broadcast_in_dim3A_252 = vector.broadcast %broadcast_in_dim3A_251 : f32 to vector<16xf32>
    %swap3A_253 = arith.constant 544 : index
    %swap3A_254 = tpu.vector_load %arg7[%swap3A_253] {strides = array<i32>} : memref<640xf32, #tpu.memory_space<vmem>>, vector<16xf32>,
    %swap3A_255 = vector.shape_cast %swap3A_254 : vector<16xf32> to vector<16xf32>
    %swap3A_256 = vector.shape_cast %broadcast_in_dim3A_252 : vector<16xf32> to vector<16xf32>
    tpu.vector_store %arg7[%swap3A_253], %swap3A_256 {strides = array<i32>} : memref<640xf32, #tpu.memory_space<vmem>>, vector<16xf32>,
    %broadcast_in_dim3A_257 = arith.constant 0.000000e+00 : f32
    %broadcast_in_dim3A_258 = vector.broadcast %broadcast_in_dim3A_257 : f32 to vector<16xf32>
    %swap3A_259 = arith.constant 560 : index
    %swap3A_260 = tpu.vector_load %arg7[%swap3A_259] {strides = array<i32>} : memref<640xf32, #tpu.memory_space<vmem>>, vector<16xf32>,
    %swap3A_261 = vector.shape_cast %swap3A_260 : vector<16xf32> to vector<16xf32>
    %swap3A_262 = vector.shape_cast %broadcast_in_dim3A_258 : vector<16xf32> to vector<16xf32>
    tpu.vector_store %arg7[%swap3A_259], %swap3A_262 {strides = array<i32>} : memref<640xf32, #tpu.memory_space<vmem>>, vector<16xf32>,
    %broadcast_in_dim3A_263 = arith.constant 0.000000e+00 : f32
    %broadcast_in_dim3A_264 = vector.broadcast %broadcast_in_dim3A_263 : f32 to vector<16xf32>
    %swap3A_265 = arith.constant 576 : index
    %swap3A_266 = tpu.vector_load %arg7[%swap3A_265] {strides = array<i32>} : memref<640xf32, #tpu.memory_space<vmem>>, vector<16xf32>,
    %swap3A_267 = vector.shape_cast %swap3A_266 : vector<16xf32> to vector<16xf32>
    %swap3A_268 = vector.shape_cast %broadcast_in_dim3A_264 : vector<16xf32> to vector<16xf32>
    tpu.vector_store %arg7[%swap3A_265], %swap3A_268 {strides = array<i32>} : memref<640xf32, #tpu.memory_space<vmem>>, vector<16xf32>,
    %broadcast_in_dim3A_269 = arith.constant 0.000000e+00 : f32
    %broadcast_in_dim3A_270 = vector.broadcast %broadcast_in_dim3A_269 : f32 to vector<16xf32>
    %swap3A_271 = arith.constant 592 : index
    %swap3A_272 = tpu.vector_load %arg7[%swap3A_271] {strides = array<i32>} : memref<640xf32, #tpu.memory_space<vmem>>, vector<16xf32>,
    %swap3A_273 = vector.shape_cast %swap3A_272 : vector<16xf32> to vector<16xf32>
    %swap3A_274 = vector.shape_cast %broadcast_in_dim3A_270 : vector<16xf32> to vector<16xf32>
    tpu.vector_store %arg7[%swap3A_271], %swap3A_274 {strides = array<i32>} : memref<640xf32, #tpu.memory_space<vmem>>, vector<16xf32>,
    %broadcast_in_dim3A_275 = arith.constant 0.000000e+00 : f32
    %broadcast_in_dim3A_276 = vector.broadcast %broadcast_in_dim3A_275 : f32 to vector<16xf32>
    %swap3A_277 = arith.constant 608 : index
    %swap3A_278 = tpu.vector_load %arg7[%swap3A_277] {strides = array<i32>} : memref<640xf32, #tpu.memory_space<vmem>>, vector<16xf32>,
    %swap3A_279 = vector.shape_cast %swap3A_278 : vector<16xf32> to vector<16xf32>
    %swap3A_280 = vector.shape_cast %broadcast_in_dim3A_276 : vector<16xf32> to vector<16xf32>
    tpu.vector_store %arg7[%swap3A_277], %swap3A_280 {strides = array<i32>} : memref<640xf32, #tpu.memory_space<vmem>>, vector<16xf32>,
    %broadcast_in_dim3A_281 = arith.constant 0.000000e+00 : f32
    %broadcast_in_dim3A_282 = vector.broadcast %broadcast_in_dim3A_281 : f32 to vector<16xf32>
    %swap3A_283 = arith.constant 624 : index
    %swap3A_284 = tpu.vector_load %arg7[%swap3A_283] {strides = array<i32>} : memref<640xf32, #tpu.memory_space<vmem>>, vector<16xf32>,
    %swap3A_285 = vector.shape_cast %swap3A_284 : vector<16xf32> to vector<16xf32>
    %swap3A_286 = vector.shape_cast %broadcast_in_dim3A_282 : vector<16xf32> to vector<16xf32>
    tpu.vector_store %arg7[%swap3A_283], %swap3A_286 {strides = array<i32>} : memref<640xf32, #tpu.memory_space<vmem>>, vector<16xf32>,
    %mul3A_287 = arith.constant 640 : i32
    %mul3A_288 = arith.muli %arg1, %mul3A_287 : i32
    "tpu.region"() ({
      %run_scoped3A = tpu.sem_alloc : memref<!tpu.dma_semaphore, #tpu.memory_space<semaphore_mem>>
      %dma_start3A = tpu.memref_slice %arg4[%mul3A_288] : memref<10240xf32, #tpu.memory_space<vmem_shared>> -> memref<640xf32, #tpu.memory_space<vmem_shared>>
      %dma_start3A_298 = tpu.memref_slice %arg4[%mul3A_288] : memref<10240xf32, #tpu.memory_space<vmem_shared>> -> memref<640xf32, #tpu.memory_space<vmem_shared>>
      tpu.enqueue_dma source(%arg7 : memref<640xf32, #tpu.memory_space<vmem>>) target(%dma_start3A_298 : memref<640xf32, #tpu.memory_space<vmem_shared>>) target_semaphore(%run_scoped3A : memref<!tpu.dma_semaphore, #tpu.memory_space<semaphore_mem>>)
      %dma_wait3A = tpu.memref_slice %arg4[%mul3A_288] : memref<10240xf32, #tpu.memory_space<vmem_shared>> -> memref<640xf32, #tpu.memory_space<vmem_shared>>
      %dma_wait3A_299 = tpu.memref_slice %arg4[%mul3A_288] : memref<10240xf32, #tpu.memory_space<vmem_shared>> -> memref<640xf32, #tpu.memory_space<vmem_shared>>
      tpu.wait_dma2 semaphore(%run_scoped3A : memref<!tpu.dma_semaphore, #tpu.memory_space<semaphore_mem>>) src(%arg7 : memref<640xf32, #tpu.memory_space<vmem>>) dst(%dma_wait3A_299 : memref<640xf32, #tpu.memory_space<vmem_shared>>)
      tpu.yield
    }) : () -> ()
    "tpu.region"() ({
      %run_scoped3A = tpu.sem_alloc : memref<!tpu.dma_semaphore, #tpu.memory_space<semaphore_mem>>
      %dma_start3A = arith.constant 0 : i32
      %dma_start3A_298 = arith.constant 0 : i32
      %dma_start3A_299 = tpu.memref_slice %arg2[%add3A, %dma_start3A, %dma_start3A_298] : memref<32x80x128xi32, #tpu.memory_space<hbm>> -> memref<1x80x128xi32, #tpu.memory_space<hbm>>
      %dma_start3A_300 = tpu.memref_squeeze %dma_start3A_299 : memref<1x80x128xi32, #tpu.memory_space<hbm>> -> memref<80x128xi32, #tpu.memory_space<hbm>>
      %dma_start3A_301 = arith.constant 0 : i32
      %dma_start3A_302 = arith.constant 0 : i32
      %dma_start3A_303 = tpu.memref_slice %arg2[%add3A, %dma_start3A_301, %dma_start3A_302] : memref<32x80x128xi32, #tpu.memory_space<hbm>> -> memref<1x80x128xi32, #tpu.memory_space<hbm>>
      %dma_start3A_304 = tpu.memref_squeeze %dma_start3A_303 : memref<1x80x128xi32, #tpu.memory_space<hbm>> -> memref<80x128xi32, #tpu.memory_space<hbm>>
      tpu.enqueue_dma source(%dma_start3A_304 : memref<80x128xi32, #tpu.memory_space<hbm>>) target(%arg5 : memref<80x128xi32, #tpu.memory_space<vmem>>) target_semaphore(%run_scoped3A : memref<!tpu.dma_semaphore, #tpu.memory_space<semaphore_mem>>)
      %dma_wait3A = arith.constant 0 : i32
      %dma_wait3A_305 = arith.constant 0 : i32
      %dma_wait3A_306 = tpu.memref_slice %arg2[%add3A, %dma_wait3A, %dma_wait3A_305] : memref<32x80x128xi32, #tpu.memory_space<hbm>> -> memref<1x80x128xi32, #tpu.memory_space<hbm>>
      %dma_wait3A_307 = tpu.memref_squeeze %dma_wait3A_306 : memref<1x80x128xi32, #tpu.memory_space<hbm>> -> memref<80x128xi32, #tpu.memory_space<hbm>>
      %dma_wait3A_308 = arith.constant 0 : i32
      %dma_wait3A_309 = arith.constant 0 : i32
      %dma_wait3A_310 = tpu.memref_slice %arg2[%add3A, %dma_wait3A_308, %dma_wait3A_309] : memref<32x80x128xi32, #tpu.memory_space<hbm>> -> memref<1x80x128xi32, #tpu.memory_space<hbm>>
      %dma_wait3A_311 = tpu.memref_squeeze %dma_wait3A_310 : memref<1x80x128xi32, #tpu.memory_space<hbm>> -> memref<80x128xi32, #tpu.memory_space<hbm>>
      tpu.wait_dma2 semaphore(%run_scoped3A : memref<!tpu.dma_semaphore, #tpu.memory_space<semaphore_mem>>) src(%dma_wait3A_311 : memref<80x128xi32, #tpu.memory_space<hbm>>) dst(%arg5 : memref<80x128xi32, #tpu.memory_space<vmem>>)
      tpu.yield
    }) : () -> ()
    %barrier3A = arith.constant 0 : index
    tpu.barrier barrier_id(%barrier3A)
    %scan3A = arith.constant 0 : i32
    %scan3A_289 = arith.constant 80 : i32
    %scan3A_290 = arith.addi %scan3A, %scan3A_289 : i32
    %scan3A_291 = arith.constant 1 : i32
    scf.for %scan3A_298 = %scan3A to %scan3A_290 step %scan3A_291  : i32 {
      %mul3A_299 = arith.constant 1 : i32
      %mul3A_300 = arith.muli %scan3A_298, %mul3A_299 : i32
      %add3A_301 = arith.constant 0 : i32
      %add3A_302 = arith.addi %add3A_301, %mul3A_300 : i32
      "tpu.region"() ({
        %run_scoped3A = tpu.sem_alloc : memref<!tpu.dma_semaphore, #tpu.memory_space<semaphore_mem>>
        %dma_start3A = arith.constant 0 : i32
        %dma_start3A_303 = tpu.memref_slice %arg5[%add3A_302, %dma_start3A] : memref<80x128xi32, #tpu.memory_space<vmem>> -> memref<1x128xi32, #tpu.memory_space<vmem>>
        %dma_start3A_304 = tpu.memref_squeeze %dma_start3A_303 : memref<1x128xi32, #tpu.memory_space<vmem>> -> memref<128xi32, #tpu.memory_space<vmem>>
        %dma_start3A_305 = arith.constant 0 : i32
        %dma_start3A_306 = tpu.memref_slice %arg4[%dma_start3A_305] : memref<10240xf32, #tpu.memory_space<vmem_shared>> -> memref<10240xf32, #tpu.memory_space<vmem_shared>>
        tpu.enqueue_indirect_dma source(%arg6 : memref<128xf32, #tpu.memory_space<vmem>>) target(%dma_start3A_306 : memref<10240xf32, #tpu.memory_space<vmem_shared>>) offsets(%dma_start3A_304 : memref<128xi32, #tpu.memory_space<vmem>>) semaphore(%run_scoped3A : memref<!tpu.dma_semaphore, #tpu.memory_space<semaphore_mem>>) {add = true}
        %dma_wait3A = arith.constant 0 : i32
        %dma_wait3A_307 = tpu.memref_slice %arg5[%add3A_302, %dma_wait3A] : memref<80x128xi32, #tpu.memory_space<vmem>> -> memref<1x128xi32, #tpu.memory_space<vmem>>
        %dma_wait3A_308 = tpu.memref_squeeze %dma_wait3A_307 : memref<1x128xi32, #tpu.memory_space<vmem>> -> memref<128xi32, #tpu.memory_space<vmem>>
        %dma_wait3A_309 = arith.constant 0 : i32
        %dma_wait3A_310 = tpu.memref_slice %arg4[%dma_wait3A_309] : memref<10240xf32, #tpu.memory_space<vmem_shared>> -> memref<10240xf32, #tpu.memory_space<vmem_shared>>
        tpu.wait_indirect_dma semaphore(%run_scoped3A : memref<!tpu.dma_semaphore, #tpu.memory_space<semaphore_mem>>) src(%arg6 : memref<128xf32, #tpu.memory_space<vmem>>) dst(%dma_wait3A_310 : memref<10240xf32, #tpu.memory_space<vmem_shared>>)
        tpu.yield
      }) : () -> ()
    }
    %scan3A_292 = arith.constant 80 : i32
    %barrier3A_293 = arith.constant 0 : index
    tpu.barrier barrier_id(%barrier3A_293)
    %mul3A_294 = arith.constant 640 : i32
    %mul3A_295 = arith.muli %arg1, %mul3A_294 : i32
    %mul3A_296 = arith.constant 640 : i32
    %mul3A_297 = arith.muli %arg1, %mul3A_296 : i32
    "tpu.region"() ({
      %run_scoped3A = tpu.sem_alloc : memref<!tpu.dma_semaphore, #tpu.memory_space<semaphore_mem>>
      %dma_start3A = tpu.memref_slice %arg3[%arg0, %mul3A_297] : memref<2x10240xf32, #tpu.memory_space<hbm>> -> memref<1x640xf32, #tpu.memory_space<hbm>>
      %dma_start3A_298 = tpu.memref_squeeze %dma_start3A : memref<1x640xf32, #tpu.memory_space<hbm>> -> memref<640xf32, #tpu.memory_space<hbm>>
      %dma_start3A_299 = tpu.memref_slice %arg4[%mul3A_295] : memref<10240xf32, #tpu.memory_space<vmem_shared>> -> memref<640xf32, #tpu.memory_space<vmem_shared>>
      tpu.enqueue_dma source(%dma_start3A_299 : memref<640xf32, #tpu.memory_space<vmem_shared>>) target(%dma_start3A_298 : memref<640xf32, #tpu.memory_space<hbm>>) target_semaphore(%run_scoped3A : memref<!tpu.dma_semaphore, #tpu.memory_space<semaphore_mem>>)
      %dma_wait3A = tpu.memref_slice %arg3[%arg0, %mul3A_297] : memref<2x10240xf32, #tpu.memory_space<hbm>> -> memref<1x640xf32, #tpu.memory_space<hbm>>
      %dma_wait3A_300 = tpu.memref_squeeze %dma_wait3A : memref<1x640xf32, #tpu.memory_space<hbm>> -> memref<640xf32, #tpu.memory_space<hbm>>
      %dma_wait3A_301 = tpu.memref_slice %arg4[%mul3A_295] : memref<10240xf32, #tpu.memory_space<vmem_shared>> -> memref<640xf32, #tpu.memory_space<vmem_shared>>
      tpu.wait_dma2 semaphore(%run_scoped3A : memref<!tpu.dma_semaphore, #tpu.memory_space<semaphore_mem>>) src(%dma_wait3A_301 : memref<640xf32, #tpu.memory_space<vmem_shared>>) dst(%dma_wait3A_300 : memref<640xf32, #tpu.memory_space<hbm>>)
      tpu.yield
    }) : () -> ()
    return
  }
}

#map = affine_map<(d0, d1) -> (0, 0)>
#map1 = affine_map<(d0, d1) -> (0, 0, 0)>
module attributes {stable_mosaic.version = 14 : i64} {
  func.func @_agg_body(%arg0: i32, %arg1: i32, %arg2: memref<10240x128xf32, #tpu.memory_space<hbm>>, %arg3: memref<16x320x64xi32, #tpu.memory_space<hbm>>, %arg4: memref<16x320x64xi32, #tpu.memory_space<hbm>>, %arg5: memref<10240x128xf32, #tpu.memory_space<hbm>>, %arg6: memref<10240x64xf32, #tpu.memory_space<vmem_shared>>, %arg7: memref<10240x64xf32, #tpu.memory_space<vmem_shared>>, %arg8: memref<80x64xi32, #tpu.memory_space<vmem>>, %arg9: memref<80x64xi32, #tpu.memory_space<vmem>>, %arg10: memref<64x64xf32, #tpu.memory_space<vmem>>, %arg11: memref<64x64xf32, #tpu.memory_space<vmem>>, %arg12: memref<!tpu.dma_semaphore, #tpu.memory_space<semaphore_mem>>, %arg13: memref<!tpu.dma_semaphore, #tpu.memory_space<semaphore_mem>>, %arg14: memref<!tpu.dma_semaphore, #tpu.memory_space<semaphore_mem>>, %arg15: memref<!tpu.dma_semaphore, #tpu.memory_space<semaphore_mem>>) attributes {dimension_semantics = [#tpu.dimension_semantics<core_parallel>, #tpu.dimension_semantics<subcore_parallel>], iteration_bounds = array<i64: 2, 16>, scalar_prefetch = 0 : i64, scratch_operands = 10 : i64, tpu.core_type = #tpu.core_type<sc_vector_subcore>, window_params = [{transform_indices = #map}, {transform_indices = #map1}, {transform_indices = #map1}, {transform_indices = #map}]} {
    %scan3A = arith.constant 0 : i32
    %scan3A_0 = arith.constant 64 : i32
    %scan3A_1 = arith.addi %scan3A, %scan3A_0 : i32
    %scan3A_2 = arith.constant 1 : i32
    scf.for %scan3A_145 = %scan3A to %scan3A_1 step %scan3A_2  : i32 {
      %mul3A = arith.constant 1 : i32
      %mul3A_146 = arith.muli %scan3A_145, %mul3A : i32
      %add3A = arith.constant 0 : i32
      %add3A_147 = arith.addi %add3A, %mul3A_146 : i32
      %scan3A_148 = arith.constant 0 : i32
      %scan3A_149 = arith.constant 4 : i32
      %scan3A_150 = arith.addi %scan3A_148, %scan3A_149 : i32
      %scan3A_151 = arith.constant 1 : i32
      scf.for %scan3A_153 = %scan3A_148 to %scan3A_150 step %scan3A_151  : i32 {
        %mul3A_154 = arith.constant 1 : i32
        %mul3A_155 = arith.muli %scan3A_153, %mul3A_154 : i32
        %add3A_156 = arith.constant 0 : i32
        %add3A_157 = arith.addi %add3A_156, %mul3A_155 : i32
        %broadcast_in_dim3A = arith.constant 0.000000e+00 : f32
        %broadcast_in_dim3A_158 = vector.broadcast %broadcast_in_dim3A : f32 to vector<16xf32>
        %mul3A_159 = arith.constant 16 : i32
        %mul3A_160 = arith.muli %add3A_157, %mul3A_159 : i32
        %swap3A = arith.index_cast %add3A_147 : i32 to index
        %swap3A_161 = arith.index_cast %mul3A_160 : i32 to index
        %swap3A_162 = tpu.vector_load %arg10[%swap3A, %swap3A_161] {strides = array<i32>} : memref<64x64xf32, #tpu.memory_space<vmem>>, vector<1x16xf32>,
        %swap3A_163 = vector.shape_cast %swap3A_162 : vector<1x16xf32> to vector<16xf32>
        %swap3A_164 = vector.shape_cast %broadcast_in_dim3A_158 : vector<16xf32> to vector<1x16xf32>
        tpu.vector_store %arg10[%swap3A, %swap3A_161], %swap3A_164 {strides = array<i32>} : memref<64x64xf32, #tpu.memory_space<vmem>>, vector<1x16xf32>,
      }
      %scan3A_152 = arith.constant 4 : i32
    }
    %scan3A_3 = arith.constant 64 : i32
    %scan3A_4 = arith.constant 0 : i32
    %scan3A_5 = arith.constant 10 : i32
    %scan3A_6 = arith.addi %scan3A_4, %scan3A_5 : i32
    %scan3A_7 = arith.constant 1 : i32
    scf.for %scan3A_145 = %scan3A_4 to %scan3A_6 step %scan3A_7  : i32 {
      %mul3A = arith.constant 1 : i32
      %mul3A_146 = arith.muli %scan3A_145, %mul3A : i32
      %add3A = arith.constant 0 : i32
      %add3A_147 = arith.addi %add3A, %mul3A_146 : i32
      %mul3A_148 = arith.constant 640 : i32
      %mul3A_149 = arith.muli %arg1, %mul3A_148 : i32
      %mul3A_150 = arith.constant 64 : i32
      %mul3A_151 = arith.muli %add3A_147, %mul3A_150 : i32
      %add3A_152 = arith.addi %mul3A_149, %mul3A_151 : i32
      "tpu.region"() ({
        %run_scoped3A = tpu.sem_alloc : memref<!tpu.dma_semaphore, #tpu.memory_space<semaphore_mem>>
        %dma_start3A_165 = arith.constant 0 : i32
        %dma_start3A_166 = tpu.memref_slice %arg7[%add3A_152, %dma_start3A_165] : memref<10240x64xf32, #tpu.memory_space<vmem_shared>> -> memref<64x64xf32, #tpu.memory_space<vmem_shared>>
        %dma_start3A_167 = arith.constant 0 : i32
        %dma_start3A_168 = tpu.memref_slice %arg7[%add3A_152, %dma_start3A_167] : memref<10240x64xf32, #tpu.memory_space<vmem_shared>> -> memref<64x64xf32, #tpu.memory_space<vmem_shared>>
        tpu.enqueue_dma source(%arg10 : memref<64x64xf32, #tpu.memory_space<vmem>>) target(%dma_start3A_168 : memref<64x64xf32, #tpu.memory_space<vmem_shared>>) target_semaphore(%run_scoped3A : memref<!tpu.dma_semaphore, #tpu.memory_space<semaphore_mem>>)
        %dma_wait3A_169 = arith.constant 0 : i32
        %dma_wait3A_170 = tpu.memref_slice %arg7[%add3A_152, %dma_wait3A_169] : memref<10240x64xf32, #tpu.memory_space<vmem_shared>> -> memref<64x64xf32, #tpu.memory_space<vmem_shared>>
        %dma_wait3A_171 = arith.constant 0 : i32
        %dma_wait3A_172 = tpu.memref_slice %arg7[%add3A_152, %dma_wait3A_171] : memref<10240x64xf32, #tpu.memory_space<vmem_shared>> -> memref<64x64xf32, #tpu.memory_space<vmem_shared>>
        tpu.wait_dma2 semaphore(%run_scoped3A : memref<!tpu.dma_semaphore, #tpu.memory_space<semaphore_mem>>) src(%arg10 : memref<64x64xf32, #tpu.memory_space<vmem>>) dst(%dma_wait3A_172 : memref<64x64xf32, #tpu.memory_space<vmem_shared>>)
        tpu.yield
      }) : () -> ()
      %mul3A_153 = arith.constant 640 : i32
      %mul3A_154 = arith.muli %arg1, %mul3A_153 : i32
      %mul3A_155 = arith.constant 64 : i32
      %mul3A_156 = arith.muli %add3A_147, %mul3A_155 : i32
      %add3A_157 = arith.addi %mul3A_154, %mul3A_156 : i32
      %mul3A_158 = arith.constant 64 : i32
      %mul3A_159 = arith.muli %arg0, %mul3A_158 : i32
      %mul3A_160 = arith.constant 640 : i32
      %mul3A_161 = arith.muli %arg1, %mul3A_160 : i32
      %mul3A_162 = arith.constant 64 : i32
      %mul3A_163 = arith.muli %add3A_147, %mul3A_162 : i32
      %add3A_164 = arith.addi %mul3A_161, %mul3A_163 : i32
      "tpu.region"() ({
        %run_scoped3A = tpu.sem_alloc : memref<!tpu.dma_semaphore, #tpu.memory_space<semaphore_mem>>
        %dma_start3A_165 = arith.constant 0 : i32
        %dma_start3A_166 = tpu.memref_slice %arg6[%add3A_164, %dma_start3A_165] : memref<10240x64xf32, #tpu.memory_space<vmem_shared>> -> memref<64x64xf32, #tpu.memory_space<vmem_shared>>
        %dma_start3A_167 = tpu.memref_slice %arg2[%add3A_157, %mul3A_159] : memref<10240x128xf32, #tpu.memory_space<hbm>> -> memref<64x64xf32, #tpu.memory_space<hbm>>
        tpu.enqueue_dma source(%dma_start3A_167 : memref<64x64xf32, #tpu.memory_space<hbm>>) target(%dma_start3A_166 : memref<64x64xf32, #tpu.memory_space<vmem_shared>>) target_semaphore(%run_scoped3A : memref<!tpu.dma_semaphore, #tpu.memory_space<semaphore_mem>>)
        %dma_wait3A_168 = arith.constant 0 : i32
        %dma_wait3A_169 = tpu.memref_slice %arg6[%add3A_164, %dma_wait3A_168] : memref<10240x64xf32, #tpu.memory_space<vmem_shared>> -> memref<64x64xf32, #tpu.memory_space<vmem_shared>>
        %dma_wait3A_170 = tpu.memref_slice %arg2[%add3A_157, %mul3A_159] : memref<10240x128xf32, #tpu.memory_space<hbm>> -> memref<64x64xf32, #tpu.memory_space<hbm>>
        tpu.wait_dma2 semaphore(%run_scoped3A : memref<!tpu.dma_semaphore, #tpu.memory_space<semaphore_mem>>) src(%dma_wait3A_170 : memref<64x64xf32, #tpu.memory_space<hbm>>) dst(%dma_wait3A_169 : memref<64x64xf32, #tpu.memory_space<vmem_shared>>)
        tpu.yield
      }) : () -> ()
    }
    %scan3A_8 = arith.constant 10 : i32
    %barrier3A = arith.constant 0 : index
    tpu.barrier barrier_id(%barrier3A)
    "tpu.region"() ({
      %run_scoped3A = tpu.sem_alloc : memref<!tpu.dma_semaphore, #tpu.memory_space<semaphore_mem>>
      %dma_start3A_145 = arith.constant 0 : i32
      %dma_start3A_146 = arith.constant 0 : i32
      %dma_start3A_147 = tpu.memref_slice %arg3[%arg1, %dma_start3A_145, %dma_start3A_146] : memref<16x320x64xi32, #tpu.memory_space<hbm>> -> memref<1x80x64xi32, #tpu.memory_space<hbm>>
      %dma_start3A_148 = tpu.memref_squeeze %dma_start3A_147 : memref<1x80x64xi32, #tpu.memory_space<hbm>> -> memref<80x64xi32, #tpu.memory_space<hbm>>
      %dma_start3A_149 = arith.constant 0 : i32
      %dma_start3A_150 = arith.constant 0 : i32
      %dma_start3A_151 = tpu.memref_slice %arg3[%arg1, %dma_start3A_149, %dma_start3A_150] : memref<16x320x64xi32, #tpu.memory_space<hbm>> -> memref<1x80x64xi32, #tpu.memory_space<hbm>>
      %dma_start3A_152 = tpu.memref_squeeze %dma_start3A_151 : memref<1x80x64xi32, #tpu.memory_space<hbm>> -> memref<80x64xi32, #tpu.memory_space<hbm>>
      tpu.enqueue_dma source(%dma_start3A_152 : memref<80x64xi32, #tpu.memory_space<hbm>>) target(%arg8 : memref<80x64xi32, #tpu.memory_space<vmem>>) target_semaphore(%run_scoped3A : memref<!tpu.dma_semaphore, #tpu.memory_space<semaphore_mem>>)
      %dma_wait3A_153 = arith.constant 0 : i32
      %dma_wait3A_154 = arith.constant 0 : i32
      %dma_wait3A_155 = tpu.memref_slice %arg3[%arg1, %dma_wait3A_153, %dma_wait3A_154] : memref<16x320x64xi32, #tpu.memory_space<hbm>> -> memref<1x80x64xi32, #tpu.memory_space<hbm>>
      %dma_wait3A_156 = tpu.memref_squeeze %dma_wait3A_155 : memref<1x80x64xi32, #tpu.memory_space<hbm>> -> memref<80x64xi32, #tpu.memory_space<hbm>>
      %dma_wait3A_157 = arith.constant 0 : i32
      %dma_wait3A_158 = arith.constant 0 : i32
      %dma_wait3A_159 = tpu.memref_slice %arg3[%arg1, %dma_wait3A_157, %dma_wait3A_158] : memref<16x320x64xi32, #tpu.memory_space<hbm>> -> memref<1x80x64xi32, #tpu.memory_space<hbm>>
      %dma_wait3A_160 = tpu.memref_squeeze %dma_wait3A_159 : memref<1x80x64xi32, #tpu.memory_space<hbm>> -> memref<80x64xi32, #tpu.memory_space<hbm>>
      tpu.wait_dma2 semaphore(%run_scoped3A : memref<!tpu.dma_semaphore, #tpu.memory_space<semaphore_mem>>) src(%dma_wait3A_160 : memref<80x64xi32, #tpu.memory_space<hbm>>) dst(%arg8 : memref<80x64xi32, #tpu.memory_space<vmem>>)
      tpu.yield
    }) : () -> ()
    "tpu.region"() ({
      %run_scoped3A = tpu.sem_alloc : memref<!tpu.dma_semaphore, #tpu.memory_space<semaphore_mem>>
      %dma_start3A_145 = arith.constant 0 : i32
      %dma_start3A_146 = arith.constant 0 : i32
      %dma_start3A_147 = tpu.memref_slice %arg4[%arg1, %dma_start3A_145, %dma_start3A_146] : memref<16x320x64xi32, #tpu.memory_space<hbm>> -> memref<1x80x64xi32, #tpu.memory_space<hbm>>
      %dma_start3A_148 = tpu.memref_squeeze %dma_start3A_147 : memref<1x80x64xi32, #tpu.memory_space<hbm>> -> memref<80x64xi32, #tpu.memory_space<hbm>>
      %dma_start3A_149 = arith.constant 0 : i32
      %dma_start3A_150 = arith.constant 0 : i32
      %dma_start3A_151 = tpu.memref_slice %arg4[%arg1, %dma_start3A_149, %dma_start3A_150] : memref<16x320x64xi32, #tpu.memory_space<hbm>> -> memref<1x80x64xi32, #tpu.memory_space<hbm>>
      %dma_start3A_152 = tpu.memref_squeeze %dma_start3A_151 : memref<1x80x64xi32, #tpu.memory_space<hbm>> -> memref<80x64xi32, #tpu.memory_space<hbm>>
      tpu.enqueue_dma source(%dma_start3A_152 : memref<80x64xi32, #tpu.memory_space<hbm>>) target(%arg9 : memref<80x64xi32, #tpu.memory_space<vmem>>) target_semaphore(%run_scoped3A : memref<!tpu.dma_semaphore, #tpu.memory_space<semaphore_mem>>)
      %dma_wait3A_153 = arith.constant 0 : i32
      %dma_wait3A_154 = arith.constant 0 : i32
      %dma_wait3A_155 = tpu.memref_slice %arg4[%arg1, %dma_wait3A_153, %dma_wait3A_154] : memref<16x320x64xi32, #tpu.memory_space<hbm>> -> memref<1x80x64xi32, #tpu.memory_space<hbm>>
      %dma_wait3A_156 = tpu.memref_squeeze %dma_wait3A_155 : memref<1x80x64xi32, #tpu.memory_space<hbm>> -> memref<80x64xi32, #tpu.memory_space<hbm>>
      %dma_wait3A_157 = arith.constant 0 : i32
      %dma_wait3A_158 = arith.constant 0 : i32
      %dma_wait3A_159 = tpu.memref_slice %arg4[%arg1, %dma_wait3A_157, %dma_wait3A_158] : memref<16x320x64xi32, #tpu.memory_space<hbm>> -> memref<1x80x64xi32, #tpu.memory_space<hbm>>
      %dma_wait3A_160 = tpu.memref_squeeze %dma_wait3A_159 : memref<1x80x64xi32, #tpu.memory_space<hbm>> -> memref<80x64xi32, #tpu.memory_space<hbm>>
      tpu.wait_dma2 semaphore(%run_scoped3A : memref<!tpu.dma_semaphore, #tpu.memory_space<semaphore_mem>>) src(%dma_wait3A_160 : memref<80x64xi32, #tpu.memory_space<hbm>>) dst(%arg9 : memref<80x64xi32, #tpu.memory_space<vmem>>)
      tpu.yield
    }) : () -> ()
    %dma_start3A = arith.constant 0 : i32
    %dma_start3A_9 = arith.constant 0 : i32
    %dma_start3A_10 = tpu.memref_slice %arg8[%dma_start3A, %dma_start3A_9] : memref<80x64xi32, #tpu.memory_space<vmem>> -> memref<1x64xi32, #tpu.memory_space<vmem>>
    %dma_start3A_11 = tpu.memref_squeeze %dma_start3A_10 : memref<1x64xi32, #tpu.memory_space<vmem>> -> memref<64xi32, #tpu.memory_space<vmem>>
    %dma_start3A_12 = arith.constant 0 : i32
    %dma_start3A_13 = arith.constant 0 : i32
    %dma_start3A_14 = tpu.memref_slice %arg6[%dma_start3A_12, %dma_start3A_13] : memref<10240x64xf32, #tpu.memory_space<vmem_shared>> -> memref<10240x64xf32, #tpu.memory_space<vmem_shared>>
    tpu.enqueue_indirect_dma source(%dma_start3A_14 : memref<10240x64xf32, #tpu.memory_space<vmem_shared>>) target(%arg10 : memref<64x64xf32, #tpu.memory_space<vmem>>) offsets(%dma_start3A_11 : memref<64xi32, #tpu.memory_space<vmem>>) semaphore(%arg12 : memref<!tpu.dma_semaphore, #tpu.memory_space<semaphore_mem>>)
    %dma_start3A_15 = arith.constant 1 : i32
    %dma_start3A_16 = arith.constant 0 : i32
    %dma_start3A_17 = tpu.memref_slice %arg8[%dma_start3A_15, %dma_start3A_16] : memref<80x64xi32, #tpu.memory_space<vmem>> -> memref<1x64xi32, #tpu.memory_space<vmem>>
    %dma_start3A_18 = tpu.memref_squeeze %dma_start3A_17 : memref<1x64xi32, #tpu.memory_space<vmem>> -> memref<64xi32, #tpu.memory_space<vmem>>
    %dma_start3A_19 = arith.constant 0 : i32
    %dma_start3A_20 = arith.constant 0 : i32
    %dma_start3A_21 = tpu.memref_slice %arg6[%dma_start3A_19, %dma_start3A_20] : memref<10240x64xf32, #tpu.memory_space<vmem_shared>> -> memref<10240x64xf32, #tpu.memory_space<vmem_shared>>
    tpu.enqueue_indirect_dma source(%dma_start3A_21 : memref<10240x64xf32, #tpu.memory_space<vmem_shared>>) target(%arg11 : memref<64x64xf32, #tpu.memory_space<vmem>>) offsets(%dma_start3A_18 : memref<64xi32, #tpu.memory_space<vmem>>) semaphore(%arg13 : memref<!tpu.dma_semaphore, #tpu.memory_space<semaphore_mem>>)
    %scan3A_22 = arith.constant 0 : i32
    %scan3A_23 = arith.constant 40 : i32
    %scan3A_24 = arith.addi %scan3A_22, %scan3A_23 : i32
    %scan3A_25 = arith.constant 1 : i32
    scf.for %scan3A_145 = %scan3A_22 to %scan3A_24 step %scan3A_25  : i32 {
      %mul3A = arith.constant 2 : i32
      %mul3A_146 = arith.muli %scan3A_145, %mul3A : i32
      %add3A = arith.constant 0 : i32
      %add3A_147 = arith.addi %add3A, %mul3A_146 : i32
      %dma_wait3A_148 = arith.constant 0 : i32
      %dma_wait3A_149 = arith.constant 0 : i32
      %dma_wait3A_150 = tpu.memref_slice %arg8[%dma_wait3A_148, %dma_wait3A_149] : memref<80x64xi32, #tpu.memory_space<vmem>> -> memref<1x64xi32, #tpu.memory_space<vmem>>
      %dma_wait3A_151 = tpu.memref_squeeze %dma_wait3A_150 : memref<1x64xi32, #tpu.memory_space<vmem>> -> memref<64xi32, #tpu.memory_space<vmem>>
      %dma_wait3A_152 = arith.constant 0 : i32
      %dma_wait3A_153 = arith.constant 0 : i32
      %dma_wait3A_154 = tpu.memref_slice %arg6[%dma_wait3A_152, %dma_wait3A_153] : memref<10240x64xf32, #tpu.memory_space<vmem_shared>> -> memref<10240x64xf32, #tpu.memory_space<vmem_shared>>
      tpu.wait_indirect_dma semaphore(%arg12 : memref<!tpu.dma_semaphore, #tpu.memory_space<semaphore_mem>>) src(%dma_wait3A_154 : memref<10240x64xf32, #tpu.memory_space<vmem_shared>>) dst(%arg10 : memref<64x64xf32, #tpu.memory_space<vmem>>)
      %add3A_155 = arith.constant 0 : i32
      %add3A_156 = arith.addi %add3A_147, %add3A_155 : i32
      %dma_start3A_157 = arith.constant 0 : i32
      %dma_start3A_158 = tpu.memref_slice %arg9[%add3A_156, %dma_start3A_157] : memref<80x64xi32, #tpu.memory_space<vmem>> -> memref<1x64xi32, #tpu.memory_space<vmem>>
      %dma_start3A_159 = tpu.memref_squeeze %dma_start3A_158 : memref<1x64xi32, #tpu.memory_space<vmem>> -> memref<64xi32, #tpu.memory_space<vmem>>
      %dma_start3A_160 = arith.constant 0 : i32
      %dma_start3A_161 = arith.constant 0 : i32
      %dma_start3A_162 = tpu.memref_slice %arg7[%dma_start3A_160, %dma_start3A_161] : memref<10240x64xf32, #tpu.memory_space<vmem_shared>> -> memref<10240x64xf32, #tpu.memory_space<vmem_shared>>
      tpu.enqueue_indirect_dma source(%arg10 : memref<64x64xf32, #tpu.memory_space<vmem>>) target(%dma_start3A_162 : memref<10240x64xf32, #tpu.memory_space<vmem_shared>>) offsets(%dma_start3A_159 : memref<64xi32, #tpu.memory_space<vmem>>) semaphore(%arg14 : memref<!tpu.dma_semaphore, #tpu.memory_space<semaphore_mem>>) {add = true}
      %add3A_163 = arith.constant 0 : i32
      %add3A_164 = arith.addi %add3A_147, %add3A_163 : i32
      %add3A_165 = arith.constant 2 : i32
      %add3A_166 = arith.addi %add3A_164, %add3A_165 : i32
      %lt3A = arith.constant 80 : i32
      %lt3A_167 = arith.cmpi slt, %add3A_166, %lt3A : i32
      %convert_element_type3A = arith.extui %lt3A_167 : i1 to i32
      %cond3A = arith.constant 0 : i32
      %cond3A_168 = arith.cmpi ne, %convert_element_type3A, %cond3A : i32
      scf.if %cond3A_168 {
        %dma_wait3A_193 = arith.constant 0 : i32
        %dma_wait3A_194 = arith.constant 0 : i32
        %dma_wait3A_195 = tpu.memref_slice %arg9[%dma_wait3A_193, %dma_wait3A_194] : memref<80x64xi32, #tpu.memory_space<vmem>> -> memref<1x64xi32, #tpu.memory_space<vmem>>
        %dma_wait3A_196 = tpu.memref_squeeze %dma_wait3A_195 : memref<1x64xi32, #tpu.memory_space<vmem>> -> memref<64xi32, #tpu.memory_space<vmem>>
        %dma_wait3A_197 = arith.constant 0 : i32
        %dma_wait3A_198 = arith.constant 0 : i32
        %dma_wait3A_199 = tpu.memref_slice %arg7[%dma_wait3A_197, %dma_wait3A_198] : memref<10240x64xf32, #tpu.memory_space<vmem_shared>> -> memref<10240x64xf32, #tpu.memory_space<vmem_shared>>
        tpu.wait_indirect_dma semaphore(%arg14 : memref<!tpu.dma_semaphore, #tpu.memory_space<semaphore_mem>>) src(%arg10 : memref<64x64xf32, #tpu.memory_space<vmem>>) dst(%dma_wait3A_199 : memref<10240x64xf32, #tpu.memory_space<vmem_shared>>)
        %add3A_200 = arith.constant 0 : i32
        %add3A_201 = arith.addi %add3A_147, %add3A_200 : i32
        %add3A_202 = arith.constant 2 : i32
        %add3A_203 = arith.addi %add3A_201, %add3A_202 : i32
        %dma_start3A_204 = arith.constant 0 : i32
        %dma_start3A_205 = tpu.memref_slice %arg8[%add3A_203, %dma_start3A_204] : memref<80x64xi32, #tpu.memory_space<vmem>> -> memref<1x64xi32, #tpu.memory_space<vmem>>
        %dma_start3A_206 = tpu.memref_squeeze %dma_start3A_205 : memref<1x64xi32, #tpu.memory_space<vmem>> -> memref<64xi32, #tpu.memory_space<vmem>>
        %dma_start3A_207 = arith.constant 0 : i32
        %dma_start3A_208 = arith.constant 0 : i32
        %dma_start3A_209 = tpu.memref_slice %arg6[%dma_start3A_207, %dma_start3A_208] : memref<10240x64xf32, #tpu.memory_space<vmem_shared>> -> memref<10240x64xf32, #tpu.memory_space<vmem_shared>>
        tpu.enqueue_indirect_dma source(%dma_start3A_209 : memref<10240x64xf32, #tpu.memory_space<vmem_shared>>) target(%arg10 : memref<64x64xf32, #tpu.memory_space<vmem>>) offsets(%dma_start3A_206 : memref<64xi32, #tpu.memory_space<vmem>>) semaphore(%arg12 : memref<!tpu.dma_semaphore, #tpu.memory_space<semaphore_mem>>)
      } else {
      }
      %dma_wait3A_169 = arith.constant 0 : i32
      %dma_wait3A_170 = arith.constant 0 : i32
      %dma_wait3A_171 = tpu.memref_slice %arg8[%dma_wait3A_169, %dma_wait3A_170] : memref<80x64xi32, #tpu.memory_space<vmem>> -> memref<1x64xi32, #tpu.memory_space<vmem>>
      %dma_wait3A_172 = tpu.memref_squeeze %dma_wait3A_171 : memref<1x64xi32, #tpu.memory_space<vmem>> -> memref<64xi32, #tpu.memory_space<vmem>>
      %dma_wait3A_173 = arith.constant 0 : i32
      %dma_wait3A_174 = arith.constant 0 : i32
      %dma_wait3A_175 = tpu.memref_slice %arg6[%dma_wait3A_173, %dma_wait3A_174] : memref<10240x64xf32, #tpu.memory_space<vmem_shared>> -> memref<10240x64xf32, #tpu.memory_space<vmem_shared>>
      tpu.wait_indirect_dma semaphore(%arg13 : memref<!tpu.dma_semaphore, #tpu.memory_space<semaphore_mem>>) src(%dma_wait3A_175 : memref<10240x64xf32, #tpu.memory_space<vmem_shared>>) dst(%arg11 : memref<64x64xf32, #tpu.memory_space<vmem>>)
      %add3A_176 = arith.constant 1 : i32
      %add3A_177 = arith.addi %add3A_147, %add3A_176 : i32
      %dma_start3A_178 = arith.constant 0 : i32
      %dma_start3A_179 = tpu.memref_slice %arg9[%add3A_177, %dma_start3A_178] : memref<80x64xi32, #tpu.memory_space<vmem>> -> memref<1x64xi32, #tpu.memory_space<vmem>>
      %dma_start3A_180 = tpu.memref_squeeze %dma_start3A_179 : memref<1x64xi32, #tpu.memory_space<vmem>> -> memref<64xi32, #tpu.memory_space<vmem>>
      %dma_start3A_181 = arith.constant 0 : i32
      %dma_start3A_182 = arith.constant 0 : i32
      %dma_start3A_183 = tpu.memref_slice %arg7[%dma_start3A_181, %dma_start3A_182] : memref<10240x64xf32, #tpu.memory_space<vmem_shared>> -> memref<10240x64xf32, #tpu.memory_space<vmem_shared>>
      tpu.enqueue_indirect_dma source(%arg11 : memref<64x64xf32, #tpu.memory_space<vmem>>) target(%dma_start3A_183 : memref<10240x64xf32, #tpu.memory_space<vmem_shared>>) offsets(%dma_start3A_180 : memref<64xi32, #tpu.memory_space<vmem>>) semaphore(%arg15 : memref<!tpu.dma_semaphore, #tpu.memory_space<semaphore_mem>>) {add = true}
      %add3A_184 = arith.constant 1 : i32
      %add3A_185 = arith.addi %add3A_147, %add3A_184 : i32
      %add3A_186 = arith.constant 2 : i32
      %add3A_187 = arith.addi %add3A_185, %add3A_186 : i32
      %lt3A_188 = arith.constant 80 : i32
      %lt3A_189 = arith.cmpi slt, %add3A_187, %lt3A_188 : i32
      %convert_element_type3A_190 = arith.extui %lt3A_189 : i1 to i32
      %cond3A_191 = arith.constant 0 : i32
      %cond3A_192 = arith.cmpi ne, %convert_element_type3A_190, %cond3A_191 : i32
      scf.if %cond3A_192 {
        %dma_wait3A_193 = arith.constant 0 : i32
        %dma_wait3A_194 = arith.constant 0 : i32
        %dma_wait3A_195 = tpu.memref_slice %arg9[%dma_wait3A_193, %dma_wait3A_194] : memref<80x64xi32, #tpu.memory_space<vmem>> -> memref<1x64xi32, #tpu.memory_space<vmem>>
        %dma_wait3A_196 = tpu.memref_squeeze %dma_wait3A_195 : memref<1x64xi32, #tpu.memory_space<vmem>> -> memref<64xi32, #tpu.memory_space<vmem>>
        %dma_wait3A_197 = arith.constant 0 : i32
        %dma_wait3A_198 = arith.constant 0 : i32
        %dma_wait3A_199 = tpu.memref_slice %arg7[%dma_wait3A_197, %dma_wait3A_198] : memref<10240x64xf32, #tpu.memory_space<vmem_shared>> -> memref<10240x64xf32, #tpu.memory_space<vmem_shared>>
        tpu.wait_indirect_dma semaphore(%arg15 : memref<!tpu.dma_semaphore, #tpu.memory_space<semaphore_mem>>) src(%arg11 : memref<64x64xf32, #tpu.memory_space<vmem>>) dst(%dma_wait3A_199 : memref<10240x64xf32, #tpu.memory_space<vmem_shared>>)
        %add3A_200 = arith.constant 1 : i32
        %add3A_201 = arith.addi %add3A_147, %add3A_200 : i32
        %add3A_202 = arith.constant 2 : i32
        %add3A_203 = arith.addi %add3A_201, %add3A_202 : i32
        %dma_start3A_204 = arith.constant 0 : i32
        %dma_start3A_205 = tpu.memref_slice %arg8[%add3A_203, %dma_start3A_204] : memref<80x64xi32, #tpu.memory_space<vmem>> -> memref<1x64xi32, #tpu.memory_space<vmem>>
        %dma_start3A_206 = tpu.memref_squeeze %dma_start3A_205 : memref<1x64xi32, #tpu.memory_space<vmem>> -> memref<64xi32, #tpu.memory_space<vmem>>
        %dma_start3A_207 = arith.constant 0 : i32
        %dma_start3A_208 = arith.constant 0 : i32
        %dma_start3A_209 = tpu.memref_slice %arg6[%dma_start3A_207, %dma_start3A_208] : memref<10240x64xf32, #tpu.memory_space<vmem_shared>> -> memref<10240x64xf32, #tpu.memory_space<vmem_shared>>
        tpu.enqueue_indirect_dma source(%dma_start3A_209 : memref<10240x64xf32, #tpu.memory_space<vmem_shared>>) target(%arg11 : memref<64x64xf32, #tpu.memory_space<vmem>>) offsets(%dma_start3A_206 : memref<64xi32, #tpu.memory_space<vmem>>) semaphore(%arg13 : memref<!tpu.dma_semaphore, #tpu.memory_space<semaphore_mem>>)
      } else {
      }
    }
    %scan3A_26 = arith.constant 40 : i32
    %dma_wait3A = arith.constant 0 : i32
    %dma_wait3A_27 = arith.constant 0 : i32
    %dma_wait3A_28 = tpu.memref_slice %arg9[%dma_wait3A, %dma_wait3A_27] : memref<80x64xi32, #tpu.memory_space<vmem>> -> memref<1x64xi32, #tpu.memory_space<vmem>>
    %dma_wait3A_29 = tpu.memref_squeeze %dma_wait3A_28 : memref<1x64xi32, #tpu.memory_space<vmem>> -> memref<64xi32, #tpu.memory_space<vmem>>
    %dma_wait3A_30 = arith.constant 0 : i32
    %dma_wait3A_31 = arith.constant 0 : i32
    %dma_wait3A_32 = tpu.memref_slice %arg7[%dma_wait3A_30, %dma_wait3A_31] : memref<10240x64xf32, #tpu.memory_space<vmem_shared>> -> memref<10240x64xf32, #tpu.memory_space<vmem_shared>>
    tpu.wait_indirect_dma semaphore(%arg14 : memref<!tpu.dma_semaphore, #tpu.memory_space<semaphore_mem>>) src(%arg10 : memref<64x64xf32, #tpu.memory_space<vmem>>) dst(%dma_wait3A_32 : memref<10240x64xf32, #tpu.memory_space<vmem_shared>>)
    %dma_wait3A_33 = arith.constant 0 : i32
    %dma_wait3A_34 = arith.constant 0 : i32
    %dma_wait3A_35 = tpu.memref_slice %arg9[%dma_wait3A_33, %dma_wait3A_34] : memref<80x64xi32, #tpu.memory_space<vmem>> -> memref<1x64xi32, #tpu.memory_space<vmem>>
    %dma_wait3A_36 = tpu.memref_squeeze %dma_wait3A_35 : memref<1x64xi32, #tpu.memory_space<vmem>> -> memref<64xi32, #tpu.memory_space<vmem>>
    %dma_wait3A_37 = arith.constant 0 : i32
    %dma_wait3A_38 = arith.constant 0 : i32
    %dma_wait3A_39 = tpu.memref_slice %arg7[%dma_wait3A_37, %dma_wait3A_38] : memref<10240x64xf32, #tpu.memory_space<vmem_shared>> -> memref<10240x64xf32, #tpu.memory_space<vmem_shared>>
    tpu.wait_indirect_dma semaphore(%arg15 : memref<!tpu.dma_semaphore, #tpu.memory_space<semaphore_mem>>) src(%arg11 : memref<64x64xf32, #tpu.memory_space<vmem>>) dst(%dma_wait3A_39 : memref<10240x64xf32, #tpu.memory_space<vmem_shared>>)
    "tpu.region"() ({
      %run_scoped3A = tpu.sem_alloc : memref<!tpu.dma_semaphore, #tpu.memory_space<semaphore_mem>>
      %dma_start3A_145 = arith.constant 80 : i32
      %dma_start3A_146 = arith.constant 0 : i32
      %dma_start3A_147 = tpu.memref_slice %arg3[%arg1, %dma_start3A_145, %dma_start3A_146] : memref<16x320x64xi32, #tpu.memory_space<hbm>> -> memref<1x80x64xi32, #tpu.memory_space<hbm>>
      %dma_start3A_148 = tpu.memref_squeeze %dma_start3A_147 : memref<1x80x64xi32, #tpu.memory_space<hbm>> -> memref<80x64xi32, #tpu.memory_space<hbm>>
      %dma_start3A_149 = arith.constant 80 : i32
      %dma_start3A_150 = arith.constant 0 : i32
      %dma_start3A_151 = tpu.memref_slice %arg3[%arg1, %dma_start3A_149, %dma_start3A_150] : memref<16x320x64xi32, #tpu.memory_space<hbm>> -> memref<1x80x64xi32, #tpu.memory_space<hbm>>
      %dma_start3A_152 = tpu.memref_squeeze %dma_start3A_151 : memref<1x80x64xi32, #tpu.memory_space<hbm>> -> memref<80x64xi32, #tpu.memory_space<hbm>>
      tpu.enqueue_dma source(%dma_start3A_152 : memref<80x64xi32, #tpu.memory_space<hbm>>) target(%arg8 : memref<80x64xi32, #tpu.memory_space<vmem>>) target_semaphore(%run_scoped3A : memref<!tpu.dma_semaphore, #tpu.memory_space<semaphore_mem>>)
      %dma_wait3A_153 = arith.constant 80 : i32
      %dma_wait3A_154 = arith.constant 0 : i32
      %dma_wait3A_155 = tpu.memref_slice %arg3[%arg1, %dma_wait3A_153, %dma_wait3A_154] : memref<16x320x64xi32, #tpu.memory_space<hbm>> -> memref<1x80x64xi32, #tpu.memory_space<hbm>>
      %dma_wait3A_156 = tpu.memref_squeeze %dma_wait3A_155 : memref<1x80x64xi32, #tpu.memory_space<hbm>> -> memref<80x64xi32, #tpu.memory_space<hbm>>
      %dma_wait3A_157 = arith.constant 80 : i32
      %dma_wait3A_158 = arith.constant 0 : i32
      %dma_wait3A_159 = tpu.memref_slice %arg3[%arg1, %dma_wait3A_157, %dma_wait3A_158] : memref<16x320x64xi32, #tpu.memory_space<hbm>> -> memref<1x80x64xi32, #tpu.memory_space<hbm>>
      %dma_wait3A_160 = tpu.memref_squeeze %dma_wait3A_159 : memref<1x80x64xi32, #tpu.memory_space<hbm>> -> memref<80x64xi32, #tpu.memory_space<hbm>>
      tpu.wait_dma2 semaphore(%run_scoped3A : memref<!tpu.dma_semaphore, #tpu.memory_space<semaphore_mem>>) src(%dma_wait3A_160 : memref<80x64xi32, #tpu.memory_space<hbm>>) dst(%arg8 : memref<80x64xi32, #tpu.memory_space<vmem>>)
      tpu.yield
    }) : () -> ()
    "tpu.region"() ({
      %run_scoped3A = tpu.sem_alloc : memref<!tpu.dma_semaphore, #tpu.memory_space<semaphore_mem>>
      %dma_start3A_145 = arith.constant 80 : i32
      %dma_start3A_146 = arith.constant 0 : i32
      %dma_start3A_147 = tpu.memref_slice %arg4[%arg1, %dma_start3A_145, %dma_start3A_146] : memref<16x320x64xi32, #tpu.memory_space<hbm>> -> memref<1x80x64xi32, #tpu.memory_space<hbm>>
      %dma_start3A_148 = tpu.memref_squeeze %dma_start3A_147 : memref<1x80x64xi32, #tpu.memory_space<hbm>> -> memref<80x64xi32, #tpu.memory_space<hbm>>
      %dma_start3A_149 = arith.constant 80 : i32
      %dma_start3A_150 = arith.constant 0 : i32
      %dma_start3A_151 = tpu.memref_slice %arg4[%arg1, %dma_start3A_149, %dma_start3A_150] : memref<16x320x64xi32, #tpu.memory_space<hbm>> -> memref<1x80x64xi32, #tpu.memory_space<hbm>>
      %dma_start3A_152 = tpu.memref_squeeze %dma_start3A_151 : memref<1x80x64xi32, #tpu.memory_space<hbm>> -> memref<80x64xi32, #tpu.memory_space<hbm>>
      tpu.enqueue_dma source(%dma_start3A_152 : memref<80x64xi32, #tpu.memory_space<hbm>>) target(%arg9 : memref<80x64xi32, #tpu.memory_space<vmem>>) target_semaphore(%run_scoped3A : memref<!tpu.dma_semaphore, #tpu.memory_space<semaphore_mem>>)
      %dma_wait3A_153 = arith.constant 80 : i32
      %dma_wait3A_154 = arith.constant 0 : i32
      %dma_wait3A_155 = tpu.memref_slice %arg4[%arg1, %dma_wait3A_153, %dma_wait3A_154] : memref<16x320x64xi32, #tpu.memory_space<hbm>> -> memref<1x80x64xi32, #tpu.memory_space<hbm>>
      %dma_wait3A_156 = tpu.memref_squeeze %dma_wait3A_155 : memref<1x80x64xi32, #tpu.memory_space<hbm>> -> memref<80x64xi32, #tpu.memory_space<hbm>>
      %dma_wait3A_157 = arith.constant 80 : i32
      %dma_wait3A_158 = arith.constant 0 : i32
      %dma_wait3A_159 = tpu.memref_slice %arg4[%arg1, %dma_wait3A_157, %dma_wait3A_158] : memref<16x320x64xi32, #tpu.memory_space<hbm>> -> memref<1x80x64xi32, #tpu.memory_space<hbm>>
      %dma_wait3A_160 = tpu.memref_squeeze %dma_wait3A_159 : memref<1x80x64xi32, #tpu.memory_space<hbm>> -> memref<80x64xi32, #tpu.memory_space<hbm>>
      tpu.wait_dma2 semaphore(%run_scoped3A : memref<!tpu.dma_semaphore, #tpu.memory_space<semaphore_mem>>) src(%dma_wait3A_160 : memref<80x64xi32, #tpu.memory_space<hbm>>) dst(%arg9 : memref<80x64xi32, #tpu.memory_space<vmem>>)
      tpu.yield
    }) : () -> ()
    %dma_start3A_40 = arith.constant 0 : i32
    %dma_start3A_41 = arith.constant 0 : i32
    %dma_start3A_42 = tpu.memref_slice %arg8[%dma_start3A_40, %dma_start3A_41] : memref<80x64xi32, #tpu.memory_space<vmem>> -> memref<1x64xi32, #tpu.memory_space<vmem>>
    %dma_start3A_43 = tpu.memref_squeeze %dma_start3A_42 : memref<1x64xi32, #tpu.memory_space<vmem>> -> memref<64xi32, #tpu.memory_space<vmem>>
    %dma_start3A_44 = arith.constant 0 : i32
    %dma_start3A_45 = arith.constant 0 : i32
    %dma_start3A_46 = tpu.memref_slice %arg6[%dma_start3A_44, %dma_start3A_45] : memref<10240x64xf32, #tpu.memory_space<vmem_shared>> -> memref<10240x64xf32, #tpu.memory_space<vmem_shared>>
    tpu.enqueue_indirect_dma source(%dma_start3A_46 : memref<10240x64xf32, #tpu.memory_space<vmem_shared>>) target(%arg10 : memref<64x64xf32, #tpu.memory_space<vmem>>) offsets(%dma_start3A_43 : memref<64xi32, #tpu.memory_space<vmem>>) semaphore(%arg12 : memref<!tpu.dma_semaphore, #tpu.memory_space<semaphore_mem>>)
    %dma_start3A_47 = arith.constant 1 : i32
    %dma_start3A_48 = arith.constant 0 : i32
    %dma_start3A_49 = tpu.memref_slice %arg8[%dma_start3A_47, %dma_start3A_48] : memref<80x64xi32, #tpu.memory_space<vmem>> -> memref<1x64xi32, #tpu.memory_space<vmem>>
    %dma_start3A_50 = tpu.memref_squeeze %dma_start3A_49 : memref<1x64xi32, #tpu.memory_space<vmem>> -> memref<64xi32, #tpu.memory_space<vmem>>
    %dma_start3A_51 = arith.constant 0 : i32
    %dma_start3A_52 = arith.constant 0 : i32
    %dma_start3A_53 = tpu.memref_slice %arg6[%dma_start3A_51, %dma_start3A_52] : memref<10240x64xf32, #tpu.memory_space<vmem_shared>> -> memref<10240x64xf32, #tpu.memory_space<vmem_shared>>
    tpu.enqueue_indirect_dma source(%dma_start3A_53 : memref<10240x64xf32, #tpu.memory_space<vmem_shared>>) target(%arg11 : memref<64x64xf32, #tpu.memory_space<vmem>>) offsets(%dma_start3A_50 : memref<64xi32, #tpu.memory_space<vmem>>) semaphore(%arg13 : memref<!tpu.dma_semaphore, #tpu.memory_space<semaphore_mem>>)
    %scan3A_54 = arith.constant 0 : i32
    %scan3A_55 = arith.constant 40 : i32
    %scan3A_56 = arith.addi %scan3A_54, %scan3A_55 : i32
    %scan3A_57 = arith.constant 1 : i32
    scf.for %scan3A_145 = %scan3A_54 to %scan3A_56 step %scan3A_57  : i32 {
      %mul3A = arith.constant 2 : i32
      %mul3A_146 = arith.muli %scan3A_145, %mul3A : i32
      %add3A = arith.constant 0 : i32
      %add3A_147 = arith.addi %add3A, %mul3A_146 : i32
      %dma_wait3A_148 = arith.constant 0 : i32
      %dma_wait3A_149 = arith.constant 0 : i32
      %dma_wait3A_150 = tpu.memref_slice %arg8[%dma_wait3A_148, %dma_wait3A_149] : memref<80x64xi32, #tpu.memory_space<vmem>> -> memref<1x64xi32, #tpu.memory_space<vmem>>
      %dma_wait3A_151 = tpu.memref_squeeze %dma_wait3A_150 : memref<1x64xi32, #tpu.memory_space<vmem>> -> memref<64xi32, #tpu.memory_space<vmem>>
      %dma_wait3A_152 = arith.constant 0 : i32
      %dma_wait3A_153 = arith.constant 0 : i32
      %dma_wait3A_154 = tpu.memref_slice %arg6[%dma_wait3A_152, %dma_wait3A_153] : memref<10240x64xf32, #tpu.memory_space<vmem_shared>> -> memref<10240x64xf32, #tpu.memory_space<vmem_shared>>
      tpu.wait_indirect_dma semaphore(%arg12 : memref<!tpu.dma_semaphore, #tpu.memory_space<semaphore_mem>>) src(%dma_wait3A_154 : memref<10240x64xf32, #tpu.memory_space<vmem_shared>>) dst(%arg10 : memref<64x64xf32, #tpu.memory_space<vmem>>)
      %add3A_155 = arith.constant 0 : i32
      %add3A_156 = arith.addi %add3A_147, %add3A_155 : i32
      %dma_start3A_157 = arith.constant 0 : i32
      %dma_start3A_158 = tpu.memref_slice %arg9[%add3A_156, %dma_start3A_157] : memref<80x64xi32, #tpu.memory_space<vmem>> -> memref<1x64xi32, #tpu.memory_space<vmem>>
      %dma_start3A_159 = tpu.memref_squeeze %dma_start3A_158 : memref<1x64xi32, #tpu.memory_space<vmem>> -> memref<64xi32, #tpu.memory_space<vmem>>
      %dma_start3A_160 = arith.constant 0 : i32
      %dma_start3A_161 = arith.constant 0 : i32
      %dma_start3A_162 = tpu.memref_slice %arg7[%dma_start3A_160, %dma_start3A_161] : memref<10240x64xf32, #tpu.memory_space<vmem_shared>> -> memref<10240x64xf32, #tpu.memory_space<vmem_shared>>
      tpu.enqueue_indirect_dma source(%arg10 : memref<64x64xf32, #tpu.memory_space<vmem>>) target(%dma_start3A_162 : memref<10240x64xf32, #tpu.memory_space<vmem_shared>>) offsets(%dma_start3A_159 : memref<64xi32, #tpu.memory_space<vmem>>) semaphore(%arg14 : memref<!tpu.dma_semaphore, #tpu.memory_space<semaphore_mem>>) {add = true}
      %add3A_163 = arith.constant 0 : i32
      %add3A_164 = arith.addi %add3A_147, %add3A_163 : i32
      %add3A_165 = arith.constant 2 : i32
      %add3A_166 = arith.addi %add3A_164, %add3A_165 : i32
      %lt3A = arith.constant 80 : i32
      %lt3A_167 = arith.cmpi slt, %add3A_166, %lt3A : i32
      %convert_element_type3A = arith.extui %lt3A_167 : i1 to i32
      %cond3A = arith.constant 0 : i32
      %cond3A_168 = arith.cmpi ne, %convert_element_type3A, %cond3A : i32
      scf.if %cond3A_168 {
        %dma_wait3A_193 = arith.constant 0 : i32
        %dma_wait3A_194 = arith.constant 0 : i32
        %dma_wait3A_195 = tpu.memref_slice %arg9[%dma_wait3A_193, %dma_wait3A_194] : memref<80x64xi32, #tpu.memory_space<vmem>> -> memref<1x64xi32, #tpu.memory_space<vmem>>
        %dma_wait3A_196 = tpu.memref_squeeze %dma_wait3A_195 : memref<1x64xi32, #tpu.memory_space<vmem>> -> memref<64xi32, #tpu.memory_space<vmem>>
        %dma_wait3A_197 = arith.constant 0 : i32
        %dma_wait3A_198 = arith.constant 0 : i32
        %dma_wait3A_199 = tpu.memref_slice %arg7[%dma_wait3A_197, %dma_wait3A_198] : memref<10240x64xf32, #tpu.memory_space<vmem_shared>> -> memref<10240x64xf32, #tpu.memory_space<vmem_shared>>
        tpu.wait_indirect_dma semaphore(%arg14 : memref<!tpu.dma_semaphore, #tpu.memory_space<semaphore_mem>>) src(%arg10 : memref<64x64xf32, #tpu.memory_space<vmem>>) dst(%dma_wait3A_199 : memref<10240x64xf32, #tpu.memory_space<vmem_shared>>)
        %add3A_200 = arith.constant 0 : i32
        %add3A_201 = arith.addi %add3A_147, %add3A_200 : i32
        %add3A_202 = arith.constant 2 : i32
        %add3A_203 = arith.addi %add3A_201, %add3A_202 : i32
        %dma_start3A_204 = arith.constant 0 : i32
        %dma_start3A_205 = tpu.memref_slice %arg8[%add3A_203, %dma_start3A_204] : memref<80x64xi32, #tpu.memory_space<vmem>> -> memref<1x64xi32, #tpu.memory_space<vmem>>
        %dma_start3A_206 = tpu.memref_squeeze %dma_start3A_205 : memref<1x64xi32, #tpu.memory_space<vmem>> -> memref<64xi32, #tpu.memory_space<vmem>>
        %dma_start3A_207 = arith.constant 0 : i32
        %dma_start3A_208 = arith.constant 0 : i32
        %dma_start3A_209 = tpu.memref_slice %arg6[%dma_start3A_207, %dma_start3A_208] : memref<10240x64xf32, #tpu.memory_space<vmem_shared>> -> memref<10240x64xf32, #tpu.memory_space<vmem_shared>>
        tpu.enqueue_indirect_dma source(%dma_start3A_209 : memref<10240x64xf32, #tpu.memory_space<vmem_shared>>) target(%arg10 : memref<64x64xf32, #tpu.memory_space<vmem>>) offsets(%dma_start3A_206 : memref<64xi32, #tpu.memory_space<vmem>>) semaphore(%arg12 : memref<!tpu.dma_semaphore, #tpu.memory_space<semaphore_mem>>)
      } else {
      }
      %dma_wait3A_169 = arith.constant 0 : i32
      %dma_wait3A_170 = arith.constant 0 : i32
      %dma_wait3A_171 = tpu.memref_slice %arg8[%dma_wait3A_169, %dma_wait3A_170] : memref<80x64xi32, #tpu.memory_space<vmem>> -> memref<1x64xi32, #tpu.memory_space<vmem>>
      %dma_wait3A_172 = tpu.memref_squeeze %dma_wait3A_171 : memref<1x64xi32, #tpu.memory_space<vmem>> -> memref<64xi32, #tpu.memory_space<vmem>>
      %dma_wait3A_173 = arith.constant 0 : i32
      %dma_wait3A_174 = arith.constant 0 : i32
      %dma_wait3A_175 = tpu.memref_slice %arg6[%dma_wait3A_173, %dma_wait3A_174] : memref<10240x64xf32, #tpu.memory_space<vmem_shared>> -> memref<10240x64xf32, #tpu.memory_space<vmem_shared>>
      tpu.wait_indirect_dma semaphore(%arg13 : memref<!tpu.dma_semaphore, #tpu.memory_space<semaphore_mem>>) src(%dma_wait3A_175 : memref<10240x64xf32, #tpu.memory_space<vmem_shared>>) dst(%arg11 : memref<64x64xf32, #tpu.memory_space<vmem>>)
      %add3A_176 = arith.constant 1 : i32
      %add3A_177 = arith.addi %add3A_147, %add3A_176 : i32
      %dma_start3A_178 = arith.constant 0 : i32
      %dma_start3A_179 = tpu.memref_slice %arg9[%add3A_177, %dma_start3A_178] : memref<80x64xi32, #tpu.memory_space<vmem>> -> memref<1x64xi32, #tpu.memory_space<vmem>>
      %dma_start3A_180 = tpu.memref_squeeze %dma_start3A_179 : memref<1x64xi32, #tpu.memory_space<vmem>> -> memref<64xi32, #tpu.memory_space<vmem>>
      %dma_start3A_181 = arith.constant 0 : i32
      %dma_start3A_182 = arith.constant 0 : i32
      %dma_start3A_183 = tpu.memref_slice %arg7[%dma_start3A_181, %dma_start3A_182] : memref<10240x64xf32, #tpu.memory_space<vmem_shared>> -> memref<10240x64xf32, #tpu.memory_space<vmem_shared>>
      tpu.enqueue_indirect_dma source(%arg11 : memref<64x64xf32, #tpu.memory_space<vmem>>) target(%dma_start3A_183 : memref<10240x64xf32, #tpu.memory_space<vmem_shared>>) offsets(%dma_start3A_180 : memref<64xi32, #tpu.memory_space<vmem>>) semaphore(%arg15 : memref<!tpu.dma_semaphore, #tpu.memory_space<semaphore_mem>>) {add = true}
      %add3A_184 = arith.constant 1 : i32
      %add3A_185 = arith.addi %add3A_147, %add3A_184 : i32
      %add3A_186 = arith.constant 2 : i32
      %add3A_187 = arith.addi %add3A_185, %add3A_186 : i32
      %lt3A_188 = arith.constant 80 : i32
      %lt3A_189 = arith.cmpi slt, %add3A_187, %lt3A_188 : i32
      %convert_element_type3A_190 = arith.extui %lt3A_189 : i1 to i32
      %cond3A_191 = arith.constant 0 : i32
      %cond3A_192 = arith.cmpi ne, %convert_element_type3A_190, %cond3A_191 : i32
      scf.if %cond3A_192 {
        %dma_wait3A_193 = arith.constant 0 : i32
        %dma_wait3A_194 = arith.constant 0 : i32
        %dma_wait3A_195 = tpu.memref_slice %arg9[%dma_wait3A_193, %dma_wait3A_194] : memref<80x64xi32, #tpu.memory_space<vmem>> -> memref<1x64xi32, #tpu.memory_space<vmem>>
        %dma_wait3A_196 = tpu.memref_squeeze %dma_wait3A_195 : memref<1x64xi32, #tpu.memory_space<vmem>> -> memref<64xi32, #tpu.memory_space<vmem>>
        %dma_wait3A_197 = arith.constant 0 : i32
        %dma_wait3A_198 = arith.constant 0 : i32
        %dma_wait3A_199 = tpu.memref_slice %arg7[%dma_wait3A_197, %dma_wait3A_198] : memref<10240x64xf32, #tpu.memory_space<vmem_shared>> -> memref<10240x64xf32, #tpu.memory_space<vmem_shared>>
        tpu.wait_indirect_dma semaphore(%arg15 : memref<!tpu.dma_semaphore, #tpu.memory_space<semaphore_mem>>) src(%arg11 : memref<64x64xf32, #tpu.memory_space<vmem>>) dst(%dma_wait3A_199 : memref<10240x64xf32, #tpu.memory_space<vmem_shared>>)
        %add3A_200 = arith.constant 1 : i32
        %add3A_201 = arith.addi %add3A_147, %add3A_200 : i32
        %add3A_202 = arith.constant 2 : i32
        %add3A_203 = arith.addi %add3A_201, %add3A_202 : i32
        %dma_start3A_204 = arith.constant 0 : i32
        %dma_start3A_205 = tpu.memref_slice %arg8[%add3A_203, %dma_start3A_204] : memref<80x64xi32, #tpu.memory_space<vmem>> -> memref<1x64xi32, #tpu.memory_space<vmem>>
        %dma_start3A_206 = tpu.memref_squeeze %dma_start3A_205 : memref<1x64xi32, #tpu.memory_space<vmem>> -> memref<64xi32, #tpu.memory_space<vmem>>
        %dma_start3A_207 = arith.constant 0 : i32
        %dma_start3A_208 = arith.constant 0 : i32
        %dma_start3A_209 = tpu.memref_slice %arg6[%dma_start3A_207, %dma_start3A_208] : memref<10240x64xf32, #tpu.memory_space<vmem_shared>> -> memref<10240x64xf32, #tpu.memory_space<vmem_shared>>
        tpu.enqueue_indirect_dma source(%dma_start3A_209 : memref<10240x64xf32, #tpu.memory_space<vmem_shared>>) target(%arg11 : memref<64x64xf32, #tpu.memory_space<vmem>>) offsets(%dma_start3A_206 : memref<64xi32, #tpu.memory_space<vmem>>) semaphore(%arg13 : memref<!tpu.dma_semaphore, #tpu.memory_space<semaphore_mem>>)
      } else {
      }
    }
    %scan3A_58 = arith.constant 40 : i32
    %dma_wait3A_59 = arith.constant 0 : i32
    %dma_wait3A_60 = arith.constant 0 : i32
    %dma_wait3A_61 = tpu.memref_slice %arg9[%dma_wait3A_59, %dma_wait3A_60] : memref<80x64xi32, #tpu.memory_space<vmem>> -> memref<1x64xi32, #tpu.memory_space<vmem>>
    %dma_wait3A_62 = tpu.memref_squeeze %dma_wait3A_61 : memref<1x64xi32, #tpu.memory_space<vmem>> -> memref<64xi32, #tpu.memory_space<vmem>>
    %dma_wait3A_63 = arith.constant 0 : i32
    %dma_wait3A_64 = arith.constant 0 : i32
    %dma_wait3A_65 = tpu.memref_slice %arg7[%dma_wait3A_63, %dma_wait3A_64] : memref<10240x64xf32, #tpu.memory_space<vmem_shared>> -> memref<10240x64xf32, #tpu.memory_space<vmem_shared>>
    tpu.wait_indirect_dma semaphore(%arg14 : memref<!tpu.dma_semaphore, #tpu.memory_space<semaphore_mem>>) src(%arg10 : memref<64x64xf32, #tpu.memory_space<vmem>>) dst(%dma_wait3A_65 : memref<10240x64xf32, #tpu.memory_space<vmem_shared>>)
    %dma_wait3A_66 = arith.constant 0 : i32
    %dma_wait3A_67 = arith.constant 0 : i32
    %dma_wait3A_68 = tpu.memref_slice %arg9[%dma_wait3A_66, %dma_wait3A_67] : memref<80x64xi32, #tpu.memory_space<vmem>> -> memref<1x64xi32, #tpu.memory_space<vmem>>
    %dma_wait3A_69 = tpu.memref_squeeze %dma_wait3A_68 : memref<1x64xi32, #tpu.memory_space<vmem>> -> memref<64xi32, #tpu.memory_space<vmem>>
    %dma_wait3A_70 = arith.constant 0 : i32
    %dma_wait3A_71 = arith.constant 0 : i32
    %dma_wait3A_72 = tpu.memref_slice %arg7[%dma_wait3A_70, %dma_wait3A_71] : memref<10240x64xf32, #tpu.memory_space<vmem_shared>> -> memref<10240x64xf32, #tpu.memory_space<vmem_shared>>
    tpu.wait_indirect_dma semaphore(%arg15 : memref<!tpu.dma_semaphore, #tpu.memory_space<semaphore_mem>>) src(%arg11 : memref<64x64xf32, #tpu.memory_space<vmem>>) dst(%dma_wait3A_72 : memref<10240x64xf32, #tpu.memory_space<vmem_shared>>)
    "tpu.region"() ({
      %run_scoped3A = tpu.sem_alloc : memref<!tpu.dma_semaphore, #tpu.memory_space<semaphore_mem>>
      %dma_start3A_145 = arith.constant 160 : i32
      %dma_start3A_146 = arith.constant 0 : i32
      %dma_start3A_147 = tpu.memref_slice %arg3[%arg1, %dma_start3A_145, %dma_start3A_146] : memref<16x320x64xi32, #tpu.memory_space<hbm>> -> memref<1x80x64xi32, #tpu.memory_space<hbm>>
      %dma_start3A_148 = tpu.memref_squeeze %dma_start3A_147 : memref<1x80x64xi32, #tpu.memory_space<hbm>> -> memref<80x64xi32, #tpu.memory_space<hbm>>
      %dma_start3A_149 = arith.constant 160 : i32
      %dma_start3A_150 = arith.constant 0 : i32
      %dma_start3A_151 = tpu.memref_slice %arg3[%arg1, %dma_start3A_149, %dma_start3A_150] : memref<16x320x64xi32, #tpu.memory_space<hbm>> -> memref<1x80x64xi32, #tpu.memory_space<hbm>>
      %dma_start3A_152 = tpu.memref_squeeze %dma_start3A_151 : memref<1x80x64xi32, #tpu.memory_space<hbm>> -> memref<80x64xi32, #tpu.memory_space<hbm>>
      tpu.enqueue_dma source(%dma_start3A_152 : memref<80x64xi32, #tpu.memory_space<hbm>>) target(%arg8 : memref<80x64xi32, #tpu.memory_space<vmem>>) target_semaphore(%run_scoped3A : memref<!tpu.dma_semaphore, #tpu.memory_space<semaphore_mem>>)
      %dma_wait3A_153 = arith.constant 160 : i32
      %dma_wait3A_154 = arith.constant 0 : i32
      %dma_wait3A_155 = tpu.memref_slice %arg3[%arg1, %dma_wait3A_153, %dma_wait3A_154] : memref<16x320x64xi32, #tpu.memory_space<hbm>> -> memref<1x80x64xi32, #tpu.memory_space<hbm>>
      %dma_wait3A_156 = tpu.memref_squeeze %dma_wait3A_155 : memref<1x80x64xi32, #tpu.memory_space<hbm>> -> memref<80x64xi32, #tpu.memory_space<hbm>>
      %dma_wait3A_157 = arith.constant 160 : i32
      %dma_wait3A_158 = arith.constant 0 : i32
      %dma_wait3A_159 = tpu.memref_slice %arg3[%arg1, %dma_wait3A_157, %dma_wait3A_158] : memref<16x320x64xi32, #tpu.memory_space<hbm>> -> memref<1x80x64xi32, #tpu.memory_space<hbm>>
      %dma_wait3A_160 = tpu.memref_squeeze %dma_wait3A_159 : memref<1x80x64xi32, #tpu.memory_space<hbm>> -> memref<80x64xi32, #tpu.memory_space<hbm>>
      tpu.wait_dma2 semaphore(%run_scoped3A : memref<!tpu.dma_semaphore, #tpu.memory_space<semaphore_mem>>) src(%dma_wait3A_160 : memref<80x64xi32, #tpu.memory_space<hbm>>) dst(%arg8 : memref<80x64xi32, #tpu.memory_space<vmem>>)
      tpu.yield
    }) : () -> ()
    "tpu.region"() ({
      %run_scoped3A = tpu.sem_alloc : memref<!tpu.dma_semaphore, #tpu.memory_space<semaphore_mem>>
      %dma_start3A_145 = arith.constant 160 : i32
      %dma_start3A_146 = arith.constant 0 : i32
      %dma_start3A_147 = tpu.memref_slice %arg4[%arg1, %dma_start3A_145, %dma_start3A_146] : memref<16x320x64xi32, #tpu.memory_space<hbm>> -> memref<1x80x64xi32, #tpu.memory_space<hbm>>
      %dma_start3A_148 = tpu.memref_squeeze %dma_start3A_147 : memref<1x80x64xi32, #tpu.memory_space<hbm>> -> memref<80x64xi32, #tpu.memory_space<hbm>>
      %dma_start3A_149 = arith.constant 160 : i32
      %dma_start3A_150 = arith.constant 0 : i32
      %dma_start3A_151 = tpu.memref_slice %arg4[%arg1, %dma_start3A_149, %dma_start3A_150] : memref<16x320x64xi32, #tpu.memory_space<hbm>> -> memref<1x80x64xi32, #tpu.memory_space<hbm>>
      %dma_start3A_152 = tpu.memref_squeeze %dma_start3A_151 : memref<1x80x64xi32, #tpu.memory_space<hbm>> -> memref<80x64xi32, #tpu.memory_space<hbm>>
      tpu.enqueue_dma source(%dma_start3A_152 : memref<80x64xi32, #tpu.memory_space<hbm>>) target(%arg9 : memref<80x64xi32, #tpu.memory_space<vmem>>) target_semaphore(%run_scoped3A : memref<!tpu.dma_semaphore, #tpu.memory_space<semaphore_mem>>)
      %dma_wait3A_153 = arith.constant 160 : i32
      %dma_wait3A_154 = arith.constant 0 : i32
      %dma_wait3A_155 = tpu.memref_slice %arg4[%arg1, %dma_wait3A_153, %dma_wait3A_154] : memref<16x320x64xi32, #tpu.memory_space<hbm>> -> memref<1x80x64xi32, #tpu.memory_space<hbm>>
      %dma_wait3A_156 = tpu.memref_squeeze %dma_wait3A_155 : memref<1x80x64xi32, #tpu.memory_space<hbm>> -> memref<80x64xi32, #tpu.memory_space<hbm>>
      %dma_wait3A_157 = arith.constant 160 : i32
      %dma_wait3A_158 = arith.constant 0 : i32
      %dma_wait3A_159 = tpu.memref_slice %arg4[%arg1, %dma_wait3A_157, %dma_wait3A_158] : memref<16x320x64xi32, #tpu.memory_space<hbm>> -> memref<1x80x64xi32, #tpu.memory_space<hbm>>
      %dma_wait3A_160 = tpu.memref_squeeze %dma_wait3A_159 : memref<1x80x64xi32, #tpu.memory_space<hbm>> -> memref<80x64xi32, #tpu.memory_space<hbm>>
      tpu.wait_dma2 semaphore(%run_scoped3A : memref<!tpu.dma_semaphore, #tpu.memory_space<semaphore_mem>>) src(%dma_wait3A_160 : memref<80x64xi32, #tpu.memory_space<hbm>>) dst(%arg9 : memref<80x64xi32, #tpu.memory_space<vmem>>)
      tpu.yield
    }) : () -> ()
    %dma_start3A_73 = arith.constant 0 : i32
    %dma_start3A_74 = arith.constant 0 : i32
    %dma_start3A_75 = tpu.memref_slice %arg8[%dma_start3A_73, %dma_start3A_74] : memref<80x64xi32, #tpu.memory_space<vmem>> -> memref<1x64xi32, #tpu.memory_space<vmem>>
    %dma_start3A_76 = tpu.memref_squeeze %dma_start3A_75 : memref<1x64xi32, #tpu.memory_space<vmem>> -> memref<64xi32, #tpu.memory_space<vmem>>
    %dma_start3A_77 = arith.constant 0 : i32
    %dma_start3A_78 = arith.constant 0 : i32
    %dma_start3A_79 = tpu.memref_slice %arg6[%dma_start3A_77, %dma_start3A_78] : memref<10240x64xf32, #tpu.memory_space<vmem_shared>> -> memref<10240x64xf32, #tpu.memory_space<vmem_shared>>
    tpu.enqueue_indirect_dma source(%dma_start3A_79 : memref<10240x64xf32, #tpu.memory_space<vmem_shared>>) target(%arg10 : memref<64x64xf32, #tpu.memory_space<vmem>>) offsets(%dma_start3A_76 : memref<64xi32, #tpu.memory_space<vmem>>) semaphore(%arg12 : memref<!tpu.dma_semaphore, #tpu.memory_space<semaphore_mem>>)
    %dma_start3A_80 = arith.constant 1 : i32
    %dma_start3A_81 = arith.constant 0 : i32
    %dma_start3A_82 = tpu.memref_slice %arg8[%dma_start3A_80, %dma_start3A_81] : memref<80x64xi32, #tpu.memory_space<vmem>> -> memref<1x64xi32, #tpu.memory_space<vmem>>
    %dma_start3A_83 = tpu.memref_squeeze %dma_start3A_82 : memref<1x64xi32, #tpu.memory_space<vmem>> -> memref<64xi32, #tpu.memory_space<vmem>>
    %dma_start3A_84 = arith.constant 0 : i32
    %dma_start3A_85 = arith.constant 0 : i32
    %dma_start3A_86 = tpu.memref_slice %arg6[%dma_start3A_84, %dma_start3A_85] : memref<10240x64xf32, #tpu.memory_space<vmem_shared>> -> memref<10240x64xf32, #tpu.memory_space<vmem_shared>>
    tpu.enqueue_indirect_dma source(%dma_start3A_86 : memref<10240x64xf32, #tpu.memory_space<vmem_shared>>) target(%arg11 : memref<64x64xf32, #tpu.memory_space<vmem>>) offsets(%dma_start3A_83 : memref<64xi32, #tpu.memory_space<vmem>>) semaphore(%arg13 : memref<!tpu.dma_semaphore, #tpu.memory_space<semaphore_mem>>)
    %scan3A_87 = arith.constant 0 : i32
    %scan3A_88 = arith.constant 40 : i32
    %scan3A_89 = arith.addi %scan3A_87, %scan3A_88 : i32
    %scan3A_90 = arith.constant 1 : i32
    scf.for %scan3A_145 = %scan3A_87 to %scan3A_89 step %scan3A_90  : i32 {
      %mul3A = arith.constant 2 : i32
      %mul3A_146 = arith.muli %scan3A_145, %mul3A : i32
      %add3A = arith.constant 0 : i32
      %add3A_147 = arith.addi %add3A, %mul3A_146 : i32
      %dma_wait3A_148 = arith.constant 0 : i32
      %dma_wait3A_149 = arith.constant 0 : i32
      %dma_wait3A_150 = tpu.memref_slice %arg8[%dma_wait3A_148, %dma_wait3A_149] : memref<80x64xi32, #tpu.memory_space<vmem>> -> memref<1x64xi32, #tpu.memory_space<vmem>>
      %dma_wait3A_151 = tpu.memref_squeeze %dma_wait3A_150 : memref<1x64xi32, #tpu.memory_space<vmem>> -> memref<64xi32, #tpu.memory_space<vmem>>
      %dma_wait3A_152 = arith.constant 0 : i32
      %dma_wait3A_153 = arith.constant 0 : i32
      %dma_wait3A_154 = tpu.memref_slice %arg6[%dma_wait3A_152, %dma_wait3A_153] : memref<10240x64xf32, #tpu.memory_space<vmem_shared>> -> memref<10240x64xf32, #tpu.memory_space<vmem_shared>>
      tpu.wait_indirect_dma semaphore(%arg12 : memref<!tpu.dma_semaphore, #tpu.memory_space<semaphore_mem>>) src(%dma_wait3A_154 : memref<10240x64xf32, #tpu.memory_space<vmem_shared>>) dst(%arg10 : memref<64x64xf32, #tpu.memory_space<vmem>>)
      %add3A_155 = arith.constant 0 : i32
      %add3A_156 = arith.addi %add3A_147, %add3A_155 : i32
      %dma_start3A_157 = arith.constant 0 : i32
      %dma_start3A_158 = tpu.memref_slice %arg9[%add3A_156, %dma_start3A_157] : memref<80x64xi32, #tpu.memory_space<vmem>> -> memref<1x64xi32, #tpu.memory_space<vmem>>
      %dma_start3A_159 = tpu.memref_squeeze %dma_start3A_158 : memref<1x64xi32, #tpu.memory_space<vmem>> -> memref<64xi32, #tpu.memory_space<vmem>>
      %dma_start3A_160 = arith.constant 0 : i32
      %dma_start3A_161 = arith.constant 0 : i32
      %dma_start3A_162 = tpu.memref_slice %arg7[%dma_start3A_160, %dma_start3A_161] : memref<10240x64xf32, #tpu.memory_space<vmem_shared>> -> memref<10240x64xf32, #tpu.memory_space<vmem_shared>>
      tpu.enqueue_indirect_dma source(%arg10 : memref<64x64xf32, #tpu.memory_space<vmem>>) target(%dma_start3A_162 : memref<10240x64xf32, #tpu.memory_space<vmem_shared>>) offsets(%dma_start3A_159 : memref<64xi32, #tpu.memory_space<vmem>>) semaphore(%arg14 : memref<!tpu.dma_semaphore, #tpu.memory_space<semaphore_mem>>) {add = true}
      %add3A_163 = arith.constant 0 : i32
      %add3A_164 = arith.addi %add3A_147, %add3A_163 : i32
      %add3A_165 = arith.constant 2 : i32
      %add3A_166 = arith.addi %add3A_164, %add3A_165 : i32
      %lt3A = arith.constant 80 : i32
      %lt3A_167 = arith.cmpi slt, %add3A_166, %lt3A : i32
      %convert_element_type3A = arith.extui %lt3A_167 : i1 to i32
      %cond3A = arith.constant 0 : i32
      %cond3A_168 = arith.cmpi ne, %convert_element_type3A, %cond3A : i32
      scf.if %cond3A_168 {
        %dma_wait3A_193 = arith.constant 0 : i32
        %dma_wait3A_194 = arith.constant 0 : i32
        %dma_wait3A_195 = tpu.memref_slice %arg9[%dma_wait3A_193, %dma_wait3A_194] : memref<80x64xi32, #tpu.memory_space<vmem>> -> memref<1x64xi32, #tpu.memory_space<vmem>>
        %dma_wait3A_196 = tpu.memref_squeeze %dma_wait3A_195 : memref<1x64xi32, #tpu.memory_space<vmem>> -> memref<64xi32, #tpu.memory_space<vmem>>
        %dma_wait3A_197 = arith.constant 0 : i32
        %dma_wait3A_198 = arith.constant 0 : i32
        %dma_wait3A_199 = tpu.memref_slice %arg7[%dma_wait3A_197, %dma_wait3A_198] : memref<10240x64xf32, #tpu.memory_space<vmem_shared>> -> memref<10240x64xf32, #tpu.memory_space<vmem_shared>>
        tpu.wait_indirect_dma semaphore(%arg14 : memref<!tpu.dma_semaphore, #tpu.memory_space<semaphore_mem>>) src(%arg10 : memref<64x64xf32, #tpu.memory_space<vmem>>) dst(%dma_wait3A_199 : memref<10240x64xf32, #tpu.memory_space<vmem_shared>>)
        %add3A_200 = arith.constant 0 : i32
        %add3A_201 = arith.addi %add3A_147, %add3A_200 : i32
        %add3A_202 = arith.constant 2 : i32
        %add3A_203 = arith.addi %add3A_201, %add3A_202 : i32
        %dma_start3A_204 = arith.constant 0 : i32
        %dma_start3A_205 = tpu.memref_slice %arg8[%add3A_203, %dma_start3A_204] : memref<80x64xi32, #tpu.memory_space<vmem>> -> memref<1x64xi32, #tpu.memory_space<vmem>>
        %dma_start3A_206 = tpu.memref_squeeze %dma_start3A_205 : memref<1x64xi32, #tpu.memory_space<vmem>> -> memref<64xi32, #tpu.memory_space<vmem>>
        %dma_start3A_207 = arith.constant 0 : i32
        %dma_start3A_208 = arith.constant 0 : i32
        %dma_start3A_209 = tpu.memref_slice %arg6[%dma_start3A_207, %dma_start3A_208] : memref<10240x64xf32, #tpu.memory_space<vmem_shared>> -> memref<10240x64xf32, #tpu.memory_space<vmem_shared>>
        tpu.enqueue_indirect_dma source(%dma_start3A_209 : memref<10240x64xf32, #tpu.memory_space<vmem_shared>>) target(%arg10 : memref<64x64xf32, #tpu.memory_space<vmem>>) offsets(%dma_start3A_206 : memref<64xi32, #tpu.memory_space<vmem>>) semaphore(%arg12 : memref<!tpu.dma_semaphore, #tpu.memory_space<semaphore_mem>>)
      } else {
      }
      %dma_wait3A_169 = arith.constant 0 : i32
      %dma_wait3A_170 = arith.constant 0 : i32
      %dma_wait3A_171 = tpu.memref_slice %arg8[%dma_wait3A_169, %dma_wait3A_170] : memref<80x64xi32, #tpu.memory_space<vmem>> -> memref<1x64xi32, #tpu.memory_space<vmem>>
      %dma_wait3A_172 = tpu.memref_squeeze %dma_wait3A_171 : memref<1x64xi32, #tpu.memory_space<vmem>> -> memref<64xi32, #tpu.memory_space<vmem>>
      %dma_wait3A_173 = arith.constant 0 : i32
      %dma_wait3A_174 = arith.constant 0 : i32
      %dma_wait3A_175 = tpu.memref_slice %arg6[%dma_wait3A_173, %dma_wait3A_174] : memref<10240x64xf32, #tpu.memory_space<vmem_shared>> -> memref<10240x64xf32, #tpu.memory_space<vmem_shared>>
      tpu.wait_indirect_dma semaphore(%arg13 : memref<!tpu.dma_semaphore, #tpu.memory_space<semaphore_mem>>) src(%dma_wait3A_175 : memref<10240x64xf32, #tpu.memory_space<vmem_shared>>) dst(%arg11 : memref<64x64xf32, #tpu.memory_space<vmem>>)
      %add3A_176 = arith.constant 1 : i32
      %add3A_177 = arith.addi %add3A_147, %add3A_176 : i32
      %dma_start3A_178 = arith.constant 0 : i32
      %dma_start3A_179 = tpu.memref_slice %arg9[%add3A_177, %dma_start3A_178] : memref<80x64xi32, #tpu.memory_space<vmem>> -> memref<1x64xi32, #tpu.memory_space<vmem>>
      %dma_start3A_180 = tpu.memref_squeeze %dma_start3A_179 : memref<1x64xi32, #tpu.memory_space<vmem>> -> memref<64xi32, #tpu.memory_space<vmem>>
      %dma_start3A_181 = arith.constant 0 : i32
      %dma_start3A_182 = arith.constant 0 : i32
      %dma_start3A_183 = tpu.memref_slice %arg7[%dma_start3A_181, %dma_start3A_182] : memref<10240x64xf32, #tpu.memory_space<vmem_shared>> -> memref<10240x64xf32, #tpu.memory_space<vmem_shared>>
      tpu.enqueue_indirect_dma source(%arg11 : memref<64x64xf32, #tpu.memory_space<vmem>>) target(%dma_start3A_183 : memref<10240x64xf32, #tpu.memory_space<vmem_shared>>) offsets(%dma_start3A_180 : memref<64xi32, #tpu.memory_space<vmem>>) semaphore(%arg15 : memref<!tpu.dma_semaphore, #tpu.memory_space<semaphore_mem>>) {add = true}
      %add3A_184 = arith.constant 1 : i32
      %add3A_185 = arith.addi %add3A_147, %add3A_184 : i32
      %add3A_186 = arith.constant 2 : i32
      %add3A_187 = arith.addi %add3A_185, %add3A_186 : i32
      %lt3A_188 = arith.constant 80 : i32
      %lt3A_189 = arith.cmpi slt, %add3A_187, %lt3A_188 : i32
      %convert_element_type3A_190 = arith.extui %lt3A_189 : i1 to i32
      %cond3A_191 = arith.constant 0 : i32
      %cond3A_192 = arith.cmpi ne, %convert_element_type3A_190, %cond3A_191 : i32
      scf.if %cond3A_192 {
        %dma_wait3A_193 = arith.constant 0 : i32
        %dma_wait3A_194 = arith.constant 0 : i32
        %dma_wait3A_195 = tpu.memref_slice %arg9[%dma_wait3A_193, %dma_wait3A_194] : memref<80x64xi32, #tpu.memory_space<vmem>> -> memref<1x64xi32, #tpu.memory_space<vmem>>
        %dma_wait3A_196 = tpu.memref_squeeze %dma_wait3A_195 : memref<1x64xi32, #tpu.memory_space<vmem>> -> memref<64xi32, #tpu.memory_space<vmem>>
        %dma_wait3A_197 = arith.constant 0 : i32
        %dma_wait3A_198 = arith.constant 0 : i32
        %dma_wait3A_199 = tpu.memref_slice %arg7[%dma_wait3A_197, %dma_wait3A_198] : memref<10240x64xf32, #tpu.memory_space<vmem_shared>> -> memref<10240x64xf32, #tpu.memory_space<vmem_shared>>
        tpu.wait_indirect_dma semaphore(%arg15 : memref<!tpu.dma_semaphore, #tpu.memory_space<semaphore_mem>>) src(%arg11 : memref<64x64xf32, #tpu.memory_space<vmem>>) dst(%dma_wait3A_199 : memref<10240x64xf32, #tpu.memory_space<vmem_shared>>)
        %add3A_200 = arith.constant 1 : i32
        %add3A_201 = arith.addi %add3A_147, %add3A_200 : i32
        %add3A_202 = arith.constant 2 : i32
        %add3A_203 = arith.addi %add3A_201, %add3A_202 : i32
        %dma_start3A_204 = arith.constant 0 : i32
        %dma_start3A_205 = tpu.memref_slice %arg8[%add3A_203, %dma_start3A_204] : memref<80x64xi32, #tpu.memory_space<vmem>> -> memref<1x64xi32, #tpu.memory_space<vmem>>
        %dma_start3A_206 = tpu.memref_squeeze %dma_start3A_205 : memref<1x64xi32, #tpu.memory_space<vmem>> -> memref<64xi32, #tpu.memory_space<vmem>>
        %dma_start3A_207 = arith.constant 0 : i32
        %dma_start3A_208 = arith.constant 0 : i32
        %dma_start3A_209 = tpu.memref_slice %arg6[%dma_start3A_207, %dma_start3A_208] : memref<10240x64xf32, #tpu.memory_space<vmem_shared>> -> memref<10240x64xf32, #tpu.memory_space<vmem_shared>>
        tpu.enqueue_indirect_dma source(%dma_start3A_209 : memref<10240x64xf32, #tpu.memory_space<vmem_shared>>) target(%arg11 : memref<64x64xf32, #tpu.memory_space<vmem>>) offsets(%dma_start3A_206 : memref<64xi32, #tpu.memory_space<vmem>>) semaphore(%arg13 : memref<!tpu.dma_semaphore, #tpu.memory_space<semaphore_mem>>)
      } else {
      }
    }
    %scan3A_91 = arith.constant 40 : i32
    %dma_wait3A_92 = arith.constant 0 : i32
    %dma_wait3A_93 = arith.constant 0 : i32
    %dma_wait3A_94 = tpu.memref_slice %arg9[%dma_wait3A_92, %dma_wait3A_93] : memref<80x64xi32, #tpu.memory_space<vmem>> -> memref<1x64xi32, #tpu.memory_space<vmem>>
    %dma_wait3A_95 = tpu.memref_squeeze %dma_wait3A_94 : memref<1x64xi32, #tpu.memory_space<vmem>> -> memref<64xi32, #tpu.memory_space<vmem>>
    %dma_wait3A_96 = arith.constant 0 : i32
    %dma_wait3A_97 = arith.constant 0 : i32
    %dma_wait3A_98 = tpu.memref_slice %arg7[%dma_wait3A_96, %dma_wait3A_97] : memref<10240x64xf32, #tpu.memory_space<vmem_shared>> -> memref<10240x64xf32, #tpu.memory_space<vmem_shared>>
    tpu.wait_indirect_dma semaphore(%arg14 : memref<!tpu.dma_semaphore, #tpu.memory_space<semaphore_mem>>) src(%arg10 : memref<64x64xf32, #tpu.memory_space<vmem>>) dst(%dma_wait3A_98 : memref<10240x64xf32, #tpu.memory_space<vmem_shared>>)
    %dma_wait3A_99 = arith.constant 0 : i32
    %dma_wait3A_100 = arith.constant 0 : i32
    %dma_wait3A_101 = tpu.memref_slice %arg9[%dma_wait3A_99, %dma_wait3A_100] : memref<80x64xi32, #tpu.memory_space<vmem>> -> memref<1x64xi32, #tpu.memory_space<vmem>>
    %dma_wait3A_102 = tpu.memref_squeeze %dma_wait3A_101 : memref<1x64xi32, #tpu.memory_space<vmem>> -> memref<64xi32, #tpu.memory_space<vmem>>
    %dma_wait3A_103 = arith.constant 0 : i32
    %dma_wait3A_104 = arith.constant 0 : i32
    %dma_wait3A_105 = tpu.memref_slice %arg7[%dma_wait3A_103, %dma_wait3A_104] : memref<10240x64xf32, #tpu.memory_space<vmem_shared>> -> memref<10240x64xf32, #tpu.memory_space<vmem_shared>>
    tpu.wait_indirect_dma semaphore(%arg15 : memref<!tpu.dma_semaphore, #tpu.memory_space<semaphore_mem>>) src(%arg11 : memref<64x64xf32, #tpu.memory_space<vmem>>) dst(%dma_wait3A_105 : memref<10240x64xf32, #tpu.memory_space<vmem_shared>>)
    "tpu.region"() ({
      %run_scoped3A = tpu.sem_alloc : memref<!tpu.dma_semaphore, #tpu.memory_space<semaphore_mem>>
      %dma_start3A_145 = arith.constant 240 : i32
      %dma_start3A_146 = arith.constant 0 : i32
      %dma_start3A_147 = tpu.memref_slice %arg3[%arg1, %dma_start3A_145, %dma_start3A_146] : memref<16x320x64xi32, #tpu.memory_space<hbm>> -> memref<1x80x64xi32, #tpu.memory_space<hbm>>
      %dma_start3A_148 = tpu.memref_squeeze %dma_start3A_147 : memref<1x80x64xi32, #tpu.memory_space<hbm>> -> memref<80x64xi32, #tpu.memory_space<hbm>>
      %dma_start3A_149 = arith.constant 240 : i32
      %dma_start3A_150 = arith.constant 0 : i32
      %dma_start3A_151 = tpu.memref_slice %arg3[%arg1, %dma_start3A_149, %dma_start3A_150] : memref<16x320x64xi32, #tpu.memory_space<hbm>> -> memref<1x80x64xi32, #tpu.memory_space<hbm>>
      %dma_start3A_152 = tpu.memref_squeeze %dma_start3A_151 : memref<1x80x64xi32, #tpu.memory_space<hbm>> -> memref<80x64xi32, #tpu.memory_space<hbm>>
      tpu.enqueue_dma source(%dma_start3A_152 : memref<80x64xi32, #tpu.memory_space<hbm>>) target(%arg8 : memref<80x64xi32, #tpu.memory_space<vmem>>) target_semaphore(%run_scoped3A : memref<!tpu.dma_semaphore, #tpu.memory_space<semaphore_mem>>)
      %dma_wait3A_153 = arith.constant 240 : i32
      %dma_wait3A_154 = arith.constant 0 : i32
      %dma_wait3A_155 = tpu.memref_slice %arg3[%arg1, %dma_wait3A_153, %dma_wait3A_154] : memref<16x320x64xi32, #tpu.memory_space<hbm>> -> memref<1x80x64xi32, #tpu.memory_space<hbm>>
      %dma_wait3A_156 = tpu.memref_squeeze %dma_wait3A_155 : memref<1x80x64xi32, #tpu.memory_space<hbm>> -> memref<80x64xi32, #tpu.memory_space<hbm>>
      %dma_wait3A_157 = arith.constant 240 : i32
      %dma_wait3A_158 = arith.constant 0 : i32
      %dma_wait3A_159 = tpu.memref_slice %arg3[%arg1, %dma_wait3A_157, %dma_wait3A_158] : memref<16x320x64xi32, #tpu.memory_space<hbm>> -> memref<1x80x64xi32, #tpu.memory_space<hbm>>
      %dma_wait3A_160 = tpu.memref_squeeze %dma_wait3A_159 : memref<1x80x64xi32, #tpu.memory_space<hbm>> -> memref<80x64xi32, #tpu.memory_space<hbm>>
      tpu.wait_dma2 semaphore(%run_scoped3A : memref<!tpu.dma_semaphore, #tpu.memory_space<semaphore_mem>>) src(%dma_wait3A_160 : memref<80x64xi32, #tpu.memory_space<hbm>>) dst(%arg8 : memref<80x64xi32, #tpu.memory_space<vmem>>)
      tpu.yield
    }) : () -> ()
    "tpu.region"() ({
      %run_scoped3A = tpu.sem_alloc : memref<!tpu.dma_semaphore, #tpu.memory_space<semaphore_mem>>
      %dma_start3A_145 = arith.constant 240 : i32
      %dma_start3A_146 = arith.constant 0 : i32
      %dma_start3A_147 = tpu.memref_slice %arg4[%arg1, %dma_start3A_145, %dma_start3A_146] : memref<16x320x64xi32, #tpu.memory_space<hbm>> -> memref<1x80x64xi32, #tpu.memory_space<hbm>>
      %dma_start3A_148 = tpu.memref_squeeze %dma_start3A_147 : memref<1x80x64xi32, #tpu.memory_space<hbm>> -> memref<80x64xi32, #tpu.memory_space<hbm>>
      %dma_start3A_149 = arith.constant 240 : i32
      %dma_start3A_150 = arith.constant 0 : i32
      %dma_start3A_151 = tpu.memref_slice %arg4[%arg1, %dma_start3A_149, %dma_start3A_150] : memref<16x320x64xi32, #tpu.memory_space<hbm>> -> memref<1x80x64xi32, #tpu.memory_space<hbm>>
      %dma_start3A_152 = tpu.memref_squeeze %dma_start3A_151 : memref<1x80x64xi32, #tpu.memory_space<hbm>> -> memref<80x64xi32, #tpu.memory_space<hbm>>
      tpu.enqueue_dma source(%dma_start3A_152 : memref<80x64xi32, #tpu.memory_space<hbm>>) target(%arg9 : memref<80x64xi32, #tpu.memory_space<vmem>>) target_semaphore(%run_scoped3A : memref<!tpu.dma_semaphore, #tpu.memory_space<semaphore_mem>>)
      %dma_wait3A_153 = arith.constant 240 : i32
      %dma_wait3A_154 = arith.constant 0 : i32
      %dma_wait3A_155 = tpu.memref_slice %arg4[%arg1, %dma_wait3A_153, %dma_wait3A_154] : memref<16x320x64xi32, #tpu.memory_space<hbm>> -> memref<1x80x64xi32, #tpu.memory_space<hbm>>
      %dma_wait3A_156 = tpu.memref_squeeze %dma_wait3A_155 : memref<1x80x64xi32, #tpu.memory_space<hbm>> -> memref<80x64xi32, #tpu.memory_space<hbm>>
      %dma_wait3A_157 = arith.constant 240 : i32
      %dma_wait3A_158 = arith.constant 0 : i32
      %dma_wait3A_159 = tpu.memref_slice %arg4[%arg1, %dma_wait3A_157, %dma_wait3A_158] : memref<16x320x64xi32, #tpu.memory_space<hbm>> -> memref<1x80x64xi32, #tpu.memory_space<hbm>>
      %dma_wait3A_160 = tpu.memref_squeeze %dma_wait3A_159 : memref<1x80x64xi32, #tpu.memory_space<hbm>> -> memref<80x64xi32, #tpu.memory_space<hbm>>
      tpu.wait_dma2 semaphore(%run_scoped3A : memref<!tpu.dma_semaphore, #tpu.memory_space<semaphore_mem>>) src(%dma_wait3A_160 : memref<80x64xi32, #tpu.memory_space<hbm>>) dst(%arg9 : memref<80x64xi32, #tpu.memory_space<vmem>>)
      tpu.yield
    }) : () -> ()
    %dma_start3A_106 = arith.constant 0 : i32
    %dma_start3A_107 = arith.constant 0 : i32
    %dma_start3A_108 = tpu.memref_slice %arg8[%dma_start3A_106, %dma_start3A_107] : memref<80x64xi32, #tpu.memory_space<vmem>> -> memref<1x64xi32, #tpu.memory_space<vmem>>
    %dma_start3A_109 = tpu.memref_squeeze %dma_start3A_108 : memref<1x64xi32, #tpu.memory_space<vmem>> -> memref<64xi32, #tpu.memory_space<vmem>>
    %dma_start3A_110 = arith.constant 0 : i32
    %dma_start3A_111 = arith.constant 0 : i32
    %dma_start3A_112 = tpu.memref_slice %arg6[%dma_start3A_110, %dma_start3A_111] : memref<10240x64xf32, #tpu.memory_space<vmem_shared>> -> memref<10240x64xf32, #tpu.memory_space<vmem_shared>>
    tpu.enqueue_indirect_dma source(%dma_start3A_112 : memref<10240x64xf32, #tpu.memory_space<vmem_shared>>) target(%arg10 : memref<64x64xf32, #tpu.memory_space<vmem>>) offsets(%dma_start3A_109 : memref<64xi32, #tpu.memory_space<vmem>>) semaphore(%arg12 : memref<!tpu.dma_semaphore, #tpu.memory_space<semaphore_mem>>)
    %dma_start3A_113 = arith.constant 1 : i32
    %dma_start3A_114 = arith.constant 0 : i32
    %dma_start3A_115 = tpu.memref_slice %arg8[%dma_start3A_113, %dma_start3A_114] : memref<80x64xi32, #tpu.memory_space<vmem>> -> memref<1x64xi32, #tpu.memory_space<vmem>>
    %dma_start3A_116 = tpu.memref_squeeze %dma_start3A_115 : memref<1x64xi32, #tpu.memory_space<vmem>> -> memref<64xi32, #tpu.memory_space<vmem>>
    %dma_start3A_117 = arith.constant 0 : i32
    %dma_start3A_118 = arith.constant 0 : i32
    %dma_start3A_119 = tpu.memref_slice %arg6[%dma_start3A_117, %dma_start3A_118] : memref<10240x64xf32, #tpu.memory_space<vmem_shared>> -> memref<10240x64xf32, #tpu.memory_space<vmem_shared>>
    tpu.enqueue_indirect_dma source(%dma_start3A_119 : memref<10240x64xf32, #tpu.memory_space<vmem_shared>>) target(%arg11 : memref<64x64xf32, #tpu.memory_space<vmem>>) offsets(%dma_start3A_116 : memref<64xi32, #tpu.memory_space<vmem>>) semaphore(%arg13 : memref<!tpu.dma_semaphore, #tpu.memory_space<semaphore_mem>>)
    %scan3A_120 = arith.constant 0 : i32
    %scan3A_121 = arith.constant 40 : i32
    %scan3A_122 = arith.addi %scan3A_120, %scan3A_121 : i32
    %scan3A_123 = arith.constant 1 : i32
    scf.for %scan3A_145 = %scan3A_120 to %scan3A_122 step %scan3A_123  : i32 {
      %mul3A = arith.constant 2 : i32
      %mul3A_146 = arith.muli %scan3A_145, %mul3A : i32
      %add3A = arith.constant 0 : i32
      %add3A_147 = arith.addi %add3A, %mul3A_146 : i32
      %dma_wait3A_148 = arith.constant 0 : i32
      %dma_wait3A_149 = arith.constant 0 : i32
      %dma_wait3A_150 = tpu.memref_slice %arg8[%dma_wait3A_148, %dma_wait3A_149] : memref<80x64xi32, #tpu.memory_space<vmem>> -> memref<1x64xi32, #tpu.memory_space<vmem>>
      %dma_wait3A_151 = tpu.memref_squeeze %dma_wait3A_150 : memref<1x64xi32, #tpu.memory_space<vmem>> -> memref<64xi32, #tpu.memory_space<vmem>>
      %dma_wait3A_152 = arith.constant 0 : i32
      %dma_wait3A_153 = arith.constant 0 : i32
      %dma_wait3A_154 = tpu.memref_slice %arg6[%dma_wait3A_152, %dma_wait3A_153] : memref<10240x64xf32, #tpu.memory_space<vmem_shared>> -> memref<10240x64xf32, #tpu.memory_space<vmem_shared>>
      tpu.wait_indirect_dma semaphore(%arg12 : memref<!tpu.dma_semaphore, #tpu.memory_space<semaphore_mem>>) src(%dma_wait3A_154 : memref<10240x64xf32, #tpu.memory_space<vmem_shared>>) dst(%arg10 : memref<64x64xf32, #tpu.memory_space<vmem>>)
      %add3A_155 = arith.constant 0 : i32
      %add3A_156 = arith.addi %add3A_147, %add3A_155 : i32
      %dma_start3A_157 = arith.constant 0 : i32
      %dma_start3A_158 = tpu.memref_slice %arg9[%add3A_156, %dma_start3A_157] : memref<80x64xi32, #tpu.memory_space<vmem>> -> memref<1x64xi32, #tpu.memory_space<vmem>>
      %dma_start3A_159 = tpu.memref_squeeze %dma_start3A_158 : memref<1x64xi32, #tpu.memory_space<vmem>> -> memref<64xi32, #tpu.memory_space<vmem>>
      %dma_start3A_160 = arith.constant 0 : i32
      %dma_start3A_161 = arith.constant 0 : i32
      %dma_start3A_162 = tpu.memref_slice %arg7[%dma_start3A_160, %dma_start3A_161] : memref<10240x64xf32, #tpu.memory_space<vmem_shared>> -> memref<10240x64xf32, #tpu.memory_space<vmem_shared>>
      tpu.enqueue_indirect_dma source(%arg10 : memref<64x64xf32, #tpu.memory_space<vmem>>) target(%dma_start3A_162 : memref<10240x64xf32, #tpu.memory_space<vmem_shared>>) offsets(%dma_start3A_159 : memref<64xi32, #tpu.memory_space<vmem>>) semaphore(%arg14 : memref<!tpu.dma_semaphore, #tpu.memory_space<semaphore_mem>>) {add = true}
      %add3A_163 = arith.constant 0 : i32
      %add3A_164 = arith.addi %add3A_147, %add3A_163 : i32
      %add3A_165 = arith.constant 2 : i32
      %add3A_166 = arith.addi %add3A_164, %add3A_165 : i32
      %lt3A = arith.constant 80 : i32
      %lt3A_167 = arith.cmpi slt, %add3A_166, %lt3A : i32
      %convert_element_type3A = arith.extui %lt3A_167 : i1 to i32
      %cond3A = arith.constant 0 : i32
      %cond3A_168 = arith.cmpi ne, %convert_element_type3A, %cond3A : i32
      scf.if %cond3A_168 {
        %dma_wait3A_193 = arith.constant 0 : i32
        %dma_wait3A_194 = arith.constant 0 : i32
        %dma_wait3A_195 = tpu.memref_slice %arg9[%dma_wait3A_193, %dma_wait3A_194] : memref<80x64xi32, #tpu.memory_space<vmem>> -> memref<1x64xi32, #tpu.memory_space<vmem>>
        %dma_wait3A_196 = tpu.memref_squeeze %dma_wait3A_195 : memref<1x64xi32, #tpu.memory_space<vmem>> -> memref<64xi32, #tpu.memory_space<vmem>>
        %dma_wait3A_197 = arith.constant 0 : i32
        %dma_wait3A_198 = arith.constant 0 : i32
        %dma_wait3A_199 = tpu.memref_slice %arg7[%dma_wait3A_197, %dma_wait3A_198] : memref<10240x64xf32, #tpu.memory_space<vmem_shared>> -> memref<10240x64xf32, #tpu.memory_space<vmem_shared>>
        tpu.wait_indirect_dma semaphore(%arg14 : memref<!tpu.dma_semaphore, #tpu.memory_space<semaphore_mem>>) src(%arg10 : memref<64x64xf32, #tpu.memory_space<vmem>>) dst(%dma_wait3A_199 : memref<10240x64xf32, #tpu.memory_space<vmem_shared>>)
        %add3A_200 = arith.constant 0 : i32
        %add3A_201 = arith.addi %add3A_147, %add3A_200 : i32
        %add3A_202 = arith.constant 2 : i32
        %add3A_203 = arith.addi %add3A_201, %add3A_202 : i32
        %dma_start3A_204 = arith.constant 0 : i32
        %dma_start3A_205 = tpu.memref_slice %arg8[%add3A_203, %dma_start3A_204] : memref<80x64xi32, #tpu.memory_space<vmem>> -> memref<1x64xi32, #tpu.memory_space<vmem>>
        %dma_start3A_206 = tpu.memref_squeeze %dma_start3A_205 : memref<1x64xi32, #tpu.memory_space<vmem>> -> memref<64xi32, #tpu.memory_space<vmem>>
        %dma_start3A_207 = arith.constant 0 : i32
        %dma_start3A_208 = arith.constant 0 : i32
        %dma_start3A_209 = tpu.memref_slice %arg6[%dma_start3A_207, %dma_start3A_208] : memref<10240x64xf32, #tpu.memory_space<vmem_shared>> -> memref<10240x64xf32, #tpu.memory_space<vmem_shared>>
        tpu.enqueue_indirect_dma source(%dma_start3A_209 : memref<10240x64xf32, #tpu.memory_space<vmem_shared>>) target(%arg10 : memref<64x64xf32, #tpu.memory_space<vmem>>) offsets(%dma_start3A_206 : memref<64xi32, #tpu.memory_space<vmem>>) semaphore(%arg12 : memref<!tpu.dma_semaphore, #tpu.memory_space<semaphore_mem>>)
      } else {
      }
      %dma_wait3A_169 = arith.constant 0 : i32
      %dma_wait3A_170 = arith.constant 0 : i32
      %dma_wait3A_171 = tpu.memref_slice %arg8[%dma_wait3A_169, %dma_wait3A_170] : memref<80x64xi32, #tpu.memory_space<vmem>> -> memref<1x64xi32, #tpu.memory_space<vmem>>
      %dma_wait3A_172 = tpu.memref_squeeze %dma_wait3A_171 : memref<1x64xi32, #tpu.memory_space<vmem>> -> memref<64xi32, #tpu.memory_space<vmem>>
      %dma_wait3A_173 = arith.constant 0 : i32
      %dma_wait3A_174 = arith.constant 0 : i32
      %dma_wait3A_175 = tpu.memref_slice %arg6[%dma_wait3A_173, %dma_wait3A_174] : memref<10240x64xf32, #tpu.memory_space<vmem_shared>> -> memref<10240x64xf32, #tpu.memory_space<vmem_shared>>
      tpu.wait_indirect_dma semaphore(%arg13 : memref<!tpu.dma_semaphore, #tpu.memory_space<semaphore_mem>>) src(%dma_wait3A_175 : memref<10240x64xf32, #tpu.memory_space<vmem_shared>>) dst(%arg11 : memref<64x64xf32, #tpu.memory_space<vmem>>)
      %add3A_176 = arith.constant 1 : i32
      %add3A_177 = arith.addi %add3A_147, %add3A_176 : i32
      %dma_start3A_178 = arith.constant 0 : i32
      %dma_start3A_179 = tpu.memref_slice %arg9[%add3A_177, %dma_start3A_178] : memref<80x64xi32, #tpu.memory_space<vmem>> -> memref<1x64xi32, #tpu.memory_space<vmem>>
      %dma_start3A_180 = tpu.memref_squeeze %dma_start3A_179 : memref<1x64xi32, #tpu.memory_space<vmem>> -> memref<64xi32, #tpu.memory_space<vmem>>
      %dma_start3A_181 = arith.constant 0 : i32
      %dma_start3A_182 = arith.constant 0 : i32
      %dma_start3A_183 = tpu.memref_slice %arg7[%dma_start3A_181, %dma_start3A_182] : memref<10240x64xf32, #tpu.memory_space<vmem_shared>> -> memref<10240x64xf32, #tpu.memory_space<vmem_shared>>
      tpu.enqueue_indirect_dma source(%arg11 : memref<64x64xf32, #tpu.memory_space<vmem>>) target(%dma_start3A_183 : memref<10240x64xf32, #tpu.memory_space<vmem_shared>>) offsets(%dma_start3A_180 : memref<64xi32, #tpu.memory_space<vmem>>) semaphore(%arg15 : memref<!tpu.dma_semaphore, #tpu.memory_space<semaphore_mem>>) {add = true}
      %add3A_184 = arith.constant 1 : i32
      %add3A_185 = arith.addi %add3A_147, %add3A_184 : i32
      %add3A_186 = arith.constant 2 : i32
      %add3A_187 = arith.addi %add3A_185, %add3A_186 : i32
      %lt3A_188 = arith.constant 80 : i32
      %lt3A_189 = arith.cmpi slt, %add3A_187, %lt3A_188 : i32
      %convert_element_type3A_190 = arith.extui %lt3A_189 : i1 to i32
      %cond3A_191 = arith.constant 0 : i32
      %cond3A_192 = arith.cmpi ne, %convert_element_type3A_190, %cond3A_191 : i32
      scf.if %cond3A_192 {
        %dma_wait3A_193 = arith.constant 0 : i32
        %dma_wait3A_194 = arith.constant 0 : i32
        %dma_wait3A_195 = tpu.memref_slice %arg9[%dma_wait3A_193, %dma_wait3A_194] : memref<80x64xi32, #tpu.memory_space<vmem>> -> memref<1x64xi32, #tpu.memory_space<vmem>>
        %dma_wait3A_196 = tpu.memref_squeeze %dma_wait3A_195 : memref<1x64xi32, #tpu.memory_space<vmem>> -> memref<64xi32, #tpu.memory_space<vmem>>
        %dma_wait3A_197 = arith.constant 0 : i32
        %dma_wait3A_198 = arith.constant 0 : i32
        %dma_wait3A_199 = tpu.memref_slice %arg7[%dma_wait3A_197, %dma_wait3A_198] : memref<10240x64xf32, #tpu.memory_space<vmem_shared>> -> memref<10240x64xf32, #tpu.memory_space<vmem_shared>>
        tpu.wait_indirect_dma semaphore(%arg15 : memref<!tpu.dma_semaphore, #tpu.memory_space<semaphore_mem>>) src(%arg11 : memref<64x64xf32, #tpu.memory_space<vmem>>) dst(%dma_wait3A_199 : memref<10240x64xf32, #tpu.memory_space<vmem_shared>>)
        %add3A_200 = arith.constant 1 : i32
        %add3A_201 = arith.addi %add3A_147, %add3A_200 : i32
        %add3A_202 = arith.constant 2 : i32
        %add3A_203 = arith.addi %add3A_201, %add3A_202 : i32
        %dma_start3A_204 = arith.constant 0 : i32
        %dma_start3A_205 = tpu.memref_slice %arg8[%add3A_203, %dma_start3A_204] : memref<80x64xi32, #tpu.memory_space<vmem>> -> memref<1x64xi32, #tpu.memory_space<vmem>>
        %dma_start3A_206 = tpu.memref_squeeze %dma_start3A_205 : memref<1x64xi32, #tpu.memory_space<vmem>> -> memref<64xi32, #tpu.memory_space<vmem>>
        %dma_start3A_207 = arith.constant 0 : i32
        %dma_start3A_208 = arith.constant 0 : i32
        %dma_start3A_209 = tpu.memref_slice %arg6[%dma_start3A_207, %dma_start3A_208] : memref<10240x64xf32, #tpu.memory_space<vmem_shared>> -> memref<10240x64xf32, #tpu.memory_space<vmem_shared>>
        tpu.enqueue_indirect_dma source(%dma_start3A_209 : memref<10240x64xf32, #tpu.memory_space<vmem_shared>>) target(%arg11 : memref<64x64xf32, #tpu.memory_space<vmem>>) offsets(%dma_start3A_206 : memref<64xi32, #tpu.memory_space<vmem>>) semaphore(%arg13 : memref<!tpu.dma_semaphore, #tpu.memory_space<semaphore_mem>>)
      } else {
      }
    }
    %scan3A_124 = arith.constant 40 : i32
    %dma_wait3A_125 = arith.constant 0 : i32
    %dma_wait3A_126 = arith.constant 0 : i32
    %dma_wait3A_127 = tpu.memref_slice %arg9[%dma_wait3A_125, %dma_wait3A_126] : memref<80x64xi32, #tpu.memory_space<vmem>> -> memref<1x64xi32, #tpu.memory_space<vmem>>
    %dma_wait3A_128 = tpu.memref_squeeze %dma_wait3A_127 : memref<1x64xi32, #tpu.memory_space<vmem>> -> memref<64xi32, #tpu.memory_space<vmem>>
    %dma_wait3A_129 = arith.constant 0 : i32
    %dma_wait3A_130 = arith.constant 0 : i32
    %dma_wait3A_131 = tpu.memref_slice %arg7[%dma_wait3A_129, %dma_wait3A_130] : memref<10240x64xf32, #tpu.memory_space<vmem_shared>> -> memref<10240x64xf32, #tpu.memory_space<vmem_shared>>
    tpu.wait_indirect_dma semaphore(%arg14 : memref<!tpu.dma_semaphore, #tpu.memory_space<semaphore_mem>>) src(%arg10 : memref<64x64xf32, #tpu.memory_space<vmem>>) dst(%dma_wait3A_131 : memref<10240x64xf32, #tpu.memory_space<vmem_shared>>)
    %dma_wait3A_132 = arith.constant 0 : i32
    %dma_wait3A_133 = arith.constant 0 : i32
    %dma_wait3A_134 = tpu.memref_slice %arg9[%dma_wait3A_132, %dma_wait3A_133] : memref<80x64xi32, #tpu.memory_space<vmem>> -> memref<1x64xi32, #tpu.memory_space<vmem>>
    %dma_wait3A_135 = tpu.memref_squeeze %dma_wait3A_134 : memref<1x64xi32, #tpu.memory_space<vmem>> -> memref<64xi32, #tpu.memory_space<vmem>>
    %dma_wait3A_136 = arith.constant 0 : i32
    %dma_wait3A_137 = arith.constant 0 : i32
    %dma_wait3A_138 = tpu.memref_slice %arg7[%dma_wait3A_136, %dma_wait3A_137] : memref<10240x64xf32, #tpu.memory_space<vmem_shared>> -> memref<10240x64xf32, #tpu.memory_space<vmem_shared>>
    tpu.wait_indirect_dma semaphore(%arg15 : memref<!tpu.dma_semaphore, #tpu.memory_space<semaphore_mem>>) src(%arg11 : memref<64x64xf32, #tpu.memory_space<vmem>>) dst(%dma_wait3A_138 : memref<10240x64xf32, #tpu.memory_space<vmem_shared>>)
    %barrier3A_139 = arith.constant 0 : index
    tpu.barrier barrier_id(%barrier3A_139)
    %scan3A_140 = arith.constant 0 : i32
    %scan3A_141 = arith.constant 10 : i32
    %scan3A_142 = arith.addi %scan3A_140, %scan3A_141 : i32
    %scan3A_143 = arith.constant 1 : i32
    scf.for %scan3A_145 = %scan3A_140 to %scan3A_142 step %scan3A_143  : i32 {
      %mul3A = arith.constant 1 : i32
      %mul3A_146 = arith.muli %scan3A_145, %mul3A : i32
      %add3A = arith.constant 0 : i32
      %add3A_147 = arith.addi %add3A, %mul3A_146 : i32
      %mul3A_148 = arith.constant 640 : i32
      %mul3A_149 = arith.muli %arg1, %mul3A_148 : i32
      %mul3A_150 = arith.constant 64 : i32
      %mul3A_151 = arith.muli %add3A_147, %mul3A_150 : i32
      %add3A_152 = arith.addi %mul3A_149, %mul3A_151 : i32
      "tpu.region"() ({
        %run_scoped3A = tpu.sem_alloc : memref<!tpu.dma_semaphore, #tpu.memory_space<semaphore_mem>>
        %dma_start3A_160 = arith.constant 0 : i32
        %dma_start3A_161 = tpu.memref_slice %arg7[%add3A_152, %dma_start3A_160] : memref<10240x64xf32, #tpu.memory_space<vmem_shared>> -> memref<64x64xf32, #tpu.memory_space<vmem_shared>>
        %dma_start3A_162 = arith.constant 0 : i32
        %dma_start3A_163 = tpu.memref_slice %arg7[%add3A_152, %dma_start3A_162] : memref<10240x64xf32, #tpu.memory_space<vmem_shared>> -> memref<64x64xf32, #tpu.memory_space<vmem_shared>>
        tpu.enqueue_dma source(%dma_start3A_163 : memref<64x64xf32, #tpu.memory_space<vmem_shared>>) target(%arg10 : memref<64x64xf32, #tpu.memory_space<vmem>>) target_semaphore(%run_scoped3A : memref<!tpu.dma_semaphore, #tpu.memory_space<semaphore_mem>>)
        %dma_wait3A_164 = arith.constant 0 : i32
        %dma_wait3A_165 = tpu.memref_slice %arg7[%add3A_152, %dma_wait3A_164] : memref<10240x64xf32, #tpu.memory_space<vmem_shared>> -> memref<64x64xf32, #tpu.memory_space<vmem_shared>>
        %dma_wait3A_166 = arith.constant 0 : i32
        %dma_wait3A_167 = tpu.memref_slice %arg7[%add3A_152, %dma_wait3A_166] : memref<10240x64xf32, #tpu.memory_space<vmem_shared>> -> memref<64x64xf32, #tpu.memory_space<vmem_shared>>
        tpu.wait_dma2 semaphore(%run_scoped3A : memref<!tpu.dma_semaphore, #tpu.memory_space<semaphore_mem>>) src(%dma_wait3A_167 : memref<64x64xf32, #tpu.memory_space<vmem_shared>>) dst(%arg10 : memref<64x64xf32, #tpu.memory_space<vmem>>)
        tpu.yield
      }) : () -> ()
      %mul3A_153 = arith.constant 640 : i32
      %mul3A_154 = arith.muli %arg1, %mul3A_153 : i32
      %mul3A_155 = arith.constant 64 : i32
      %mul3A_156 = arith.muli %add3A_147, %mul3A_155 : i32
      %add3A_157 = arith.addi %mul3A_154, %mul3A_156 : i32
      %mul3A_158 = arith.constant 64 : i32
      %mul3A_159 = arith.muli %arg0, %mul3A_158 : i32
      "tpu.region"() ({
        %run_scoped3A = tpu.sem_alloc : memref<!tpu.dma_semaphore, #tpu.memory_space<semaphore_mem>>
        %dma_start3A_160 = tpu.memref_slice %arg5[%add3A_157, %mul3A_159] : memref<10240x128xf32, #tpu.memory_space<hbm>> -> memref<64x64xf32, #tpu.memory_space<hbm>>
        %dma_start3A_161 = tpu.memref_slice %arg5[%add3A_157, %mul3A_159] : memref<10240x128xf32, #tpu.memory_space<hbm>> -> memref<64x64xf32, #tpu.memory_space<hbm>>
        tpu.enqueue_dma source(%arg10 : memref<64x64xf32, #tpu.memory_space<vmem>>) target(%dma_start3A_161 : memref<64x64xf32, #tpu.memory_space<hbm>>) target_semaphore(%run_scoped3A : memref<!tpu.dma_semaphore, #tpu.memory_space<semaphore_mem>>)
        %dma_wait3A_162 = tpu.memref_slice %arg5[%add3A_157, %mul3A_159] : memref<10240x128xf32, #tpu.memory_space<hbm>> -> memref<64x64xf32, #tpu.memory_space<hbm>>
        %dma_wait3A_163 = tpu.memref_slice %arg5[%add3A_157, %mul3A_159] : memref<10240x128xf32, #tpu.memory_space<hbm>> -> memref<64x64xf32, #tpu.memory_space<hbm>>
        tpu.wait_dma2 semaphore(%run_scoped3A : memref<!tpu.dma_semaphore, #tpu.memory_space<semaphore_mem>>) src(%arg10 : memref<64x64xf32, #tpu.memory_space<vmem>>) dst(%dma_wait3A_163 : memref<64x64xf32, #tpu.memory_space<hbm>>)
        tpu.yield
      }) : () -> ()
    }
    %scan3A_144 = arith.constant 10 : i32
    return
  }
}

#map = affine_map<(d0, d1) -> (0, 0)>
#map1 = affine_map<(d0, d1) -> (0, 0, 0)>
module attributes {stable_mosaic.version = 14 : i64} {
  func.func @_agg_body(%arg0: i32, %arg1: i32, %arg2: memref<10240x128xf32, #tpu.memory_space<hbm>>, %arg3: memref<16x320x64xi32, #tpu.memory_space<hbm>>, %arg4: memref<16x320x64xi32, #tpu.memory_space<hbm>>, %arg5: memref<10240x128xf32, #tpu.memory_space<hbm>>, %arg6: memref<10240x64xf32, #tpu.memory_space<vmem_shared>>, %arg7: memref<10240x64xf32, #tpu.memory_space<vmem_shared>>, %arg8: memref<80x64xi32, #tpu.memory_space<vmem>>, %arg9: memref<80x64xi32, #tpu.memory_space<vmem>>, %arg10: memref<64x64xf32, #tpu.memory_space<vmem>>, %arg11: memref<64x64xf32, #tpu.memory_space<vmem>>, %arg12: memref<!tpu.dma_semaphore, #tpu.memory_space<semaphore_mem>>, %arg13: memref<!tpu.dma_semaphore, #tpu.memory_space<semaphore_mem>>, %arg14: memref<!tpu.dma_semaphore, #tpu.memory_space<semaphore_mem>>, %arg15: memref<!tpu.dma_semaphore, #tpu.memory_space<semaphore_mem>>) attributes {dimension_semantics = [#tpu.dimension_semantics<core_parallel>, #tpu.dimension_semantics<subcore_parallel>], iteration_bounds = array<i64: 2, 16>, scalar_prefetch = 0 : i64, scratch_operands = 10 : i64, tpu.core_type = #tpu.core_type<sc_vector_subcore>, window_params = [{transform_indices = #map}, {transform_indices = #map1}, {transform_indices = #map1}, {transform_indices = #map}]} {
    %scan3A = arith.constant 0 : i32
    %scan3A_0 = arith.constant 64 : i32
    %scan3A_1 = arith.addi %scan3A, %scan3A_0 : i32
    %scan3A_2 = arith.constant 1 : i32
    scf.for %scan3A_145 = %scan3A to %scan3A_1 step %scan3A_2  : i32 {
      %mul3A = arith.constant 1 : i32
      %mul3A_146 = arith.muli %scan3A_145, %mul3A : i32
      %add3A = arith.constant 0 : i32
      %add3A_147 = arith.addi %add3A, %mul3A_146 : i32
      %scan3A_148 = arith.constant 0 : i32
      %scan3A_149 = arith.constant 4 : i32
      %scan3A_150 = arith.addi %scan3A_148, %scan3A_149 : i32
      %scan3A_151 = arith.constant 1 : i32
      scf.for %scan3A_153 = %scan3A_148 to %scan3A_150 step %scan3A_151  : i32 {
        %mul3A_154 = arith.constant 1 : i32
        %mul3A_155 = arith.muli %scan3A_153, %mul3A_154 : i32
        %add3A_156 = arith.constant 0 : i32
        %add3A_157 = arith.addi %add3A_156, %mul3A_155 : i32
        %broadcast_in_dim3A = arith.constant 0.000000e+00 : f32
        %broadcast_in_dim3A_158 = vector.broadcast %broadcast_in_dim3A : f32 to vector<16xf32>
        %mul3A_159 = arith.constant 16 : i32
        %mul3A_160 = arith.muli %add3A_157, %mul3A_159 : i32
        %swap3A = arith.index_cast %add3A_147 : i32 to index
        %swap3A_161 = arith.index_cast %mul3A_160 : i32 to index
        %swap3A_162 = tpu.vector_load %arg10[%swap3A, %swap3A_161] {strides = array<i32>} : memref<64x64xf32, #tpu.memory_space<vmem>>, vector<1x16xf32>,
        %swap3A_163 = vector.shape_cast %swap3A_162 : vector<1x16xf32> to vector<16xf32>
        %swap3A_164 = vector.shape_cast %broadcast_in_dim3A_158 : vector<16xf32> to vector<1x16xf32>
        tpu.vector_store %arg10[%swap3A, %swap3A_161], %swap3A_164 {strides = array<i32>} : memref<64x64xf32, #tpu.memory_space<vmem>>, vector<1x16xf32>,
      }
      %scan3A_152 = arith.constant 4 : i32
    }
    %scan3A_3 = arith.constant 64 : i32
    %scan3A_4 = arith.constant 0 : i32
    %scan3A_5 = arith.constant 10 : i32
    %scan3A_6 = arith.addi %scan3A_4, %scan3A_5 : i32
    %scan3A_7 = arith.constant 1 : i32
    scf.for %scan3A_145 = %scan3A_4 to %scan3A_6 step %scan3A_7  : i32 {
      %mul3A = arith.constant 1 : i32
      %mul3A_146 = arith.muli %scan3A_145, %mul3A : i32
      %add3A = arith.constant 0 : i32
      %add3A_147 = arith.addi %add3A, %mul3A_146 : i32
      %mul3A_148 = arith.constant 640 : i32
      %mul3A_149 = arith.muli %arg1, %mul3A_148 : i32
      %mul3A_150 = arith.constant 64 : i32
      %mul3A_151 = arith.muli %add3A_147, %mul3A_150 : i32
      %add3A_152 = arith.addi %mul3A_149, %mul3A_151 : i32
      "tpu.region"() ({
        %run_scoped3A = tpu.sem_alloc : memref<!tpu.dma_semaphore, #tpu.memory_space<semaphore_mem>>
        %dma_start3A_165 = arith.constant 0 : i32
        %dma_start3A_166 = tpu.memref_slice %arg7[%add3A_152, %dma_start3A_165] : memref<10240x64xf32, #tpu.memory_space<vmem_shared>> -> memref<64x64xf32, #tpu.memory_space<vmem_shared>>
        %dma_start3A_167 = arith.constant 0 : i32
        %dma_start3A_168 = tpu.memref_slice %arg7[%add3A_152, %dma_start3A_167] : memref<10240x64xf32, #tpu.memory_space<vmem_shared>> -> memref<64x64xf32, #tpu.memory_space<vmem_shared>>
        tpu.enqueue_dma source(%arg10 : memref<64x64xf32, #tpu.memory_space<vmem>>) target(%dma_start3A_168 : memref<64x64xf32, #tpu.memory_space<vmem_shared>>) target_semaphore(%run_scoped3A : memref<!tpu.dma_semaphore, #tpu.memory_space<semaphore_mem>>)
        %dma_wait3A_169 = arith.constant 0 : i32
        %dma_wait3A_170 = tpu.memref_slice %arg7[%add3A_152, %dma_wait3A_169] : memref<10240x64xf32, #tpu.memory_space<vmem_shared>> -> memref<64x64xf32, #tpu.memory_space<vmem_shared>>
        %dma_wait3A_171 = arith.constant 0 : i32
        %dma_wait3A_172 = tpu.memref_slice %arg7[%add3A_152, %dma_wait3A_171] : memref<10240x64xf32, #tpu.memory_space<vmem_shared>> -> memref<64x64xf32, #tpu.memory_space<vmem_shared>>
        tpu.wait_dma2 semaphore(%run_scoped3A : memref<!tpu.dma_semaphore, #tpu.memory_space<semaphore_mem>>) src(%arg10 : memref<64x64xf32, #tpu.memory_space<vmem>>) dst(%dma_wait3A_172 : memref<64x64xf32, #tpu.memory_space<vmem_shared>>)
        tpu.yield
      }) : () -> ()
      %mul3A_153 = arith.constant 640 : i32
      %mul3A_154 = arith.muli %arg1, %mul3A_153 : i32
      %mul3A_155 = arith.constant 64 : i32
      %mul3A_156 = arith.muli %add3A_147, %mul3A_155 : i32
      %add3A_157 = arith.addi %mul3A_154, %mul3A_156 : i32
      %mul3A_158 = arith.constant 64 : i32
      %mul3A_159 = arith.muli %arg0, %mul3A_158 : i32
      %mul3A_160 = arith.constant 640 : i32
      %mul3A_161 = arith.muli %arg1, %mul3A_160 : i32
      %mul3A_162 = arith.constant 64 : i32
      %mul3A_163 = arith.muli %add3A_147, %mul3A_162 : i32
      %add3A_164 = arith.addi %mul3A_161, %mul3A_163 : i32
      "tpu.region"() ({
        %run_scoped3A = tpu.sem_alloc : memref<!tpu.dma_semaphore, #tpu.memory_space<semaphore_mem>>
        %dma_start3A_165 = arith.constant 0 : i32
        %dma_start3A_166 = tpu.memref_slice %arg6[%add3A_164, %dma_start3A_165] : memref<10240x64xf32, #tpu.memory_space<vmem_shared>> -> memref<64x64xf32, #tpu.memory_space<vmem_shared>>
        %dma_start3A_167 = tpu.memref_slice %arg2[%add3A_157, %mul3A_159] : memref<10240x128xf32, #tpu.memory_space<hbm>> -> memref<64x64xf32, #tpu.memory_space<hbm>>
        tpu.enqueue_dma source(%dma_start3A_167 : memref<64x64xf32, #tpu.memory_space<hbm>>) target(%dma_start3A_166 : memref<64x64xf32, #tpu.memory_space<vmem_shared>>) target_semaphore(%run_scoped3A : memref<!tpu.dma_semaphore, #tpu.memory_space<semaphore_mem>>)
        %dma_wait3A_168 = arith.constant 0 : i32
        %dma_wait3A_169 = tpu.memref_slice %arg6[%add3A_164, %dma_wait3A_168] : memref<10240x64xf32, #tpu.memory_space<vmem_shared>> -> memref<64x64xf32, #tpu.memory_space<vmem_shared>>
        %dma_wait3A_170 = tpu.memref_slice %arg2[%add3A_157, %mul3A_159] : memref<10240x128xf32, #tpu.memory_space<hbm>> -> memref<64x64xf32, #tpu.memory_space<hbm>>
        tpu.wait_dma2 semaphore(%run_scoped3A : memref<!tpu.dma_semaphore, #tpu.memory_space<semaphore_mem>>) src(%dma_wait3A_170 : memref<64x64xf32, #tpu.memory_space<hbm>>) dst(%dma_wait3A_169 : memref<64x64xf32, #tpu.memory_space<vmem_shared>>)
        tpu.yield
      }) : () -> ()
    }
    %scan3A_8 = arith.constant 10 : i32
    %barrier3A = arith.constant 0 : index
    tpu.barrier barrier_id(%barrier3A)
    "tpu.region"() ({
      %run_scoped3A = tpu.sem_alloc : memref<!tpu.dma_semaphore, #tpu.memory_space<semaphore_mem>>
      %dma_start3A_145 = arith.constant 0 : i32
      %dma_start3A_146 = arith.constant 0 : i32
      %dma_start3A_147 = tpu.memref_slice %arg3[%arg1, %dma_start3A_145, %dma_start3A_146] : memref<16x320x64xi32, #tpu.memory_space<hbm>> -> memref<1x80x64xi32, #tpu.memory_space<hbm>>
      %dma_start3A_148 = tpu.memref_squeeze %dma_start3A_147 : memref<1x80x64xi32, #tpu.memory_space<hbm>> -> memref<80x64xi32, #tpu.memory_space<hbm>>
      %dma_start3A_149 = arith.constant 0 : i32
      %dma_start3A_150 = arith.constant 0 : i32
      %dma_start3A_151 = tpu.memref_slice %arg3[%arg1, %dma_start3A_149, %dma_start3A_150] : memref<16x320x64xi32, #tpu.memory_space<hbm>> -> memref<1x80x64xi32, #tpu.memory_space<hbm>>
      %dma_start3A_152 = tpu.memref_squeeze %dma_start3A_151 : memref<1x80x64xi32, #tpu.memory_space<hbm>> -> memref<80x64xi32, #tpu.memory_space<hbm>>
      tpu.enqueue_dma source(%dma_start3A_152 : memref<80x64xi32, #tpu.memory_space<hbm>>) target(%arg8 : memref<80x64xi32, #tpu.memory_space<vmem>>) target_semaphore(%run_scoped3A : memref<!tpu.dma_semaphore, #tpu.memory_space<semaphore_mem>>)
      %dma_wait3A_153 = arith.constant 0 : i32
      %dma_wait3A_154 = arith.constant 0 : i32
      %dma_wait3A_155 = tpu.memref_slice %arg3[%arg1, %dma_wait3A_153, %dma_wait3A_154] : memref<16x320x64xi32, #tpu.memory_space<hbm>> -> memref<1x80x64xi32, #tpu.memory_space<hbm>>
      %dma_wait3A_156 = tpu.memref_squeeze %dma_wait3A_155 : memref<1x80x64xi32, #tpu.memory_space<hbm>> -> memref<80x64xi32, #tpu.memory_space<hbm>>
      %dma_wait3A_157 = arith.constant 0 : i32
      %dma_wait3A_158 = arith.constant 0 : i32
      %dma_wait3A_159 = tpu.memref_slice %arg3[%arg1, %dma_wait3A_157, %dma_wait3A_158] : memref<16x320x64xi32, #tpu.memory_space<hbm>> -> memref<1x80x64xi32, #tpu.memory_space<hbm>>
      %dma_wait3A_160 = tpu.memref_squeeze %dma_wait3A_159 : memref<1x80x64xi32, #tpu.memory_space<hbm>> -> memref<80x64xi32, #tpu.memory_space<hbm>>
      tpu.wait_dma2 semaphore(%run_scoped3A : memref<!tpu.dma_semaphore, #tpu.memory_space<semaphore_mem>>) src(%dma_wait3A_160 : memref<80x64xi32, #tpu.memory_space<hbm>>) dst(%arg8 : memref<80x64xi32, #tpu.memory_space<vmem>>)
      tpu.yield
    }) : () -> ()
    "tpu.region"() ({
      %run_scoped3A = tpu.sem_alloc : memref<!tpu.dma_semaphore, #tpu.memory_space<semaphore_mem>>
      %dma_start3A_145 = arith.constant 0 : i32
      %dma_start3A_146 = arith.constant 0 : i32
      %dma_start3A_147 = tpu.memref_slice %arg4[%arg1, %dma_start3A_145, %dma_start3A_146] : memref<16x320x64xi32, #tpu.memory_space<hbm>> -> memref<1x80x64xi32, #tpu.memory_space<hbm>>
      %dma_start3A_148 = tpu.memref_squeeze %dma_start3A_147 : memref<1x80x64xi32, #tpu.memory_space<hbm>> -> memref<80x64xi32, #tpu.memory_space<hbm>>
      %dma_start3A_149 = arith.constant 0 : i32
      %dma_start3A_150 = arith.constant 0 : i32
      %dma_start3A_151 = tpu.memref_slice %arg4[%arg1, %dma_start3A_149, %dma_start3A_150] : memref<16x320x64xi32, #tpu.memory_space<hbm>> -> memref<1x80x64xi32, #tpu.memory_space<hbm>>
      %dma_start3A_152 = tpu.memref_squeeze %dma_start3A_151 : memref<1x80x64xi32, #tpu.memory_space<hbm>> -> memref<80x64xi32, #tpu.memory_space<hbm>>
      tpu.enqueue_dma source(%dma_start3A_152 : memref<80x64xi32, #tpu.memory_space<hbm>>) target(%arg9 : memref<80x64xi32, #tpu.memory_space<vmem>>) target_semaphore(%run_scoped3A : memref<!tpu.dma_semaphore, #tpu.memory_space<semaphore_mem>>)
      %dma_wait3A_153 = arith.constant 0 : i32
      %dma_wait3A_154 = arith.constant 0 : i32
      %dma_wait3A_155 = tpu.memref_slice %arg4[%arg1, %dma_wait3A_153, %dma_wait3A_154] : memref<16x320x64xi32, #tpu.memory_space<hbm>> -> memref<1x80x64xi32, #tpu.memory_space<hbm>>
      %dma_wait3A_156 = tpu.memref_squeeze %dma_wait3A_155 : memref<1x80x64xi32, #tpu.memory_space<hbm>> -> memref<80x64xi32, #tpu.memory_space<hbm>>
      %dma_wait3A_157 = arith.constant 0 : i32
      %dma_wait3A_158 = arith.constant 0 : i32
      %dma_wait3A_159 = tpu.memref_slice %arg4[%arg1, %dma_wait3A_157, %dma_wait3A_158] : memref<16x320x64xi32, #tpu.memory_space<hbm>> -> memref<1x80x64xi32, #tpu.memory_space<hbm>>
      %dma_wait3A_160 = tpu.memref_squeeze %dma_wait3A_159 : memref<1x80x64xi32, #tpu.memory_space<hbm>> -> memref<80x64xi32, #tpu.memory_space<hbm>>
      tpu.wait_dma2 semaphore(%run_scoped3A : memref<!tpu.dma_semaphore, #tpu.memory_space<semaphore_mem>>) src(%dma_wait3A_160 : memref<80x64xi32, #tpu.memory_space<hbm>>) dst(%arg9 : memref<80x64xi32, #tpu.memory_space<vmem>>)
      tpu.yield
    }) : () -> ()
    %dma_start3A = arith.constant 0 : i32
    %dma_start3A_9 = arith.constant 0 : i32
    %dma_start3A_10 = tpu.memref_slice %arg8[%dma_start3A, %dma_start3A_9] : memref<80x64xi32, #tpu.memory_space<vmem>> -> memref<1x64xi32, #tpu.memory_space<vmem>>
    %dma_start3A_11 = tpu.memref_squeeze %dma_start3A_10 : memref<1x64xi32, #tpu.memory_space<vmem>> -> memref<64xi32, #tpu.memory_space<vmem>>
    %dma_start3A_12 = arith.constant 0 : i32
    %dma_start3A_13 = arith.constant 0 : i32
    %dma_start3A_14 = tpu.memref_slice %arg6[%dma_start3A_12, %dma_start3A_13] : memref<10240x64xf32, #tpu.memory_space<vmem_shared>> -> memref<10240x64xf32, #tpu.memory_space<vmem_shared>>
    tpu.enqueue_indirect_dma source(%dma_start3A_14 : memref<10240x64xf32, #tpu.memory_space<vmem_shared>>) target(%arg10 : memref<64x64xf32, #tpu.memory_space<vmem>>) offsets(%dma_start3A_11 : memref<64xi32, #tpu.memory_space<vmem>>) semaphore(%arg12 : memref<!tpu.dma_semaphore, #tpu.memory_space<semaphore_mem>>)
    %dma_start3A_15 = arith.constant 1 : i32
    %dma_start3A_16 = arith.constant 0 : i32
    %dma_start3A_17 = tpu.memref_slice %arg8[%dma_start3A_15, %dma_start3A_16] : memref<80x64xi32, #tpu.memory_space<vmem>> -> memref<1x64xi32, #tpu.memory_space<vmem>>
    %dma_start3A_18 = tpu.memref_squeeze %dma_start3A_17 : memref<1x64xi32, #tpu.memory_space<vmem>> -> memref<64xi32, #tpu.memory_space<vmem>>
    %dma_start3A_19 = arith.constant 0 : i32
    %dma_start3A_20 = arith.constant 0 : i32
    %dma_start3A_21 = tpu.memref_slice %arg6[%dma_start3A_19, %dma_start3A_20] : memref<10240x64xf32, #tpu.memory_space<vmem_shared>> -> memref<10240x64xf32, #tpu.memory_space<vmem_shared>>
    tpu.enqueue_indirect_dma source(%dma_start3A_21 : memref<10240x64xf32, #tpu.memory_space<vmem_shared>>) target(%arg11 : memref<64x64xf32, #tpu.memory_space<vmem>>) offsets(%dma_start3A_18 : memref<64xi32, #tpu.memory_space<vmem>>) semaphore(%arg13 : memref<!tpu.dma_semaphore, #tpu.memory_space<semaphore_mem>>)
    %scan3A_22 = arith.constant 0 : i32
    %scan3A_23 = arith.constant 40 : i32
    %scan3A_24 = arith.addi %scan3A_22, %scan3A_23 : i32
    %scan3A_25 = arith.constant 1 : i32
    scf.for %scan3A_145 = %scan3A_22 to %scan3A_24 step %scan3A_25  : i32 {
      %mul3A = arith.constant 2 : i32
      %mul3A_146 = arith.muli %scan3A_145, %mul3A : i32
      %add3A = arith.constant 0 : i32
      %add3A_147 = arith.addi %add3A, %mul3A_146 : i32
      %dma_wait3A_148 = arith.constant 0 : i32
      %dma_wait3A_149 = arith.constant 0 : i32
      %dma_wait3A_150 = tpu.memref_slice %arg8[%dma_wait3A_148, %dma_wait3A_149] : memref<80x64xi32, #tpu.memory_space<vmem>> -> memref<1x64xi32, #tpu.memory_space<vmem>>
      %dma_wait3A_151 = tpu.memref_squeeze %dma_wait3A_150 : memref<1x64xi32, #tpu.memory_space<vmem>> -> memref<64xi32, #tpu.memory_space<vmem>>
      %dma_wait3A_152 = arith.constant 0 : i32
      %dma_wait3A_153 = arith.constant 0 : i32
      %dma_wait3A_154 = tpu.memref_slice %arg6[%dma_wait3A_152, %dma_wait3A_153] : memref<10240x64xf32, #tpu.memory_space<vmem_shared>> -> memref<10240x64xf32, #tpu.memory_space<vmem_shared>>
      tpu.wait_indirect_dma semaphore(%arg12 : memref<!tpu.dma_semaphore, #tpu.memory_space<semaphore_mem>>) src(%dma_wait3A_154 : memref<10240x64xf32, #tpu.memory_space<vmem_shared>>) dst(%arg10 : memref<64x64xf32, #tpu.memory_space<vmem>>)
      %add3A_155 = arith.constant 0 : i32
      %add3A_156 = arith.addi %add3A_147, %add3A_155 : i32
      %dma_start3A_157 = arith.constant 0 : i32
      %dma_start3A_158 = tpu.memref_slice %arg9[%add3A_156, %dma_start3A_157] : memref<80x64xi32, #tpu.memory_space<vmem>> -> memref<1x64xi32, #tpu.memory_space<vmem>>
      %dma_start3A_159 = tpu.memref_squeeze %dma_start3A_158 : memref<1x64xi32, #tpu.memory_space<vmem>> -> memref<64xi32, #tpu.memory_space<vmem>>
      %dma_start3A_160 = arith.constant 0 : i32
      %dma_start3A_161 = arith.constant 0 : i32
      %dma_start3A_162 = tpu.memref_slice %arg7[%dma_start3A_160, %dma_start3A_161] : memref<10240x64xf32, #tpu.memory_space<vmem_shared>> -> memref<10240x64xf32, #tpu.memory_space<vmem_shared>>
      tpu.enqueue_indirect_dma source(%arg10 : memref<64x64xf32, #tpu.memory_space<vmem>>) target(%dma_start3A_162 : memref<10240x64xf32, #tpu.memory_space<vmem_shared>>) offsets(%dma_start3A_159 : memref<64xi32, #tpu.memory_space<vmem>>) semaphore(%arg14 : memref<!tpu.dma_semaphore, #tpu.memory_space<semaphore_mem>>) {add = true}
      %add3A_163 = arith.constant 0 : i32
      %add3A_164 = arith.addi %add3A_147, %add3A_163 : i32
      %add3A_165 = arith.constant 2 : i32
      %add3A_166 = arith.addi %add3A_164, %add3A_165 : i32
      %lt3A = arith.constant 80 : i32
      %lt3A_167 = arith.cmpi slt, %add3A_166, %lt3A : i32
      %convert_element_type3A = arith.extui %lt3A_167 : i1 to i32
      %cond3A = arith.constant 0 : i32
      %cond3A_168 = arith.cmpi ne, %convert_element_type3A, %cond3A : i32
      scf.if %cond3A_168 {
        %dma_wait3A_193 = arith.constant 0 : i32
        %dma_wait3A_194 = arith.constant 0 : i32
        %dma_wait3A_195 = tpu.memref_slice %arg9[%dma_wait3A_193, %dma_wait3A_194] : memref<80x64xi32, #tpu.memory_space<vmem>> -> memref<1x64xi32, #tpu.memory_space<vmem>>
        %dma_wait3A_196 = tpu.memref_squeeze %dma_wait3A_195 : memref<1x64xi32, #tpu.memory_space<vmem>> -> memref<64xi32, #tpu.memory_space<vmem>>
        %dma_wait3A_197 = arith.constant 0 : i32
        %dma_wait3A_198 = arith.constant 0 : i32
        %dma_wait3A_199 = tpu.memref_slice %arg7[%dma_wait3A_197, %dma_wait3A_198] : memref<10240x64xf32, #tpu.memory_space<vmem_shared>> -> memref<10240x64xf32, #tpu.memory_space<vmem_shared>>
        tpu.wait_indirect_dma semaphore(%arg14 : memref<!tpu.dma_semaphore, #tpu.memory_space<semaphore_mem>>) src(%arg10 : memref<64x64xf32, #tpu.memory_space<vmem>>) dst(%dma_wait3A_199 : memref<10240x64xf32, #tpu.memory_space<vmem_shared>>)
        %add3A_200 = arith.constant 0 : i32
        %add3A_201 = arith.addi %add3A_147, %add3A_200 : i32
        %add3A_202 = arith.constant 2 : i32
        %add3A_203 = arith.addi %add3A_201, %add3A_202 : i32
        %dma_start3A_204 = arith.constant 0 : i32
        %dma_start3A_205 = tpu.memref_slice %arg8[%add3A_203, %dma_start3A_204] : memref<80x64xi32, #tpu.memory_space<vmem>> -> memref<1x64xi32, #tpu.memory_space<vmem>>
        %dma_start3A_206 = tpu.memref_squeeze %dma_start3A_205 : memref<1x64xi32, #tpu.memory_space<vmem>> -> memref<64xi32, #tpu.memory_space<vmem>>
        %dma_start3A_207 = arith.constant 0 : i32
        %dma_start3A_208 = arith.constant 0 : i32
        %dma_start3A_209 = tpu.memref_slice %arg6[%dma_start3A_207, %dma_start3A_208] : memref<10240x64xf32, #tpu.memory_space<vmem_shared>> -> memref<10240x64xf32, #tpu.memory_space<vmem_shared>>
        tpu.enqueue_indirect_dma source(%dma_start3A_209 : memref<10240x64xf32, #tpu.memory_space<vmem_shared>>) target(%arg10 : memref<64x64xf32, #tpu.memory_space<vmem>>) offsets(%dma_start3A_206 : memref<64xi32, #tpu.memory_space<vmem>>) semaphore(%arg12 : memref<!tpu.dma_semaphore, #tpu.memory_space<semaphore_mem>>)
      } else {
      }
      %dma_wait3A_169 = arith.constant 0 : i32
      %dma_wait3A_170 = arith.constant 0 : i32
      %dma_wait3A_171 = tpu.memref_slice %arg8[%dma_wait3A_169, %dma_wait3A_170] : memref<80x64xi32, #tpu.memory_space<vmem>> -> memref<1x64xi32, #tpu.memory_space<vmem>>
      %dma_wait3A_172 = tpu.memref_squeeze %dma_wait3A_171 : memref<1x64xi32, #tpu.memory_space<vmem>> -> memref<64xi32, #tpu.memory_space<vmem>>
      %dma_wait3A_173 = arith.constant 0 : i32
      %dma_wait3A_174 = arith.constant 0 : i32
      %dma_wait3A_175 = tpu.memref_slice %arg6[%dma_wait3A_173, %dma_wait3A_174] : memref<10240x64xf32, #tpu.memory_space<vmem_shared>> -> memref<10240x64xf32, #tpu.memory_space<vmem_shared>>
      tpu.wait_indirect_dma semaphore(%arg13 : memref<!tpu.dma_semaphore, #tpu.memory_space<semaphore_mem>>) src(%dma_wait3A_175 : memref<10240x64xf32, #tpu.memory_space<vmem_shared>>) dst(%arg11 : memref<64x64xf32, #tpu.memory_space<vmem>>)
      %add3A_176 = arith.constant 1 : i32
      %add3A_177 = arith.addi %add3A_147, %add3A_176 : i32
      %dma_start3A_178 = arith.constant 0 : i32
      %dma_start3A_179 = tpu.memref_slice %arg9[%add3A_177, %dma_start3A_178] : memref<80x64xi32, #tpu.memory_space<vmem>> -> memref<1x64xi32, #tpu.memory_space<vmem>>
      %dma_start3A_180 = tpu.memref_squeeze %dma_start3A_179 : memref<1x64xi32, #tpu.memory_space<vmem>> -> memref<64xi32, #tpu.memory_space<vmem>>
      %dma_start3A_181 = arith.constant 0 : i32
      %dma_start3A_182 = arith.constant 0 : i32
      %dma_start3A_183 = tpu.memref_slice %arg7[%dma_start3A_181, %dma_start3A_182] : memref<10240x64xf32, #tpu.memory_space<vmem_shared>> -> memref<10240x64xf32, #tpu.memory_space<vmem_shared>>
      tpu.enqueue_indirect_dma source(%arg11 : memref<64x64xf32, #tpu.memory_space<vmem>>) target(%dma_start3A_183 : memref<10240x64xf32, #tpu.memory_space<vmem_shared>>) offsets(%dma_start3A_180 : memref<64xi32, #tpu.memory_space<vmem>>) semaphore(%arg15 : memref<!tpu.dma_semaphore, #tpu.memory_space<semaphore_mem>>) {add = true}
      %add3A_184 = arith.constant 1 : i32
      %add3A_185 = arith.addi %add3A_147, %add3A_184 : i32
      %add3A_186 = arith.constant 2 : i32
      %add3A_187 = arith.addi %add3A_185, %add3A_186 : i32
      %lt3A_188 = arith.constant 80 : i32
      %lt3A_189 = arith.cmpi slt, %add3A_187, %lt3A_188 : i32
      %convert_element_type3A_190 = arith.extui %lt3A_189 : i1 to i32
      %cond3A_191 = arith.constant 0 : i32
      %cond3A_192 = arith.cmpi ne, %convert_element_type3A_190, %cond3A_191 : i32
      scf.if %cond3A_192 {
        %dma_wait3A_193 = arith.constant 0 : i32
        %dma_wait3A_194 = arith.constant 0 : i32
        %dma_wait3A_195 = tpu.memref_slice %arg9[%dma_wait3A_193, %dma_wait3A_194] : memref<80x64xi32, #tpu.memory_space<vmem>> -> memref<1x64xi32, #tpu.memory_space<vmem>>
        %dma_wait3A_196 = tpu.memref_squeeze %dma_wait3A_195 : memref<1x64xi32, #tpu.memory_space<vmem>> -> memref<64xi32, #tpu.memory_space<vmem>>
        %dma_wait3A_197 = arith.constant 0 : i32
        %dma_wait3A_198 = arith.constant 0 : i32
        %dma_wait3A_199 = tpu.memref_slice %arg7[%dma_wait3A_197, %dma_wait3A_198] : memref<10240x64xf32, #tpu.memory_space<vmem_shared>> -> memref<10240x64xf32, #tpu.memory_space<vmem_shared>>
        tpu.wait_indirect_dma semaphore(%arg15 : memref<!tpu.dma_semaphore, #tpu.memory_space<semaphore_mem>>) src(%arg11 : memref<64x64xf32, #tpu.memory_space<vmem>>) dst(%dma_wait3A_199 : memref<10240x64xf32, #tpu.memory_space<vmem_shared>>)
        %add3A_200 = arith.constant 1 : i32
        %add3A_201 = arith.addi %add3A_147, %add3A_200 : i32
        %add3A_202 = arith.constant 2 : i32
        %add3A_203 = arith.addi %add3A_201, %add3A_202 : i32
        %dma_start3A_204 = arith.constant 0 : i32
        %dma_start3A_205 = tpu.memref_slice %arg8[%add3A_203, %dma_start3A_204] : memref<80x64xi32, #tpu.memory_space<vmem>> -> memref<1x64xi32, #tpu.memory_space<vmem>>
        %dma_start3A_206 = tpu.memref_squeeze %dma_start3A_205 : memref<1x64xi32, #tpu.memory_space<vmem>> -> memref<64xi32, #tpu.memory_space<vmem>>
        %dma_start3A_207 = arith.constant 0 : i32
        %dma_start3A_208 = arith.constant 0 : i32
        %dma_start3A_209 = tpu.memref_slice %arg6[%dma_start3A_207, %dma_start3A_208] : memref<10240x64xf32, #tpu.memory_space<vmem_shared>> -> memref<10240x64xf32, #tpu.memory_space<vmem_shared>>
        tpu.enqueue_indirect_dma source(%dma_start3A_209 : memref<10240x64xf32, #tpu.memory_space<vmem_shared>>) target(%arg11 : memref<64x64xf32, #tpu.memory_space<vmem>>) offsets(%dma_start3A_206 : memref<64xi32, #tpu.memory_space<vmem>>) semaphore(%arg13 : memref<!tpu.dma_semaphore, #tpu.memory_space<semaphore_mem>>)
      } else {
      }
    }
    %scan3A_26 = arith.constant 40 : i32
    %dma_wait3A = arith.constant 0 : i32
    %dma_wait3A_27 = arith.constant 0 : i32
    %dma_wait3A_28 = tpu.memref_slice %arg9[%dma_wait3A, %dma_wait3A_27] : memref<80x64xi32, #tpu.memory_space<vmem>> -> memref<1x64xi32, #tpu.memory_space<vmem>>
    %dma_wait3A_29 = tpu.memref_squeeze %dma_wait3A_28 : memref<1x64xi32, #tpu.memory_space<vmem>> -> memref<64xi32, #tpu.memory_space<vmem>>
    %dma_wait3A_30 = arith.constant 0 : i32
    %dma_wait3A_31 = arith.constant 0 : i32
    %dma_wait3A_32 = tpu.memref_slice %arg7[%dma_wait3A_30, %dma_wait3A_31] : memref<10240x64xf32, #tpu.memory_space<vmem_shared>> -> memref<10240x64xf32, #tpu.memory_space<vmem_shared>>
    tpu.wait_indirect_dma semaphore(%arg14 : memref<!tpu.dma_semaphore, #tpu.memory_space<semaphore_mem>>) src(%arg10 : memref<64x64xf32, #tpu.memory_space<vmem>>) dst(%dma_wait3A_32 : memref<10240x64xf32, #tpu.memory_space<vmem_shared>>)
    %dma_wait3A_33 = arith.constant 0 : i32
    %dma_wait3A_34 = arith.constant 0 : i32
    %dma_wait3A_35 = tpu.memref_slice %arg9[%dma_wait3A_33, %dma_wait3A_34] : memref<80x64xi32, #tpu.memory_space<vmem>> -> memref<1x64xi32, #tpu.memory_space<vmem>>
    %dma_wait3A_36 = tpu.memref_squeeze %dma_wait3A_35 : memref<1x64xi32, #tpu.memory_space<vmem>> -> memref<64xi32, #tpu.memory_space<vmem>>
    %dma_wait3A_37 = arith.constant 0 : i32
    %dma_wait3A_38 = arith.constant 0 : i32
    %dma_wait3A_39 = tpu.memref_slice %arg7[%dma_wait3A_37, %dma_wait3A_38] : memref<10240x64xf32, #tpu.memory_space<vmem_shared>> -> memref<10240x64xf32, #tpu.memory_space<vmem_shared>>
    tpu.wait_indirect_dma semaphore(%arg15 : memref<!tpu.dma_semaphore, #tpu.memory_space<semaphore_mem>>) src(%arg11 : memref<64x64xf32, #tpu.memory_space<vmem>>) dst(%dma_wait3A_39 : memref<10240x64xf32, #tpu.memory_space<vmem_shared>>)
    "tpu.region"() ({
      %run_scoped3A = tpu.sem_alloc : memref<!tpu.dma_semaphore, #tpu.memory_space<semaphore_mem>>
      %dma_start3A_145 = arith.constant 80 : i32
      %dma_start3A_146 = arith.constant 0 : i32
      %dma_start3A_147 = tpu.memref_slice %arg3[%arg1, %dma_start3A_145, %dma_start3A_146] : memref<16x320x64xi32, #tpu.memory_space<hbm>> -> memref<1x80x64xi32, #tpu.memory_space<hbm>>
      %dma_start3A_148 = tpu.memref_squeeze %dma_start3A_147 : memref<1x80x64xi32, #tpu.memory_space<hbm>> -> memref<80x64xi32, #tpu.memory_space<hbm>>
      %dma_start3A_149 = arith.constant 80 : i32
      %dma_start3A_150 = arith.constant 0 : i32
      %dma_start3A_151 = tpu.memref_slice %arg3[%arg1, %dma_start3A_149, %dma_start3A_150] : memref<16x320x64xi32, #tpu.memory_space<hbm>> -> memref<1x80x64xi32, #tpu.memory_space<hbm>>
      %dma_start3A_152 = tpu.memref_squeeze %dma_start3A_151 : memref<1x80x64xi32, #tpu.memory_space<hbm>> -> memref<80x64xi32, #tpu.memory_space<hbm>>
      tpu.enqueue_dma source(%dma_start3A_152 : memref<80x64xi32, #tpu.memory_space<hbm>>) target(%arg8 : memref<80x64xi32, #tpu.memory_space<vmem>>) target_semaphore(%run_scoped3A : memref<!tpu.dma_semaphore, #tpu.memory_space<semaphore_mem>>)
      %dma_wait3A_153 = arith.constant 80 : i32
      %dma_wait3A_154 = arith.constant 0 : i32
      %dma_wait3A_155 = tpu.memref_slice %arg3[%arg1, %dma_wait3A_153, %dma_wait3A_154] : memref<16x320x64xi32, #tpu.memory_space<hbm>> -> memref<1x80x64xi32, #tpu.memory_space<hbm>>
      %dma_wait3A_156 = tpu.memref_squeeze %dma_wait3A_155 : memref<1x80x64xi32, #tpu.memory_space<hbm>> -> memref<80x64xi32, #tpu.memory_space<hbm>>
      %dma_wait3A_157 = arith.constant 80 : i32
      %dma_wait3A_158 = arith.constant 0 : i32
      %dma_wait3A_159 = tpu.memref_slice %arg3[%arg1, %dma_wait3A_157, %dma_wait3A_158] : memref<16x320x64xi32, #tpu.memory_space<hbm>> -> memref<1x80x64xi32, #tpu.memory_space<hbm>>
      %dma_wait3A_160 = tpu.memref_squeeze %dma_wait3A_159 : memref<1x80x64xi32, #tpu.memory_space<hbm>> -> memref<80x64xi32, #tpu.memory_space<hbm>>
      tpu.wait_dma2 semaphore(%run_scoped3A : memref<!tpu.dma_semaphore, #tpu.memory_space<semaphore_mem>>) src(%dma_wait3A_160 : memref<80x64xi32, #tpu.memory_space<hbm>>) dst(%arg8 : memref<80x64xi32, #tpu.memory_space<vmem>>)
      tpu.yield
    }) : () -> ()
    "tpu.region"() ({
      %run_scoped3A = tpu.sem_alloc : memref<!tpu.dma_semaphore, #tpu.memory_space<semaphore_mem>>
      %dma_start3A_145 = arith.constant 80 : i32
      %dma_start3A_146 = arith.constant 0 : i32
      %dma_start3A_147 = tpu.memref_slice %arg4[%arg1, %dma_start3A_145, %dma_start3A_146] : memref<16x320x64xi32, #tpu.memory_space<hbm>> -> memref<1x80x64xi32, #tpu.memory_space<hbm>>
      %dma_start3A_148 = tpu.memref_squeeze %dma_start3A_147 : memref<1x80x64xi32, #tpu.memory_space<hbm>> -> memref<80x64xi32, #tpu.memory_space<hbm>>
      %dma_start3A_149 = arith.constant 80 : i32
      %dma_start3A_150 = arith.constant 0 : i32
      %dma_start3A_151 = tpu.memref_slice %arg4[%arg1, %dma_start3A_149, %dma_start3A_150] : memref<16x320x64xi32, #tpu.memory_space<hbm>> -> memref<1x80x64xi32, #tpu.memory_space<hbm>>
      %dma_start3A_152 = tpu.memref_squeeze %dma_start3A_151 : memref<1x80x64xi32, #tpu.memory_space<hbm>> -> memref<80x64xi32, #tpu.memory_space<hbm>>
      tpu.enqueue_dma source(%dma_start3A_152 : memref<80x64xi32, #tpu.memory_space<hbm>>) target(%arg9 : memref<80x64xi32, #tpu.memory_space<vmem>>) target_semaphore(%run_scoped3A : memref<!tpu.dma_semaphore, #tpu.memory_space<semaphore_mem>>)
      %dma_wait3A_153 = arith.constant 80 : i32
      %dma_wait3A_154 = arith.constant 0 : i32
      %dma_wait3A_155 = tpu.memref_slice %arg4[%arg1, %dma_wait3A_153, %dma_wait3A_154] : memref<16x320x64xi32, #tpu.memory_space<hbm>> -> memref<1x80x64xi32, #tpu.memory_space<hbm>>
      %dma_wait3A_156 = tpu.memref_squeeze %dma_wait3A_155 : memref<1x80x64xi32, #tpu.memory_space<hbm>> -> memref<80x64xi32, #tpu.memory_space<hbm>>
      %dma_wait3A_157 = arith.constant 80 : i32
      %dma_wait3A_158 = arith.constant 0 : i32
      %dma_wait3A_159 = tpu.memref_slice %arg4[%arg1, %dma_wait3A_157, %dma_wait3A_158] : memref<16x320x64xi32, #tpu.memory_space<hbm>> -> memref<1x80x64xi32, #tpu.memory_space<hbm>>
      %dma_wait3A_160 = tpu.memref_squeeze %dma_wait3A_159 : memref<1x80x64xi32, #tpu.memory_space<hbm>> -> memref<80x64xi32, #tpu.memory_space<hbm>>
      tpu.wait_dma2 semaphore(%run_scoped3A : memref<!tpu.dma_semaphore, #tpu.memory_space<semaphore_mem>>) src(%dma_wait3A_160 : memref<80x64xi32, #tpu.memory_space<hbm>>) dst(%arg9 : memref<80x64xi32, #tpu.memory_space<vmem>>)
      tpu.yield
    }) : () -> ()
    %dma_start3A_40 = arith.constant 0 : i32
    %dma_start3A_41 = arith.constant 0 : i32
    %dma_start3A_42 = tpu.memref_slice %arg8[%dma_start3A_40, %dma_start3A_41] : memref<80x64xi32, #tpu.memory_space<vmem>> -> memref<1x64xi32, #tpu.memory_space<vmem>>
    %dma_start3A_43 = tpu.memref_squeeze %dma_start3A_42 : memref<1x64xi32, #tpu.memory_space<vmem>> -> memref<64xi32, #tpu.memory_space<vmem>>
    %dma_start3A_44 = arith.constant 0 : i32
    %dma_start3A_45 = arith.constant 0 : i32
    %dma_start3A_46 = tpu.memref_slice %arg6[%dma_start3A_44, %dma_start3A_45] : memref<10240x64xf32, #tpu.memory_space<vmem_shared>> -> memref<10240x64xf32, #tpu.memory_space<vmem_shared>>
    tpu.enqueue_indirect_dma source(%dma_start3A_46 : memref<10240x64xf32, #tpu.memory_space<vmem_shared>>) target(%arg10 : memref<64x64xf32, #tpu.memory_space<vmem>>) offsets(%dma_start3A_43 : memref<64xi32, #tpu.memory_space<vmem>>) semaphore(%arg12 : memref<!tpu.dma_semaphore, #tpu.memory_space<semaphore_mem>>)
    %dma_start3A_47 = arith.constant 1 : i32
    %dma_start3A_48 = arith.constant 0 : i32
    %dma_start3A_49 = tpu.memref_slice %arg8[%dma_start3A_47, %dma_start3A_48] : memref<80x64xi32, #tpu.memory_space<vmem>> -> memref<1x64xi32, #tpu.memory_space<vmem>>
    %dma_start3A_50 = tpu.memref_squeeze %dma_start3A_49 : memref<1x64xi32, #tpu.memory_space<vmem>> -> memref<64xi32, #tpu.memory_space<vmem>>
    %dma_start3A_51 = arith.constant 0 : i32
    %dma_start3A_52 = arith.constant 0 : i32
    %dma_start3A_53 = tpu.memref_slice %arg6[%dma_start3A_51, %dma_start3A_52] : memref<10240x64xf32, #tpu.memory_space<vmem_shared>> -> memref<10240x64xf32, #tpu.memory_space<vmem_shared>>
    tpu.enqueue_indirect_dma source(%dma_start3A_53 : memref<10240x64xf32, #tpu.memory_space<vmem_shared>>) target(%arg11 : memref<64x64xf32, #tpu.memory_space<vmem>>) offsets(%dma_start3A_50 : memref<64xi32, #tpu.memory_space<vmem>>) semaphore(%arg13 : memref<!tpu.dma_semaphore, #tpu.memory_space<semaphore_mem>>)
    %scan3A_54 = arith.constant 0 : i32
    %scan3A_55 = arith.constant 40 : i32
    %scan3A_56 = arith.addi %scan3A_54, %scan3A_55 : i32
    %scan3A_57 = arith.constant 1 : i32
    scf.for %scan3A_145 = %scan3A_54 to %scan3A_56 step %scan3A_57  : i32 {
      %mul3A = arith.constant 2 : i32
      %mul3A_146 = arith.muli %scan3A_145, %mul3A : i32
      %add3A = arith.constant 0 : i32
      %add3A_147 = arith.addi %add3A, %mul3A_146 : i32
      %dma_wait3A_148 = arith.constant 0 : i32
      %dma_wait3A_149 = arith.constant 0 : i32
      %dma_wait3A_150 = tpu.memref_slice %arg8[%dma_wait3A_148, %dma_wait3A_149] : memref<80x64xi32, #tpu.memory_space<vmem>> -> memref<1x64xi32, #tpu.memory_space<vmem>>
      %dma_wait3A_151 = tpu.memref_squeeze %dma_wait3A_150 : memref<1x64xi32, #tpu.memory_space<vmem>> -> memref<64xi32, #tpu.memory_space<vmem>>
      %dma_wait3A_152 = arith.constant 0 : i32
      %dma_wait3A_153 = arith.constant 0 : i32
      %dma_wait3A_154 = tpu.memref_slice %arg6[%dma_wait3A_152, %dma_wait3A_153] : memref<10240x64xf32, #tpu.memory_space<vmem_shared>> -> memref<10240x64xf32, #tpu.memory_space<vmem_shared>>
      tpu.wait_indirect_dma semaphore(%arg12 : memref<!tpu.dma_semaphore, #tpu.memory_space<semaphore_mem>>) src(%dma_wait3A_154 : memref<10240x64xf32, #tpu.memory_space<vmem_shared>>) dst(%arg10 : memref<64x64xf32, #tpu.memory_space<vmem>>)
      %add3A_155 = arith.constant 0 : i32
      %add3A_156 = arith.addi %add3A_147, %add3A_155 : i32
      %dma_start3A_157 = arith.constant 0 : i32
      %dma_start3A_158 = tpu.memref_slice %arg9[%add3A_156, %dma_start3A_157] : memref<80x64xi32, #tpu.memory_space<vmem>> -> memref<1x64xi32, #tpu.memory_space<vmem>>
      %dma_start3A_159 = tpu.memref_squeeze %dma_start3A_158 : memref<1x64xi32, #tpu.memory_space<vmem>> -> memref<64xi32, #tpu.memory_space<vmem>>
      %dma_start3A_160 = arith.constant 0 : i32
      %dma_start3A_161 = arith.constant 0 : i32
      %dma_start3A_162 = tpu.memref_slice %arg7[%dma_start3A_160, %dma_start3A_161] : memref<10240x64xf32, #tpu.memory_space<vmem_shared>> -> memref<10240x64xf32, #tpu.memory_space<vmem_shared>>
      tpu.enqueue_indirect_dma source(%arg10 : memref<64x64xf32, #tpu.memory_space<vmem>>) target(%dma_start3A_162 : memref<10240x64xf32, #tpu.memory_space<vmem_shared>>) offsets(%dma_start3A_159 : memref<64xi32, #tpu.memory_space<vmem>>) semaphore(%arg14 : memref<!tpu.dma_semaphore, #tpu.memory_space<semaphore_mem>>) {add = true}
      %add3A_163 = arith.constant 0 : i32
      %add3A_164 = arith.addi %add3A_147, %add3A_163 : i32
      %add3A_165 = arith.constant 2 : i32
      %add3A_166 = arith.addi %add3A_164, %add3A_165 : i32
      %lt3A = arith.constant 80 : i32
      %lt3A_167 = arith.cmpi slt, %add3A_166, %lt3A : i32
      %convert_element_type3A = arith.extui %lt3A_167 : i1 to i32
      %cond3A = arith.constant 0 : i32
      %cond3A_168 = arith.cmpi ne, %convert_element_type3A, %cond3A : i32
      scf.if %cond3A_168 {
        %dma_wait3A_193 = arith.constant 0 : i32
        %dma_wait3A_194 = arith.constant 0 : i32
        %dma_wait3A_195 = tpu.memref_slice %arg9[%dma_wait3A_193, %dma_wait3A_194] : memref<80x64xi32, #tpu.memory_space<vmem>> -> memref<1x64xi32, #tpu.memory_space<vmem>>
        %dma_wait3A_196 = tpu.memref_squeeze %dma_wait3A_195 : memref<1x64xi32, #tpu.memory_space<vmem>> -> memref<64xi32, #tpu.memory_space<vmem>>
        %dma_wait3A_197 = arith.constant 0 : i32
        %dma_wait3A_198 = arith.constant 0 : i32
        %dma_wait3A_199 = tpu.memref_slice %arg7[%dma_wait3A_197, %dma_wait3A_198] : memref<10240x64xf32, #tpu.memory_space<vmem_shared>> -> memref<10240x64xf32, #tpu.memory_space<vmem_shared>>
        tpu.wait_indirect_dma semaphore(%arg14 : memref<!tpu.dma_semaphore, #tpu.memory_space<semaphore_mem>>) src(%arg10 : memref<64x64xf32, #tpu.memory_space<vmem>>) dst(%dma_wait3A_199 : memref<10240x64xf32, #tpu.memory_space<vmem_shared>>)
        %add3A_200 = arith.constant 0 : i32
        %add3A_201 = arith.addi %add3A_147, %add3A_200 : i32
        %add3A_202 = arith.constant 2 : i32
        %add3A_203 = arith.addi %add3A_201, %add3A_202 : i32
        %dma_start3A_204 = arith.constant 0 : i32
        %dma_start3A_205 = tpu.memref_slice %arg8[%add3A_203, %dma_start3A_204] : memref<80x64xi32, #tpu.memory_space<vmem>> -> memref<1x64xi32, #tpu.memory_space<vmem>>
        %dma_start3A_206 = tpu.memref_squeeze %dma_start3A_205 : memref<1x64xi32, #tpu.memory_space<vmem>> -> memref<64xi32, #tpu.memory_space<vmem>>
        %dma_start3A_207 = arith.constant 0 : i32
        %dma_start3A_208 = arith.constant 0 : i32
        %dma_start3A_209 = tpu.memref_slice %arg6[%dma_start3A_207, %dma_start3A_208] : memref<10240x64xf32, #tpu.memory_space<vmem_shared>> -> memref<10240x64xf32, #tpu.memory_space<vmem_shared>>
        tpu.enqueue_indirect_dma source(%dma_start3A_209 : memref<10240x64xf32, #tpu.memory_space<vmem_shared>>) target(%arg10 : memref<64x64xf32, #tpu.memory_space<vmem>>) offsets(%dma_start3A_206 : memref<64xi32, #tpu.memory_space<vmem>>) semaphore(%arg12 : memref<!tpu.dma_semaphore, #tpu.memory_space<semaphore_mem>>)
      } else {
      }
      %dma_wait3A_169 = arith.constant 0 : i32
      %dma_wait3A_170 = arith.constant 0 : i32
      %dma_wait3A_171 = tpu.memref_slice %arg8[%dma_wait3A_169, %dma_wait3A_170] : memref<80x64xi32, #tpu.memory_space<vmem>> -> memref<1x64xi32, #tpu.memory_space<vmem>>
      %dma_wait3A_172 = tpu.memref_squeeze %dma_wait3A_171 : memref<1x64xi32, #tpu.memory_space<vmem>> -> memref<64xi32, #tpu.memory_space<vmem>>
      %dma_wait3A_173 = arith.constant 0 : i32
      %dma_wait3A_174 = arith.constant 0 : i32
      %dma_wait3A_175 = tpu.memref_slice %arg6[%dma_wait3A_173, %dma_wait3A_174] : memref<10240x64xf32, #tpu.memory_space<vmem_shared>> -> memref<10240x64xf32, #tpu.memory_space<vmem_shared>>
      tpu.wait_indirect_dma semaphore(%arg13 : memref<!tpu.dma_semaphore, #tpu.memory_space<semaphore_mem>>) src(%dma_wait3A_175 : memref<10240x64xf32, #tpu.memory_space<vmem_shared>>) dst(%arg11 : memref<64x64xf32, #tpu.memory_space<vmem>>)
      %add3A_176 = arith.constant 1 : i32
      %add3A_177 = arith.addi %add3A_147, %add3A_176 : i32
      %dma_start3A_178 = arith.constant 0 : i32
      %dma_start3A_179 = tpu.memref_slice %arg9[%add3A_177, %dma_start3A_178] : memref<80x64xi32, #tpu.memory_space<vmem>> -> memref<1x64xi32, #tpu.memory_space<vmem>>
      %dma_start3A_180 = tpu.memref_squeeze %dma_start3A_179 : memref<1x64xi32, #tpu.memory_space<vmem>> -> memref<64xi32, #tpu.memory_space<vmem>>
      %dma_start3A_181 = arith.constant 0 : i32
      %dma_start3A_182 = arith.constant 0 : i32
      %dma_start3A_183 = tpu.memref_slice %arg7[%dma_start3A_181, %dma_start3A_182] : memref<10240x64xf32, #tpu.memory_space<vmem_shared>> -> memref<10240x64xf32, #tpu.memory_space<vmem_shared>>
      tpu.enqueue_indirect_dma source(%arg11 : memref<64x64xf32, #tpu.memory_space<vmem>>) target(%dma_start3A_183 : memref<10240x64xf32, #tpu.memory_space<vmem_shared>>) offsets(%dma_start3A_180 : memref<64xi32, #tpu.memory_space<vmem>>) semaphore(%arg15 : memref<!tpu.dma_semaphore, #tpu.memory_space<semaphore_mem>>) {add = true}
      %add3A_184 = arith.constant 1 : i32
      %add3A_185 = arith.addi %add3A_147, %add3A_184 : i32
      %add3A_186 = arith.constant 2 : i32
      %add3A_187 = arith.addi %add3A_185, %add3A_186 : i32
      %lt3A_188 = arith.constant 80 : i32
      %lt3A_189 = arith.cmpi slt, %add3A_187, %lt3A_188 : i32
      %convert_element_type3A_190 = arith.extui %lt3A_189 : i1 to i32
      %cond3A_191 = arith.constant 0 : i32
      %cond3A_192 = arith.cmpi ne, %convert_element_type3A_190, %cond3A_191 : i32
      scf.if %cond3A_192 {
        %dma_wait3A_193 = arith.constant 0 : i32
        %dma_wait3A_194 = arith.constant 0 : i32
        %dma_wait3A_195 = tpu.memref_slice %arg9[%dma_wait3A_193, %dma_wait3A_194] : memref<80x64xi32, #tpu.memory_space<vmem>> -> memref<1x64xi32, #tpu.memory_space<vmem>>
        %dma_wait3A_196 = tpu.memref_squeeze %dma_wait3A_195 : memref<1x64xi32, #tpu.memory_space<vmem>> -> memref<64xi32, #tpu.memory_space<vmem>>
        %dma_wait3A_197 = arith.constant 0 : i32
        %dma_wait3A_198 = arith.constant 0 : i32
        %dma_wait3A_199 = tpu.memref_slice %arg7[%dma_wait3A_197, %dma_wait3A_198] : memref<10240x64xf32, #tpu.memory_space<vmem_shared>> -> memref<10240x64xf32, #tpu.memory_space<vmem_shared>>
        tpu.wait_indirect_dma semaphore(%arg15 : memref<!tpu.dma_semaphore, #tpu.memory_space<semaphore_mem>>) src(%arg11 : memref<64x64xf32, #tpu.memory_space<vmem>>) dst(%dma_wait3A_199 : memref<10240x64xf32, #tpu.memory_space<vmem_shared>>)
        %add3A_200 = arith.constant 1 : i32
        %add3A_201 = arith.addi %add3A_147, %add3A_200 : i32
        %add3A_202 = arith.constant 2 : i32
        %add3A_203 = arith.addi %add3A_201, %add3A_202 : i32
        %dma_start3A_204 = arith.constant 0 : i32
        %dma_start3A_205 = tpu.memref_slice %arg8[%add3A_203, %dma_start3A_204] : memref<80x64xi32, #tpu.memory_space<vmem>> -> memref<1x64xi32, #tpu.memory_space<vmem>>
        %dma_start3A_206 = tpu.memref_squeeze %dma_start3A_205 : memref<1x64xi32, #tpu.memory_space<vmem>> -> memref<64xi32, #tpu.memory_space<vmem>>
        %dma_start3A_207 = arith.constant 0 : i32
        %dma_start3A_208 = arith.constant 0 : i32
        %dma_start3A_209 = tpu.memref_slice %arg6[%dma_start3A_207, %dma_start3A_208] : memref<10240x64xf32, #tpu.memory_space<vmem_shared>> -> memref<10240x64xf32, #tpu.memory_space<vmem_shared>>
        tpu.enqueue_indirect_dma source(%dma_start3A_209 : memref<10240x64xf32, #tpu.memory_space<vmem_shared>>) target(%arg11 : memref<64x64xf32, #tpu.memory_space<vmem>>) offsets(%dma_start3A_206 : memref<64xi32, #tpu.memory_space<vmem>>) semaphore(%arg13 : memref<!tpu.dma_semaphore, #tpu.memory_space<semaphore_mem>>)
      } else {
      }
    }
    %scan3A_58 = arith.constant 40 : i32
    %dma_wait3A_59 = arith.constant 0 : i32
    %dma_wait3A_60 = arith.constant 0 : i32
    %dma_wait3A_61 = tpu.memref_slice %arg9[%dma_wait3A_59, %dma_wait3A_60] : memref<80x64xi32, #tpu.memory_space<vmem>> -> memref<1x64xi32, #tpu.memory_space<vmem>>
    %dma_wait3A_62 = tpu.memref_squeeze %dma_wait3A_61 : memref<1x64xi32, #tpu.memory_space<vmem>> -> memref<64xi32, #tpu.memory_space<vmem>>
    %dma_wait3A_63 = arith.constant 0 : i32
    %dma_wait3A_64 = arith.constant 0 : i32
    %dma_wait3A_65 = tpu.memref_slice %arg7[%dma_wait3A_63, %dma_wait3A_64] : memref<10240x64xf32, #tpu.memory_space<vmem_shared>> -> memref<10240x64xf32, #tpu.memory_space<vmem_shared>>
    tpu.wait_indirect_dma semaphore(%arg14 : memref<!tpu.dma_semaphore, #tpu.memory_space<semaphore_mem>>) src(%arg10 : memref<64x64xf32, #tpu.memory_space<vmem>>) dst(%dma_wait3A_65 : memref<10240x64xf32, #tpu.memory_space<vmem_shared>>)
    %dma_wait3A_66 = arith.constant 0 : i32
    %dma_wait3A_67 = arith.constant 0 : i32
    %dma_wait3A_68 = tpu.memref_slice %arg9[%dma_wait3A_66, %dma_wait3A_67] : memref<80x64xi32, #tpu.memory_space<vmem>> -> memref<1x64xi32, #tpu.memory_space<vmem>>
    %dma_wait3A_69 = tpu.memref_squeeze %dma_wait3A_68 : memref<1x64xi32, #tpu.memory_space<vmem>> -> memref<64xi32, #tpu.memory_space<vmem>>
    %dma_wait3A_70 = arith.constant 0 : i32
    %dma_wait3A_71 = arith.constant 0 : i32
    %dma_wait3A_72 = tpu.memref_slice %arg7[%dma_wait3A_70, %dma_wait3A_71] : memref<10240x64xf32, #tpu.memory_space<vmem_shared>> -> memref<10240x64xf32, #tpu.memory_space<vmem_shared>>
    tpu.wait_indirect_dma semaphore(%arg15 : memref<!tpu.dma_semaphore, #tpu.memory_space<semaphore_mem>>) src(%arg11 : memref<64x64xf32, #tpu.memory_space<vmem>>) dst(%dma_wait3A_72 : memref<10240x64xf32, #tpu.memory_space<vmem_shared>>)
    "tpu.region"() ({
      %run_scoped3A = tpu.sem_alloc : memref<!tpu.dma_semaphore, #tpu.memory_space<semaphore_mem>>
      %dma_start3A_145 = arith.constant 160 : i32
      %dma_start3A_146 = arith.constant 0 : i32
      %dma_start3A_147 = tpu.memref_slice %arg3[%arg1, %dma_start3A_145, %dma_start3A_146] : memref<16x320x64xi32, #tpu.memory_space<hbm>> -> memref<1x80x64xi32, #tpu.memory_space<hbm>>
      %dma_start3A_148 = tpu.memref_squeeze %dma_start3A_147 : memref<1x80x64xi32, #tpu.memory_space<hbm>> -> memref<80x64xi32, #tpu.memory_space<hbm>>
      %dma_start3A_149 = arith.constant 160 : i32
      %dma_start3A_150 = arith.constant 0 : i32
      %dma_start3A_151 = tpu.memref_slice %arg3[%arg1, %dma_start3A_149, %dma_start3A_150] : memref<16x320x64xi32, #tpu.memory_space<hbm>> -> memref<1x80x64xi32, #tpu.memory_space<hbm>>
      %dma_start3A_152 = tpu.memref_squeeze %dma_start3A_151 : memref<1x80x64xi32, #tpu.memory_space<hbm>> -> memref<80x64xi32, #tpu.memory_space<hbm>>
      tpu.enqueue_dma source(%dma_start3A_152 : memref<80x64xi32, #tpu.memory_space<hbm>>) target(%arg8 : memref<80x64xi32, #tpu.memory_space<vmem>>) target_semaphore(%run_scoped3A : memref<!tpu.dma_semaphore, #tpu.memory_space<semaphore_mem>>)
      %dma_wait3A_153 = arith.constant 160 : i32
      %dma_wait3A_154 = arith.constant 0 : i32
      %dma_wait3A_155 = tpu.memref_slice %arg3[%arg1, %dma_wait3A_153, %dma_wait3A_154] : memref<16x320x64xi32, #tpu.memory_space<hbm>> -> memref<1x80x64xi32, #tpu.memory_space<hbm>>
      %dma_wait3A_156 = tpu.memref_squeeze %dma_wait3A_155 : memref<1x80x64xi32, #tpu.memory_space<hbm>> -> memref<80x64xi32, #tpu.memory_space<hbm>>
      %dma_wait3A_157 = arith.constant 160 : i32
      %dma_wait3A_158 = arith.constant 0 : i32
      %dma_wait3A_159 = tpu.memref_slice %arg3[%arg1, %dma_wait3A_157, %dma_wait3A_158] : memref<16x320x64xi32, #tpu.memory_space<hbm>> -> memref<1x80x64xi32, #tpu.memory_space<hbm>>
      %dma_wait3A_160 = tpu.memref_squeeze %dma_wait3A_159 : memref<1x80x64xi32, #tpu.memory_space<hbm>> -> memref<80x64xi32, #tpu.memory_space<hbm>>
      tpu.wait_dma2 semaphore(%run_scoped3A : memref<!tpu.dma_semaphore, #tpu.memory_space<semaphore_mem>>) src(%dma_wait3A_160 : memref<80x64xi32, #tpu.memory_space<hbm>>) dst(%arg8 : memref<80x64xi32, #tpu.memory_space<vmem>>)
      tpu.yield
    }) : () -> ()
    "tpu.region"() ({
      %run_scoped3A = tpu.sem_alloc : memref<!tpu.dma_semaphore, #tpu.memory_space<semaphore_mem>>
      %dma_start3A_145 = arith.constant 160 : i32
      %dma_start3A_146 = arith.constant 0 : i32
      %dma_start3A_147 = tpu.memref_slice %arg4[%arg1, %dma_start3A_145, %dma_start3A_146] : memref<16x320x64xi32, #tpu.memory_space<hbm>> -> memref<1x80x64xi32, #tpu.memory_space<hbm>>
      %dma_start3A_148 = tpu.memref_squeeze %dma_start3A_147 : memref<1x80x64xi32, #tpu.memory_space<hbm>> -> memref<80x64xi32, #tpu.memory_space<hbm>>
      %dma_start3A_149 = arith.constant 160 : i32
      %dma_start3A_150 = arith.constant 0 : i32
      %dma_start3A_151 = tpu.memref_slice %arg4[%arg1, %dma_start3A_149, %dma_start3A_150] : memref<16x320x64xi32, #tpu.memory_space<hbm>> -> memref<1x80x64xi32, #tpu.memory_space<hbm>>
      %dma_start3A_152 = tpu.memref_squeeze %dma_start3A_151 : memref<1x80x64xi32, #tpu.memory_space<hbm>> -> memref<80x64xi32, #tpu.memory_space<hbm>>
      tpu.enqueue_dma source(%dma_start3A_152 : memref<80x64xi32, #tpu.memory_space<hbm>>) target(%arg9 : memref<80x64xi32, #tpu.memory_space<vmem>>) target_semaphore(%run_scoped3A : memref<!tpu.dma_semaphore, #tpu.memory_space<semaphore_mem>>)
      %dma_wait3A_153 = arith.constant 160 : i32
      %dma_wait3A_154 = arith.constant 0 : i32
      %dma_wait3A_155 = tpu.memref_slice %arg4[%arg1, %dma_wait3A_153, %dma_wait3A_154] : memref<16x320x64xi32, #tpu.memory_space<hbm>> -> memref<1x80x64xi32, #tpu.memory_space<hbm>>
      %dma_wait3A_156 = tpu.memref_squeeze %dma_wait3A_155 : memref<1x80x64xi32, #tpu.memory_space<hbm>> -> memref<80x64xi32, #tpu.memory_space<hbm>>
      %dma_wait3A_157 = arith.constant 160 : i32
      %dma_wait3A_158 = arith.constant 0 : i32
      %dma_wait3A_159 = tpu.memref_slice %arg4[%arg1, %dma_wait3A_157, %dma_wait3A_158] : memref<16x320x64xi32, #tpu.memory_space<hbm>> -> memref<1x80x64xi32, #tpu.memory_space<hbm>>
      %dma_wait3A_160 = tpu.memref_squeeze %dma_wait3A_159 : memref<1x80x64xi32, #tpu.memory_space<hbm>> -> memref<80x64xi32, #tpu.memory_space<hbm>>
      tpu.wait_dma2 semaphore(%run_scoped3A : memref<!tpu.dma_semaphore, #tpu.memory_space<semaphore_mem>>) src(%dma_wait3A_160 : memref<80x64xi32, #tpu.memory_space<hbm>>) dst(%arg9 : memref<80x64xi32, #tpu.memory_space<vmem>>)
      tpu.yield
    }) : () -> ()
    %dma_start3A_73 = arith.constant 0 : i32
    %dma_start3A_74 = arith.constant 0 : i32
    %dma_start3A_75 = tpu.memref_slice %arg8[%dma_start3A_73, %dma_start3A_74] : memref<80x64xi32, #tpu.memory_space<vmem>> -> memref<1x64xi32, #tpu.memory_space<vmem>>
    %dma_start3A_76 = tpu.memref_squeeze %dma_start3A_75 : memref<1x64xi32, #tpu.memory_space<vmem>> -> memref<64xi32, #tpu.memory_space<vmem>>
    %dma_start3A_77 = arith.constant 0 : i32
    %dma_start3A_78 = arith.constant 0 : i32
    %dma_start3A_79 = tpu.memref_slice %arg6[%dma_start3A_77, %dma_start3A_78] : memref<10240x64xf32, #tpu.memory_space<vmem_shared>> -> memref<10240x64xf32, #tpu.memory_space<vmem_shared>>
    tpu.enqueue_indirect_dma source(%dma_start3A_79 : memref<10240x64xf32, #tpu.memory_space<vmem_shared>>) target(%arg10 : memref<64x64xf32, #tpu.memory_space<vmem>>) offsets(%dma_start3A_76 : memref<64xi32, #tpu.memory_space<vmem>>) semaphore(%arg12 : memref<!tpu.dma_semaphore, #tpu.memory_space<semaphore_mem>>)
    %dma_start3A_80 = arith.constant 1 : i32
    %dma_start3A_81 = arith.constant 0 : i32
    %dma_start3A_82 = tpu.memref_slice %arg8[%dma_start3A_80, %dma_start3A_81] : memref<80x64xi32, #tpu.memory_space<vmem>> -> memref<1x64xi32, #tpu.memory_space<vmem>>
    %dma_start3A_83 = tpu.memref_squeeze %dma_start3A_82 : memref<1x64xi32, #tpu.memory_space<vmem>> -> memref<64xi32, #tpu.memory_space<vmem>>
    %dma_start3A_84 = arith.constant 0 : i32
    %dma_start3A_85 = arith.constant 0 : i32
    %dma_start3A_86 = tpu.memref_slice %arg6[%dma_start3A_84, %dma_start3A_85] : memref<10240x64xf32, #tpu.memory_space<vmem_shared>> -> memref<10240x64xf32, #tpu.memory_space<vmem_shared>>
    tpu.enqueue_indirect_dma source(%dma_start3A_86 : memref<10240x64xf32, #tpu.memory_space<vmem_shared>>) target(%arg11 : memref<64x64xf32, #tpu.memory_space<vmem>>) offsets(%dma_start3A_83 : memref<64xi32, #tpu.memory_space<vmem>>) semaphore(%arg13 : memref<!tpu.dma_semaphore, #tpu.memory_space<semaphore_mem>>)
    %scan3A_87 = arith.constant 0 : i32
    %scan3A_88 = arith.constant 40 : i32
    %scan3A_89 = arith.addi %scan3A_87, %scan3A_88 : i32
    %scan3A_90 = arith.constant 1 : i32
    scf.for %scan3A_145 = %scan3A_87 to %scan3A_89 step %scan3A_90  : i32 {
      %mul3A = arith.constant 2 : i32
      %mul3A_146 = arith.muli %scan3A_145, %mul3A : i32
      %add3A = arith.constant 0 : i32
      %add3A_147 = arith.addi %add3A, %mul3A_146 : i32
      %dma_wait3A_148 = arith.constant 0 : i32
      %dma_wait3A_149 = arith.constant 0 : i32
      %dma_wait3A_150 = tpu.memref_slice %arg8[%dma_wait3A_148, %dma_wait3A_149] : memref<80x64xi32, #tpu.memory_space<vmem>> -> memref<1x64xi32, #tpu.memory_space<vmem>>
      %dma_wait3A_151 = tpu.memref_squeeze %dma_wait3A_150 : memref<1x64xi32, #tpu.memory_space<vmem>> -> memref<64xi32, #tpu.memory_space<vmem>>
      %dma_wait3A_152 = arith.constant 0 : i32
      %dma_wait3A_153 = arith.constant 0 : i32
      %dma_wait3A_154 = tpu.memref_slice %arg6[%dma_wait3A_152, %dma_wait3A_153] : memref<10240x64xf32, #tpu.memory_space<vmem_shared>> -> memref<10240x64xf32, #tpu.memory_space<vmem_shared>>
      tpu.wait_indirect_dma semaphore(%arg12 : memref<!tpu.dma_semaphore, #tpu.memory_space<semaphore_mem>>) src(%dma_wait3A_154 : memref<10240x64xf32, #tpu.memory_space<vmem_shared>>) dst(%arg10 : memref<64x64xf32, #tpu.memory_space<vmem>>)
      %add3A_155 = arith.constant 0 : i32
      %add3A_156 = arith.addi %add3A_147, %add3A_155 : i32
      %dma_start3A_157 = arith.constant 0 : i32
      %dma_start3A_158 = tpu.memref_slice %arg9[%add3A_156, %dma_start3A_157] : memref<80x64xi32, #tpu.memory_space<vmem>> -> memref<1x64xi32, #tpu.memory_space<vmem>>
      %dma_start3A_159 = tpu.memref_squeeze %dma_start3A_158 : memref<1x64xi32, #tpu.memory_space<vmem>> -> memref<64xi32, #tpu.memory_space<vmem>>
      %dma_start3A_160 = arith.constant 0 : i32
      %dma_start3A_161 = arith.constant 0 : i32
      %dma_start3A_162 = tpu.memref_slice %arg7[%dma_start3A_160, %dma_start3A_161] : memref<10240x64xf32, #tpu.memory_space<vmem_shared>> -> memref<10240x64xf32, #tpu.memory_space<vmem_shared>>
      tpu.enqueue_indirect_dma source(%arg10 : memref<64x64xf32, #tpu.memory_space<vmem>>) target(%dma_start3A_162 : memref<10240x64xf32, #tpu.memory_space<vmem_shared>>) offsets(%dma_start3A_159 : memref<64xi32, #tpu.memory_space<vmem>>) semaphore(%arg14 : memref<!tpu.dma_semaphore, #tpu.memory_space<semaphore_mem>>) {add = true}
      %add3A_163 = arith.constant 0 : i32
      %add3A_164 = arith.addi %add3A_147, %add3A_163 : i32
      %add3A_165 = arith.constant 2 : i32
      %add3A_166 = arith.addi %add3A_164, %add3A_165 : i32
      %lt3A = arith.constant 80 : i32
      %lt3A_167 = arith.cmpi slt, %add3A_166, %lt3A : i32
      %convert_element_type3A = arith.extui %lt3A_167 : i1 to i32
      %cond3A = arith.constant 0 : i32
      %cond3A_168 = arith.cmpi ne, %convert_element_type3A, %cond3A : i32
      scf.if %cond3A_168 {
        %dma_wait3A_193 = arith.constant 0 : i32
        %dma_wait3A_194 = arith.constant 0 : i32
        %dma_wait3A_195 = tpu.memref_slice %arg9[%dma_wait3A_193, %dma_wait3A_194] : memref<80x64xi32, #tpu.memory_space<vmem>> -> memref<1x64xi32, #tpu.memory_space<vmem>>
        %dma_wait3A_196 = tpu.memref_squeeze %dma_wait3A_195 : memref<1x64xi32, #tpu.memory_space<vmem>> -> memref<64xi32, #tpu.memory_space<vmem>>
        %dma_wait3A_197 = arith.constant 0 : i32
        %dma_wait3A_198 = arith.constant 0 : i32
        %dma_wait3A_199 = tpu.memref_slice %arg7[%dma_wait3A_197, %dma_wait3A_198] : memref<10240x64xf32, #tpu.memory_space<vmem_shared>> -> memref<10240x64xf32, #tpu.memory_space<vmem_shared>>
        tpu.wait_indirect_dma semaphore(%arg14 : memref<!tpu.dma_semaphore, #tpu.memory_space<semaphore_mem>>) src(%arg10 : memref<64x64xf32, #tpu.memory_space<vmem>>) dst(%dma_wait3A_199 : memref<10240x64xf32, #tpu.memory_space<vmem_shared>>)
        %add3A_200 = arith.constant 0 : i32
        %add3A_201 = arith.addi %add3A_147, %add3A_200 : i32
        %add3A_202 = arith.constant 2 : i32
        %add3A_203 = arith.addi %add3A_201, %add3A_202 : i32
        %dma_start3A_204 = arith.constant 0 : i32
        %dma_start3A_205 = tpu.memref_slice %arg8[%add3A_203, %dma_start3A_204] : memref<80x64xi32, #tpu.memory_space<vmem>> -> memref<1x64xi32, #tpu.memory_space<vmem>>
        %dma_start3A_206 = tpu.memref_squeeze %dma_start3A_205 : memref<1x64xi32, #tpu.memory_space<vmem>> -> memref<64xi32, #tpu.memory_space<vmem>>
        %dma_start3A_207 = arith.constant 0 : i32
        %dma_start3A_208 = arith.constant 0 : i32
        %dma_start3A_209 = tpu.memref_slice %arg6[%dma_start3A_207, %dma_start3A_208] : memref<10240x64xf32, #tpu.memory_space<vmem_shared>> -> memref<10240x64xf32, #tpu.memory_space<vmem_shared>>
        tpu.enqueue_indirect_dma source(%dma_start3A_209 : memref<10240x64xf32, #tpu.memory_space<vmem_shared>>) target(%arg10 : memref<64x64xf32, #tpu.memory_space<vmem>>) offsets(%dma_start3A_206 : memref<64xi32, #tpu.memory_space<vmem>>) semaphore(%arg12 : memref<!tpu.dma_semaphore, #tpu.memory_space<semaphore_mem>>)
      } else {
      }
      %dma_wait3A_169 = arith.constant 0 : i32
      %dma_wait3A_170 = arith.constant 0 : i32
      %dma_wait3A_171 = tpu.memref_slice %arg8[%dma_wait3A_169, %dma_wait3A_170] : memref<80x64xi32, #tpu.memory_space<vmem>> -> memref<1x64xi32, #tpu.memory_space<vmem>>
      %dma_wait3A_172 = tpu.memref_squeeze %dma_wait3A_171 : memref<1x64xi32, #tpu.memory_space<vmem>> -> memref<64xi32, #tpu.memory_space<vmem>>
      %dma_wait3A_173 = arith.constant 0 : i32
      %dma_wait3A_174 = arith.constant 0 : i32
      %dma_wait3A_175 = tpu.memref_slice %arg6[%dma_wait3A_173, %dma_wait3A_174] : memref<10240x64xf32, #tpu.memory_space<vmem_shared>> -> memref<10240x64xf32, #tpu.memory_space<vmem_shared>>
      tpu.wait_indirect_dma semaphore(%arg13 : memref<!tpu.dma_semaphore, #tpu.memory_space<semaphore_mem>>) src(%dma_wait3A_175 : memref<10240x64xf32, #tpu.memory_space<vmem_shared>>) dst(%arg11 : memref<64x64xf32, #tpu.memory_space<vmem>>)
      %add3A_176 = arith.constant 1 : i32
      %add3A_177 = arith.addi %add3A_147, %add3A_176 : i32
      %dma_start3A_178 = arith.constant 0 : i32
      %dma_start3A_179 = tpu.memref_slice %arg9[%add3A_177, %dma_start3A_178] : memref<80x64xi32, #tpu.memory_space<vmem>> -> memref<1x64xi32, #tpu.memory_space<vmem>>
      %dma_start3A_180 = tpu.memref_squeeze %dma_start3A_179 : memref<1x64xi32, #tpu.memory_space<vmem>> -> memref<64xi32, #tpu.memory_space<vmem>>
      %dma_start3A_181 = arith.constant 0 : i32
      %dma_start3A_182 = arith.constant 0 : i32
      %dma_start3A_183 = tpu.memref_slice %arg7[%dma_start3A_181, %dma_start3A_182] : memref<10240x64xf32, #tpu.memory_space<vmem_shared>> -> memref<10240x64xf32, #tpu.memory_space<vmem_shared>>
      tpu.enqueue_indirect_dma source(%arg11 : memref<64x64xf32, #tpu.memory_space<vmem>>) target(%dma_start3A_183 : memref<10240x64xf32, #tpu.memory_space<vmem_shared>>) offsets(%dma_start3A_180 : memref<64xi32, #tpu.memory_space<vmem>>) semaphore(%arg15 : memref<!tpu.dma_semaphore, #tpu.memory_space<semaphore_mem>>) {add = true}
      %add3A_184 = arith.constant 1 : i32
      %add3A_185 = arith.addi %add3A_147, %add3A_184 : i32
      %add3A_186 = arith.constant 2 : i32
      %add3A_187 = arith.addi %add3A_185, %add3A_186 : i32
      %lt3A_188 = arith.constant 80 : i32
      %lt3A_189 = arith.cmpi slt, %add3A_187, %lt3A_188 : i32
      %convert_element_type3A_190 = arith.extui %lt3A_189 : i1 to i32
      %cond3A_191 = arith.constant 0 : i32
      %cond3A_192 = arith.cmpi ne, %convert_element_type3A_190, %cond3A_191 : i32
      scf.if %cond3A_192 {
        %dma_wait3A_193 = arith.constant 0 : i32
        %dma_wait3A_194 = arith.constant 0 : i32
        %dma_wait3A_195 = tpu.memref_slice %arg9[%dma_wait3A_193, %dma_wait3A_194] : memref<80x64xi32, #tpu.memory_space<vmem>> -> memref<1x64xi32, #tpu.memory_space<vmem>>
        %dma_wait3A_196 = tpu.memref_squeeze %dma_wait3A_195 : memref<1x64xi32, #tpu.memory_space<vmem>> -> memref<64xi32, #tpu.memory_space<vmem>>
        %dma_wait3A_197 = arith.constant 0 : i32
        %dma_wait3A_198 = arith.constant 0 : i32
        %dma_wait3A_199 = tpu.memref_slice %arg7[%dma_wait3A_197, %dma_wait3A_198] : memref<10240x64xf32, #tpu.memory_space<vmem_shared>> -> memref<10240x64xf32, #tpu.memory_space<vmem_shared>>
        tpu.wait_indirect_dma semaphore(%arg15 : memref<!tpu.dma_semaphore, #tpu.memory_space<semaphore_mem>>) src(%arg11 : memref<64x64xf32, #tpu.memory_space<vmem>>) dst(%dma_wait3A_199 : memref<10240x64xf32, #tpu.memory_space<vmem_shared>>)
        %add3A_200 = arith.constant 1 : i32
        %add3A_201 = arith.addi %add3A_147, %add3A_200 : i32
        %add3A_202 = arith.constant 2 : i32
        %add3A_203 = arith.addi %add3A_201, %add3A_202 : i32
        %dma_start3A_204 = arith.constant 0 : i32
        %dma_start3A_205 = tpu.memref_slice %arg8[%add3A_203, %dma_start3A_204] : memref<80x64xi32, #tpu.memory_space<vmem>> -> memref<1x64xi32, #tpu.memory_space<vmem>>
        %dma_start3A_206 = tpu.memref_squeeze %dma_start3A_205 : memref<1x64xi32, #tpu.memory_space<vmem>> -> memref<64xi32, #tpu.memory_space<vmem>>
        %dma_start3A_207 = arith.constant 0 : i32
        %dma_start3A_208 = arith.constant 0 : i32
        %dma_start3A_209 = tpu.memref_slice %arg6[%dma_start3A_207, %dma_start3A_208] : memref<10240x64xf32, #tpu.memory_space<vmem_shared>> -> memref<10240x64xf32, #tpu.memory_space<vmem_shared>>
        tpu.enqueue_indirect_dma source(%dma_start3A_209 : memref<10240x64xf32, #tpu.memory_space<vmem_shared>>) target(%arg11 : memref<64x64xf32, #tpu.memory_space<vmem>>) offsets(%dma_start3A_206 : memref<64xi32, #tpu.memory_space<vmem>>) semaphore(%arg13 : memref<!tpu.dma_semaphore, #tpu.memory_space<semaphore_mem>>)
      } else {
      }
    }
    %scan3A_91 = arith.constant 40 : i32
    %dma_wait3A_92 = arith.constant 0 : i32
    %dma_wait3A_93 = arith.constant 0 : i32
    %dma_wait3A_94 = tpu.memref_slice %arg9[%dma_wait3A_92, %dma_wait3A_93] : memref<80x64xi32, #tpu.memory_space<vmem>> -> memref<1x64xi32, #tpu.memory_space<vmem>>
    %dma_wait3A_95 = tpu.memref_squeeze %dma_wait3A_94 : memref<1x64xi32, #tpu.memory_space<vmem>> -> memref<64xi32, #tpu.memory_space<vmem>>
    %dma_wait3A_96 = arith.constant 0 : i32
    %dma_wait3A_97 = arith.constant 0 : i32
    %dma_wait3A_98 = tpu.memref_slice %arg7[%dma_wait3A_96, %dma_wait3A_97] : memref<10240x64xf32, #tpu.memory_space<vmem_shared>> -> memref<10240x64xf32, #tpu.memory_space<vmem_shared>>
    tpu.wait_indirect_dma semaphore(%arg14 : memref<!tpu.dma_semaphore, #tpu.memory_space<semaphore_mem>>) src(%arg10 : memref<64x64xf32, #tpu.memory_space<vmem>>) dst(%dma_wait3A_98 : memref<10240x64xf32, #tpu.memory_space<vmem_shared>>)
    %dma_wait3A_99 = arith.constant 0 : i32
    %dma_wait3A_100 = arith.constant 0 : i32
    %dma_wait3A_101 = tpu.memref_slice %arg9[%dma_wait3A_99, %dma_wait3A_100] : memref<80x64xi32, #tpu.memory_space<vmem>> -> memref<1x64xi32, #tpu.memory_space<vmem>>
    %dma_wait3A_102 = tpu.memref_squeeze %dma_wait3A_101 : memref<1x64xi32, #tpu.memory_space<vmem>> -> memref<64xi32, #tpu.memory_space<vmem>>
    %dma_wait3A_103 = arith.constant 0 : i32
    %dma_wait3A_104 = arith.constant 0 : i32
    %dma_wait3A_105 = tpu.memref_slice %arg7[%dma_wait3A_103, %dma_wait3A_104] : memref<10240x64xf32, #tpu.memory_space<vmem_shared>> -> memref<10240x64xf32, #tpu.memory_space<vmem_shared>>
    tpu.wait_indirect_dma semaphore(%arg15 : memref<!tpu.dma_semaphore, #tpu.memory_space<semaphore_mem>>) src(%arg11 : memref<64x64xf32, #tpu.memory_space<vmem>>) dst(%dma_wait3A_105 : memref<10240x64xf32, #tpu.memory_space<vmem_shared>>)
    "tpu.region"() ({
      %run_scoped3A = tpu.sem_alloc : memref<!tpu.dma_semaphore, #tpu.memory_space<semaphore_mem>>
      %dma_start3A_145 = arith.constant 240 : i32
      %dma_start3A_146 = arith.constant 0 : i32
      %dma_start3A_147 = tpu.memref_slice %arg3[%arg1, %dma_start3A_145, %dma_start3A_146] : memref<16x320x64xi32, #tpu.memory_space<hbm>> -> memref<1x80x64xi32, #tpu.memory_space<hbm>>
      %dma_start3A_148 = tpu.memref_squeeze %dma_start3A_147 : memref<1x80x64xi32, #tpu.memory_space<hbm>> -> memref<80x64xi32, #tpu.memory_space<hbm>>
      %dma_start3A_149 = arith.constant 240 : i32
      %dma_start3A_150 = arith.constant 0 : i32
      %dma_start3A_151 = tpu.memref_slice %arg3[%arg1, %dma_start3A_149, %dma_start3A_150] : memref<16x320x64xi32, #tpu.memory_space<hbm>> -> memref<1x80x64xi32, #tpu.memory_space<hbm>>
      %dma_start3A_152 = tpu.memref_squeeze %dma_start3A_151 : memref<1x80x64xi32, #tpu.memory_space<hbm>> -> memref<80x64xi32, #tpu.memory_space<hbm>>
      tpu.enqueue_dma source(%dma_start3A_152 : memref<80x64xi32, #tpu.memory_space<hbm>>) target(%arg8 : memref<80x64xi32, #tpu.memory_space<vmem>>) target_semaphore(%run_scoped3A : memref<!tpu.dma_semaphore, #tpu.memory_space<semaphore_mem>>)
      %dma_wait3A_153 = arith.constant 240 : i32
      %dma_wait3A_154 = arith.constant 0 : i32
      %dma_wait3A_155 = tpu.memref_slice %arg3[%arg1, %dma_wait3A_153, %dma_wait3A_154] : memref<16x320x64xi32, #tpu.memory_space<hbm>> -> memref<1x80x64xi32, #tpu.memory_space<hbm>>
      %dma_wait3A_156 = tpu.memref_squeeze %dma_wait3A_155 : memref<1x80x64xi32, #tpu.memory_space<hbm>> -> memref<80x64xi32, #tpu.memory_space<hbm>>
      %dma_wait3A_157 = arith.constant 240 : i32
      %dma_wait3A_158 = arith.constant 0 : i32
      %dma_wait3A_159 = tpu.memref_slice %arg3[%arg1, %dma_wait3A_157, %dma_wait3A_158] : memref<16x320x64xi32, #tpu.memory_space<hbm>> -> memref<1x80x64xi32, #tpu.memory_space<hbm>>
      %dma_wait3A_160 = tpu.memref_squeeze %dma_wait3A_159 : memref<1x80x64xi32, #tpu.memory_space<hbm>> -> memref<80x64xi32, #tpu.memory_space<hbm>>
      tpu.wait_dma2 semaphore(%run_scoped3A : memref<!tpu.dma_semaphore, #tpu.memory_space<semaphore_mem>>) src(%dma_wait3A_160 : memref<80x64xi32, #tpu.memory_space<hbm>>) dst(%arg8 : memref<80x64xi32, #tpu.memory_space<vmem>>)
      tpu.yield
    }) : () -> ()
    "tpu.region"() ({
      %run_scoped3A = tpu.sem_alloc : memref<!tpu.dma_semaphore, #tpu.memory_space<semaphore_mem>>
      %dma_start3A_145 = arith.constant 240 : i32
      %dma_start3A_146 = arith.constant 0 : i32
      %dma_start3A_147 = tpu.memref_slice %arg4[%arg1, %dma_start3A_145, %dma_start3A_146] : memref<16x320x64xi32, #tpu.memory_space<hbm>> -> memref<1x80x64xi32, #tpu.memory_space<hbm>>
      %dma_start3A_148 = tpu.memref_squeeze %dma_start3A_147 : memref<1x80x64xi32, #tpu.memory_space<hbm>> -> memref<80x64xi32, #tpu.memory_space<hbm>>
      %dma_start3A_149 = arith.constant 240 : i32
      %dma_start3A_150 = arith.constant 0 : i32
      %dma_start3A_151 = tpu.memref_slice %arg4[%arg1, %dma_start3A_149, %dma_start3A_150] : memref<16x320x64xi32, #tpu.memory_space<hbm>> -> memref<1x80x64xi32, #tpu.memory_space<hbm>>
      %dma_start3A_152 = tpu.memref_squeeze %dma_start3A_151 : memref<1x80x64xi32, #tpu.memory_space<hbm>> -> memref<80x64xi32, #tpu.memory_space<hbm>>
      tpu.enqueue_dma source(%dma_start3A_152 : memref<80x64xi32, #tpu.memory_space<hbm>>) target(%arg9 : memref<80x64xi32, #tpu.memory_space<vmem>>) target_semaphore(%run_scoped3A : memref<!tpu.dma_semaphore, #tpu.memory_space<semaphore_mem>>)
      %dma_wait3A_153 = arith.constant 240 : i32
      %dma_wait3A_154 = arith.constant 0 : i32
      %dma_wait3A_155 = tpu.memref_slice %arg4[%arg1, %dma_wait3A_153, %dma_wait3A_154] : memref<16x320x64xi32, #tpu.memory_space<hbm>> -> memref<1x80x64xi32, #tpu.memory_space<hbm>>
      %dma_wait3A_156 = tpu.memref_squeeze %dma_wait3A_155 : memref<1x80x64xi32, #tpu.memory_space<hbm>> -> memref<80x64xi32, #tpu.memory_space<hbm>>
      %dma_wait3A_157 = arith.constant 240 : i32
      %dma_wait3A_158 = arith.constant 0 : i32
      %dma_wait3A_159 = tpu.memref_slice %arg4[%arg1, %dma_wait3A_157, %dma_wait3A_158] : memref<16x320x64xi32, #tpu.memory_space<hbm>> -> memref<1x80x64xi32, #tpu.memory_space<hbm>>
      %dma_wait3A_160 = tpu.memref_squeeze %dma_wait3A_159 : memref<1x80x64xi32, #tpu.memory_space<hbm>> -> memref<80x64xi32, #tpu.memory_space<hbm>>
      tpu.wait_dma2 semaphore(%run_scoped3A : memref<!tpu.dma_semaphore, #tpu.memory_space<semaphore_mem>>) src(%dma_wait3A_160 : memref<80x64xi32, #tpu.memory_space<hbm>>) dst(%arg9 : memref<80x64xi32, #tpu.memory_space<vmem>>)
      tpu.yield
    }) : () -> ()
    %dma_start3A_106 = arith.constant 0 : i32
    %dma_start3A_107 = arith.constant 0 : i32
    %dma_start3A_108 = tpu.memref_slice %arg8[%dma_start3A_106, %dma_start3A_107] : memref<80x64xi32, #tpu.memory_space<vmem>> -> memref<1x64xi32, #tpu.memory_space<vmem>>
    %dma_start3A_109 = tpu.memref_squeeze %dma_start3A_108 : memref<1x64xi32, #tpu.memory_space<vmem>> -> memref<64xi32, #tpu.memory_space<vmem>>
    %dma_start3A_110 = arith.constant 0 : i32
    %dma_start3A_111 = arith.constant 0 : i32
    %dma_start3A_112 = tpu.memref_slice %arg6[%dma_start3A_110, %dma_start3A_111] : memref<10240x64xf32, #tpu.memory_space<vmem_shared>> -> memref<10240x64xf32, #tpu.memory_space<vmem_shared>>
    tpu.enqueue_indirect_dma source(%dma_start3A_112 : memref<10240x64xf32, #tpu.memory_space<vmem_shared>>) target(%arg10 : memref<64x64xf32, #tpu.memory_space<vmem>>) offsets(%dma_start3A_109 : memref<64xi32, #tpu.memory_space<vmem>>) semaphore(%arg12 : memref<!tpu.dma_semaphore, #tpu.memory_space<semaphore_mem>>)
    %dma_start3A_113 = arith.constant 1 : i32
    %dma_start3A_114 = arith.constant 0 : i32
    %dma_start3A_115 = tpu.memref_slice %arg8[%dma_start3A_113, %dma_start3A_114] : memref<80x64xi32, #tpu.memory_space<vmem>> -> memref<1x64xi32, #tpu.memory_space<vmem>>
    %dma_start3A_116 = tpu.memref_squeeze %dma_start3A_115 : memref<1x64xi32, #tpu.memory_space<vmem>> -> memref<64xi32, #tpu.memory_space<vmem>>
    %dma_start3A_117 = arith.constant 0 : i32
    %dma_start3A_118 = arith.constant 0 : i32
    %dma_start3A_119 = tpu.memref_slice %arg6[%dma_start3A_117, %dma_start3A_118] : memref<10240x64xf32, #tpu.memory_space<vmem_shared>> -> memref<10240x64xf32, #tpu.memory_space<vmem_shared>>
    tpu.enqueue_indirect_dma source(%dma_start3A_119 : memref<10240x64xf32, #tpu.memory_space<vmem_shared>>) target(%arg11 : memref<64x64xf32, #tpu.memory_space<vmem>>) offsets(%dma_start3A_116 : memref<64xi32, #tpu.memory_space<vmem>>) semaphore(%arg13 : memref<!tpu.dma_semaphore, #tpu.memory_space<semaphore_mem>>)
    %scan3A_120 = arith.constant 0 : i32
    %scan3A_121 = arith.constant 40 : i32
    %scan3A_122 = arith.addi %scan3A_120, %scan3A_121 : i32
    %scan3A_123 = arith.constant 1 : i32
    scf.for %scan3A_145 = %scan3A_120 to %scan3A_122 step %scan3A_123  : i32 {
      %mul3A = arith.constant 2 : i32
      %mul3A_146 = arith.muli %scan3A_145, %mul3A : i32
      %add3A = arith.constant 0 : i32
      %add3A_147 = arith.addi %add3A, %mul3A_146 : i32
      %dma_wait3A_148 = arith.constant 0 : i32
      %dma_wait3A_149 = arith.constant 0 : i32
      %dma_wait3A_150 = tpu.memref_slice %arg8[%dma_wait3A_148, %dma_wait3A_149] : memref<80x64xi32, #tpu.memory_space<vmem>> -> memref<1x64xi32, #tpu.memory_space<vmem>>
      %dma_wait3A_151 = tpu.memref_squeeze %dma_wait3A_150 : memref<1x64xi32, #tpu.memory_space<vmem>> -> memref<64xi32, #tpu.memory_space<vmem>>
      %dma_wait3A_152 = arith.constant 0 : i32
      %dma_wait3A_153 = arith.constant 0 : i32
      %dma_wait3A_154 = tpu.memref_slice %arg6[%dma_wait3A_152, %dma_wait3A_153] : memref<10240x64xf32, #tpu.memory_space<vmem_shared>> -> memref<10240x64xf32, #tpu.memory_space<vmem_shared>>
      tpu.wait_indirect_dma semaphore(%arg12 : memref<!tpu.dma_semaphore, #tpu.memory_space<semaphore_mem>>) src(%dma_wait3A_154 : memref<10240x64xf32, #tpu.memory_space<vmem_shared>>) dst(%arg10 : memref<64x64xf32, #tpu.memory_space<vmem>>)
      %add3A_155 = arith.constant 0 : i32
      %add3A_156 = arith.addi %add3A_147, %add3A_155 : i32
      %dma_start3A_157 = arith.constant 0 : i32
      %dma_start3A_158 = tpu.memref_slice %arg9[%add3A_156, %dma_start3A_157] : memref<80x64xi32, #tpu.memory_space<vmem>> -> memref<1x64xi32, #tpu.memory_space<vmem>>
      %dma_start3A_159 = tpu.memref_squeeze %dma_start3A_158 : memref<1x64xi32, #tpu.memory_space<vmem>> -> memref<64xi32, #tpu.memory_space<vmem>>
      %dma_start3A_160 = arith.constant 0 : i32
      %dma_start3A_161 = arith.constant 0 : i32
      %dma_start3A_162 = tpu.memref_slice %arg7[%dma_start3A_160, %dma_start3A_161] : memref<10240x64xf32, #tpu.memory_space<vmem_shared>> -> memref<10240x64xf32, #tpu.memory_space<vmem_shared>>
      tpu.enqueue_indirect_dma source(%arg10 : memref<64x64xf32, #tpu.memory_space<vmem>>) target(%dma_start3A_162 : memref<10240x64xf32, #tpu.memory_space<vmem_shared>>) offsets(%dma_start3A_159 : memref<64xi32, #tpu.memory_space<vmem>>) semaphore(%arg14 : memref<!tpu.dma_semaphore, #tpu.memory_space<semaphore_mem>>) {add = true}
      %add3A_163 = arith.constant 0 : i32
      %add3A_164 = arith.addi %add3A_147, %add3A_163 : i32
      %add3A_165 = arith.constant 2 : i32
      %add3A_166 = arith.addi %add3A_164, %add3A_165 : i32
      %lt3A = arith.constant 80 : i32
      %lt3A_167 = arith.cmpi slt, %add3A_166, %lt3A : i32
      %convert_element_type3A = arith.extui %lt3A_167 : i1 to i32
      %cond3A = arith.constant 0 : i32
      %cond3A_168 = arith.cmpi ne, %convert_element_type3A, %cond3A : i32
      scf.if %cond3A_168 {
        %dma_wait3A_193 = arith.constant 0 : i32
        %dma_wait3A_194 = arith.constant 0 : i32
        %dma_wait3A_195 = tpu.memref_slice %arg9[%dma_wait3A_193, %dma_wait3A_194] : memref<80x64xi32, #tpu.memory_space<vmem>> -> memref<1x64xi32, #tpu.memory_space<vmem>>
        %dma_wait3A_196 = tpu.memref_squeeze %dma_wait3A_195 : memref<1x64xi32, #tpu.memory_space<vmem>> -> memref<64xi32, #tpu.memory_space<vmem>>
        %dma_wait3A_197 = arith.constant 0 : i32
        %dma_wait3A_198 = arith.constant 0 : i32
        %dma_wait3A_199 = tpu.memref_slice %arg7[%dma_wait3A_197, %dma_wait3A_198] : memref<10240x64xf32, #tpu.memory_space<vmem_shared>> -> memref<10240x64xf32, #tpu.memory_space<vmem_shared>>
        tpu.wait_indirect_dma semaphore(%arg14 : memref<!tpu.dma_semaphore, #tpu.memory_space<semaphore_mem>>) src(%arg10 : memref<64x64xf32, #tpu.memory_space<vmem>>) dst(%dma_wait3A_199 : memref<10240x64xf32, #tpu.memory_space<vmem_shared>>)
        %add3A_200 = arith.constant 0 : i32
        %add3A_201 = arith.addi %add3A_147, %add3A_200 : i32
        %add3A_202 = arith.constant 2 : i32
        %add3A_203 = arith.addi %add3A_201, %add3A_202 : i32
        %dma_start3A_204 = arith.constant 0 : i32
        %dma_start3A_205 = tpu.memref_slice %arg8[%add3A_203, %dma_start3A_204] : memref<80x64xi32, #tpu.memory_space<vmem>> -> memref<1x64xi32, #tpu.memory_space<vmem>>
        %dma_start3A_206 = tpu.memref_squeeze %dma_start3A_205 : memref<1x64xi32, #tpu.memory_space<vmem>> -> memref<64xi32, #tpu.memory_space<vmem>>
        %dma_start3A_207 = arith.constant 0 : i32
        %dma_start3A_208 = arith.constant 0 : i32
        %dma_start3A_209 = tpu.memref_slice %arg6[%dma_start3A_207, %dma_start3A_208] : memref<10240x64xf32, #tpu.memory_space<vmem_shared>> -> memref<10240x64xf32, #tpu.memory_space<vmem_shared>>
        tpu.enqueue_indirect_dma source(%dma_start3A_209 : memref<10240x64xf32, #tpu.memory_space<vmem_shared>>) target(%arg10 : memref<64x64xf32, #tpu.memory_space<vmem>>) offsets(%dma_start3A_206 : memref<64xi32, #tpu.memory_space<vmem>>) semaphore(%arg12 : memref<!tpu.dma_semaphore, #tpu.memory_space<semaphore_mem>>)
      } else {
      }
      %dma_wait3A_169 = arith.constant 0 : i32
      %dma_wait3A_170 = arith.constant 0 : i32
      %dma_wait3A_171 = tpu.memref_slice %arg8[%dma_wait3A_169, %dma_wait3A_170] : memref<80x64xi32, #tpu.memory_space<vmem>> -> memref<1x64xi32, #tpu.memory_space<vmem>>
      %dma_wait3A_172 = tpu.memref_squeeze %dma_wait3A_171 : memref<1x64xi32, #tpu.memory_space<vmem>> -> memref<64xi32, #tpu.memory_space<vmem>>
      %dma_wait3A_173 = arith.constant 0 : i32
      %dma_wait3A_174 = arith.constant 0 : i32
      %dma_wait3A_175 = tpu.memref_slice %arg6[%dma_wait3A_173, %dma_wait3A_174] : memref<10240x64xf32, #tpu.memory_space<vmem_shared>> -> memref<10240x64xf32, #tpu.memory_space<vmem_shared>>
      tpu.wait_indirect_dma semaphore(%arg13 : memref<!tpu.dma_semaphore, #tpu.memory_space<semaphore_mem>>) src(%dma_wait3A_175 : memref<10240x64xf32, #tpu.memory_space<vmem_shared>>) dst(%arg11 : memref<64x64xf32, #tpu.memory_space<vmem>>)
      %add3A_176 = arith.constant 1 : i32
      %add3A_177 = arith.addi %add3A_147, %add3A_176 : i32
      %dma_start3A_178 = arith.constant 0 : i32
      %dma_start3A_179 = tpu.memref_slice %arg9[%add3A_177, %dma_start3A_178] : memref<80x64xi32, #tpu.memory_space<vmem>> -> memref<1x64xi32, #tpu.memory_space<vmem>>
      %dma_start3A_180 = tpu.memref_squeeze %dma_start3A_179 : memref<1x64xi32, #tpu.memory_space<vmem>> -> memref<64xi32, #tpu.memory_space<vmem>>
      %dma_start3A_181 = arith.constant 0 : i32
      %dma_start3A_182 = arith.constant 0 : i32
      %dma_start3A_183 = tpu.memref_slice %arg7[%dma_start3A_181, %dma_start3A_182] : memref<10240x64xf32, #tpu.memory_space<vmem_shared>> -> memref<10240x64xf32, #tpu.memory_space<vmem_shared>>
      tpu.enqueue_indirect_dma source(%arg11 : memref<64x64xf32, #tpu.memory_space<vmem>>) target(%dma_start3A_183 : memref<10240x64xf32, #tpu.memory_space<vmem_shared>>) offsets(%dma_start3A_180 : memref<64xi32, #tpu.memory_space<vmem>>) semaphore(%arg15 : memref<!tpu.dma_semaphore, #tpu.memory_space<semaphore_mem>>) {add = true}
      %add3A_184 = arith.constant 1 : i32
      %add3A_185 = arith.addi %add3A_147, %add3A_184 : i32
      %add3A_186 = arith.constant 2 : i32
      %add3A_187 = arith.addi %add3A_185, %add3A_186 : i32
      %lt3A_188 = arith.constant 80 : i32
      %lt3A_189 = arith.cmpi slt, %add3A_187, %lt3A_188 : i32
      %convert_element_type3A_190 = arith.extui %lt3A_189 : i1 to i32
      %cond3A_191 = arith.constant 0 : i32
      %cond3A_192 = arith.cmpi ne, %convert_element_type3A_190, %cond3A_191 : i32
      scf.if %cond3A_192 {
        %dma_wait3A_193 = arith.constant 0 : i32
        %dma_wait3A_194 = arith.constant 0 : i32
        %dma_wait3A_195 = tpu.memref_slice %arg9[%dma_wait3A_193, %dma_wait3A_194] : memref<80x64xi32, #tpu.memory_space<vmem>> -> memref<1x64xi32, #tpu.memory_space<vmem>>
        %dma_wait3A_196 = tpu.memref_squeeze %dma_wait3A_195 : memref<1x64xi32, #tpu.memory_space<vmem>> -> memref<64xi32, #tpu.memory_space<vmem>>
        %dma_wait3A_197 = arith.constant 0 : i32
        %dma_wait3A_198 = arith.constant 0 : i32
        %dma_wait3A_199 = tpu.memref_slice %arg7[%dma_wait3A_197, %dma_wait3A_198] : memref<10240x64xf32, #tpu.memory_space<vmem_shared>> -> memref<10240x64xf32, #tpu.memory_space<vmem_shared>>
        tpu.wait_indirect_dma semaphore(%arg15 : memref<!tpu.dma_semaphore, #tpu.memory_space<semaphore_mem>>) src(%arg11 : memref<64x64xf32, #tpu.memory_space<vmem>>) dst(%dma_wait3A_199 : memref<10240x64xf32, #tpu.memory_space<vmem_shared>>)
        %add3A_200 = arith.constant 1 : i32
        %add3A_201 = arith.addi %add3A_147, %add3A_200 : i32
        %add3A_202 = arith.constant 2 : i32
        %add3A_203 = arith.addi %add3A_201, %add3A_202 : i32
        %dma_start3A_204 = arith.constant 0 : i32
        %dma_start3A_205 = tpu.memref_slice %arg8[%add3A_203, %dma_start3A_204] : memref<80x64xi32, #tpu.memory_space<vmem>> -> memref<1x64xi32, #tpu.memory_space<vmem>>
        %dma_start3A_206 = tpu.memref_squeeze %dma_start3A_205 : memref<1x64xi32, #tpu.memory_space<vmem>> -> memref<64xi32, #tpu.memory_space<vmem>>
        %dma_start3A_207 = arith.constant 0 : i32
        %dma_start3A_208 = arith.constant 0 : i32
        %dma_start3A_209 = tpu.memref_slice %arg6[%dma_start3A_207, %dma_start3A_208] : memref<10240x64xf32, #tpu.memory_space<vmem_shared>> -> memref<10240x64xf32, #tpu.memory_space<vmem_shared>>
        tpu.enqueue_indirect_dma source(%dma_start3A_209 : memref<10240x64xf32, #tpu.memory_space<vmem_shared>>) target(%arg11 : memref<64x64xf32, #tpu.memory_space<vmem>>) offsets(%dma_start3A_206 : memref<64xi32, #tpu.memory_space<vmem>>) semaphore(%arg13 : memref<!tpu.dma_semaphore, #tpu.memory_space<semaphore_mem>>)
      } else {
      }
    }
    %scan3A_124 = arith.constant 40 : i32
    %dma_wait3A_125 = arith.constant 0 : i32
    %dma_wait3A_126 = arith.constant 0 : i32
    %dma_wait3A_127 = tpu.memref_slice %arg9[%dma_wait3A_125, %dma_wait3A_126] : memref<80x64xi32, #tpu.memory_space<vmem>> -> memref<1x64xi32, #tpu.memory_space<vmem>>
    %dma_wait3A_128 = tpu.memref_squeeze %dma_wait3A_127 : memref<1x64xi32, #tpu.memory_space<vmem>> -> memref<64xi32, #tpu.memory_space<vmem>>
    %dma_wait3A_129 = arith.constant 0 : i32
    %dma_wait3A_130 = arith.constant 0 : i32
    %dma_wait3A_131 = tpu.memref_slice %arg7[%dma_wait3A_129, %dma_wait3A_130] : memref<10240x64xf32, #tpu.memory_space<vmem_shared>> -> memref<10240x64xf32, #tpu.memory_space<vmem_shared>>
    tpu.wait_indirect_dma semaphore(%arg14 : memref<!tpu.dma_semaphore, #tpu.memory_space<semaphore_mem>>) src(%arg10 : memref<64x64xf32, #tpu.memory_space<vmem>>) dst(%dma_wait3A_131 : memref<10240x64xf32, #tpu.memory_space<vmem_shared>>)
    %dma_wait3A_132 = arith.constant 0 : i32
    %dma_wait3A_133 = arith.constant 0 : i32
    %dma_wait3A_134 = tpu.memref_slice %arg9[%dma_wait3A_132, %dma_wait3A_133] : memref<80x64xi32, #tpu.memory_space<vmem>> -> memref<1x64xi32, #tpu.memory_space<vmem>>
    %dma_wait3A_135 = tpu.memref_squeeze %dma_wait3A_134 : memref<1x64xi32, #tpu.memory_space<vmem>> -> memref<64xi32, #tpu.memory_space<vmem>>
    %dma_wait3A_136 = arith.constant 0 : i32
    %dma_wait3A_137 = arith.constant 0 : i32
    %dma_wait3A_138 = tpu.memref_slice %arg7[%dma_wait3A_136, %dma_wait3A_137] : memref<10240x64xf32, #tpu.memory_space<vmem_shared>> -> memref<10240x64xf32, #tpu.memory_space<vmem_shared>>
    tpu.wait_indirect_dma semaphore(%arg15 : memref<!tpu.dma_semaphore, #tpu.memory_space<semaphore_mem>>) src(%arg11 : memref<64x64xf32, #tpu.memory_space<vmem>>) dst(%dma_wait3A_138 : memref<10240x64xf32, #tpu.memory_space<vmem_shared>>)
    %barrier3A_139 = arith.constant 0 : index
    tpu.barrier barrier_id(%barrier3A_139)
    %scan3A_140 = arith.constant 0 : i32
    %scan3A_141 = arith.constant 10 : i32
    %scan3A_142 = arith.addi %scan3A_140, %scan3A_141 : i32
    %scan3A_143 = arith.constant 1 : i32
    scf.for %scan3A_145 = %scan3A_140 to %scan3A_142 step %scan3A_143  : i32 {
      %mul3A = arith.constant 1 : i32
      %mul3A_146 = arith.muli %scan3A_145, %mul3A : i32
      %add3A = arith.constant 0 : i32
      %add3A_147 = arith.addi %add3A, %mul3A_146 : i32
      %mul3A_148 = arith.constant 640 : i32
      %mul3A_149 = arith.muli %arg1, %mul3A_148 : i32
      %mul3A_150 = arith.constant 64 : i32
      %mul3A_151 = arith.muli %add3A_147, %mul3A_150 : i32
      %add3A_152 = arith.addi %mul3A_149, %mul3A_151 : i32
      "tpu.region"() ({
        %run_scoped3A = tpu.sem_alloc : memref<!tpu.dma_semaphore, #tpu.memory_space<semaphore_mem>>
        %dma_start3A_160 = arith.constant 0 : i32
        %dma_start3A_161 = tpu.memref_slice %arg7[%add3A_152, %dma_start3A_160] : memref<10240x64xf32, #tpu.memory_space<vmem_shared>> -> memref<64x64xf32, #tpu.memory_space<vmem_shared>>
        %dma_start3A_162 = arith.constant 0 : i32
        %dma_start3A_163 = tpu.memref_slice %arg7[%add3A_152, %dma_start3A_162] : memref<10240x64xf32, #tpu.memory_space<vmem_shared>> -> memref<64x64xf32, #tpu.memory_space<vmem_shared>>
        tpu.enqueue_dma source(%dma_start3A_163 : memref<64x64xf32, #tpu.memory_space<vmem_shared>>) target(%arg10 : memref<64x64xf32, #tpu.memory_space<vmem>>) target_semaphore(%run_scoped3A : memref<!tpu.dma_semaphore, #tpu.memory_space<semaphore_mem>>)
        %dma_wait3A_164 = arith.constant 0 : i32
        %dma_wait3A_165 = tpu.memref_slice %arg7[%add3A_152, %dma_wait3A_164] : memref<10240x64xf32, #tpu.memory_space<vmem_shared>> -> memref<64x64xf32, #tpu.memory_space<vmem_shared>>
        %dma_wait3A_166 = arith.constant 0 : i32
        %dma_wait3A_167 = tpu.memref_slice %arg7[%add3A_152, %dma_wait3A_166] : memref<10240x64xf32, #tpu.memory_space<vmem_shared>> -> memref<64x64xf32, #tpu.memory_space<vmem_shared>>
        tpu.wait_dma2 semaphore(%run_scoped3A : memref<!tpu.dma_semaphore, #tpu.memory_space<semaphore_mem>>) src(%dma_wait3A_167 : memref<64x64xf32, #tpu.memory_space<vmem_shared>>) dst(%arg10 : memref<64x64xf32, #tpu.memory_space<vmem>>)
        tpu.yield
      }) : () -> ()
      %mul3A_153 = arith.constant 640 : i32
      %mul3A_154 = arith.muli %arg1, %mul3A_153 : i32
      %mul3A_155 = arith.constant 64 : i32
      %mul3A_156 = arith.muli %add3A_147, %mul3A_155 : i32
      %add3A_157 = arith.addi %mul3A_154, %mul3A_156 : i32
      %mul3A_158 = arith.constant 64 : i32
      %mul3A_159 = arith.muli %arg0, %mul3A_158 : i32
      "tpu.region"() ({
        %run_scoped3A = tpu.sem_alloc : memref<!tpu.dma_semaphore, #tpu.memory_space<semaphore_mem>>
        %dma_start3A_160 = tpu.memref_slice %arg5[%add3A_157, %mul3A_159] : memref<10240x128xf32, #tpu.memory_space<hbm>> -> memref<64x64xf32, #tpu.memory_space<hbm>>
        %dma_start3A_161 = tpu.memref_slice %arg5[%add3A_157, %mul3A_159] : memref<10240x128xf32, #tpu.memory_space<hbm>> -> memref<64x64xf32, #tpu.memory_space<hbm>>
        tpu.enqueue_dma source(%arg10 : memref<64x64xf32, #tpu.memory_space<vmem>>) target(%dma_start3A_161 : memref<64x64xf32, #tpu.memory_space<hbm>>) target_semaphore(%run_scoped3A : memref<!tpu.dma_semaphore, #tpu.memory_space<semaphore_mem>>)
        %dma_wait3A_162 = tpu.memref_slice %arg5[%add3A_157, %mul3A_159] : memref<10240x128xf32, #tpu.memory_space<hbm>> -> memref<64x64xf32, #tpu.memory_space<hbm>>
        %dma_wait3A_163 = tpu.memref_slice %arg5[%add3A_157, %mul3A_159] : memref<10240x128xf32, #tpu.memory_space<hbm>> -> memref<64x64xf32, #tpu.memory_space<hbm>>
        tpu.wait_dma2 semaphore(%run_scoped3A : memref<!tpu.dma_semaphore, #tpu.memory_space<semaphore_mem>>) src(%arg10 : memref<64x64xf32, #tpu.memory_space<vmem>>) dst(%dma_wait3A_163 : memref<64x64xf32, #tpu.memory_space<hbm>>)
        tpu.yield
      }) : () -> ()
    }
    %scan3A_144 = arith.constant 10 : i32
    return
  }
}

module attributes {stable_mosaic.version = 14 : i64} {
  func.func @_mm_first_body(%arg0: i32, %arg1: memref<10240x128xf32, #tpu.memory_space<vmem>>, %arg2: memref<128x128xf32, #tpu.memory_space<vmem>>, %arg3: memref<2x10240xf32, #tpu.memory_space<vmem>>, %arg4: memref<10240x128xf32, #tpu.memory_space<vmem>>) attributes {dimension_semantics = [#tpu.dimension_semantics<arbitrary>], iteration_bounds = array<i64: 1>, scalar_prefetch = 0 : i64, scratch_operands = 0 : i64, tpu.core_type = #tpu.core_type<tc>, window_params = [{transform_indices = @transform_0, window_bounds = array<i64: 10240, 128>}, {pipeline_mode = #tpu.pipeline_mode<synchronous>, transform_indices = @transform_1, window_bounds = array<i64: 128, 128>}, {transform_indices = @transform_2, window_bounds = array<i64: 2, 10240>}, {transform_indices = @transform_3, window_bounds = array<i64: 10240, 128>}]} {
    %get3A = arith.constant 0 : index
    %get3A_0 = arith.constant 0 : index
    %get3A_1 = vector.load %arg3[%get3A, %get3A_0] : memref<2x10240xf32, #tpu.memory_space<vmem>>, vector<1x10240xf32>
    %get3A_2 = vector.shape_cast %get3A_1 : vector<1x10240xf32> to vector<10240xf32>
    %get3A_3 = arith.constant 1 : index
    %get3A_4 = arith.constant 0 : index
    %get3A_5 = vector.load %arg3[%get3A_3, %get3A_4] : memref<2x10240xf32, #tpu.memory_space<vmem>>, vector<1x10240xf32>
    %get3A_6 = vector.shape_cast %get3A_5 : vector<1x10240xf32> to vector<10240xf32>
    %add3A = arith.addf %get3A_2, %get3A_6 : vector<10240xf32>
    %add3A_7 = arith.constant 1.000000e+00 : f32
    %add3A_8 = vector.broadcast %add3A_7 : f32 to vector<10240xf32>
    %add3A_9 = arith.addf %add3A, %add3A_8 : vector<10240xf32>
    %rsqrt3A = math.rsqrt %add3A_9 : vector<10240xf32>
    %get3A_10 = arith.constant 0 : index
    %get3A_11 = arith.constant 0 : index
    %get3A_12 = vector.load %arg1[%get3A_10, %get3A_11] : memref<10240x128xf32, #tpu.memory_space<vmem>>, vector<10240x128xf32>
    %get3A_13 = arith.constant 0 : index
    %get3A_14 = arith.constant 0 : index
    %get3A_15 = vector.load %arg2[%get3A_13, %get3A_14] : memref<128x128xf32, #tpu.memory_space<vmem>>, vector<128x128xf32>
    %dot_general3A = arith.constant dense<0.000000e+00> : vector<10240x128xf32>
    %dot_general3A_16 = tpu.matmul %get3A_12, %get3A_15, %dot_general3A {dimension_numbers = #tpu.dot_dimension_numbers<[1], [0], [0], [1], [0, 0, 1, 1], [], []>, transpose_lhs_hint = false} : vector<10240x128xf32>, vector<128x128xf32>, vector<10240x128xf32> -> vector<10240x128xf32>
    %broadcast_in_dim3A = vector.shape_cast %rsqrt3A : vector<10240xf32> to vector<10240x1xf32>
    %mul3A = vector.broadcast %broadcast_in_dim3A : vector<10240x1xf32> to vector<10240x128xf32>
    %mul3A_17 = arith.mulf %dot_general3A_16, %mul3A : vector<10240x128xf32>
    %swap3A = arith.constant 0 : index
    %swap3A_18 = arith.constant 0 : index
    %swap3A_19 = vector.load %arg4[%swap3A, %swap3A_18] : memref<10240x128xf32, #tpu.memory_space<vmem>>, vector<10240x128xf32>
    tpu.vector_store %arg4[%swap3A, %swap3A_18], %mul3A_17 {strides = array<i32>} : memref<10240x128xf32, #tpu.memory_space<vmem>>, vector<10240x128xf32>,
    return
  }
  func.func @transform_0(%arg0: i32) -> (i32, i32) {
    %c0_i32 = arith.constant 0 : i32
    %c0_i32_0 = arith.constant 0 : i32
    return %arg0, %c0_i32 : i32, i32
  }
  func.func @transform_1(%arg0: i32) -> (i32, i32) {
    %c0_i32 = arith.constant 0 : i32
    %c0_i32_0 = arith.constant 0 : i32
    %c0_i32_1 = arith.constant 0 : i32
    return %c0_i32, %c0_i32_0 : i32, i32
  }
  func.func @transform_2(%arg0: i32) -> (i32, i32) {
    %c0_i32 = arith.constant 0 : i32
    %c0_i32_0 = arith.constant 0 : i32
    return %c0_i32, %arg0 : i32, i32
  }
  func.func @transform_3(%arg0: i32) -> (i32, i32) {
    %c0_i32 = arith.constant 0 : i32
    %c0_i32_0 = arith.constant 0 : i32
    return %arg0, %c0_i32 : i32, i32
  }
}

module attributes {stable_mosaic.version = 14 : i64} {
  func.func @_mm_mid_body(%arg0: i32, %arg1: memref<10240x128xf32, #tpu.memory_space<vmem>>, %arg2: memref<10240x128xf32, #tpu.memory_space<vmem>>, %arg3: memref<2x10240xf32, #tpu.memory_space<vmem>>, %arg4: memref<128x128xf32, #tpu.memory_space<vmem>>, %arg5: memref<1x128xf32, #tpu.memory_space<vmem>>, %arg6: memref<10240x128xf32, #tpu.memory_space<vmem>>) attributes {dimension_semantics = [#tpu.dimension_semantics<arbitrary>], iteration_bounds = array<i64: 1>, scalar_prefetch = 0 : i64, scratch_operands = 0 : i64, tpu.core_type = #tpu.core_type<tc>, window_params = [{transform_indices = @transform_0, window_bounds = array<i64: 10240, 128>}, {transform_indices = @transform_1, window_bounds = array<i64: 10240, 128>}, {transform_indices = @transform_2, window_bounds = array<i64: 2, 10240>}, {pipeline_mode = #tpu.pipeline_mode<synchronous>, transform_indices = @transform_3, window_bounds = array<i64: 128, 128>}, {pipeline_mode = #tpu.pipeline_mode<synchronous>, transform_indices = @transform_4, window_bounds = array<i64: 1, 128>}, {transform_indices = @transform_5, window_bounds = array<i64: 10240, 128>}]} {
    %get3A = arith.constant 0 : index
    %get3A_0 = arith.constant 0 : index
    %get3A_1 = vector.load %arg3[%get3A, %get3A_0] : memref<2x10240xf32, #tpu.memory_space<vmem>>, vector<1x10240xf32>
    %get3A_2 = vector.shape_cast %get3A_1 : vector<1x10240xf32> to vector<10240xf32>
    %get3A_3 = arith.constant 1 : index
    %get3A_4 = arith.constant 0 : index
    %get3A_5 = vector.load %arg3[%get3A_3, %get3A_4] : memref<2x10240xf32, #tpu.memory_space<vmem>>, vector<1x10240xf32>
    %get3A_6 = vector.shape_cast %get3A_5 : vector<1x10240xf32> to vector<10240xf32>
    %add3A = arith.addf %get3A_2, %get3A_6 : vector<10240xf32>
    %add3A_7 = arith.constant 1.000000e+00 : f32
    %add3A_8 = vector.broadcast %add3A_7 : f32 to vector<10240xf32>
    %add3A_9 = arith.addf %add3A, %add3A_8 : vector<10240xf32>
    %rsqrt3A = math.rsqrt %add3A_9 : vector<10240xf32>
    %get3A_10 = arith.constant 0 : index
    %get3A_11 = arith.constant 0 : index
    %get3A_12 = vector.load %arg1[%get3A_10, %get3A_11] : memref<10240x128xf32, #tpu.memory_space<vmem>>, vector<10240x128xf32>
    %get3A_13 = arith.constant 0 : index
    %get3A_14 = arith.constant 0 : index
    %get3A_15 = vector.load %arg2[%get3A_13, %get3A_14] : memref<10240x128xf32, #tpu.memory_space<vmem>>, vector<10240x128xf32>
    %add3A_16 = arith.addf %get3A_12, %get3A_15 : vector<10240x128xf32>
    %broadcast_in_dim3A = vector.shape_cast %rsqrt3A : vector<10240xf32> to vector<10240x1xf32>
    %mul3A = vector.broadcast %broadcast_in_dim3A : vector<10240x1xf32> to vector<10240x128xf32>
    %mul3A_17 = arith.mulf %mul3A, %add3A_16 : vector<10240x128xf32>
    %get3A_18 = arith.constant 0 : index
    %get3A_19 = arith.constant 0 : index
    %get3A_20 = vector.load %arg5[%get3A_18, %get3A_19] : memref<1x128xf32, #tpu.memory_space<vmem>>, vector<1x128xf32>
    %add3A_21 = vector.broadcast %get3A_20 : vector<1x128xf32> to vector<10240x128xf32>
    %add3A_22 = arith.addf %mul3A_17, %add3A_21 : vector<10240x128xf32>
    %ge3A = arith.constant 0.000000e+00 : f32
    %ge3A_23 = vector.broadcast %ge3A : f32 to vector<10240x128xf32>
    %ge3A_24 = arith.cmpf oge, %add3A_22, %ge3A_23 : vector<10240x128xf32>
    %mul3A_25 = arith.constant 0.00999999977 : f32
    %mul3A_26 = vector.broadcast %mul3A_25 : f32 to vector<10240x128xf32>
    %mul3A_27 = arith.mulf %mul3A_26, %add3A_22 : vector<10240x128xf32>
    %select_n3A = arith.select %ge3A_24, %add3A_22, %mul3A_27 : vector<10240x128xi1>, vector<10240x128xf32>
    %get3A_28 = arith.constant 0 : index
    %get3A_29 = arith.constant 0 : index
    %get3A_30 = vector.load %arg4[%get3A_28, %get3A_29] : memref<128x128xf32, #tpu.memory_space<vmem>>, vector<128x128xf32>
    %dot_general3A = arith.constant dense<0.000000e+00> : vector<10240x128xf32>
    %dot_general3A_31 = tpu.matmul %select_n3A, %get3A_30, %dot_general3A {dimension_numbers = #tpu.dot_dimension_numbers<[1], [0], [0], [1], [0, 0, 1, 1], [], []>, transpose_lhs_hint = false} : vector<10240x128xf32>, vector<128x128xf32>, vector<10240x128xf32> -> vector<10240x128xf32>
    %broadcast_in_dim3A_32 = vector.shape_cast %rsqrt3A : vector<10240xf32> to vector<10240x1xf32>
    %mul3A_33 = vector.broadcast %broadcast_in_dim3A_32 : vector<10240x1xf32> to vector<10240x128xf32>
    %mul3A_34 = arith.mulf %dot_general3A_31, %mul3A_33 : vector<10240x128xf32>
    %swap3A = arith.constant 0 : index
    %swap3A_35 = arith.constant 0 : index
    %swap3A_36 = vector.load %arg6[%swap3A, %swap3A_35] : memref<10240x128xf32, #tpu.memory_space<vmem>>, vector<10240x128xf32>
    tpu.vector_store %arg6[%swap3A, %swap3A_35], %mul3A_34 {strides = array<i32>} : memref<10240x128xf32, #tpu.memory_space<vmem>>, vector<10240x128xf32>,
    return
  }
  func.func @transform_0(%arg0: i32) -> (i32, i32) {
    %c0_i32 = arith.constant 0 : i32
    %c0_i32_0 = arith.constant 0 : i32
    return %arg0, %c0_i32 : i32, i32
  }
  func.func @transform_1(%arg0: i32) -> (i32, i32) {
    %c0_i32 = arith.constant 0 : i32
    %c0_i32_0 = arith.constant 0 : i32
    return %arg0, %c0_i32 : i32, i32
  }
  func.func @transform_2(%arg0: i32) -> (i32, i32) {
    %c0_i32 = arith.constant 0 : i32
    %c0_i32_0 = arith.constant 0 : i32
    return %c0_i32, %arg0 : i32, i32
  }
  func.func @transform_3(%arg0: i32) -> (i32, i32) {
    %c0_i32 = arith.constant 0 : i32
    %c0_i32_0 = arith.constant 0 : i32
    %c0_i32_1 = arith.constant 0 : i32
    return %c0_i32, %c0_i32_0 : i32, i32
  }
  func.func @transform_4(%arg0: i32) -> (i32, i32) {
    %c0_i32 = arith.constant 0 : i32
    %c0_i32_0 = arith.constant 0 : i32
    %c0_i32_1 = arith.constant 0 : i32
    return %c0_i32, %c0_i32_0 : i32, i32
  }
  func.func @transform_5(%arg0: i32) -> (i32, i32) {
    %c0_i32 = arith.constant 0 : i32
    %c0_i32_0 = arith.constant 0 : i32
    return %arg0, %c0_i32 : i32, i32
  }
}

module attributes {stable_mosaic.version = 14 : i64} {
  func.func @_mm_mid_body(%arg0: i32, %arg1: memref<10240x128xf32, #tpu.memory_space<vmem>>, %arg2: memref<10240x128xf32, #tpu.memory_space<vmem>>, %arg3: memref<2x10240xf32, #tpu.memory_space<vmem>>, %arg4: memref<128x128xf32, #tpu.memory_space<vmem>>, %arg5: memref<1x128xf32, #tpu.memory_space<vmem>>, %arg6: memref<10240x128xf32, #tpu.memory_space<vmem>>) attributes {dimension_semantics = [#tpu.dimension_semantics<arbitrary>], iteration_bounds = array<i64: 1>, scalar_prefetch = 0 : i64, scratch_operands = 0 : i64, tpu.core_type = #tpu.core_type<tc>, window_params = [{transform_indices = @transform_0, window_bounds = array<i64: 10240, 128>}, {transform_indices = @transform_1, window_bounds = array<i64: 10240, 128>}, {transform_indices = @transform_2, window_bounds = array<i64: 2, 10240>}, {pipeline_mode = #tpu.pipeline_mode<synchronous>, transform_indices = @transform_3, window_bounds = array<i64: 128, 128>}, {pipeline_mode = #tpu.pipeline_mode<synchronous>, transform_indices = @transform_4, window_bounds = array<i64: 1, 128>}, {transform_indices = @transform_5, window_bounds = array<i64: 10240, 128>}]} {
    %get3A = arith.constant 0 : index
    %get3A_0 = arith.constant 0 : index
    %get3A_1 = vector.load %arg3[%get3A, %get3A_0] : memref<2x10240xf32, #tpu.memory_space<vmem>>, vector<1x10240xf32>
    %get3A_2 = vector.shape_cast %get3A_1 : vector<1x10240xf32> to vector<10240xf32>
    %get3A_3 = arith.constant 1 : index
    %get3A_4 = arith.constant 0 : index
    %get3A_5 = vector.load %arg3[%get3A_3, %get3A_4] : memref<2x10240xf32, #tpu.memory_space<vmem>>, vector<1x10240xf32>
    %get3A_6 = vector.shape_cast %get3A_5 : vector<1x10240xf32> to vector<10240xf32>
    %add3A = arith.addf %get3A_2, %get3A_6 : vector<10240xf32>
    %add3A_7 = arith.constant 1.000000e+00 : f32
    %add3A_8 = vector.broadcast %add3A_7 : f32 to vector<10240xf32>
    %add3A_9 = arith.addf %add3A, %add3A_8 : vector<10240xf32>
    %rsqrt3A = math.rsqrt %add3A_9 : vector<10240xf32>
    %get3A_10 = arith.constant 0 : index
    %get3A_11 = arith.constant 0 : index
    %get3A_12 = vector.load %arg1[%get3A_10, %get3A_11] : memref<10240x128xf32, #tpu.memory_space<vmem>>, vector<10240x128xf32>
    %get3A_13 = arith.constant 0 : index
    %get3A_14 = arith.constant 0 : index
    %get3A_15 = vector.load %arg2[%get3A_13, %get3A_14] : memref<10240x128xf32, #tpu.memory_space<vmem>>, vector<10240x128xf32>
    %add3A_16 = arith.addf %get3A_12, %get3A_15 : vector<10240x128xf32>
    %broadcast_in_dim3A = vector.shape_cast %rsqrt3A : vector<10240xf32> to vector<10240x1xf32>
    %mul3A = vector.broadcast %broadcast_in_dim3A : vector<10240x1xf32> to vector<10240x128xf32>
    %mul3A_17 = arith.mulf %mul3A, %add3A_16 : vector<10240x128xf32>
    %get3A_18 = arith.constant 0 : index
    %get3A_19 = arith.constant 0 : index
    %get3A_20 = vector.load %arg5[%get3A_18, %get3A_19] : memref<1x128xf32, #tpu.memory_space<vmem>>, vector<1x128xf32>
    %add3A_21 = vector.broadcast %get3A_20 : vector<1x128xf32> to vector<10240x128xf32>
    %add3A_22 = arith.addf %mul3A_17, %add3A_21 : vector<10240x128xf32>
    %get3A_23 = arith.constant 0 : index
    %get3A_24 = arith.constant 0 : index
    %get3A_25 = vector.load %arg4[%get3A_23, %get3A_24] : memref<128x128xf32, #tpu.memory_space<vmem>>, vector<128x128xf32>
    %dot_general3A = arith.constant dense<0.000000e+00> : vector<10240x128xf32>
    %dot_general3A_26 = tpu.matmul %add3A_22, %get3A_25, %dot_general3A {dimension_numbers = #tpu.dot_dimension_numbers<[1], [0], [0], [1], [0, 0, 1, 1], [], []>, transpose_lhs_hint = false} : vector<10240x128xf32>, vector<128x128xf32>, vector<10240x128xf32> -> vector<10240x128xf32>
    %broadcast_in_dim3A_27 = vector.shape_cast %rsqrt3A : vector<10240xf32> to vector<10240x1xf32>
    %mul3A_28 = vector.broadcast %broadcast_in_dim3A_27 : vector<10240x1xf32> to vector<10240x128xf32>
    %mul3A_29 = arith.mulf %dot_general3A_26, %mul3A_28 : vector<10240x128xf32>
    %swap3A = arith.constant 0 : index
    %swap3A_30 = arith.constant 0 : index
    %swap3A_31 = vector.load %arg6[%swap3A, %swap3A_30] : memref<10240x128xf32, #tpu.memory_space<vmem>>, vector<10240x128xf32>
    tpu.vector_store %arg6[%swap3A, %swap3A_30], %mul3A_29 {strides = array<i32>} : memref<10240x128xf32, #tpu.memory_space<vmem>>, vector<10240x128xf32>,
    return
  }
  func.func @transform_0(%arg0: i32) -> (i32, i32) {
    %c0_i32 = arith.constant 0 : i32
    %c0_i32_0 = arith.constant 0 : i32
    return %arg0, %c0_i32 : i32, i32
  }
  func.func @transform_1(%arg0: i32) -> (i32, i32) {
    %c0_i32 = arith.constant 0 : i32
    %c0_i32_0 = arith.constant 0 : i32
    return %arg0, %c0_i32 : i32, i32
  }
  func.func @transform_2(%arg0: i32) -> (i32, i32) {
    %c0_i32 = arith.constant 0 : i32
    %c0_i32_0 = arith.constant 0 : i32
    return %c0_i32, %arg0 : i32, i32
  }
  func.func @transform_3(%arg0: i32) -> (i32, i32) {
    %c0_i32 = arith.constant 0 : i32
    %c0_i32_0 = arith.constant 0 : i32
    %c0_i32_1 = arith.constant 0 : i32
    return %c0_i32, %c0_i32_0 : i32, i32
  }
  func.func @transform_4(%arg0: i32) -> (i32, i32) {
    %c0_i32 = arith.constant 0 : i32
    %c0_i32_0 = arith.constant 0 : i32
    %c0_i32_1 = arith.constant 0 : i32
    return %c0_i32, %c0_i32_0 : i32, i32
  }
  func.func @transform_5(%arg0: i32) -> (i32, i32) {
    %c0_i32 = arith.constant 0 : i32
    %c0_i32_0 = arith.constant 0 : i32
    return %arg0, %c0_i32 : i32, i32
  }
}

module attributes {stable_mosaic.version = 14 : i64} {
  func.func @_fin_body(%arg0: i32, %arg1: memref<10240x128xf32, #tpu.memory_space<vmem>>, %arg2: memref<10240x128xf32, #tpu.memory_space<vmem>>, %arg3: memref<2x10240xf32, #tpu.memory_space<vmem>>, %arg4: memref<1x128xf32, #tpu.memory_space<vmem>>, %arg5: memref<10240x128xf32, #tpu.memory_space<vmem>>) attributes {dimension_semantics = [#tpu.dimension_semantics<arbitrary>], iteration_bounds = array<i64: 1>, scalar_prefetch = 0 : i64, scratch_operands = 0 : i64, tpu.core_type = #tpu.core_type<tc>, window_params = [{transform_indices = @transform_0, window_bounds = array<i64: 10240, 128>}, {transform_indices = @transform_1, window_bounds = array<i64: 10240, 128>}, {transform_indices = @transform_2, window_bounds = array<i64: 2, 10240>}, {pipeline_mode = #tpu.pipeline_mode<synchronous>, transform_indices = @transform_3, window_bounds = array<i64: 1, 128>}, {transform_indices = @transform_4, window_bounds = array<i64: 10240, 128>}]} {
    %get3A = arith.constant 0 : index
    %get3A_0 = arith.constant 0 : index
    %get3A_1 = vector.load %arg3[%get3A, %get3A_0] : memref<2x10240xf32, #tpu.memory_space<vmem>>, vector<1x10240xf32>
    %get3A_2 = vector.shape_cast %get3A_1 : vector<1x10240xf32> to vector<10240xf32>
    %get3A_3 = arith.constant 1 : index
    %get3A_4 = arith.constant 0 : index
    %get3A_5 = vector.load %arg3[%get3A_3, %get3A_4] : memref<2x10240xf32, #tpu.memory_space<vmem>>, vector<1x10240xf32>
    %get3A_6 = vector.shape_cast %get3A_5 : vector<1x10240xf32> to vector<10240xf32>
    %add3A = arith.addf %get3A_2, %get3A_6 : vector<10240xf32>
    %add3A_7 = arith.constant 1.000000e+00 : f32
    %add3A_8 = vector.broadcast %add3A_7 : f32 to vector<10240xf32>
    %add3A_9 = arith.addf %add3A, %add3A_8 : vector<10240xf32>
    %rsqrt3A = math.rsqrt %add3A_9 : vector<10240xf32>
    %get3A_10 = arith.constant 0 : index
    %get3A_11 = arith.constant 0 : index
    %get3A_12 = vector.load %arg1[%get3A_10, %get3A_11] : memref<10240x128xf32, #tpu.memory_space<vmem>>, vector<10240x128xf32>
    %get3A_13 = arith.constant 0 : index
    %get3A_14 = arith.constant 0 : index
    %get3A_15 = vector.load %arg2[%get3A_13, %get3A_14] : memref<10240x128xf32, #tpu.memory_space<vmem>>, vector<10240x128xf32>
    %add3A_16 = arith.addf %get3A_12, %get3A_15 : vector<10240x128xf32>
    %broadcast_in_dim3A = vector.shape_cast %rsqrt3A : vector<10240xf32> to vector<10240x1xf32>
    %mul3A = vector.broadcast %broadcast_in_dim3A : vector<10240x1xf32> to vector<10240x128xf32>
    %mul3A_17 = arith.mulf %mul3A, %add3A_16 : vector<10240x128xf32>
    %get3A_18 = arith.constant 0 : index
    %get3A_19 = arith.constant 0 : index
    %get3A_20 = vector.load %arg4[%get3A_18, %get3A_19] : memref<1x128xf32, #tpu.memory_space<vmem>>, vector<1x128xf32>
    %add3A_21 = vector.broadcast %get3A_20 : vector<1x128xf32> to vector<10240x128xf32>
    %add3A_22 = arith.addf %mul3A_17, %add3A_21 : vector<10240x128xf32>
    %ge3A = arith.constant 0.000000e+00 : f32
    %ge3A_23 = vector.broadcast %ge3A : f32 to vector<10240x128xf32>
    %ge3A_24 = arith.cmpf oge, %add3A_22, %ge3A_23 : vector<10240x128xf32>
    %mul3A_25 = arith.constant 0.00999999977 : f32
    %mul3A_26 = vector.broadcast %mul3A_25 : f32 to vector<10240x128xf32>
    %mul3A_27 = arith.mulf %mul3A_26, %add3A_22 : vector<10240x128xf32>
    %select_n3A = arith.select %ge3A_24, %add3A_22, %mul3A_27 : vector<10240x128xi1>, vector<10240x128xf32>
    %swap3A = arith.constant 0 : index
    %swap3A_28 = arith.constant 0 : index
    %swap3A_29 = vector.load %arg5[%swap3A, %swap3A_28] : memref<10240x128xf32, #tpu.memory_space<vmem>>, vector<10240x128xf32>
    tpu.vector_store %arg5[%swap3A, %swap3A_28], %select_n3A {strides = array<i32>} : memref<10240x128xf32, #tpu.memory_space<vmem>>, vector<10240x128xf32>,
    return
  }
  func.func @transform_0(%arg0: i32) -> (i32, i32) {
    %c0_i32 = arith.constant 0 : i32
    %c0_i32_0 = arith.constant 0 : i32
    return %arg0, %c0_i32 : i32, i32
  }
  func.func @transform_1(%arg0: i32) -> (i32, i32) {
    %c0_i32 = arith.constant 0 : i32
    %c0_i32_0 = arith.constant 0 : i32
    return %arg0, %c0_i32 : i32, i32
  }
  func.func @transform_2(%arg0: i32) -> (i32, i32) {
    %c0_i32 = arith.constant 0 : i32
    %c0_i32_0 = arith.constant 0 : i32
    return %c0_i32, %arg0 : i32, i32
  }
  func.func @transform_3(%arg0: i32) -> (i32, i32) {
    %c0_i32 = arith.constant 0 : i32
    %c0_i32_0 = arith.constant 0 : i32
    %c0_i32_1 = arith.constant 0 : i32
    return %c0_i32, %c0_i32_0 : i32, i32
  }
  func.func @transform_4(%arg0: i32) -> (i32, i32) {
    %c0_i32 = arith.constant 0 : i32
    %c0_i32_0 = arith.constant 0 : i32
    return %arg0, %c0_i32 : i32, i32
  }
}

</mosaic_0001>

<sc_bundles>
// kernel: kernel.10.cloned.1.call-start
scs
__scs_entry_jumppad:
0x0: {  	(pc) =	sbr.rel $0x88, $3  }
0x1: {  	(tag) =	ssettag $0x0;
	lr =	simm.s32 $0x1  }
0x2: {  	[smem:$0x3F99] =	sst lr;
	_ =	strace $0xD0000000  }
0x3: {  	_ = 	snop  }
0x4: {  	_ = 	snop  }
0x5: {  	_ = 	snop  }
0x6: {  	_ = 	snop  }
0x7: {  	_ = 	snop  }
__scs_overlays_trampoline_lowered:
0x8: {  	[smem:$0x3FA8] =	sst s0  }
0x9: {  	[smem:$0x3FA9] =	sst s1  }
0xa: {  	[smem:$0x3FAA] =	sst s2  }
0xb: {  	[smem:$0x3FAB] =	sst s3  }
0xc: {  	[smem:$0x3FAC] =	sst s4  }
0xd: {  	[smem:$0x3FAD] =	sst s5  }
0xe: {  	[smem:$0x3FAE] =	sst s6  }
0xf: {  	[smem:$0x3FAF] =	sst s7  }
0x10: {  	[smem:$0x3FB0] =	sst s8  }
0x11: {  	[smem:$0x3FB1] =	sst s9;
	s0 =	simm.s32 @!p0 $0x0  }
0x12: {  	s1 =	sld [smem:$0x3F97];
	s0 =	simm.s32 @p0 $0x1  }
0x13: {  	[smem:$0x3FB2] =	sst s0;
	s0 =	simm.s32 @!p1 $0x0  }
0x14: {  	s2 =	sld [smem:$0x3F96];
	s0 =	simm.s32 @p1 $0x1  }
0x15: {  	[smem:$0x3FB3] =	sst s0;
	s0 =	simm.s32 @!p2 $0x0  }
0x16: {  	s3 =	sld [smem:$0x3FDB];
	s0 =	simm.s32 @p2 $0x1  }
0x17: {  	s4 =	simm.s32 $0x1BF5;
	[smem:$0x3FB5] =	sst s0  }
0x18: {  	s0 =	sld [smem:$0x3F98];
	_ =	swait.ge [sflag:s4], $0x0  }
0x19: {  	s7 =	sld [smem:$0x3F99]  }
0x1a: {  	s8 =	sadd.s32 $0xFFFFE003, lr  }
0x1b: {  	s9 =	sadd.s32 $0xFFFFFEF7, lr;
	s5 =	simm.s32 $0xFFFFFFFF;
	p2 =	slt.u32 s8, $0xFFFFF086  }
0x1c: {  	p1 =	slt.u32 s9, $0xF7A;
	s5 =	simm.s32 @!p2 $0x0  }
0x1d: {  	s5 =	simm.s32 @p1 $0x1;
	p0 =	seq.s32 s7, s2  }
0x1e: {  	s7 =	smul.u32 @!p0 $0xF7A, s2;
	p2 =	seq.s32 @!p0 s5, $0x0  }
0x1f: {  	s9 =	smul.u32 $0xF7A, s1;
	s8 =	simm.s32 @!p0 $0x1BF5;
	p2 =	por !p2, p0  }
0x20: {  	[sflag:s8] =	ssyncset.s32 @!p0 $0xFFFFF086;
	s6 =	sadd.s32 @!p0 s3, s7;
	s7 =	simm.s32 @!p0 $0x108  }
0x21: {  	s3 =	sadd.s32 s3, s9;
	s6 =	sadd.s32 @!p0 $0x88, s6;
	s7 =	simm.s32 @p2 $0x1082  }
0x22: {  	[simem:s7], [sflag:s8] =	dma.local @!p0 [hbm:s6], $0xF7A  }
0x23: {  	s9 =	sor.u32 $0xD0000000, s2;
	s6 =	simm.s32 $0x108;
	_ =	swait.ge @!p0 [sflag:s8], $0x0  }
0x24: {  	s3 =	sadd.s32 $0x88, s3;
	s6 =	simm.s32 @!p1 $0x1082;
	[sflag:s4] =	ssyncset.s32 $0xFFFFF086  }
0x25: {  	[simem:s6], [sflag:s4] =	dma.local [hbm:s3], $0xF7A  }
0x26: {  	[smem:$0x3F99] =	sst s1;
	(tag) =	ssettag s2;
	_ =	strace s9  }
0x27: {  	s1 =	sld [smem:$0x3FA9]  }
0x28: {  	s2 =	sld [smem:$0x3FAA]  }
0x29: {  	s4 =	sld [smem:$0x3FAC]  }
0x2a: {  	p0 =	seq.s32 s5, $0x0;
	s5 =	sld [smem:$0x3FAD]  }
0x2b: {  	s6 =	sld [smem:$0x3FAE]  }
0x2c: {  	s7 =	sld [smem:$0x3FAF]  }
0x2d: {  	s3 =	simm.s32 $0x108;
	s8 =	sld [smem:$0x3FB0]  }
0x2e: {  	s3 =	simm.s32 @!p0 $0x1082;
	s9 =	sld [smem:$0x3FB1]  }
0x2f: {  	lr =	sadd.s32 s0, s3;
	s0 =	sld [smem:$0x3FA8]  }
0x30: {  	s3 =	sld [smem:$0x3FAB]  }
0x31: {  	[smem:$0x3FB4] =	sst s10  }
0x32: {  	s10 =	sld [smem:$0x3FB2];
	_ =	sdelay $0x3  }
0x33: {  	p0 =	seq.s32 s10, $0x1;
	s10 =	sld [smem:$0x3FB4];
	_ =	sdelay $0x3  }
0x34: {  	[smem:$0x3FB4] =	sst s10  }
0x35: {  	s10 =	sld [smem:$0x3FB3];
	_ =	sdelay $0x3  }
0x36: {  	p1 =	seq.s32 s10, $0x1;
	s10 =	sld [smem:$0x3FB4];
	_ =	sdelay $0x3  }
0x37: {  	[smem:$0x3FB4] =	sst s10  }
0x38: {  	s10 =	sld [smem:$0x3FB5]  }
0x39: {  	_ = 	snop;
	(pc) =	sbr.ind lr, $3  }
0x3a: {  	_ = 	snop  }
0x3b: {  	_ = 	snop  }
0x3c: {  	p2 =	seq.s32 s10, $0x1;
	s10 =	sld [smem:$0x3FB4]  }
0x3d: {  	_ =	shalt  }
0x3e: {  	_ =	shalt  }
0x3f: {  	_ =	shalt  }
0x40: {  	_ =	shalt  }
0x41: {  	_ =	shalt  }
0x42: {  	_ =	shalt  }
0x43: {  	_ =	shalt  }
0x44: {  	_ =	shalt  }
0x45: {  	_ =	shalt  }
0x46: {  	_ =	shalt  }
0x47: {  	_ =	shalt  }
0x48: {  	_ =	shalt  }
0x49: {  	_ =	shalt  }
0x4a: {  	_ =	shalt  }
0x4b: {  	_ =	shalt  }
0x4c: {  	_ =	shalt  }
0x4d: {  	_ =	shalt  }
0x4e: {  	_ =	shalt  }
0x4f: {  	_ =	shalt  }
0x50: {  	_ =	shalt  }
0x51: {  	_ =	shalt  }
0x52: {  	_ =	shalt  }
0x53: {  	_ =	shalt  }
0x54: {  	_ =	shalt  }
0x55: {  	_ =	shalt  }
0x56: {  	_ =	shalt  }
0x57: {  	_ =	shalt  }
0x58: {  	_ =	shalt  }
0x59: {  	_ =	shalt  }
0x5a: {  	_ =	shalt  }
0x5b: {  	_ =	shalt  }
0x5c: {  	_ =	shalt  }
0x5d: {  	_ =	shalt  }
0x5e: {  	_ =	shalt  }
0x5f: {  	_ =	shalt  }
0x60: {  	_ =	shalt  }
0x61: {  	_ =	shalt  }
0x62: {  	_ =	shalt  }
0x63: {  	_ =	shalt  }
0x64: {  	_ =	shalt  }
0x65: {  	_ =	shalt  }
0x66: {  	_ =	shalt  }
0x67: {  	_ =	shalt  }
0x68: {  	_ =	shalt  }
0x69: {  	_ =	shalt  }
0x6a: {  	_ =	shalt  }
0x6b: {  	_ =	shalt  }
0x6c: {  	_ =	shalt  }
0x6d: {  	_ =	shalt  }
0x6e: {  	_ =	shalt  }
0x6f: {  	_ =	shalt  }
0x70: {  	_ =	shalt  }
0x71: {  	_ =	shalt  }
0x72: {  	_ =	shalt  }
0x73: {  	_ =	shalt  }
0x74: {  	_ =	shalt  }
0x75: {  	_ =	shalt  }
0x76: {  	_ =	shalt  }
0x77: {  	_ =	shalt  }
0x78: {  	_ =	shalt  }
0x79: {  	_ =	shalt  }
0x7a: {  	_ =	shalt  }
0x7b: {  	_ =	shalt  }
0x7c: {  	_ =	shalt  }
0x7d: {  	_ =	shalt  }
0x7e: {  	_ =	shalt  }
0x7f: {  	_ =	shalt  }
0x80: {  	_ =	shalt  }
0x81: {  	_ =	shalt  }
0x82: {  	_ =	shalt  }
0x83: {  	_ =	shalt  }
0x84: {  	_ =	shalt  }
0x85: {  	_ =	shalt  }
0x86: {  	_ =	shalt  }
0x87: {  	_ =	shalt  }
.Lfunc_end0:
.L_simem_size_0:
called_computation_lowered:
.L_overlay_start_0:
0x88: {  	s2 =	sld [smem:$0x3FD9]  }
0x89: {  	s3 =	sld [smem:$0x3FFE];
	_ =	sdelay $0x1  }
0x8a: {  	s1 =	srdreg.scid  }
0x8b: {  	s0 =	sand.u32 $0x1, s1  }
0x8c: {  	s17 =	sshll.u32 s0, $0xA;
	s2 =	sadd.s32 s3, s2  }
0x8d: {  	s2 =	sadd.s32 s2, s17  }
0x8e: {  	[smem:$0x3FC0] =	sst s2  }
0x8f: {  	_ = 	snop  }
0x90: {  	s2 =	sld [smem:$0x3FD0];
	(tm) =	ssettm $0x1  }
0x91: {  	s18 =	sld [smem:$0x3FFB];
	_ =	sdelay $0x3  }
0x92: {  	_ =	strace s18  }
0x93: {  	s3 =	sld [smem:$0x3FFC];
	_ =	sdelay $0x3  }
0x94: {  	_ =	strace s3  }
0x95: {  	s3 =	sld [smem:$0x3FFD];
	_ =	sdelay $0x3  }
0x96: {  	_ =	strace s3  }
0x97: {  	_ =	strace $0x8FFFFFFF  }
0x98: {  	s19 =	sld [smem:$0x3FDB];
	_ =	sdelay $0x1  }
0x99: {  	s4 =	simm.s32 $_scs_section_size  }
0x9a: {  	s5 =	simm.s32 $_size__tile_overlayer_lowered;
	s6 =	simm.s32 $_tile_overlayer_lowered  }
0x9b: {  	s22 =	simm.s32 $0x1BFF;
	s21 =	sshll.u32 s6, $0x1;
	s3 =	sadd.s32 s4, s19  }
0x9c: {  	s7 =	simm.s32 $0x0;
	s20 =	sshll.u32 s5, $0x1;
	s5 =	sadd.s32 s21, s3  }
0x9d: {  	[timem:s7], [sflag:s22] =	dma.local [hbm:s5], s20  }
0x9e: {  	_ =	swait.ge [sflag:s22], s20  }
0x9f: {  	s4 =	ssub.s32 $0x0, s20;
	[sflag:s22] =	ssyncset.done $0x0  }
0xa0: {  	[sflag:s22] =	ssyncadd.s32 s4;
	_ =	sdelay $0x1  }
0xa1: {  	s23 =	simm.s32 $0x1B8B  }
0xa2: {  	_ =	swait.ge [sflag:s23], $0x1  }
0xa3: {  	[sflag:s23] =	ssyncset.done $0x0  }
0xa4: {  	s25 =	simm.s32 $0x1B8E;
	s24 =	sld [smem:$0x3FFE];
	[sflag:s23] =	ssyncadd.s32 $0xFFFFFFFF  }
0xa5: {  	s26 =	simm.s32 $execute0_lowered;
	[smem:$0x3FD2] =	sst s25  }
0xa6: {  	s5 =	sshll.u32 s26, $0x1;
	_ =	strace $0x80000046;
	[dreg:$0x1] =	wrdreg $0xFFFFFFFF  }
0xa7: {  	s28 =	simm.s32 $_size_execute0_lowered;
	s3 =	sadd.s32 s3, s5;
	[dreg:$0x0] =	wrdreg $0x0  }
0xa8: {  	s5 =	sshll.u32 s28, $0x1;
	[dreg:$0x2] =	wrdreg s3  }
0xa9: {  	[dreg:$0x3] =	wrdreg s5  }
0xaa: {  	[dreg:$0x4] =	wrdreg $0xC0  }
0xab: {  	_ =	task [dreg:s7], $0x5FFFF  }
0xac: {  	[dreg:$0x1] =	wrdreg $0xFFFFFFFF  }
0xad: {  	[dreg:$0x0] =	wrdreg $0x60  }
0xae: {  	[dreg:$0x2] =	wrdreg s2  }
0xaf: {  	[dreg:$0x3] =	wrdreg s24  }
0xb0: {  	[dreg:$0x4] =	wrdreg $0x0  }
0xb1: {  	[dreg:$0x5] =	wrdreg $0x9  }
0xb2: {  	_ =	task.clear_ibuf [dreg:s7], $0x6FFFF;
	_ =	strace $0x90000046  }
0xb3: {  	s29 =	simm.s32 $0x9;
	_ =	strace $0x80000048  }
0xb4: {  	_ =	swait.ge [sflag:s29], $0x1  }
0xb5: {  	[sflag:s29] =	ssyncadd.s32 $0xFFFFFFFF  }
0xb6: {  	_ =	strace $0x90000048  }
0xb7: {  	_ =	sfence  }
0xb8: {  	s30 =	sld [smem:$0x0];
	_ =	sdelay $0x2  }
0xb9: {  	s31 =	sshll.u32 s1, $0xD;
	s1 =	sshrl.u32 s1, $0x2  }
0xba: {  	s3 =	sand.u32 $0x4000, s31;
	s1 =	sadd.s32 s1, s30  }
0xbb: {  	s0 =	sor.u32 s3, s0;
	s1 =	sshll.u32 s1, $0x11  }
0xbc: {  	s0 =	sor.u32 s1, s0  }
0xbd: {  	s0 =	sadd.s32 $0x8F2B, s0  }
0xbe: {  	[sflag:s0] =	ssyncadd.remote.s32 $0x1  }
0xbf: {  	_ =	sfence.sel $0xFFFF  }
0xc0: {  	[dreg:$0x0] =	wrdreg $0xFFFFFFFF;
	(pc) =	sbr.abs _section_cstart, $3  }
0xc1: {  	[dreg:$0x1] =	wrdreg $0xFFFFFFFF  }
0xc2: {  	_ =	task.clear_ibuf [dreg:s7], $0x2FFFF;
	_ =	strace $0x9FFFFFFF  }
0xc3: {  	(tm) =	ssettm $0x7FFFFFFF  }
tec
execute0_lowered:
.L_overlay_start_1:
0x0: {  	(tag) =	ssettag $0x1  }
0x1: {  	s5 =	rddreg [dreg:$0x0]  }
0x2: {  	s4 =	rddreg [dreg:$0x1]  }
0x3: {  	s2 =	rddreg [dreg:$0x2]  }
0x4: {  	s0 =	rddreg [dreg:$0x3];
	s6 =	srdreg.scid  }
0x5: {  	s1 =	stileid.u32;
	s3 =	simm.s32 $0x0;
	s11 =	simm.s32 $0x80  }
0x6: {  	s12 =	simm.s32 $0x2A80;
	s15 =	simm.s32 $0x20;
	s16 =	simm.s32 $0x10  }
0x7: {  	s17 =	simm.s32 $0x0;
	s6 =	sand.u32 $0x1, s6;
	s7 =	smul.u32 $0x500, s1  }
0x8: {  	[smem:$0x7FF] =	sst s3;
	s9 =	smul.u32 $0xA00, s1;
	s13 =	sshll.u32 s1, $0x6  }
0x9: {  	s8 =	sshll.u32 s6, $0x7;
	_ =	strace $0x80000047;
	s30 =	sshll.u32 s6, $0x4  }
0xa: {  	s6 =	ssub.s32 $0x2, s6;
	s13 =	sor.u32 $0x1C01, s13;
	s7 =	sor.u32 s8, s7  }
0xb: {  	s8 =	sor.u32 s1, s30;
	s10 =	sshrl.u32 s6, $0x1;
	s31 =	sshrl.u32 s9, $0x2  }
0xc: {  	s9 =	simm.s32 $0x1;
	s7 =	sshrl.u32 s7, $0x3;
	s8 =	smul.u32 $0x500, s8  }
0xd: {  	s10 =	ssub.s32 s6, s10;
	s7 =	sadd.s32 s7, s4;
	s4 =	sadd.s32 s31, s2  }
0xe: {  	s5 =	sadd.s32 s5, s8;
	s6 =	sadd.s32 $0x3000, s7;
	s7 =	smax.u32 s10, $0x1  }
0xf: {  	v0 =	vimm.f32 $1.000000000e+00;
	v1 =	vimm.f32 $0.0e+00;
	s8 =	simm.s32 $0x2B00;
	s10 =	simm.s32 $0x280;
	s14 =	sshrl.u32 s4, $0x3  }
.LBB2_1:
0x10: {  	[tilespmem:$0x2A80] =	vst v0  }
0x11: {  	[tilespmem:$0x2A90] =	vst v0  }
0x12: {  	[tilespmem:$0x2AA0] =	vst v0  }
0x13: {  	[tilespmem:$0x2AB0] =	vst v0  }
0x14: {  	[tilespmem:$0x2AC0] =	vst v0  }
0x15: {  	[tilespmem:$0x2AD0] =	vst v0  }
0x16: {  	[tilespmem:$0x2AE0] =	vst v0  }
0x17: {  	[tilespmem:$0x2AF0] =	vst v0  }
0x18: {  	[tilespmem:$0x2B00] =	vst v1  }
0x19: {  	[tilespmem:$0x2B10] =	vst v1  }
0x1a: {  	[tilespmem:$0x2B20] =	vst v1  }
0x1b: {  	[tilespmem:$0x2B30] =	vst v1  }
0x1c: {  	[tilespmem:$0x2B40] =	vst v1  }
0x1d: {  	[tilespmem:$0x2B50] =	vst v1  }
0x1e: {  	[tilespmem:$0x2B60] =	vst v1  }
0x1f: {  	[tilespmem:$0x2B70] =	vst v1  }
0x20: {  	[tilespmem:$0x2B80] =	vst v1  }
0x21: {  	[tilespmem:$0x2B90] =	vst v1  }
0x22: {  	[tilespmem:$0x2BA0] =	vst v1  }
0x23: {  	[tilespmem:$0x2BB0] =	vst v1  }
0x24: {  	[tilespmem:$0x2BC0] =	vst v1  }
0x25: {  	[tilespmem:$0x2BD0] =	vst v1  }
0x26: {  	[tilespmem:$0x2BE0] =	vst v1  }
0x27: {  	[tilespmem:$0x2BF0] =	vst v1  }
0x28: {  	[tilespmem:$0x2C00] =	vst v1  }
0x29: {  	[tilespmem:$0x2C10] =	vst v1  }
0x2a: {  	[tilespmem:$0x2C20] =	vst v1  }
0x2b: {  	[tilespmem:$0x2C30] =	vst v1  }
0x2c: {  	[tilespmem:$0x2C40] =	vst v1  }
0x2d: {  	[tilespmem:$0x2C50] =	vst v1  }
0x2e: {  	[tilespmem:$0x2C60] =	vst v1  }
0x2f: {  	[tilespmem:$0x2C70] =	vst v1  }
0x30: {  	[tilespmem:$0x2C80] =	vst v1  }
0x31: {  	[tilespmem:$0x2C90] =	vst v1  }
0x32: {  	[tilespmem:$0x2CA0] =	vst v1  }
0x33: {  	[tilespmem:$0x2CB0] =	vst v1  }
0x34: {  	[tilespmem:$0x2CC0] =	vst v1  }
0x35: {  	[tilespmem:$0x2CD0] =	vst v1  }
0x36: {  	[tilespmem:$0x2CE0] =	vst v1  }
0x37: {  	[tilespmem:$0x2CF0] =	vst v1  }
0x38: {  	[tilespmem:$0x2D00] =	vst v1  }
0x39: {  	[tilespmem:$0x2D10] =	vst v1  }
0x3a: {  	[tilespmem:$0x2D20] =	vst v1  }
0x3b: {  	[tilespmem:$0x2D30] =	vst v1  }
0x3c: {  	[tilespmem:$0x2D40] =	vst v1  }
0x3d: {  	[tilespmem:$0x2D50] =	vst v1  }
0x3e: {  	[tilespmem:$0x2D60] =	vst v1  }
0x3f: {  	[tilespmem:$0x2D70] =	vst v1  }
0x40: {  	[spmem:s4] =	stream.linear.scatter [tilespmem:s8], [sflag:$0x1], $0x280, $0x38;
	[tilespmem:$0x2D80] =	vst v63  }
0x41: {  	_ =	swait.ge [sflag:s9], $0x280  }
0x42: {  	[sflag:s9] =	ssyncset.done $0x0  }
0x43: {  	[sflag:s9] =	ssyncadd.s32 $0xFFFFFD80  }
0x44: {  	[tilespmem:s10], [sflag:$0x1] =	stream.linear.gather [hbm4b:s5+s3], $0x2800, $0x38;
	[tilespmem:$0x2D80] =	vst v63  }
0x45: {  	_ =	swait.ge [sflag:s9], $0x2800  }
0x46: {  	[sflag:s9] =	ssyncset.done $0x0  }
0x47: {  	[sflag:s9] =	ssyncadd.s32 $0xFFFFD800  }
0x48: {  	s18 =	simm.s32 $0x280;
	[bflag:$0x0] =	sbarrier.arrive $0xFFFF  }
0x49: {  	[spmem:s2] =	stream.indirect.scatter.add.f32 [tilespmem:s12], [sflag:$0x1], $0x1, s18, s11, $0xb8;
	[tilespmem:$0x2D80] =	vst v63  }
0x4a: {  	s18 =	simm.s32 $0x200;
	_ =	swait.ge [sflag:s9], $0x80  }
.LBB2_2:
0x4b: {  	s19 =	sshra.s32 s18, $0x2;
	[sflag:s9] =	ssyncset.done $0x0;
	p0 =	sne.s32 s18, $0x9E00  }
.Ltmp0:
0x4c: {  	s19 =	sadd.s32 $0x280, s19;
	[sflag:s9] =	ssyncadd.s32 $0xFFFFFF80;
	(pc) =	sbr.rel @p0 .LBB2_2-.Ltmp0, $3  }
0x4d: {  	[spmem:s2] =	stream.indirect.scatter.add.f32 [tilespmem:s12], [sflag:$0x1], $0x1, s19, s11, $0xb8;
	[tilespmem:$0x2D80] =	vst v63  }
0x4e: {  	s18 =	sadd.s32 $0x200, s18;
	_ =	sdelay $0x1  }
0x4f: {  	_ =	swait.ge [sflag:s9], $0x80  }
0x50: {  	[sflag:s9] =	ssyncset.done $0x0;
	s17 =	sadd.s32 $0x1, s17  }
0x51: {  	[sflag:s9] =	ssyncadd.s32 $0xFFFFFF80;
	p0 =	sne.s32 s17, s7  }
.Ltmp1:
0x52: {  	[bflag:$0x0] =	sbarrier.arrive $0xFFFF;
	(pc) =	sbr.rel @p0 .LBB2_1-.Ltmp1, $4  }
0x53: {  	[hbm:s6@s15], [sflag:s13] =	dma.strided [spmem:s14@s16], $0x50, s9, $0x10   }
0x54: {  	_ =	swait.ge [sflag:s9], $0x50  }
0x55: {  	[sflag:s9] =	ssyncset.done $0x0  }
0x56: {  	[sflag:s9] =	ssyncadd.s32 $0xFFFFFFB0  }
0x57: {  	_ =	sfence.sel $0x180000  }
0x58: {  	[bflag:$0x0] =	sbarrier.arrive $0xFFFF  }
0x59: {  	p0 =	sne.s32 s1, $0x0;
	_ =	strace $0x90000047  }
0x5a: {  	s0 =	sadd.s32 @!p0 $0x100000, s0;
	[bflag:$0x2] =	sbarrier.arrive $0xFFFF  }
0x5b: {  	[sflag:s0] =	ssyncadd.tile.s32 @!p0 $0x1;
	_ =	shalt  }
.Lfunc_end2:
_tile_overlayer_lowered:
.L_overlay_start_2:
0x5c: {  	(tag) =	ssettag $0x2  }
0x5d: {  	s0 =	rddreg [dreg:$0x0];
	s2 =	stileid.u32  }
0x5e: {  	s1 =	rddreg [dreg:$0x1];
	p0 =	sne.s32 s2, $0x0  }
0x5f: {  	s3 =	rddreg [dreg:$0x2];
	[bflag:$0x3] =	sbarrier.arrive $0xFFFF;
	s2 =	simm.s32 @!p0 $0x1C01  }
0x60: {  	[timem:s3], [sflag:s2] =	dma.local @!p0 [hbm:s0], s1  }
0x61: {  	s0 =	simm.s32 @!p0 $0x1  }
0x62: {  	_ =	swait.ge @!p0 [sflag:s0], s1  }
0x63: {  	s1 =	ssub.s32 @!p0 $0x0, s1;
	[sflag:s0] =	ssyncset.done @!p0 $0x0  }
0x64: {  	[sflag:s0] =	ssyncadd.s32 @!p0 s1  }
0x65: {  	[bflag:$0x3] =	sbarrier.arrive $0xFFFF  }
0x66: {  	_ =	shalt  }

// kernel: kernel.13.cloned.1.call-start
scs
__scs_entry_jumppad:
0x0: {  	(pc) =	sbr.rel $0x88, $3  }
0x1: {  	(tag) =	ssettag $0x0;
	lr =	simm.s32 $0x1  }
0x2: {  	[smem:$0x3F99] =	sst lr;
	_ =	strace $0xD0000000  }
0x3: {  	_ = 	snop  }
0x4: {  	_ = 	snop  }
0x5: {  	_ = 	snop  }
0x6: {  	_ = 	snop  }
0x7: {  	_ = 	snop  }
__scs_overlays_trampoline_lowered:
0x8: {  	[smem:$0x3FA8] =	sst s0  }
0x9: {  	[smem:$0x3FA9] =	sst s1  }
0xa: {  	[smem:$0x3FAA] =	sst s2  }
0xb: {  	[smem:$0x3FAB] =	sst s3  }
0xc: {  	[smem:$0x3FAC] =	sst s4  }
0xd: {  	[smem:$0x3FAD] =	sst s5  }
0xe: {  	[smem:$0x3FAE] =	sst s6  }
0xf: {  	[smem:$0x3FAF] =	sst s7  }
0x10: {  	[smem:$0x3FB0] =	sst s8  }
0x11: {  	[smem:$0x3FB1] =	sst s9;
	s0 =	simm.s32 @!p0 $0x0  }
0x12: {  	s1 =	sld [smem:$0x3F97];
	s0 =	simm.s32 @p0 $0x1  }
0x13: {  	[smem:$0x3FB2] =	sst s0;
	s0 =	simm.s32 @!p1 $0x0  }
0x14: {  	s2 =	sld [smem:$0x3F96];
	s0 =	simm.s32 @p1 $0x1  }
0x15: {  	[smem:$0x3FB3] =	sst s0;
	s0 =	simm.s32 @!p2 $0x0  }
0x16: {  	s3 =	sld [smem:$0x3FDB];
	s0 =	simm.s32 @p2 $0x1  }
0x17: {  	s4 =	simm.s32 $0x1BF5;
	[smem:$0x3FB5] =	sst s0  }
0x18: {  	s0 =	sld [smem:$0x3F98];
	_ =	swait.ge [sflag:s4], $0x0  }
0x19: {  	s7 =	sld [smem:$0x3F99]  }
0x1a: {  	s8 =	sadd.s32 $0xFFFFE003, lr  }
0x1b: {  	s9 =	sadd.s32 $0xFFFFFEF7, lr;
	s5 =	simm.s32 $0xFFFFFFFF;
	p2 =	slt.u32 s8, $0xFFFFF086  }
0x1c: {  	p1 =	slt.u32 s9, $0xF7A;
	s5 =	simm.s32 @!p2 $0x0  }
0x1d: {  	s5 =	simm.s32 @p1 $0x1;
	p0 =	seq.s32 s7, s2  }
0x1e: {  	s7 =	smul.u32 @!p0 $0xF7A, s2;
	p2 =	seq.s32 @!p0 s5, $0x0  }
0x1f: {  	s9 =	smul.u32 $0xF7A, s1;
	s8 =	simm.s32 @!p0 $0x1BF5;
	p2 =	por !p2, p0  }
0x20: {  	[sflag:s8] =	ssyncset.s32 @!p0 $0xFFFFF086;
	s6 =	sadd.s32 @!p0 s3, s7;
	s7 =	simm.s32 @!p0 $0x108  }
0x21: {  	s3 =	sadd.s32 s3, s9;
	s6 =	sadd.s32 @!p0 $0x88, s6;
	s7 =	simm.s32 @p2 $0x1082  }
0x22: {  	[simem:s7], [sflag:s8] =	dma.local @!p0 [hbm:s6], $0xF7A  }
0x23: {  	s9 =	sor.u32 $0xD0000000, s2;
	s6 =	simm.s32 $0x108;
	_ =	swait.ge @!p0 [sflag:s8], $0x0  }
0x24: {  	s3 =	sadd.s32 $0x88, s3;
	s6 =	simm.s32 @!p1 $0x1082;
	[sflag:s4] =	ssyncset.s32 $0xFFFFF086  }
0x25: {  	[simem:s6], [sflag:s4] =	dma.local [hbm:s3], $0xF7A  }
0x26: {  	[smem:$0x3F99] =	sst s1;
	(tag) =	ssettag s2;
	_ =	strace s9  }
0x27: {  	s1 =	sld [smem:$0x3FA9]  }
0x28: {  	s2 =	sld [smem:$0x3FAA]  }
0x29: {  	s4 =	sld [smem:$0x3FAC]  }
0x2a: {  	p0 =	seq.s32 s5, $0x0;
	s5 =	sld [smem:$0x3FAD]  }
0x2b: {  	s6 =	sld [smem:$0x3FAE]  }
0x2c: {  	s7 =	sld [smem:$0x3FAF]  }
0x2d: {  	s3 =	simm.s32 $0x108;
	s8 =	sld [smem:$0x3FB0]  }
0x2e: {  	s3 =	simm.s32 @!p0 $0x1082;
	s9 =	sld [smem:$0x3FB1]  }
0x2f: {  	lr =	sadd.s32 s0, s3;
	s0 =	sld [smem:$0x3FA8]  }
0x30: {  	s3 =	sld [smem:$0x3FAB]  }
0x31: {  	[smem:$0x3FB4] =	sst s10  }
0x32: {  	s10 =	sld [smem:$0x3FB2];
	_ =	sdelay $0x3  }
0x33: {  	p0 =	seq.s32 s10, $0x1;
	s10 =	sld [smem:$0x3FB4];
	_ =	sdelay $0x3  }
0x34: {  	[smem:$0x3FB4] =	sst s10  }
0x35: {  	s10 =	sld [smem:$0x3FB3];
	_ =	sdelay $0x3  }
0x36: {  	p1 =	seq.s32 s10, $0x1;
	s10 =	sld [smem:$0x3FB4];
	_ =	sdelay $0x3  }
0x37: {  	[smem:$0x3FB4] =	sst s10  }
0x38: {  	s10 =	sld [smem:$0x3FB5]  }
0x39: {  	_ = 	snop;
	(pc) =	sbr.ind lr, $3  }
0x3a: {  	_ = 	snop  }
0x3b: {  	_ = 	snop  }
0x3c: {  	p2 =	seq.s32 s10, $0x1;
	s10 =	sld [smem:$0x3FB4]  }
0x3d: {  	_ =	shalt  }
0x3e: {  	_ =	shalt  }
0x3f: {  	_ =	shalt  }
0x40: {  	_ =	shalt  }
0x41: {  	_ =	shalt  }
0x42: {  	_ =	shalt  }
0x43: {  	_ =	shalt  }
0x44: {  	_ =	shalt  }
0x45: {  	_ =	shalt  }
0x46: {  	_ =	shalt  }
0x47: {  	_ =	shalt  }
0x48: {  	_ =	shalt  }
0x49: {  	_ =	shalt  }
0x4a: {  	_ =	shalt  }
0x4b: {  	_ =	shalt  }
0x4c: {  	_ =	shalt  }
0x4d: {  	_ =	shalt  }
0x4e: {  	_ =	shalt  }
0x4f: {  	_ =	shalt  }
0x50: {  	_ =	shalt  }
0x51: {  	_ =	shalt  }
0x52: {  	_ =	shalt  }
0x53: {  	_ =	shalt  }
0x54: {  	_ =	shalt  }
0x55: {  	_ =	shalt  }
0x56: {  	_ =	shalt  }
0x57: {  	_ =	shalt  }
0x58: {  	_ =	shalt  }
0x59: {  	_ =	shalt  }
0x5a: {  	_ =	shalt  }
0x5b: {  	_ =	shalt  }
0x5c: {  	_ =	shalt  }
0x5d: {  	_ =	shalt  }
0x5e: {  	_ =	shalt  }
0x5f: {  	_ =	shalt  }
0x60: {  	_ =	shalt  }
0x61: {  	_ =	shalt  }
0x62: {  	_ =	shalt  }
0x63: {  	_ =	shalt  }
0x64: {  	_ =	shalt  }
0x65: {  	_ =	shalt  }
0x66: {  	_ =	shalt  }
0x67: {  	_ =	shalt  }
0x68: {  	_ =	shalt  }
0x69: {  	_ =	shalt  }
0x6a: {  	_ =	shalt  }
0x6b: {  	_ =	shalt  }
0x6c: {  	_ =	shalt  }
0x6d: {  	_ =	shalt  }
0x6e: {  	_ =	shalt  }
0x6f: {  	_ =	shalt  }
0x70: {  	_ =	shalt  }
0x71: {  	_ =	shalt  }
0x72: {  	_ =	shalt  }
0x73: {  	_ =	shalt  }
0x74: {  	_ =	shalt  }
0x75: {  	_ =	shalt  }
0x76: {  	_ =	shalt  }
0x77: {  	_ =	shalt  }
0x78: {  	_ =	shalt  }
0x79: {  	_ =	shalt  }
0x7a: {  	_ =	shalt  }
0x7b: {  	_ =	shalt  }
0x7c: {  	_ =	shalt  }
0x7d: {  	_ =	shalt  }
0x7e: {  	_ =	shalt  }
0x7f: {  	_ =	shalt  }
0x80: {  	_ =	shalt  }
0x81: {  	_ =	shalt  }
0x82: {  	_ =	shalt  }
0x83: {  	_ =	shalt  }
0x84: {  	_ =	shalt  }
0x85: {  	_ =	shalt  }
0x86: {  	_ =	shalt  }
0x87: {  	_ =	shalt  }
.Lfunc_end0:
.L_simem_size_0:
called_computation.1_lowered:
.L_overlay_start_0:
0x88: {  	s2 =	sld [smem:$0x3FD9]  }
0x89: {  	s3 =	sld [smem:$0x3FFE];
	_ =	sdelay $0x1  }
0x8a: {  	s1 =	srdreg.scid  }
0x8b: {  	s0 =	sand.u32 $0x1, s1  }
0x8c: {  	s17 =	sshll.u32 s0, $0xA;
	s2 =	sadd.s32 s3, s2  }
0x8d: {  	s2 =	sadd.s32 s2, s17  }
0x8e: {  	[smem:$0x3FC0] =	sst s2  }
0x8f: {  	_ = 	snop  }
0x90: {  	s2 =	sld [smem:$0x3FD0];
	(tm) =	ssettm $0x1  }
0x91: {  	s18 =	sld [smem:$0x3FFB];
	_ =	sdelay $0x3  }
0x92: {  	_ =	strace s18  }
0x93: {  	s3 =	sld [smem:$0x3FFC];
	_ =	sdelay $0x3  }
0x94: {  	_ =	strace s3  }
0x95: {  	s3 =	sld [smem:$0x3FFD];
	_ =	sdelay $0x3  }
0x96: {  	_ =	strace s3  }
0x97: {  	_ =	strace $0x8FFFFFFF  }
0x98: {  	s19 =	sld [smem:$0x3FDB];
	_ =	sdelay $0x1  }
0x99: {  	s4 =	simm.s32 $_scs_section_size  }
0x9a: {  	s5 =	simm.s32 $_size__tile_overlayer_lowered;
	s6 =	simm.s32 $_tile_overlayer_lowered  }
0x9b: {  	s22 =	simm.s32 $0x1BFF;
	s21 =	sshll.u32 s6, $0x1;
	s3 =	sadd.s32 s4, s19  }
0x9c: {  	s7 =	simm.s32 $0x0;
	s20 =	sshll.u32 s5, $0x1;
	s5 =	sadd.s32 s21, s3  }
0x9d: {  	[timem:s7], [sflag:s22] =	dma.local [hbm:s5], s20  }
0x9e: {  	_ =	swait.ge [sflag:s22], s20  }
0x9f: {  	s4 =	ssub.s32 $0x0, s20;
	[sflag:s22] =	ssyncset.done $0x0  }
0xa0: {  	[sflag:s22] =	ssyncadd.s32 s4;
	_ =	sdelay $0x1  }
0xa1: {  	s23 =	simm.s32 $0x1B8B  }
0xa2: {  	_ =	swait.ge [sflag:s23], $0x1  }
0xa3: {  	[sflag:s23] =	ssyncset.done $0x0  }
0xa4: {  	s25 =	simm.s32 $0x1B8E;
	s24 =	sld [smem:$0x3FFE];
	[sflag:s23] =	ssyncadd.s32 $0xFFFFFFFF  }
0xa5: {  	s26 =	simm.s32 $execute0_lowered;
	[smem:$0x3FD2] =	sst s25  }
0xa6: {  	s5 =	sshll.u32 s26, $0x1;
	_ =	strace $0x80000049;
	[dreg:$0x1] =	wrdreg $0xFFFFFFFF  }
0xa7: {  	s28 =	simm.s32 $_size_execute0_lowered;
	s3 =	sadd.s32 s3, s5;
	[dreg:$0x0] =	wrdreg $0x0  }
0xa8: {  	s5 =	sshll.u32 s28, $0x1;
	[dreg:$0x2] =	wrdreg s3  }
0xa9: {  	[dreg:$0x3] =	wrdreg s5  }
0xaa: {  	[dreg:$0x4] =	wrdreg $0xC0  }
0xab: {  	_ =	task [dreg:s7], $0x5FFFF  }
0xac: {  	[dreg:$0x1] =	wrdreg $0xFFFFFFFF  }
0xad: {  	[dreg:$0x0] =	wrdreg $0x60  }
0xae: {  	[dreg:$0x2] =	wrdreg s24  }
0xaf: {  	[dreg:$0x3] =	wrdreg s2  }
0xb0: {  	[dreg:$0x4] =	wrdreg $0xA0000  }
0xb1: {  	[dreg:$0x5] =	wrdreg $0x0  }
0xb2: {  	[dreg:$0x6] =	wrdreg $0x9  }
0xb3: {  	_ =	task.clear_ibuf [dreg:s7], $0x7FFFF;
	_ =	strace $0x90000049  }
0xb4: {  	s29 =	simm.s32 $0x9;
	_ =	strace $0x8000004B  }
0xb5: {  	_ =	swait.ge [sflag:s29], $0x1  }
0xb6: {  	[sflag:s29] =	ssyncadd.s32 $0xFFFFFFFF  }
0xb7: {  	_ =	strace $0x9000004B  }
0xb8: {  	_ =	sfence  }
0xb9: {  	s30 =	sld [smem:$0x0];
	_ =	sdelay $0x2  }
0xba: {  	s31 =	sshll.u32 s1, $0xD;
	s1 =	sshrl.u32 s1, $0x2  }
0xbb: {  	s3 =	sand.u32 $0x4000, s31;
	s1 =	sadd.s32 s1, s30  }
0xbc: {  	s0 =	sor.u32 s3, s0;
	s1 =	sshll.u32 s1, $0x11  }
0xbd: {  	s0 =	sor.u32 s1, s0  }
0xbe: {  	s0 =	sadd.s32 $0x8F2B, s0  }
0xbf: {  	[sflag:s0] =	ssyncadd.remote.s32 $0x1  }
0xc0: {  	_ =	sfence.sel $0xFFFF  }
0xc1: {  	[dreg:$0x0] =	wrdreg $0xFFFFFFFF;
	(pc) =	sbr.abs _section_cstart, $3  }
0xc2: {  	[dreg:$0x1] =	wrdreg $0xFFFFFFFF  }
0xc3: {  	_ =	task.clear_ibuf [dreg:s7], $0x2FFFF;
	_ =	strace $0x9FFFFFFF  }
0xc4: {  	(tm) =	ssettm $0x7FFFFFFF  }
0xc5: {  	_ =	shalt  }
tec
execute0_lowered:
.L_overlay_start_1:
0x0: {  	(tag) =	ssettag $0x1  }
0x1: {  	s0 =	rddreg [dreg:$0x0]  }
0x2: {  	s2 =	rddreg [dreg:$0x1]  }
0x3: {  	s3 =	srdreg.scid;
	s29 =	rddreg [dreg:$0x2]  }
0x4: {  	s1 =	simm.s32 $0x0;
	s23 =	stileid.u32;
	s31 =	rddreg [dreg:$0x3]  }
0x5: {  	s30 =	simm.s32 $0x8;
	s28 =	simm.s32 $0x10;
	s3 =	sand.u32 $0x1, s3  }
0x6: {  	[smem:$0x7FF] =	sst s1;
	s5 =	smul.u32 $0x5000, s23;
	s6 =	sadd.s32 $0x3A00, s0  }
0x7: {  	s26 =	smul.u32 $0x280, s23;
	s4 =	ssub.s32 $0x2, s3;
	s3 =	sshll.u32 s3, $0x3  }
0x8: {  	s7 =	sshrl.u32 s4, $0x1;
	s3 =	sadd.s32 s3, s0;
	s25 =	sshrl.u32 s5, $0x3  }
0x9: {  	s11 =	sadd.s32 $0x100, s26;
	s12 =	sadd.s32 $0x140, s26;
	s13 =	sadd.s32 $0x180, s26  }
0xa: {  	s14 =	sadd.s32 $0x1C0, s26;
	s0 =	ssub.s32 s4, s7;
	s7 =	sadd.s32 $0xDA00, s3  }
0xb: {  	s8 =	sadd.s32 s6, s25;
	s15 =	sadd.s32 s2, s25;
	s16 =	sadd.s32 $0x280, s25  }
0xc: {  	s9 =	sadd.s32 $0x500, s25;
	s4 =	sadd.s32 $0x780, s25;
	[dreg:$0x5] =	wrdreg s8  }
0xd: {  	s24 =	sshll.u32 s13, $0x4;
	[dreg:$0x6] =	wrdreg s15;
	s10 =	sadd.s32 s6, s16  }
0xe: {  	s25 =	sshll.u32 s14, $0x4;
	s8 =	sadd.s32 s2, s16;
	[dreg:$0x7] =	wrdreg s10  }
0xf: {  	s17 =	sadd.s32 s6, s9;
	s18 =	sadd.s32 s2, s9;
	[dreg:$0x8] =	wrdreg s8  }
0x10: {  	s6 =	sadd.s32 s6, s4;
	s2 =	sadd.s32 s2, s4;
	[dreg:$0x9] =	wrdreg s17  }
0x11: {  	s4 =	sadd.s32 $0x80, s26;
	s15 =	sadd.s32 $0x200, s26;
	[dreg:$0xa] =	wrdreg s18  }
0x12: {  	s8 =	smul.u32 $0x2800, s23;
	[dreg:$0xb] =	wrdreg s6;
	s9 =	sshll.u32 s4, $0x4  }
0x13: {  	[dreg:$0xc] =	wrdreg s2;
	s18 =	sshll.u32 s12, $0x4;
	s21 =	sadd.s32 s9, s7  }
0x14: {  	s2 =	sadd.s32 $0x35A00, s3;
	s22 =	sadd.s32 s18, s7;
	[dreg:$0xf] =	wrdreg s21  }
0x15: {  	s3 =	sor.u32 $0x40, s26;
	s9 =	sadd.s32 s9, s2;
	[dreg:$0x12] =	wrdreg s22  }
0x16: {  	s10 =	sadd.s32 $0xC0, s26;
	s18 =	sadd.s32 s18, s2;
	[dreg:$0x19] =	wrdreg s9  }
0x17: {  	s6 =	sshll.u32 s3, $0x4;
	s19 =	sadd.s32 s8, s7;
	[dreg:$0x1c] =	wrdreg s18  }
0x18: {  	s5 =	sshll.u32 s10, $0x4;
	s20 =	sadd.s32 s6, s7;
	[dreg:$0xd] =	wrdreg s19  }
0x19: {  	s16 =	sadd.s32 $0x240, s26;
	s17 =	sadd.s32 s5, s7;
	[dreg:$0xe] =	wrdreg s20  }
0x1a: {  	s0 =	smax.u32 s0, $0x1;
	s22 =	sadd.s32 s25, s7;
	[dreg:$0x10] =	wrdreg s17  }
0x1b: {  	s21 =	sshll.u32 s15, $0x4;
	s8 =	sadd.s32 s8, s2;
	[dreg:$0x14] =	wrdreg s22  }
0x1c: {  	s6 =	sadd.s32 s6, s2;
	s5 =	sadd.s32 s5, s2;
	[dreg:$0x17] =	wrdreg s8  }
0x1d: {  	s18 =	sshll.u32 s10, $0x6;
	s17 =	sshll.u32 s11, $0x4;
	[dreg:$0x18] =	wrdreg s6  }
0x1e: {  	s20 =	sadd.s32 s24, s7;
	s26 =	sadd.s32 s21, s7;
	[dreg:$0x1a] =	wrdreg s5  }
0x1f: {  	s22 =	sshll.u32 s16, $0x4;
	s8 =	sshll.u32 s3, $0x6;
	[dreg:$0x13] =	wrdreg s20  }
0x20: {  	s19 =	sadd.s32 s17, s7;
	[dreg:$0x15] =	wrdreg s26;
	s7 =	sadd.s32 s22, s7  }
0x21: {  	s17 =	sadd.s32 s17, s2;
	s26 =	sadd.s32 s21, s2;
	[dreg:$0x11] =	wrdreg s19  }
0x22: {  	s5 =	sadd.s32 s8, s29;
	s20 =	sshll.u32 s12, $0x6;
	[dreg:$0x16] =	wrdreg s7  }
0x23: {  	s21 =	sshll.u32 s13, $0x6;
	[dreg:$0x1b] =	wrdreg s17;
	s19 =	sadd.s32 s24, s2  }
0x24: {  	s24 =	sadd.s32 s25, s2;
	s25 =	smul.u32 $0x28000, s23;
	[dreg:$0x1f] =	wrdreg s26  }
0x25: {  	s2 =	sadd.s32 s22, s2;
	s7 =	smul.u32 $0xA000, s23;
	s17 =	sshll.u32 s4, $0x6  }
0x26: {  	s4 =	sadd.s32 s18, s31;
	s22 =	sshll.u32 s14, $0x6;
	[dreg:$0x1d] =	wrdreg s19  }
0x27: {  	s10 =	sadd.s32 s21, s29;
	s23 =	sadd.s32 s21, s31;
	[dreg:$0x1e] =	wrdreg s24  }
0x28: {  	s14 =	simm.s32 $0x17800;
	[smem:$0x7F0] =	sst s2;
	s3 =	sadd.s32 s17, s31  }
0x29: {  	s19 =	sshll.u32 s11, $0x6;
	s11 =	sadd.s32 s22, s29;
	s24 =	sshll.u32 s15, $0x6  }
0x2a: {  	s23 =	sshrl.u32 s23, $0x3;
	_ =	strace $0x8000004A;
	s6 =	sshrl.u32 s25, $0x2  }
0x2b: {  	[smem:$0x7F2] =	sst s0;
	s9 =	sadd.s32 s7, s29;
	s0 =	sadd.s32 s8, s31  }
0x2c: {  	s8 =	sadd.s32 s19, s29;
	s25 =	sshll.u32 s16, $0x6;
	s12 =	sadd.s32 s24, s29  }
0x2d: {  	s26 =	sadd.s32 s24, s31;
	s3 =	sshrl.u32 s3, $0x3;
	[smem:$0x7FA] =	sst s23  }
0x2e: {  	s16 =	simm.s32 $0x2;
	s2 =	sadd.s32 s6, s29;
	[smem:$0x7F3] =	sst s9  }
0x2f: {  	s6 =	sadd.s32 s17, s29;
	s17 =	sadd.s32 s19, s31;
	s9 =	sadd.s32 s20, s29  }
0x30: {  	s19 =	sadd.s32 s22, s31;
	s13 =	sadd.s32 s25, s29;
	s15 =	sadd.s32 s25, s31  }
0x31: {  	s0 =	sshrl.u32 s0, $0x3;
	[smem:$0x7F6] =	sst s3;
	s25 =	sshrl.u32 s26, $0x3  }
0x32: {  	s3 =	simm.s32 $0x40;
	[smem:$0x7F1] =	sst s2;
	s2 =	sadd.s32 s7, s31  }
0x33: {  	s7 =	sadd.s32 s18, s29;
	s18 =	sadd.s32 s20, s31;
	[smem:$0x7F5] =	sst s0  }
0x34: {  	s20 =	sshrl.u32 s4, $0x3;
	s21 =	sshrl.u32 s17, $0x3;
	s24 =	sshrl.u32 s19, $0x3  }
0x35: {  	[smem:$0x7FC] =	sst s25;
	s26 =	sshrl.u32 s15, $0x3;
	s25 =	simm.s32 $0x5  }
0x36: {  	s0 =	simm.s32 $0x14000;
	s4 =	simm.s32 $0x14040;
	[smem:$0x7F7] =	sst s20  }
0x37: {  	s15 =	simm.s32 $0x3;
	s17 =	simm.s32 $0x4;
	[smem:$0x7F8] =	sst s21  }
0x38: {  	s19 =	simm.s32 $0x167C0;
	s2 =	sshrl.u32 s2, $0x3;
	[smem:$0x7FB] =	sst s24  }
0x39: {  	s22 =	sshrl.u32 s18, $0x3;
	[smem:$0x7FD] =	sst s26;
	s24 =	simm.s32 $0x16800  }
0x3a: {  	s26 =	simm.s32 $0x1;
	s18 =	simm.s32 $0x16780;
	[smem:$0x7F4] =	sst s2  }
0x3b: {  	v0 =	vimm.f32 $0.0e+00;
	s20 =	simm.s32 $0x80;
	[smem:$0x7F9] =	sst s22;
	s2 =	simm.s32 $0x15400  }
.LBB2_1:
0x3c: {  	s22 =	simm.s32 $0x100;
	s21 =	simm.s32 $0x0  }
.LBB2_2:
0x3d: {  	p0 =	sne.s32 s22, $0x3F00;
	[tilespmem:s21+$0x16830] =	vst v0;
	s23 =	smov.u32 s22;
	s22 =	sadd.s32 $0x100, s22  }
.Ltmp0:
0x3e: {  	[tilespmem:s21+$0x16820] =	vst v0;
	(pc) =	sbr.rel @p0 .LBB2_2-.Ltmp0, $3  }
0x3f: {  	[tilespmem:s21+$0x16800] =	vst v0  }
0x40: {  	[tilespmem:s21+$0x16810] =	vst v0;
	_ =	sdelay $0x1  }
0x41: {  	s21 =	sshra.s32 s23, $0x2  }
0x42: {  	[tilespmem:s21+$0x16830] =	vst v0  }
0x43: {  	[tilespmem:s21+$0x16820] =	vst v0;
	s23 =	sld [smem:$0x7F3]  }
0x44: {  	[tilespmem:s21+$0x16800] =	vst v0  }
0x45: {  	[tilespmem:s21+$0x16810] =	vst v0  }
0x46: {  	[spmem:s23] =	stream.linear.scatter [tilespmem:s24], [sflag:$0x5], $0x1000, $0x38;
	[tilespmem:$0x18800] =	vst v63  }
0x47: {  	_ =	swait.ge [sflag:s25], $0x1000  }
0x48: {  	s22 =	stileid.u32;
	s23 =	sld [smem:$0x7F4]  }
0x49: {  	s21 =	sshll.u32 s22, $0x6;
	[sflag:s25] =	ssyncset.done $0x0  }
0x4a: {  	s21 =	sor.u32 $0x1C05, s21;
	s22 =	rddreg [dreg:$0xd];
	[sflag:s25] =	ssyncadd.s32 $0xFFFFF000  }
0x4b: {  	[spmem:s23@s30], [sflag:s21] =	dma.strided [hbm:s22@s28], $0x200, s26, $0x8   }
0x4c: {  	_ =	swait.ge [sflag:s25], $0x200  }
0x4d: {  	[sflag:s25] =	ssyncset.done $0x0  }
0x4e: {  	[sflag:s25] =	ssyncadd.s32 $0xFFFFFE00  }
0x4f: {  	[spmem:s5] =	stream.linear.scatter [tilespmem:s24], [sflag:$0x5], $0x1000, $0x38;
	[tilespmem:$0x18800] =	vst v63  }
0x50: {  	_ =	swait.ge [sflag:s25], $0x1000  }
0x51: {  	s23 =	sld [smem:$0x7F5]  }
0x52: {  	[sflag:s25] =	ssyncset.done $0x0  }
0x53: {  	s22 =	rddreg [dreg:$0xe];
	[sflag:s25] =	ssyncadd.s32 $0xFFFFF000  }
0x54: {  	[spmem:s23@s30], [sflag:s21] =	dma.strided [hbm:s22@s28], $0x200, s26, $0x8   }
0x55: {  	_ =	swait.ge [sflag:s25], $0x200  }
0x56: {  	[sflag:s25] =	ssyncset.done $0x0  }
0x57: {  	[sflag:s25] =	ssyncadd.s32 $0xFFFFFE00  }
0x58: {  	[spmem:s6] =	stream.linear.scatter [tilespmem:s24], [sflag:$0x5], $0x1000, $0x38;
	[tilespmem:$0x18800] =	vst v63  }
0x59: {  	_ =	swait.ge [sflag:s25], $0x1000  }
0x5a: {  	s23 =	sld [smem:$0x7F6]  }
0x5b: {  	[sflag:s25] =	ssyncset.done $0x0  }
0x5c: {  	s22 =	rddreg [dreg:$0xf];
	[sflag:s25] =	ssyncadd.s32 $0xFFFFF000  }
0x5d: {  	[spmem:s23@s30], [sflag:s21] =	dma.strided [hbm:s22@s28], $0x200, s26, $0x8   }
0x5e: {  	_ =	swait.ge [sflag:s25], $0x200  }
0x5f: {  	[sflag:s25] =	ssyncset.done $0x0  }
0x60: {  	[sflag:s25] =	ssyncadd.s32 $0xFFFFFE00  }
0x61: {  	[spmem:s7] =	stream.linear.scatter [tilespmem:s24], [sflag:$0x5], $0x1000, $0x38;
	[tilespmem:$0x18800] =	vst v63  }
0x62: {  	_ =	swait.ge [sflag:s25], $0x1000  }
0x63: {  	s23 =	sld [smem:$0x7F7]  }
0x64: {  	[sflag:s25] =	ssyncset.done $0x0  }
0x65: {  	s22 =	rddreg [dreg:$0x10];
	[sflag:s25] =	ssyncadd.s32 $0xFFFFF000  }
0x66: {  	[spmem:s23@s30], [sflag:s21] =	dma.strided [hbm:s22@s28], $0x200, s26, $0x8   }
0x67: {  	_ =	swait.ge [sflag:s25], $0x200  }
0x68: {  	[sflag:s25] =	ssyncset.done $0x0  }
0x69: {  	[sflag:s25] =	ssyncadd.s32 $0xFFFFFE00  }
0x6a: {  	[spmem:s8] =	stream.linear.scatter [tilespmem:s24], [sflag:$0x5], $0x1000, $0x38;
	[tilespmem:$0x18800] =	vst v63  }
0x6b: {  	_ =	swait.ge [sflag:s25], $0x1000  }
0x6c: {  	s23 =	sld [smem:$0x7F8]  }
0x6d: {  	[sflag:s25] =	ssyncset.done $0x0  }
0x6e: {  	s22 =	rddreg [dreg:$0x11];
	[sflag:s25] =	ssyncadd.s32 $0xFFFFF000  }
0x6f: {  	[spmem:s23@s30], [sflag:s21] =	dma.strided [hbm:s22@s28], $0x200, s26, $0x8   }
0x70: {  	_ =	swait.ge [sflag:s25], $0x200  }
0x71: {  	[sflag:s25] =	ssyncset.done $0x0  }
0x72: {  	[sflag:s25] =	ssyncadd.s32 $0xFFFFFE00  }
0x73: {  	[spmem:s9] =	stream.linear.scatter [tilespmem:s24], [sflag:$0x5], $0x1000, $0x38;
	[tilespmem:$0x18800] =	vst v63  }
0x74: {  	_ =	swait.ge [sflag:s25], $0x1000  }
0x75: {  	s23 =	sld [smem:$0x7F9]  }
0x76: {  	[sflag:s25] =	ssyncset.done $0x0  }
0x77: {  	s22 =	rddreg [dreg:$0x12];
	[sflag:s25] =	ssyncadd.s32 $0xFFFFF000  }
0x78: {  	[spmem:s23@s30], [sflag:s21] =	dma.strided [hbm:s22@s28], $0x200, s26, $0x8   }
0x79: {  	_ =	swait.ge [sflag:s25], $0x200  }
0x7a: {  	[sflag:s25] =	ssyncset.done $0x0  }
0x7b: {  	[sflag:s25] =	ssyncadd.s32 $0xFFFFFE00  }
0x7c: {  	[spmem:s10] =	stream.linear.scatter [tilespmem:s24], [sflag:$0x5], $0x1000, $0x38;
	[tilespmem:$0x18800] =	vst v63  }
0x7d: {  	_ =	swait.ge [sflag:s25], $0x1000  }
0x7e: {  	s23 =	sld [smem:$0x7FA]  }
0x7f: {  	[sflag:s25] =	ssyncset.done $0x0  }
0x80: {  	s22 =	rddreg [dreg:$0x13];
	[sflag:s25] =	ssyncadd.s32 $0xFFFFF000  }
0x81: {  	[spmem:s23@s30], [sflag:s21] =	dma.strided [hbm:s22@s28], $0x200, s26, $0x8   }
0x82: {  	_ =	swait.ge [sflag:s25], $0x200  }
0x83: {  	[sflag:s25] =	ssyncset.done $0x0  }
0x84: {  	[sflag:s25] =	ssyncadd.s32 $0xFFFFFE00  }
0x85: {  	[spmem:s11] =	stream.linear.scatter [tilespmem:s24], [sflag:$0x5], $0x1000, $0x38;
	[tilespmem:$0x18800] =	vst v63  }
0x86: {  	_ =	swait.ge [sflag:s25], $0x1000  }
0x87: {  	s23 =	sld [smem:$0x7FB]  }
0x88: {  	[sflag:s25] =	ssyncset.done $0x0  }
0x89: {  	s22 =	rddreg [dreg:$0x14];
	[sflag:s25] =	ssyncadd.s32 $0xFFFFF000  }
0x8a: {  	[spmem:s23@s30], [sflag:s21] =	dma.strided [hbm:s22@s28], $0x200, s26, $0x8   }
0x8b: {  	_ =	swait.ge [sflag:s25], $0x200  }
0x8c: {  	[sflag:s25] =	ssyncset.done $0x0  }
0x8d: {  	[sflag:s25] =	ssyncadd.s32 $0xFFFFFE00  }
0x8e: {  	[spmem:s12] =	stream.linear.scatter [tilespmem:s24], [sflag:$0x5], $0x1000, $0x38;
	[tilespmem:$0x18800] =	vst v63  }
0x8f: {  	_ =	swait.ge [sflag:s25], $0x1000  }
0x90: {  	s23 =	sld [smem:$0x7FC]  }
0x91: {  	[sflag:s25] =	ssyncset.done $0x0  }
0x92: {  	s22 =	rddreg [dreg:$0x15];
	[sflag:s25] =	ssyncadd.s32 $0xFFFFF000  }
0x93: {  	[spmem:s23@s30], [sflag:s21] =	dma.strided [hbm:s22@s28], $0x200, s26, $0x8   }
0x94: {  	_ =	swait.ge [sflag:s25], $0x200  }
0x95: {  	[sflag:s25] =	ssyncset.done $0x0  }
0x96: {  	[sflag:s25] =	ssyncadd.s32 $0xFFFFFE00  }
0x97: {  	[spmem:s13] =	stream.linear.scatter [tilespmem:s24], [sflag:$0x5], $0x1000, $0x38;
	[tilespmem:$0x18800] =	vst v63  }
0x98: {  	_ =	swait.ge [sflag:s25], $0x1000  }
0x99: {  	s23 =	sld [smem:$0x7FD]  }
0x9a: {  	[sflag:s25] =	ssyncset.done $0x0  }
0x9b: {  	s22 =	rddreg [dreg:$0x16];
	[sflag:s25] =	ssyncadd.s32 $0xFFFFF000  }
0x9c: {  	[spmem:s23@s30], [sflag:s21] =	dma.strided [hbm:s22@s28], $0x200, s26, $0x8   }
0x9d: {  	_ =	swait.ge [sflag:s25], $0x200  }
0x9e: {  	[sflag:s25] =	ssyncset.done $0x0  }
0x9f: {  	[sflag:s25] =	ssyncadd.s32 $0xFFFFFE00  }
0xa0: {  	[bflag:$0x0] =	sbarrier.arrive $0xFFFF  }
0xa1: {  	s21 =	simm.s32 $0x0;
	s23 =	rddreg [dreg:$0x5]  }
0xa2: {  	[tilespmem:s0], [sflag:$0x5] =	stream.linear.gather [hbm4b:s23+s21], $0x1400, $0x38;
	[tilespmem:$0x18800] =	vst v63  }
0xa3: {  	_ =	swait.ge [sflag:s25], $0x1400  }
0xa4: {  	[sflag:s25] =	ssyncset.done $0x0  }
0xa5: {  	s23 =	rddreg [dreg:$0x6];
	[sflag:s25] =	ssyncadd.s32 $0xFFFFEC00  }
0xa6: {  	[tilespmem:s2], [sflag:$0x5] =	stream.linear.gather [hbm4b:s23+s21], $0x1400, $0x38;
	[tilespmem:$0x18800] =	vst v63  }
0xa7: {  	_ =	swait.ge [sflag:s25], $0x1400  }
0xa8: {  	[sflag:s25] =	ssyncset.done $0x0  }
0xa9: {  	[sflag:s25] =	ssyncadd.s32 $0xFFFFEC00  }
0xaa: {  	[tilespmem:s24], [sflag:$0x1] =	stream.indirect.gather [spmem:s31], $0x40, s0, s3, $0xb8;
	[tilespmem:$0x18800] =	vst v63  }
0xab: {  	_ = 	snop  }
0xac: {  	[tilespmem:s14], [sflag:$0x2] =	stream.indirect.gather [spmem:s31], $0x40, s4, s3, $0xb8;
	[tilespmem:$0x18800] =	vst v63  }
0xad: {  	_ =	swait.ge [sflag:s26], $0x1000  }
0xae: {  	[sflag:s26] =	ssyncset.done $0x0  }
0xaf: {  	s23 =	simm.s32 $0x15400;
	[sflag:s26] =	ssyncadd.s32 $0xFFFFF000  }
0xb0: {  	[spmem:s29] =	stream.indirect.scatter.add.f32 [tilespmem:s24], [sflag:$0x3], $0x40, s23, s3, $0xb8;
	[tilespmem:$0x18800] =	vst v63  }
0xb1: {  	_ =	swait.ge [sflag:s15], $0x1000  }
0xb2: {  	[sflag:s15] =	ssyncset.done $0x0  }
0xb3: {  	s22 =	simm.s32 $0x14080;
	[sflag:s15] =	ssyncadd.s32 $0xFFFFF000  }
0xb4: {  	[tilespmem:s24], [sflag:$0x1] =	stream.indirect.gather [spmem:s31], $0x40, s22, s3, $0xb8;
	[tilespmem:$0x18800] =	vst v63  }
0xb5: {  	_ =	swait.ge [sflag:s16], $0x1000  }
0xb6: {  	[sflag:s16] =	ssyncset.done $0x0  }
0xb7: {  	s23 =	simm.s32 $0x15440;
	[sflag:s16] =	ssyncadd.s32 $0xFFFFF000  }
0xb8: {  	[spmem:s29] =	stream.indirect.scatter.add.f32 [tilespmem:s14], [sflag:$0x4], $0x40, s23, s3, $0xb8;
	[tilespmem:$0x18800] =	vst v63  }
0xb9: {  	_ =	swait.ge [sflag:s17], $0x1000  }
0xba: {  	[sflag:s17] =	ssyncset.done $0x0  }
0xbb: {  	s21 =	simm.s32 $0x200;
	s22 =	simm.s32 $0x140C0;
	[sflag:s17] =	ssyncadd.s32 $0xFFFFF000  }
.LBB2_4:
0xbc: {  	[tilespmem:s14], [sflag:$0x2] =	stream.indirect.gather [spmem:s31], $0x40, s22, s3, $0xb8;
	[tilespmem:$0x18800] =	vst v63  }
0xbd: {  	s22 =	smov.u32 s21  }
0xbe: {  	p0 =	sne.s32 s21, $0x4C00;
	s21 =	sadd.s32 $0x200, s21;
	_ =	swait.ge [sflag:s26], $0x1000  }
0xbf: {  	s22 =	sshra.s32 s22, $0x2;
	[sflag:s26] =	ssyncset.done $0x0  }
0xc0: {  	s23 =	sadd.s32 $0x15400, s22;
	[sflag:s26] =	ssyncadd.s32 $0xFFFFF000  }
0xc1: {  	[spmem:s29] =	stream.indirect.scatter.add.f32 [tilespmem:s24], [sflag:$0x3], $0x40, s23, s3, $0xb8;
	[tilespmem:$0x18800] =	vst v63  }
0xc2: {  	_ =	swait.ge [sflag:s15], $0x1000  }
0xc3: {  	[sflag:s15] =	ssyncset.done $0x0  }
0xc4: {  	s23 =	sadd.s32 $0x14080, s22;
	[sflag:s15] =	ssyncadd.s32 $0xFFFFF000  }
0xc5: {  	[tilespmem:s24], [sflag:$0x1] =	stream.indirect.gather [spmem:s31], $0x40, s23, s3, $0xb8;
	[tilespmem:$0x18800] =	vst v63  }
0xc6: {  	_ =	swait.ge [sflag:s16], $0x1000  }
0xc7: {  	[sflag:s16] =	ssyncset.done $0x0  }
.Ltmp1:
0xc8: {  	s23 =	sadd.s32 $0x15440, s22;
	[sflag:s16] =	ssyncadd.s32 $0xFFFFF000;
	(pc) =	sbr.rel @p0 .LBB2_4-.Ltmp1, $4  }
0xc9: {  	[spmem:s29] =	stream.indirect.scatter.add.f32 [tilespmem:s14], [sflag:$0x4], $0x40, s23, s3, $0xb8;
	[tilespmem:$0x18800] =	vst v63  }
0xca: {  	_ =	swait.ge [sflag:s17], $0x1000  }
0xcb: {  	[sflag:s17] =	ssyncset.done $0x0  }
0xcc: {  	s22 =	sadd.s32 $0x140C0, s22;
	[sflag:s17] =	ssyncadd.s32 $0xFFFFF000  }
0xcd: {  	[tilespmem:s14], [sflag:$0x2] =	stream.indirect.gather [spmem:s31], $0x40, s22, s3, $0xb8;
	[tilespmem:$0x18800] =	vst v63  }
0xce: {  	_ =	swait.ge [sflag:s26], $0x1000  }
0xcf: {  	[sflag:s26] =	ssyncset.done $0x0  }
0xd0: {  	[sflag:s26] =	ssyncadd.s32 $0xFFFFF000  }
0xd1: {  	[spmem:s29] =	stream.indirect.scatter.add.f32 [tilespmem:s24], [sflag:$0x3], $0x40, s18, s3, $0xb8;
	[tilespmem:$0x18800] =	vst v63  }
0xd2: {  	_ =	swait.ge [sflag:s16], $0x1000  }
0xd3: {  	[sflag:s16] =	ssyncset.done $0x0  }
0xd4: {  	[sflag:s16] =	ssyncadd.s32 $0xFFFFF000  }
0xd5: {  	[spmem:s29] =	stream.indirect.scatter.add.f32 [tilespmem:s14], [sflag:$0x4], $0x40, s19, s3, $0xb8;
	[tilespmem:$0x18800] =	vst v63  }
0xd6: {  	_ =	swait.ge [sflag:s15], $0x1000  }
0xd7: {  	[sflag:s15] =	ssyncset.done $0x0  }
0xd8: {  	[sflag:s15] =	ssyncadd.s32 $0xFFFFF000  }
0xd9: {  	_ =	swait.ge [sflag:s17], $0x1000  }
0xda: {  	[sflag:s17] =	ssyncset.done $0x0  }
0xdb: {  	s21 =	simm.s32 $0x0;
	s23 =	rddreg [dreg:$0x7];
	[sflag:s17] =	ssyncadd.s32 $0xFFFFF000  }
0xdc: {  	[tilespmem:s0], [sflag:$0x5] =	stream.linear.gather [hbm4b:s23+s21], $0x1400, $0x38;
	[tilespmem:$0x18800] =	vst v63  }
0xdd: {  	_ =	swait.ge [sflag:s25], $0x1400  }
0xde: {  	[sflag:s25] =	ssyncset.done $0x0  }
0xdf: {  	s23 =	rddreg [dreg:$0x8];
	[sflag:s25] =	ssyncadd.s32 $0xFFFFEC00  }
0xe0: {  	[tilespmem:s2], [sflag:$0x5] =	stream.linear.gather [hbm4b:s23+s21], $0x1400, $0x38;
	[tilespmem:$0x18800] =	vst v63  }
0xe1: {  	_ =	swait.ge [sflag:s25], $0x1400  }
0xe2: {  	[sflag:s25] =	ssyncset.done $0x0  }
0xe3: {  	[sflag:s25] =	ssyncadd.s32 $0xFFFFEC00  }
0xe4: {  	[tilespmem:s24], [sflag:$0x1] =	stream.indirect.gather [spmem:s31], $0x40, s0, s3, $0xb8;
	[tilespmem:$0x18800] =	vst v63  }
0xe5: {  	_ = 	snop  }
0xe6: {  	[tilespmem:s14], [sflag:$0x2] =	stream.indirect.gather [spmem:s31], $0x40, s4, s3, $0xb8;
	[tilespmem:$0x18800] =	vst v63  }
0xe7: {  	_ =	swait.ge [sflag:s26], $0x1000  }
0xe8: {  	[sflag:s26] =	ssyncset.done $0x0  }
0xe9: {  	s23 =	simm.s32 $0x15400;
	[sflag:s26] =	ssyncadd.s32 $0xFFFFF000  }
0xea: {  	[spmem:s29] =	stream.indirect.scatter.add.f32 [tilespmem:s24], [sflag:$0x3], $0x40, s23, s3, $0xb8;
	[tilespmem:$0x18800] =	vst v63  }
0xeb: {  	_ =	swait.ge [sflag:s15], $0x1000  }
0xec: {  	[sflag:s15] =	ssyncset.done $0x0  }
0xed: {  	s22 =	simm.s32 $0x14080;
	[sflag:s15] =	ssyncadd.s32 $0xFFFFF000  }
0xee: {  	[tilespmem:s24], [sflag:$0x1] =	stream.indirect.gather [spmem:s31], $0x40, s22, s3, $0xb8;
	[tilespmem:$0x18800] =	vst v63  }
0xef: {  	_ =	swait.ge [sflag:s16], $0x1000  }
0xf0: {  	[sflag:s16] =	ssyncset.done $0x0  }
0xf1: {  	s23 =	simm.s32 $0x15440;
	[sflag:s16] =	ssyncadd.s32 $0xFFFFF000  }
0xf2: {  	[spmem:s29] =	stream.indirect.scatter.add.f32 [tilespmem:s14], [sflag:$0x4], $0x40, s23, s3, $0xb8;
	[tilespmem:$0x18800] =	vst v63  }
0xf3: {  	_ =	swait.ge [sflag:s17], $0x1000  }
0xf4: {  	[sflag:s17] =	ssyncset.done $0x0  }
0xf5: {  	s21 =	simm.s32 $0x200;
	s22 =	simm.s32 $0x140C0;
	[sflag:s17] =	ssyncadd.s32 $0xFFFFF000  }
.LBB2_6:
0xf6: {  	[tilespmem:s14], [sflag:$0x2] =	stream.indirect.gather [spmem:s31], $0x40, s22, s3, $0xb8;
	[tilespmem:$0x18800] =	vst v63  }
0xf7: {  	s22 =	smov.u32 s21  }
0xf8: {  	p0 =	sne.s32 s21, $0x4C00;
	s21 =	sadd.s32 $0x200, s21;
	_ =	swait.ge [sflag:s26], $0x1000  }
0xf9: {  	s22 =	sshra.s32 s22, $0x2;
	[sflag:s26] =	ssyncset.done $0x0  }
0xfa: {  	s23 =	sadd.s32 $0x15400, s22;
	[sflag:s26] =	ssyncadd.s32 $0xFFFFF000  }
0xfb: {  	[spmem:s29] =	stream.indirect.scatter.add.f32 [tilespmem:s24], [sflag:$0x3], $0x40, s23, s3, $0xb8;
	[tilespmem:$0x18800] =	vst v63  }
0xfc: {  	_ =	swait.ge [sflag:s15], $0x1000  }
0xfd: {  	[sflag:s15] =	ssyncset.done $0x0  }
0xfe: {  	s23 =	sadd.s32 $0x14080, s22;
	[sflag:s15] =	ssyncadd.s32 $0xFFFFF000  }
0xff: {  	[tilespmem:s24], [sflag:$0x1] =	stream.indirect.gather [spmem:s31], $0x40, s23, s3, $0xb8;
	[tilespmem:$0x18800] =	vst v63  }
0x100: {  	_ =	swait.ge [sflag:s16], $0x1000  }
0x101: {  	[sflag:s16] =	ssyncset.done $0x0  }
.Ltmp2:
0x102: {  	s23 =	sadd.s32 $0x15440, s22;
	[sflag:s16] =	ssyncadd.s32 $0xFFFFF000;
	(pc) =	sbr.rel @p0 .LBB2_6-.Ltmp2, $4  }
0x103: {  	[spmem:s29] =	stream.indirect.scatter.add.f32 [tilespmem:s14], [sflag:$0x4], $0x40, s23, s3, $0xb8;
	[tilespmem:$0x18800] =	vst v63  }
0x104: {  	_ =	swait.ge [sflag:s17], $0x1000  }
0x105: {  	[sflag:s17] =	ssyncset.done $0x0  }
0x106: {  	s22 =	sadd.s32 $0x140C0, s22;
	[sflag:s17] =	ssyncadd.s32 $0xFFFFF000  }
0x107: {  	[tilespmem:s14], [sflag:$0x2] =	stream.indirect.gather [spmem:s31], $0x40, s22, s3, $0xb8;
	[tilespmem:$0x18800] =	vst v63  }
0x108: {  	_ =	swait.ge [sflag:s26], $0x1000  }
0x109: {  	[sflag:s26] =	ssyncset.done $0x0  }
0x10a: {  	[sflag:s26] =	ssyncadd.s32 $0xFFFFF000  }
0x10b: {  	[spmem:s29] =	stream.indirect.scatter.add.f32 [tilespmem:s24], [sflag:$0x3], $0x40, s18, s3, $0xb8;
	[tilespmem:$0x18800] =	vst v63  }
0x10c: {  	_ =	swait.ge [sflag:s16], $0x1000  }
0x10d: {  	[sflag:s16] =	ssyncset.done $0x0  }
0x10e: {  	[sflag:s16] =	ssyncadd.s32 $0xFFFFF000  }
0x10f: {  	[spmem:s29] =	stream.indirect.scatter.add.f32 [tilespmem:s14], [sflag:$0x4], $0x40, s19, s3, $0xb8;
	[tilespmem:$0x18800] =	vst v63  }
0x110: {  	_ =	swait.ge [sflag:s15], $0x1000  }
0x111: {  	[sflag:s15] =	ssyncset.done $0x0  }
0x112: {  	[sflag:s15] =	ssyncadd.s32 $0xFFFFF000  }
0x113: {  	_ =	swait.ge [sflag:s17], $0x1000  }
0x114: {  	[sflag:s17] =	ssyncset.done $0x0  }
0x115: {  	s21 =	simm.s32 $0x0;
	s23 =	rddreg [dreg:$0x9];
	[sflag:s17] =	ssyncadd.s32 $0xFFFFF000  }
0x116: {  	[tilespmem:s0], [sflag:$0x5] =	stream.linear.gather [hbm4b:s23+s21], $0x1400, $0x38;
	[tilespmem:$0x18800] =	vst v63  }
0x117: {  	_ =	swait.ge [sflag:s25], $0x1400  }
0x118: {  	[sflag:s25] =	ssyncset.done $0x0  }
0x119: {  	s23 =	rddreg [dreg:$0xa];
	[sflag:s25] =	ssyncadd.s32 $0xFFFFEC00  }
0x11a: {  	[tilespmem:s2], [sflag:$0x5] =	stream.linear.gather [hbm4b:s23+s21], $0x1400, $0x38;
	[tilespmem:$0x18800] =	vst v63  }
0x11b: {  	_ =	swait.ge [sflag:s25], $0x1400  }
0x11c: {  	[sflag:s25] =	ssyncset.done $0x0  }
0x11d: {  	[sflag:s25] =	ssyncadd.s32 $0xFFFFEC00  }
0x11e: {  	[tilespmem:s24], [sflag:$0x1] =	stream.indirect.gather [spmem:s31], $0x40, s0, s3, $0xb8;
	[tilespmem:$0x18800] =	vst v63  }
0x11f: {  	_ = 	snop  }
0x120: {  	[tilespmem:s14], [sflag:$0x2] =	stream.indirect.gather [spmem:s31], $0x40, s4, s3, $0xb8;
	[tilespmem:$0x18800] =	vst v63  }
0x121: {  	_ =	swait.ge [sflag:s26], $0x1000  }
0x122: {  	[sflag:s26] =	ssyncset.done $0x0  }
0x123: {  	s23 =	simm.s32 $0x15400;
	[sflag:s26] =	ssyncadd.s32 $0xFFFFF000  }
0x124: {  	[spmem:s29] =	stream.indirect.scatter.add.f32 [tilespmem:s24], [sflag:$0x3], $0x40, s23, s3, $0xb8;
	[tilespmem:$0x18800] =	vst v63  }
0x125: {  	_ =	swait.ge [sflag:s15], $0x1000  }
0x126: {  	[sflag:s15] =	ssyncset.done $0x0  }
0x127: {  	s22 =	simm.s32 $0x14080;
	[sflag:s15] =	ssyncadd.s32 $0xFFFFF000  }
0x128: {  	[tilespmem:s24], [sflag:$0x1] =	stream.indirect.gather [spmem:s31], $0x40, s22, s3, $0xb8;
	[tilespmem:$0x18800] =	vst v63  }
0x129: {  	_ =	swait.ge [sflag:s16], $0x1000  }
0x12a: {  	[sflag:s16] =	ssyncset.done $0x0  }
0x12b: {  	s23 =	simm.s32 $0x15440;
	[sflag:s16] =	ssyncadd.s32 $0xFFFFF000  }
0x12c: {  	[spmem:s29] =	stream.indirect.scatter.add.f32 [tilespmem:s14], [sflag:$0x4], $0x40, s23, s3, $0xb8;
	[tilespmem:$0x18800] =	vst v63  }
0x12d: {  	_ =	swait.ge [sflag:s17], $0x1000  }
0x12e: {  	[sflag:s17] =	ssyncset.done $0x0  }
0x12f: {  	s21 =	simm.s32 $0x200;
	s22 =	simm.s32 $0x140C0;
	[sflag:s17] =	ssyncadd.s32 $0xFFFFF000  }
.LBB2_8:
0x130: {  	[tilespmem:s14], [sflag:$0x2] =	stream.indirect.gather [spmem:s31], $0x40, s22, s3, $0xb8;
	[tilespmem:$0x18800] =	vst v63  }
0x131: {  	s22 =	smov.u32 s21  }
0x132: {  	p0 =	sne.s32 s21, $0x4C00;
	s21 =	sadd.s32 $0x200, s21;
	_ =	swait.ge [sflag:s26], $0x1000  }
0x133: {  	s22 =	sshra.s32 s22, $0x2;
	[sflag:s26] =	ssyncset.done $0x0  }
0x134: {  	s23 =	sadd.s32 $0x15400, s22;
	[sflag:s26] =	ssyncadd.s32 $0xFFFFF000  }
0x135: {  	[spmem:s29] =	stream.indirect.scatter.add.f32 [tilespmem:s24], [sflag:$0x3], $0x40, s23, s3, $0xb8;
	[tilespmem:$0x18800] =	vst v63  }
0x136: {  	_ =	swait.ge [sflag:s15], $0x1000  }
0x137: {  	[sflag:s15] =	ssyncset.done $0x0  }
0x138: {  	s23 =	sadd.s32 $0x14080, s22;
	[sflag:s15] =	ssyncadd.s32 $0xFFFFF000  }
0x139: {  	[tilespmem:s24], [sflag:$0x1] =	stream.indirect.gather [spmem:s31], $0x40, s23, s3, $0xb8;
	[tilespmem:$0x18800] =	vst v63  }
0x13a: {  	_ =	swait.ge [sflag:s16], $0x1000  }
0x13b: {  	[sflag:s16] =	ssyncset.done $0x0  }
.Ltmp3:
0x13c: {  	s23 =	sadd.s32 $0x15440, s22;
	[sflag:s16] =	ssyncadd.s32 $0xFFFFF000;
	(pc) =	sbr.rel @p0 .LBB2_8-.Ltmp3, $4  }
0x13d: {  	[spmem:s29] =	stream.indirect.scatter.add.f32 [tilespmem:s14], [sflag:$0x4], $0x40, s23, s3, $0xb8;
	[tilespmem:$0x18800] =	vst v63  }
0x13e: {  	_ =	swait.ge [sflag:s17], $0x1000  }
0x13f: {  	[sflag:s17] =	ssyncset.done $0x0  }
0x140: {  	s22 =	sadd.s32 $0x140C0, s22;
	[sflag:s17] =	ssyncadd.s32 $0xFFFFF000  }
0x141: {  	[tilespmem:s14], [sflag:$0x2] =	stream.indirect.gather [spmem:s31], $0x40, s22, s3, $0xb8;
	[tilespmem:$0x18800] =	vst v63  }
0x142: {  	_ =	swait.ge [sflag:s26], $0x1000  }
0x143: {  	[sflag:s26] =	ssyncset.done $0x0  }
0x144: {  	[sflag:s26] =	ssyncadd.s32 $0xFFFFF000  }
0x145: {  	[spmem:s29] =	stream.indirect.scatter.add.f32 [tilespmem:s24], [sflag:$0x3], $0x40, s18, s3, $0xb8;
	[tilespmem:$0x18800] =	vst v63  }
0x146: {  	_ =	swait.ge [sflag:s16], $0x1000  }
0x147: {  	[sflag:s16] =	ssyncset.done $0x0  }
0x148: {  	[sflag:s16] =	ssyncadd.s32 $0xFFFFF000  }
0x149: {  	[spmem:s29] =	stream.indirect.scatter.add.f32 [tilespmem:s14], [sflag:$0x4], $0x40, s19, s3, $0xb8;
	[tilespmem:$0x18800] =	vst v63  }
0x14a: {  	_ =	swait.ge [sflag:s15], $0x1000  }
0x14b: {  	[sflag:s15] =	ssyncset.done $0x0  }
0x14c: {  	[sflag:s15] =	ssyncadd.s32 $0xFFFFF000  }
0x14d: {  	_ =	swait.ge [sflag:s17], $0x1000  }
0x14e: {  	[sflag:s17] =	ssyncset.done $0x0  }
0x14f: {  	s21 =	simm.s32 $0x0;
	s23 =	rddreg [dreg:$0xb];
	[sflag:s17] =	ssyncadd.s32 $0xFFFFF000  }
0x150: {  	[tilespmem:s0], [sflag:$0x5] =	stream.linear.gather [hbm4b:s23+s21], $0x1400, $0x38;
	[tilespmem:$0x18800] =	vst v63  }
0x151: {  	_ =	swait.ge [sflag:s25], $0x1400  }
0x152: {  	[sflag:s25] =	ssyncset.done $0x0  }
0x153: {  	s23 =	rddreg [dreg:$0xc];
	[sflag:s25] =	ssyncadd.s32 $0xFFFFEC00  }
0x154: {  	[tilespmem:s2], [sflag:$0x5] =	stream.linear.gather [hbm4b:s23+s21], $0x1400, $0x38;
	[tilespmem:$0x18800] =	vst v63  }
0x155: {  	_ =	swait.ge [sflag:s25], $0x1400  }
0x156: {  	[sflag:s25] =	ssyncset.done $0x0  }
0x157: {  	[sflag:s25] =	ssyncadd.s32 $0xFFFFEC00  }
0x158: {  	[tilespmem:s24], [sflag:$0x1] =	stream.indirect.gather [spmem:s31], $0x40, s0, s3, $0xb8;
	[tilespmem:$0x18800] =	vst v63  }
0x159: {  	_ = 	snop  }
0x15a: {  	[tilespmem:s14], [sflag:$0x2] =	stream.indirect.gather [spmem:s31], $0x40, s4, s3, $0xb8;
	[tilespmem:$0x18800] =	vst v63  }
0x15b: {  	_ =	swait.ge [sflag:s26], $0x1000  }
0x15c: {  	[sflag:s26] =	ssyncset.done $0x0  }
0x15d: {  	s23 =	simm.s32 $0x15400;
	[sflag:s26] =	ssyncadd.s32 $0xFFFFF000  }
0x15e: {  	[spmem:s29] =	stream.indirect.scatter.add.f32 [tilespmem:s24], [sflag:$0x3], $0x40, s23, s3, $0xb8;
	[tilespmem:$0x18800] =	vst v63  }
0x15f: {  	_ =	swait.ge [sflag:s15], $0x1000  }
0x160: {  	[sflag:s15] =	ssyncset.done $0x0  }
0x161: {  	s22 =	simm.s32 $0x14080;
	[sflag:s15] =	ssyncadd.s32 $0xFFFFF000  }
0x162: {  	[tilespmem:s24], [sflag:$0x1] =	stream.indirect.gather [spmem:s31], $0x40, s22, s3, $0xb8;
	[tilespmem:$0x18800] =	vst v63  }
0x163: {  	_ =	swait.ge [sflag:s16], $0x1000  }
0x164: {  	[sflag:s16] =	ssyncset.done $0x0  }
0x165: {  	s23 =	simm.s32 $0x15440;
	[sflag:s16] =	ssyncadd.s32 $0xFFFFF000  }
0x166: {  	[spmem:s29] =	stream.indirect.scatter.add.f32 [tilespmem:s14], [sflag:$0x4], $0x40, s23, s3, $0xb8;
	[tilespmem:$0x18800] =	vst v63  }
0x167: {  	_ =	swait.ge [sflag:s17], $0x1000  }
0x168: {  	[sflag:s17] =	ssyncset.done $0x0  }
0x169: {  	s21 =	simm.s32 $0x200;
	s22 =	simm.s32 $0x140C0;
	[sflag:s17] =	ssyncadd.s32 $0xFFFFF000  }
.LBB2_10:
0x16a: {  	[tilespmem:s14], [sflag:$0x2] =	stream.indirect.gather [spmem:s31], $0x40, s22, s3, $0xb8;
	[tilespmem:$0x18800] =	vst v63  }
0x16b: {  	s22 =	smov.u32 s21  }
0x16c: {  	p0 =	sne.s32 s21, $0x4C00;
	s21 =	sadd.s32 $0x200, s21;
	_ =	swait.ge [sflag:s26], $0x1000  }
0x16d: {  	s22 =	sshra.s32 s22, $0x2;
	[sflag:s26] =	ssyncset.done $0x0  }
0x16e: {  	s23 =	sadd.s32 $0x15400, s22;
	[sflag:s26] =	ssyncadd.s32 $0xFFFFF000  }
0x16f: {  	[spmem:s29] =	stream.indirect.scatter.add.f32 [tilespmem:s24], [sflag:$0x3], $0x40, s23, s3, $0xb8;
	[tilespmem:$0x18800] =	vst v63  }
0x170: {  	_ =	swait.ge [sflag:s15], $0x1000  }
0x171: {  	[sflag:s15] =	ssyncset.done $0x0  }
0x172: {  	s23 =	sadd.s32 $0x14080, s22;
	[sflag:s15] =	ssyncadd.s32 $0xFFFFF000  }
0x173: {  	[tilespmem:s24], [sflag:$0x1] =	stream.indirect.gather [spmem:s31], $0x40, s23, s3, $0xb8;
	[tilespmem:$0x18800] =	vst v63  }
0x174: {  	_ =	swait.ge [sflag:s16], $0x1000  }
0x175: {  	[sflag:s16] =	ssyncset.done $0x0  }
.Ltmp4:
0x176: {  	s23 =	sadd.s32 $0x15440, s22;
	[sflag:s16] =	ssyncadd.s32 $0xFFFFF000;
	(pc) =	sbr.rel @p0 .LBB2_10-.Ltmp4, $4  }
0x177: {  	[spmem:s29] =	stream.indirect.scatter.add.f32 [tilespmem:s14], [sflag:$0x4], $0x40, s23, s3, $0xb8;
	[tilespmem:$0x18800] =	vst v63  }
0x178: {  	_ =	swait.ge [sflag:s17], $0x1000  }
0x179: {  	[sflag:s17] =	ssyncset.done $0x0  }
0x17a: {  	s22 =	sadd.s32 $0x140C0, s22;
	[sflag:s17] =	ssyncadd.s32 $0xFFFFF000  }
0x17b: {  	[tilespmem:s14], [sflag:$0x2] =	stream.indirect.gather [spmem:s31], $0x40, s22, s3, $0xb8;
	[tilespmem:$0x18800] =	vst v63  }
0x17c: {  	_ =	swait.ge [sflag:s26], $0x1000  }
0x17d: {  	[sflag:s26] =	ssyncset.done $0x0  }
0x17e: {  	[sflag:s26] =	ssyncadd.s32 $0xFFFFF000  }
0x17f: {  	[spmem:s29] =	stream.indirect.scatter.add.f32 [tilespmem:s24], [sflag:$0x3], $0x40, s18, s3, $0xb8;
	[tilespmem:$0x18800] =	vst v63  }
0x180: {  	_ =	swait.ge [sflag:s16], $0x1000  }
0x181: {  	[sflag:s16] =	ssyncset.done $0x0  }
0x182: {  	[sflag:s16] =	ssyncadd.s32 $0xFFFFF000  }
0x183: {  	[spmem:s29] =	stream.indirect.scatter.add.f32 [tilespmem:s14], [sflag:$0x4], $0x40, s19, s3, $0xb8;
	[tilespmem:$0x18800] =	vst v63  }
0x184: {  	_ =	swait.ge [sflag:s15], $0x1000  }
0x185: {  	[sflag:s15] =	ssyncset.done $0x0  }
0x186: {  	[sflag:s15] =	ssyncadd.s32 $0xFFFFF000  }
0x187: {  	_ =	swait.ge [sflag:s17], $0x1000  }
0x188: {  	[sflag:s17] =	ssyncset.done $0x0  }
0x189: {  	[sflag:s17] =	ssyncadd.s32 $0xFFFFF000  }
0x18a: {  	[bflag:$0x0] =	sbarrier.arrive $0xFFFF  }
0x18b: {  	s21 =	sld [smem:$0x7F1];
	_ =	sdelay $0x2  }
0x18c: {  	[tilespmem:s24], [sflag:$0x5] =	stream.linear.gather [spmem:s21], $0x1000, $0x38;
	[tilespmem:$0x18800] =	vst v63  }
0x18d: {  	_ =	swait.ge [sflag:s25], $0x1000  }
0x18e: {  	[sflag:s25] =	ssyncset.done $0x0  }
0x18f: {  	s23 =	rddreg [dreg:$0x17];
	[sflag:s25] =	ssyncadd.s32 $0xFFFFF000  }
0x190: {  	[hbm4b:s23+s3] =	stream.strided.scatter [tilespmem:s24], [sflag:$0x5], $0x1000, s20, s3, $0x38;
	[tilespmem:$0x18800] =	vst v63  }
0x191: {  	_ =	swait.ge [sflag:s25], $0x1000  }
0x192: {  	[sflag:s25] =	ssyncset.done $0x0  }
0x193: {  	[sflag:s25] =	ssyncadd.s32 $0xFFFFF000  }
0x194: {  	[tilespmem:s24], [sflag:$0x5] =	stream.linear.gather [spmem:s5], $0x1000, $0x38;
	[tilespmem:$0x18800] =	vst v63  }
0x195: {  	_ =	swait.ge [sflag:s25], $0x1000  }
0x196: {  	[sflag:s25] =	ssyncset.done $0x0  }
0x197: {  	s22 =	rddreg [dreg:$0x18];
	[sflag:s25] =	ssyncadd.s32 $0xFFFFF000  }
0x198: {  	[hbm4b:s22+s3] =	stream.strided.scatter [tilespmem:s24], [sflag:$0x5], $0x1000, s20, s3, $0x38;
	[tilespmem:$0x18800] =	vst v63  }
0x199: {  	_ =	swait.ge [sflag:s25], $0x1000  }
0x19a: {  	[sflag:s25] =	ssyncset.done $0x0  }
0x19b: {  	[sflag:s25] =	ssyncadd.s32 $0xFFFFF000  }
0x19c: {  	[tilespmem:s24], [sflag:$0x5] =	stream.linear.gather [spmem:s6], $0x1000, $0x38;
	[tilespmem:$0x18800] =	vst v63  }
0x19d: {  	_ =	swait.ge [sflag:s25], $0x1000  }
0x19e: {  	[sflag:s25] =	ssyncset.done $0x0  }
0x19f: {  	s23 =	rddreg [dreg:$0x19];
	[sflag:s25] =	ssyncadd.s32 $0xFFFFF000  }
0x1a0: {  	[hbm4b:s23+s3] =	stream.strided.scatter [tilespmem:s24], [sflag:$0x5], $0x1000, s20, s3, $0x38;
	[tilespmem:$0x18800] =	vst v63  }
0x1a1: {  	_ =	swait.ge [sflag:s25], $0x1000  }
0x1a2: {  	[sflag:s25] =	ssyncset.done $0x0  }
0x1a3: {  	[sflag:s25] =	ssyncadd.s32 $0xFFFFF000  }
0x1a4: {  	[tilespmem:s24], [sflag:$0x5] =	stream.linear.gather [spmem:s7], $0x1000, $0x38;
	[tilespmem:$0x18800] =	vst v63  }
0x1a5: {  	_ =	swait.ge [sflag:s25], $0x1000  }
0x1a6: {  	[sflag:s25] =	ssyncset.done $0x0  }
0x1a7: {  	s22 =	rddreg [dreg:$0x1a];
	[sflag:s25] =	ssyncadd.s32 $0xFFFFF000  }
0x1a8: {  	[hbm4b:s22+s3] =	stream.strided.scatter [tilespmem:s24], [sflag:$0x5], $0x1000, s20, s3, $0x38;
	[tilespmem:$0x18800] =	vst v63  }
0x1a9: {  	_ =	swait.ge [sflag:s25], $0x1000  }
0x1aa: {  	[sflag:s25] =	ssyncset.done $0x0  }
0x1ab: {  	[sflag:s25] =	ssyncadd.s32 $0xFFFFF000  }
0x1ac: {  	[tilespmem:s24], [sflag:$0x5] =	stream.linear.gather [spmem:s8], $0x1000, $0x38;
	[tilespmem:$0x18800] =	vst v63  }
0x1ad: {  	_ =	swait.ge [sflag:s25], $0x1000  }
0x1ae: {  	[sflag:s25] =	ssyncset.done $0x0  }
0x1af: {  	s23 =	rddreg [dreg:$0x1b];
	[sflag:s25] =	ssyncadd.s32 $0xFFFFF000  }
0x1b0: {  	[hbm4b:s23+s3] =	stream.strided.scatter [tilespmem:s24], [sflag:$0x5], $0x1000, s20, s3, $0x38;
	[tilespmem:$0x18800] =	vst v63  }
0x1b1: {  	_ =	swait.ge [sflag:s25], $0x1000  }
0x1b2: {  	[sflag:s25] =	ssyncset.done $0x0  }
0x1b3: {  	[sflag:s25] =	ssyncadd.s32 $0xFFFFF000  }
0x1b4: {  	[tilespmem:s24], [sflag:$0x5] =	stream.linear.gather [spmem:s9], $0x1000, $0x38;
	[tilespmem:$0x18800] =	vst v63  }
0x1b5: {  	_ =	swait.ge [sflag:s25], $0x1000  }
0x1b6: {  	[sflag:s25] =	ssyncset.done $0x0  }
0x1b7: {  	s22 =	rddreg [dreg:$0x1c];
	[sflag:s25] =	ssyncadd.s32 $0xFFFFF000  }
0x1b8: {  	[hbm4b:s22+s3] =	stream.strided.scatter [tilespmem:s24], [sflag:$0x5], $0x1000, s20, s3, $0x38;
	[tilespmem:$0x18800] =	vst v63  }
0x1b9: {  	_ =	swait.ge [sflag:s25], $0x1000  }
0x1ba: {  	[sflag:s25] =	ssyncset.done $0x0  }
0x1bb: {  	[sflag:s25] =	ssyncadd.s32 $0xFFFFF000  }
0x1bc: {  	[tilespmem:s24], [sflag:$0x5] =	stream.linear.gather [spmem:s10], $0x1000, $0x38;
	[tilespmem:$0x18800] =	vst v63  }
0x1bd: {  	_ =	swait.ge [sflag:s25], $0x1000  }
0x1be: {  	[sflag:s25] =	ssyncset.done $0x0  }
0x1bf: {  	s23 =	rddreg [dreg:$0x1d];
	[sflag:s25] =	ssyncadd.s32 $0xFFFFF000  }
0x1c0: {  	[hbm4b:s23+s3] =	stream.strided.scatter [tilespmem:s24], [sflag:$0x5], $0x1000, s20, s3, $0x38;
	[tilespmem:$0x18800] =	vst v63  }
0x1c1: {  	_ =	swait.ge [sflag:s25], $0x1000  }
0x1c2: {  	[sflag:s25] =	ssyncset.done $0x0  }
0x1c3: {  	[sflag:s25] =	ssyncadd.s32 $0xFFFFF000  }
0x1c4: {  	[tilespmem:s24], [sflag:$0x5] =	stream.linear.gather [spmem:s11], $0x1000, $0x38;
	[tilespmem:$0x18800] =	vst v63  }
0x1c5: {  	_ =	swait.ge [sflag:s25], $0x1000  }
0x1c6: {  	[sflag:s25] =	ssyncset.done $0x0  }
0x1c7: {  	s22 =	rddreg [dreg:$0x1e];
	[sflag:s25] =	ssyncadd.s32 $0xFFFFF000  }
0x1c8: {  	[hbm4b:s22+s3] =	stream.strided.scatter [tilespmem:s24], [sflag:$0x5], $0x1000, s20, s3, $0x38;
	[tilespmem:$0x18800] =	vst v63  }
0x1c9: {  	_ =	swait.ge [sflag:s25], $0x1000  }
0x1ca: {  	[sflag:s25] =	ssyncset.done $0x0  }
0x1cb: {  	[sflag:s25] =	ssyncadd.s32 $0xFFFFF000  }
0x1cc: {  	[tilespmem:s24], [sflag:$0x5] =	stream.linear.gather [spmem:s12], $0x1000, $0x38;
	[tilespmem:$0x18800] =	vst v63  }
0x1cd: {  	_ =	swait.ge [sflag:s25], $0x1000  }
0x1ce: {  	[sflag:s25] =	ssyncset.done $0x0  }
0x1cf: {  	s23 =	rddreg [dreg:$0x1f];
	[sflag:s25] =	ssyncadd.s32 $0xFFFFF000  }
0x1d0: {  	[hbm4b:s23+s3] =	stream.strided.scatter [tilespmem:s24], [sflag:$0x5], $0x1000, s20, s3, $0x38;
	[tilespmem:$0x18800] =	vst v63  }
0x1d1: {  	_ =	swait.ge [sflag:s25], $0x1000  }
0x1d2: {  	[sflag:s25] =	ssyncset.done $0x0  }
0x1d3: {  	[sflag:s25] =	ssyncadd.s32 $0xFFFFF000  }
0x1d4: {  	[tilespmem:s24], [sflag:$0x5] =	stream.linear.gather [spmem:s13], $0x1000, $0x38;
	[tilespmem:$0x18800] =	vst v63  }
0x1d5: {  	_ =	swait.ge [sflag:s25], $0x1000  }
0x1d6: {  	s22 =	sld [smem:$0x7F0]  }
0x1d7: {  	[sflag:s25] =	ssyncset.done $0x0  }
0x1d8: {  	[sflag:s25] =	ssyncadd.s32 $0xFFFFF000  }
0x1d9: {  	[hbm4b:s22+s3] =	stream.strided.scatter [tilespmem:s24], [sflag:$0x5], $0x1000, s20, s3, $0x38;
	[tilespmem:$0x18800] =	vst v63  }
0x1da: {  	_ =	swait.ge [sflag:s25], $0x1000  }
0x1db: {  	s23 =	sld [smem:$0x7F2];
	_ =	sdelay $0x1  }
0x1dc: {  	s1 =	sadd.s32 $0x1, s1  }
0x1dd: {  	p0 =	sne.s32 s1, s23  }
.Ltmp5:
0x1de: {  	_ = 	snop;
	(pc) =	sbr.rel @p0 .LBB2_1-.Ltmp5, $3  }
0x1df: {  	_ =	sdelay $0x1  }
0x1e0: {  	[sflag:s25] =	ssyncset.done $0x0  }
0x1e1: {  	[sflag:s25] =	ssyncadd.s32 $0xFFFFF000  }
0x1e2: {  	_ =	sfence.sel $0x180000  }
0x1e3: {  	[bflag:$0x0] =	sbarrier.arrive $0xFFFF  }
0x1e4: {  	_ =	strace $0x9000004A  }
0x1e5: {  	s0 =	stileid.u32;
	[bflag:$0x2] =	sbarrier.arrive $0xFFFF  }
0x1e6: {  	p0 =	sne.s32 s0, $0x0;
	s0 =	rddreg [dreg:$0x4]  }
0x1e7: {  	s0 =	sadd.s32 @!p0 $0x100000, s0  }
0x1e8: {  	[sflag:s0] =	ssyncadd.tile.s32 @!p0 $0x1;
	_ =	shalt  }
.Lfunc_end2:
_tile_overlayer_lowered:
.L_overlay_start_2:
0x1e9: {  	(tag) =	ssettag $0x2  }
0x1ea: {  	s0 =	rddreg [dreg:$0x0];
	s2 =	stileid.u32  }
0x1eb: {  	s1 =	rddreg [dreg:$0x1];
	p0 =	sne.s32 s2, $0x0  }
0x1ec: {  	s3 =	rddreg [dreg:$0x2];
	[bflag:$0x3] =	sbarrier.arrive $0xFFFF;
	s2 =	simm.s32 @!p0 $0x1C05  }
0x1ed: {  	[timem:s3], [sflag:s2] =	dma.local @!p0 [hbm:s0], s1  }
0x1ee: {  	s0 =	simm.s32 @!p0 $0x5  }
0x1ef: {  	_ =	swait.ge @!p0 [sflag:s0], s1  }
0x1f0: {  	s1 =	ssub.s32 @!p0 $0x0, s1;
	[sflag:s0] =	ssyncset.done @!p0 $0x0  }
0x1f1: {  	[sflag:s0] =	ssyncadd.s32 @!p0 s1  }
0x1f2: {  	[bflag:$0x3] =	sbarrier.arrive $0xFFFF  }
0x1f3: {  	_ =	shalt  }

// kernel: kernel.16.cloned.1.call-start
scs
__scs_entry_jumppad:
0x0: {  	(pc) =	sbr.rel $0x88, $3  }
0x1: {  	(tag) =	ssettag $0x0;
	lr =	simm.s32 $0x1  }
0x2: {  	[smem:$0x3F99] =	sst lr;
	_ =	strace $0xD0000000  }
0x3: {  	_ = 	snop  }
0x4: {  	_ = 	snop  }
0x5: {  	_ = 	snop  }
0x6: {  	_ = 	snop  }
0x7: {  	_ = 	snop  }
__scs_overlays_trampoline_lowered:
0x8: {  	[smem:$0x3FA8] =	sst s0  }
0x9: {  	[smem:$0x3FA9] =	sst s1  }
0xa: {  	[smem:$0x3FAA] =	sst s2  }
0xb: {  	[smem:$0x3FAB] =	sst s3  }
0xc: {  	[smem:$0x3FAC] =	sst s4  }
0xd: {  	[smem:$0x3FAD] =	sst s5  }
0xe: {  	[smem:$0x3FAE] =	sst s6  }
0xf: {  	[smem:$0x3FAF] =	sst s7  }
0x10: {  	[smem:$0x3FB0] =	sst s8  }
0x11: {  	[smem:$0x3FB1] =	sst s9;
	s0 =	simm.s32 @!p0 $0x0  }
0x12: {  	s1 =	sld [smem:$0x3F97];
	s0 =	simm.s32 @p0 $0x1  }
0x13: {  	[smem:$0x3FB2] =	sst s0;
	s0 =	simm.s32 @!p1 $0x0  }
0x14: {  	s2 =	sld [smem:$0x3F96];
	s0 =	simm.s32 @p1 $0x1  }
0x15: {  	[smem:$0x3FB3] =	sst s0;
	s0 =	simm.s32 @!p2 $0x0  }
0x16: {  	s3 =	sld [smem:$0x3FDB];
	s0 =	simm.s32 @p2 $0x1  }
0x17: {  	s4 =	simm.s32 $0x1BF5;
	[smem:$0x3FB5] =	sst s0  }
0x18: {  	s0 =	sld [smem:$0x3F98];
	_ =	swait.ge [sflag:s4], $0x0  }
0x19: {  	s7 =	sld [smem:$0x3F99]  }
0x1a: {  	s8 =	sadd.s32 $0xFFFFE003, lr  }
0x1b: {  	s9 =	sadd.s32 $0xFFFFFEF7, lr;
	s5 =	simm.s32 $0xFFFFFFFF;
	p2 =	slt.u32 s8, $0xFFFFF086  }
0x1c: {  	p1 =	slt.u32 s9, $0xF7A;
	s5 =	simm.s32 @!p2 $0x0  }
0x1d: {  	s5 =	simm.s32 @p1 $0x1;
	p0 =	seq.s32 s7, s2  }
0x1e: {  	s7 =	smul.u32 @!p0 $0xF7A, s2;
	p2 =	seq.s32 @!p0 s5, $0x0  }
0x1f: {  	s9 =	smul.u32 $0xF7A, s1;
	s8 =	simm.s32 @!p0 $0x1BF5;
	p2 =	por !p2, p0  }
0x20: {  	[sflag:s8] =	ssyncset.s32 @!p0 $0xFFFFF086;
	s6 =	sadd.s32 @!p0 s3, s7;
	s7 =	simm.s32 @!p0 $0x108  }
0x21: {  	s3 =	sadd.s32 s3, s9;
	s6 =	sadd.s32 @!p0 $0x88, s6;
	s7 =	simm.s32 @p2 $0x1082  }
0x22: {  	[simem:s7], [sflag:s8] =	dma.local @!p0 [hbm:s6], $0xF7A  }
0x23: {  	s9 =	sor.u32 $0xD0000000, s2;
	s6 =	simm.s32 $0x108;
	_ =	swait.ge @!p0 [sflag:s8], $0x0  }
0x24: {  	s3 =	sadd.s32 $0x88, s3;
	s6 =	simm.s32 @!p1 $0x1082;
	[sflag:s4] =	ssyncset.s32 $0xFFFFF086  }
0x25: {  	[simem:s6], [sflag:s4] =	dma.local [hbm:s3], $0xF7A  }
0x26: {  	[smem:$0x3F99] =	sst s1;
	(tag) =	ssettag s2;
	_ =	strace s9  }
0x27: {  	s1 =	sld [smem:$0x3FA9]  }
0x28: {  	s2 =	sld [smem:$0x3FAA]  }
0x29: {  	s4 =	sld [smem:$0x3FAC]  }
0x2a: {  	p0 =	seq.s32 s5, $0x0;
	s5 =	sld [smem:$0x3FAD]  }
0x2b: {  	s6 =	sld [smem:$0x3FAE]  }
0x2c: {  	s7 =	sld [smem:$0x3FAF]  }
0x2d: {  	s3 =	simm.s32 $0x108;
	s8 =	sld [smem:$0x3FB0]  }
0x2e: {  	s3 =	simm.s32 @!p0 $0x1082;
	s9 =	sld [smem:$0x3FB1]  }
0x2f: {  	lr =	sadd.s32 s0, s3;
	s0 =	sld [smem:$0x3FA8]  }
0x30: {  	s3 =	sld [smem:$0x3FAB]  }
0x31: {  	[smem:$0x3FB4] =	sst s10  }
0x32: {  	s10 =	sld [smem:$0x3FB2];
	_ =	sdelay $0x3  }
0x33: {  	p0 =	seq.s32 s10, $0x1;
	s10 =	sld [smem:$0x3FB4];
	_ =	sdelay $0x3  }
0x34: {  	[smem:$0x3FB4] =	sst s10  }
0x35: {  	s10 =	sld [smem:$0x3FB3];
	_ =	sdelay $0x3  }
0x36: {  	p1 =	seq.s32 s10, $0x1;
	s10 =	sld [smem:$0x3FB4];
	_ =	sdelay $0x3  }
0x37: {  	[smem:$0x3FB4] =	sst s10  }
0x38: {  	s10 =	sld [smem:$0x3FB5]  }
0x39: {  	_ = 	snop;
	(pc) =	sbr.ind lr, $3  }
0x3a: {  	_ = 	snop  }
0x3b: {  	_ = 	snop  }
0x3c: {  	p2 =	seq.s32 s10, $0x1;
	s10 =	sld [smem:$0x3FB4]  }
0x3d: {  	_ =	shalt  }
0x3e: {  	_ =	shalt  }
0x3f: {  	_ =	shalt  }
0x40: {  	_ =	shalt  }
0x41: {  	_ =	shalt  }
0x42: {  	_ =	shalt  }
0x43: {  	_ =	shalt  }
0x44: {  	_ =	shalt  }
0x45: {  	_ =	shalt  }
0x46: {  	_ =	shalt  }
0x47: {  	_ =	shalt  }
0x48: {  	_ =	shalt  }
0x49: {  	_ =	shalt  }
0x4a: {  	_ =	shalt  }
0x4b: {  	_ =	shalt  }
0x4c: {  	_ =	shalt  }
0x4d: {  	_ =	shalt  }
0x4e: {  	_ =	shalt  }
0x4f: {  	_ =	shalt  }
0x50: {  	_ =	shalt  }
0x51: {  	_ =	shalt  }
0x52: {  	_ =	shalt  }
0x53: {  	_ =	shalt  }
0x54: {  	_ =	shalt  }
0x55: {  	_ =	shalt  }
0x56: {  	_ =	shalt  }
0x57: {  	_ =	shalt  }
0x58: {  	_ =	shalt  }
0x59: {  	_ =	shalt  }
0x5a: {  	_ =	shalt  }
0x5b: {  	_ =	shalt  }
0x5c: {  	_ =	shalt  }
0x5d: {  	_ =	shalt  }
0x5e: {  	_ =	shalt  }
0x5f: {  	_ =	shalt  }
0x60: {  	_ =	shalt  }
0x61: {  	_ =	shalt  }
0x62: {  	_ =	shalt  }
0x63: {  	_ =	shalt  }
0x64: {  	_ =	shalt  }
0x65: {  	_ =	shalt  }
0x66: {  	_ =	shalt  }
0x67: {  	_ =	shalt  }
0x68: {  	_ =	shalt  }
0x69: {  	_ =	shalt  }
0x6a: {  	_ =	shalt  }
0x6b: {  	_ =	shalt  }
0x6c: {  	_ =	shalt  }
0x6d: {  	_ =	shalt  }
0x6e: {  	_ =	shalt  }
0x6f: {  	_ =	shalt  }
0x70: {  	_ =	shalt  }
0x71: {  	_ =	shalt  }
0x72: {  	_ =	shalt  }
0x73: {  	_ =	shalt  }
0x74: {  	_ =	shalt  }
0x75: {  	_ =	shalt  }
0x76: {  	_ =	shalt  }
0x77: {  	_ =	shalt  }
0x78: {  	_ =	shalt  }
0x79: {  	_ =	shalt  }
0x7a: {  	_ =	shalt  }
0x7b: {  	_ =	shalt  }
0x7c: {  	_ =	shalt  }
0x7d: {  	_ =	shalt  }
0x7e: {  	_ =	shalt  }
0x7f: {  	_ =	shalt  }
0x80: {  	_ =	shalt  }
0x81: {  	_ =	shalt  }
0x82: {  	_ =	shalt  }
0x83: {  	_ =	shalt  }
0x84: {  	_ =	shalt  }
0x85: {  	_ =	shalt  }
0x86: {  	_ =	shalt  }
0x87: {  	_ =	shalt  }
.Lfunc_end0:
.L_simem_size_0:
called_computation.2_lowered:
.L_overlay_start_0:
0x88: {  	s2 =	sld [smem:$0x3FD9]  }
0x89: {  	s3 =	sld [smem:$0x3FFE];
	_ =	sdelay $0x1  }
0x8a: {  	s1 =	srdreg.scid  }
0x8b: {  	s0 =	sand.u32 $0x1, s1  }
0x8c: {  	s17 =	sshll.u32 s0, $0xA;
	s2 =	sadd.s32 s3, s2  }
0x8d: {  	s2 =	sadd.s32 s2, s17  }
0x8e: {  	[smem:$0x3FC0] =	sst s2  }
0x8f: {  	_ = 	snop  }
0x90: {  	s2 =	sld [smem:$0x3FD0];
	(tm) =	ssettm $0x1  }
0x91: {  	s18 =	sld [smem:$0x3FFB];
	_ =	sdelay $0x3  }
0x92: {  	_ =	strace s18  }
0x93: {  	s3 =	sld [smem:$0x3FFC];
	_ =	sdelay $0x3  }
0x94: {  	_ =	strace s3  }
0x95: {  	s3 =	sld [smem:$0x3FFD];
	_ =	sdelay $0x3  }
0x96: {  	_ =	strace s3  }
0x97: {  	_ =	strace $0x8FFFFFFF  }
0x98: {  	s19 =	sld [smem:$0x3FDB];
	_ =	sdelay $0x1  }
0x99: {  	s4 =	simm.s32 $_scs_section_size  }
0x9a: {  	s5 =	simm.s32 $_size__tile_overlayer_lowered;
	s6 =	simm.s32 $_tile_overlayer_lowered  }
0x9b: {  	s22 =	simm.s32 $0x1BFF;
	s21 =	sshll.u32 s6, $0x1;
	s3 =	sadd.s32 s4, s19  }
0x9c: {  	s7 =	simm.s32 $0x0;
	s20 =	sshll.u32 s5, $0x1;
	s5 =	sadd.s32 s21, s3  }
0x9d: {  	[timem:s7], [sflag:s22] =	dma.local [hbm:s5], s20  }
0x9e: {  	_ =	swait.ge [sflag:s22], s20  }
0x9f: {  	s4 =	ssub.s32 $0x0, s20;
	[sflag:s22] =	ssyncset.done $0x0  }
0xa0: {  	[sflag:s22] =	ssyncadd.s32 s4;
	_ =	sdelay $0x1  }
0xa1: {  	s23 =	simm.s32 $0x1B8B  }
0xa2: {  	_ =	swait.ge [sflag:s23], $0x1  }
0xa3: {  	[sflag:s23] =	ssyncset.done $0x0  }
0xa4: {  	s25 =	simm.s32 $0x1B8E;
	s24 =	sld [smem:$0x3FFE];
	[sflag:s23] =	ssyncadd.s32 $0xFFFFFFFF  }
0xa5: {  	s26 =	simm.s32 $execute0_lowered;
	[smem:$0x3FD2] =	sst s25  }
0xa6: {  	s5 =	sshll.u32 s26, $0x1;
	_ =	strace $0x8000004C;
	[dreg:$0x1] =	wrdreg $0xFFFFFFFF  }
0xa7: {  	s28 =	simm.s32 $_size_execute0_lowered;
	s3 =	sadd.s32 s3, s5;
	[dreg:$0x0] =	wrdreg $0x0  }
0xa8: {  	s5 =	sshll.u32 s28, $0x1;
	[dreg:$0x2] =	wrdreg s3  }
0xa9: {  	[dreg:$0x3] =	wrdreg s5  }
0xaa: {  	[dreg:$0x4] =	wrdreg $0xC0  }
0xab: {  	_ =	task [dreg:s7], $0x5FFFF  }
0xac: {  	[dreg:$0x1] =	wrdreg $0xFFFFFFFF  }
0xad: {  	[dreg:$0x0] =	wrdreg $0x60  }
0xae: {  	[dreg:$0x2] =	wrdreg s24  }
0xaf: {  	[dreg:$0x3] =	wrdreg s2  }
0xb0: {  	[dreg:$0x4] =	wrdreg $0xA0000  }
0xb1: {  	[dreg:$0x5] =	wrdreg $0x0  }
0xb2: {  	[dreg:$0x6] =	wrdreg $0x9  }
0xb3: {  	_ =	task.clear_ibuf [dreg:s7], $0x7FFFF;
	_ =	strace $0x9000004C  }
0xb4: {  	s29 =	simm.s32 $0x9;
	_ =	strace $0x8000004E  }
0xb5: {  	_ =	swait.ge [sflag:s29], $0x1  }
0xb6: {  	[sflag:s29] =	ssyncadd.s32 $0xFFFFFFFF  }
0xb7: {  	_ =	strace $0x9000004E  }
0xb8: {  	_ =	sfence  }
0xb9: {  	s30 =	sld [smem:$0x0];
	_ =	sdelay $0x2  }
0xba: {  	s31 =	sshll.u32 s1, $0xD;
	s1 =	sshrl.u32 s1, $0x2  }
0xbb: {  	s3 =	sand.u32 $0x4000, s31;
	s1 =	sadd.s32 s1, s30  }
0xbc: {  	s0 =	sor.u32 s3, s0;
	s1 =	sshll.u32 s1, $0x11  }
0xbd: {  	s0 =	sor.u32 s1, s0  }
0xbe: {  	s0 =	sadd.s32 $0x8F2B, s0  }
0xbf: {  	[sflag:s0] =	ssyncadd.remote.s32 $0x1  }
0xc0: {  	_ =	sfence.sel $0xFFFF  }
0xc1: {  	[dreg:$0x0] =	wrdreg $0xFFFFFFFF;
	(pc) =	sbr.abs _section_cstart, $3  }
0xc2: {  	[dreg:$0x1] =	wrdreg $0xFFFFFFFF  }
0xc3: {  	_ =	task.clear_ibuf [dreg:s7], $0x2FFFF;
	_ =	strace $0x9FFFFFFF  }
0xc4: {  	(tm) =	ssettm $0x7FFFFFFF  }
0xc5: {  	_ =	shalt  }
tec
execute0_lowered:
.L_overlay_start_1:
0x0: {  	(tag) =	ssettag $0x1  }
0x1: {  	s0 =	rddreg [dreg:$0x0]  }
0x2: {  	s2 =	rddreg [dreg:$0x1]  }
0x3: {  	s3 =	srdreg.scid;
	s29 =	rddreg [dreg:$0x2]  }
0x4: {  	s1 =	simm.s32 $0x0;
	s23 =	stileid.u32;
	s31 =	rddreg [dreg:$0x3]  }
0x5: {  	s30 =	simm.s32 $0x8;
	s28 =	simm.s32 $0x10;
	s3 =	sand.u32 $0x1, s3  }
0x6: {  	[smem:$0x7FF] =	sst s1;
	s5 =	smul.u32 $0x5000, s23;
	s6 =	sadd.s32 $0x3A00, s0  }
0x7: {  	s26 =	smul.u32 $0x280, s23;
	s4 =	ssub.s32 $0x2, s3;
	s3 =	sshll.u32 s3, $0x3  }
0x8: {  	s7 =	sshrl.u32 s4, $0x1;
	s3 =	sadd.s32 s3, s0;
	s25 =	sshrl.u32 s5, $0x3  }
0x9: {  	s11 =	sadd.s32 $0x100, s26;
	s12 =	sadd.s32 $0x140, s26;
	s13 =	sadd.s32 $0x180, s26  }
0xa: {  	s14 =	sadd.s32 $0x1C0, s26;
	s0 =	ssub.s32 s4, s7;
	s7 =	sadd.s32 $0xDA00, s3  }
0xb: {  	s8 =	sadd.s32 s6, s25;
	s15 =	sadd.s32 s2, s25;
	s16 =	sadd.s32 $0x280, s25  }
0xc: {  	s9 =	sadd.s32 $0x500, s25;
	s4 =	sadd.s32 $0x780, s25;
	[dreg:$0x5] =	wrdreg s8  }
0xd: {  	s24 =	sshll.u32 s13, $0x4;
	[dreg:$0x6] =	wrdreg s15;
	s10 =	sadd.s32 s6, s16  }
0xe: {  	s25 =	sshll.u32 s14, $0x4;
	s8 =	sadd.s32 s2, s16;
	[dreg:$0x7] =	wrdreg s10  }
0xf: {  	s17 =	sadd.s32 s6, s9;
	s18 =	sadd.s32 s2, s9;
	[dreg:$0x8] =	wrdreg s8  }
0x10: {  	s6 =	sadd.s32 s6, s4;
	s2 =	sadd.s32 s2, s4;
	[dreg:$0x9] =	wrdreg s17  }
0x11: {  	s4 =	sadd.s32 $0x80, s26;
	s15 =	sadd.s32 $0x200, s26;
	[dreg:$0xa] =	wrdreg s18  }
0x12: {  	s8 =	smul.u32 $0x2800, s23;
	[dreg:$0xb] =	wrdreg s6;
	s9 =	sshll.u32 s4, $0x4  }
0x13: {  	[dreg:$0xc] =	wrdreg s2;
	s18 =	sshll.u32 s12, $0x4;
	s21 =	sadd.s32 s9, s7  }
0x14: {  	s2 =	sadd.s32 $0x35A00, s3;
	s22 =	sadd.s32 s18, s7;
	[dreg:$0xf] =	wrdreg s21  }
0x15: {  	s3 =	sor.u32 $0x40, s26;
	s9 =	sadd.s32 s9, s2;
	[dreg:$0x12] =	wrdreg s22  }
0x16: {  	s10 =	sadd.s32 $0xC0, s26;
	s18 =	sadd.s32 s18, s2;
	[dreg:$0x19] =	wrdreg s9  }
0x17: {  	s6 =	sshll.u32 s3, $0x4;
	s19 =	sadd.s32 s8, s7;
	[dreg:$0x1c] =	wrdreg s18  }
0x18: {  	s5 =	sshll.u32 s10, $0x4;
	s20 =	sadd.s32 s6, s7;
	[dreg:$0xd] =	wrdreg s19  }
0x19: {  	s16 =	sadd.s32 $0x240, s26;
	s17 =	sadd.s32 s5, s7;
	[dreg:$0xe] =	wrdreg s20  }
0x1a: {  	s0 =	smax.u32 s0, $0x1;
	s22 =	sadd.s32 s25, s7;
	[dreg:$0x10] =	wrdreg s17  }
0x1b: {  	s21 =	sshll.u32 s15, $0x4;
	s8 =	sadd.s32 s8, s2;
	[dreg:$0x14] =	wrdreg s22  }
0x1c: {  	s6 =	sadd.s32 s6, s2;
	s5 =	sadd.s32 s5, s2;
	[dreg:$0x17] =	wrdreg s8  }
0x1d: {  	s18 =	sshll.u32 s10, $0x6;
	s17 =	sshll.u32 s11, $0x4;
	[dreg:$0x18] =	wrdreg s6  }
0x1e: {  	s20 =	sadd.s32 s24, s7;
	s26 =	sadd.s32 s21, s7;
	[dreg:$0x1a] =	wrdreg s5  }
0x1f: {  	s22 =	sshll.u32 s16, $0x4;
	s8 =	sshll.u32 s3, $0x6;
	[dreg:$0x13] =	wrdreg s20  }
0x20: {  	s19 =	sadd.s32 s17, s7;
	[dreg:$0x15] =	wrdreg s26;
	s7 =	sadd.s32 s22, s7  }
0x21: {  	s17 =	sadd.s32 s17, s2;
	s26 =	sadd.s32 s21, s2;
	[dreg:$0x11] =	wrdreg s19  }
0x22: {  	s5 =	sadd.s32 s8, s29;
	s20 =	sshll.u32 s12, $0x6;
	[dreg:$0x16] =	wrdreg s7  }
0x23: {  	s21 =	sshll.u32 s13, $0x6;
	[dreg:$0x1b] =	wrdreg s17;
	s19 =	sadd.s32 s24, s2  }
0x24: {  	s24 =	sadd.s32 s25, s2;
	s25 =	smul.u32 $0x28000, s23;
	[dreg:$0x1f] =	wrdreg s26  }
0x25: {  	s2 =	sadd.s32 s22, s2;
	s7 =	smul.u32 $0xA000, s23;
	s17 =	sshll.u32 s4, $0x6  }
0x26: {  	s4 =	sadd.s32 s18, s31;
	s22 =	sshll.u32 s14, $0x6;
	[dreg:$0x1d] =	wrdreg s19  }
0x27: {  	s10 =	sadd.s32 s21, s29;
	s23 =	sadd.s32 s21, s31;
	[dreg:$0x1e] =	wrdreg s24  }
0x28: {  	s14 =	simm.s32 $0x17800;
	[smem:$0x7F0] =	sst s2;
	s3 =	sadd.s32 s17, s31  }
0x29: {  	s19 =	sshll.u32 s11, $0x6;
	s11 =	sadd.s32 s22, s29;
	s24 =	sshll.u32 s15, $0x6  }
0x2a: {  	s23 =	sshrl.u32 s23, $0x3;
	_ =	strace $0x8000004D;
	s6 =	sshrl.u32 s25, $0x2  }
0x2b: {  	[smem:$0x7F2] =	sst s0;
	s9 =	sadd.s32 s7, s29;
	s0 =	sadd.s32 s8, s31  }
0x2c: {  	s8 =	sadd.s32 s19, s29;
	s25 =	sshll.u32 s16, $0x6;
	s12 =	sadd.s32 s24, s29  }
0x2d: {  	s26 =	sadd.s32 s24, s31;
	s3 =	sshrl.u32 s3, $0x3;
	[smem:$0x7FA] =	sst s23  }
0x2e: {  	s16 =	simm.s32 $0x2;
	s2 =	sadd.s32 s6, s29;
	[smem:$0x7F3] =	sst s9  }
0x2f: {  	s6 =	sadd.s32 s17, s29;
	s17 =	sadd.s32 s19, s31;
	s9 =	sadd.s32 s20, s29  }
0x30: {  	s19 =	sadd.s32 s22, s31;
	s13 =	sadd.s32 s25, s29;
	s15 =	sadd.s32 s25, s31  }
0x31: {  	s0 =	sshrl.u32 s0, $0x3;
	[smem:$0x7F6] =	sst s3;
	s25 =	sshrl.u32 s26, $0x3  }
0x32: {  	s3 =	simm.s32 $0x40;
	[smem:$0x7F1] =	sst s2;
	s2 =	sadd.s32 s7, s31  }
0x33: {  	s7 =	sadd.s32 s18, s29;
	s18 =	sadd.s32 s20, s31;
	[smem:$0x7F5] =	sst s0  }
0x34: {  	s20 =	sshrl.u32 s4, $0x3;
	s21 =	sshrl.u32 s17, $0x3;
	s24 =	sshrl.u32 s19, $0x3  }
0x35: {  	[smem:$0x7FC] =	sst s25;
	s26 =	sshrl.u32 s15, $0x3;
	s25 =	simm.s32 $0x5  }
0x36: {  	s0 =	simm.s32 $0x14000;
	s4 =	simm.s32 $0x14040;
	[smem:$0x7F7] =	sst s20  }
0x37: {  	s15 =	simm.s32 $0x3;
	s17 =	simm.s32 $0x4;
	[smem:$0x7F8] =	sst s21  }
0x38: {  	s19 =	simm.s32 $0x167C0;
	s2 =	sshrl.u32 s2, $0x3;
	[smem:$0x7FB] =	sst s24  }
0x39: {  	s22 =	sshrl.u32 s18, $0x3;
	[smem:$0x7FD] =	sst s26;
	s24 =	simm.s32 $0x16800  }
0x3a: {  	s26 =	simm.s32 $0x1;
	s18 =	simm.s32 $0x16780;
	[smem:$0x7F4] =	sst s2  }
0x3b: {  	v0 =	vimm.f32 $0.0e+00;
	s20 =	simm.s32 $0x80;
	[smem:$0x7F9] =	sst s22;
	s2 =	simm.s32 $0x15400  }
.LBB2_1:
0x3c: {  	s22 =	simm.s32 $0x100;
	s21 =	simm.s32 $0x0  }
.LBB2_2:
0x3d: {  	p0 =	sne.s32 s22, $0x3F00;
	[tilespmem:s21+$0x16830] =	vst v0;
	s23 =	smov.u32 s22;
	s22 =	sadd.s32 $0x100, s22  }
.Ltmp0:
0x3e: {  	[tilespmem:s21+$0x16820] =	vst v0;
	(pc) =	sbr.rel @p0 .LBB2_2-.Ltmp0, $3  }
0x3f: {  	[tilespmem:s21+$0x16800] =	vst v0  }
0x40: {  	[tilespmem:s21+$0x16810] =	vst v0;
	_ =	sdelay $0x1  }
0x41: {  	s21 =	sshra.s32 s23, $0x2  }
0x42: {  	[tilespmem:s21+$0x16830] =	vst v0  }
0x43: {  	[tilespmem:s21+$0x16820] =	vst v0;
	s23 =	sld [smem:$0x7F3]  }
0x44: {  	[tilespmem:s21+$0x16800] =	vst v0  }
0x45: {  	[tilespmem:s21+$0x16810] =	vst v0  }
0x46: {  	[spmem:s23] =	stream.linear.scatter [tilespmem:s24], [sflag:$0x5], $0x1000, $0x38;
	[tilespmem:$0x18800] =	vst v63  }
0x47: {  	_ =	swait.ge [sflag:s25], $0x1000  }
0x48: {  	s22 =	stileid.u32;
	s23 =	sld [smem:$0x7F4]  }
0x49: {  	s21 =	sshll.u32 s22, $0x6;
	[sflag:s25] =	ssyncset.done $0x0  }
0x4a: {  	s21 =	sor.u32 $0x1C05, s21;
	s22 =	rddreg [dreg:$0xd];
	[sflag:s25] =	ssyncadd.s32 $0xFFFFF000  }
0x4b: {  	[spmem:s23@s30], [sflag:s21] =	dma.strided [hbm:s22@s28], $0x200, s26, $0x8   }
0x4c: {  	_ =	swait.ge [sflag:s25], $0x200  }
0x4d: {  	[sflag:s25] =	ssyncset.done $0x0  }
0x4e: {  	[sflag:s25] =	ssyncadd.s32 $0xFFFFFE00  }
0x4f: {  	[spmem:s5] =	stream.linear.scatter [tilespmem:s24], [sflag:$0x5], $0x1000, $0x38;
	[tilespmem:$0x18800] =	vst v63  }
0x50: {  	_ =	swait.ge [sflag:s25], $0x1000  }
0x51: {  	s23 =	sld [smem:$0x7F5]  }
0x52: {  	[sflag:s25] =	ssyncset.done $0x0  }
0x53: {  	s22 =	rddreg [dreg:$0xe];
	[sflag:s25] =	ssyncadd.s32 $0xFFFFF000  }
0x54: {  	[spmem:s23@s30], [sflag:s21] =	dma.strided [hbm:s22@s28], $0x200, s26, $0x8   }
0x55: {  	_ =	swait.ge [sflag:s25], $0x200  }
0x56: {  	[sflag:s25] =	ssyncset.done $0x0  }
0x57: {  	[sflag:s25] =	ssyncadd.s32 $0xFFFFFE00  }
0x58: {  	[spmem:s6] =	stream.linear.scatter [tilespmem:s24], [sflag:$0x5], $0x1000, $0x38;
	[tilespmem:$0x18800] =	vst v63  }
0x59: {  	_ =	swait.ge [sflag:s25], $0x1000  }
0x5a: {  	s23 =	sld [smem:$0x7F6]  }
0x5b: {  	[sflag:s25] =	ssyncset.done $0x0  }
0x5c: {  	s22 =	rddreg [dreg:$0xf];
	[sflag:s25] =	ssyncadd.s32 $0xFFFFF000  }
0x5d: {  	[spmem:s23@s30], [sflag:s21] =	dma.strided [hbm:s22@s28], $0x200, s26, $0x8   }
0x5e: {  	_ =	swait.ge [sflag:s25], $0x200  }
0x5f: {  	[sflag:s25] =	ssyncset.done $0x0  }
0x60: {  	[sflag:s25] =	ssyncadd.s32 $0xFFFFFE00  }
0x61: {  	[spmem:s7] =	stream.linear.scatter [tilespmem:s24], [sflag:$0x5], $0x1000, $0x38;
	[tilespmem:$0x18800] =	vst v63  }
0x62: {  	_ =	swait.ge [sflag:s25], $0x1000  }
0x63: {  	s23 =	sld [smem:$0x7F7]  }
0x64: {  	[sflag:s25] =	ssyncset.done $0x0  }
0x65: {  	s22 =	rddreg [dreg:$0x10];
	[sflag:s25] =	ssyncadd.s32 $0xFFFFF000  }
0x66: {  	[spmem:s23@s30], [sflag:s21] =	dma.strided [hbm:s22@s28], $0x200, s26, $0x8   }
0x67: {  	_ =	swait.ge [sflag:s25], $0x200  }
0x68: {  	[sflag:s25] =	ssyncset.done $0x0  }
0x69: {  	[sflag:s25] =	ssyncadd.s32 $0xFFFFFE00  }
0x6a: {  	[spmem:s8] =	stream.linear.scatter [tilespmem:s24], [sflag:$0x5], $0x1000, $0x38;
	[tilespmem:$0x18800] =	vst v63  }
0x6b: {  	_ =	swait.ge [sflag:s25], $0x1000  }
0x6c: {  	s23 =	sld [smem:$0x7F8]  }
0x6d: {  	[sflag:s25] =	ssyncset.done $0x0  }
0x6e: {  	s22 =	rddreg [dreg:$0x11];
	[sflag:s25] =	ssyncadd.s32 $0xFFFFF000  }
0x6f: {  	[spmem:s23@s30], [sflag:s21] =	dma.strided [hbm:s22@s28], $0x200, s26, $0x8   }
0x70: {  	_ =	swait.ge [sflag:s25], $0x200  }
0x71: {  	[sflag:s25] =	ssyncset.done $0x0  }
0x72: {  	[sflag:s25] =	ssyncadd.s32 $0xFFFFFE00  }
0x73: {  	[spmem:s9] =	stream.linear.scatter [tilespmem:s24], [sflag:$0x5], $0x1000, $0x38;
	[tilespmem:$0x18800] =	vst v63  }
0x74: {  	_ =	swait.ge [sflag:s25], $0x1000  }
0x75: {  	s23 =	sld [smem:$0x7F9]  }
0x76: {  	[sflag:s25] =	ssyncset.done $0x0  }
0x77: {  	s22 =	rddreg [dreg:$0x12];
	[sflag:s25] =	ssyncadd.s32 $0xFFFFF000  }
0x78: {  	[spmem:s23@s30], [sflag:s21] =	dma.strided [hbm:s22@s28], $0x200, s26, $0x8   }
0x79: {  	_ =	swait.ge [sflag:s25], $0x200  }
0x7a: {  	[sflag:s25] =	ssyncset.done $0x0  }
0x7b: {  	[sflag:s25] =	ssyncadd.s32 $0xFFFFFE00  }
0x7c: {  	[spmem:s10] =	stream.linear.scatter [tilespmem:s24], [sflag:$0x5], $0x1000, $0x38;
	[tilespmem:$0x18800] =	vst v63  }
0x7d: {  	_ =	swait.ge [sflag:s25], $0x1000  }
0x7e: {  	s23 =	sld [smem:$0x7FA]  }
0x7f: {  	[sflag:s25] =	ssyncset.done $0x0  }
0x80: {  	s22 =	rddreg [dreg:$0x13];
	[sflag:s25] =	ssyncadd.s32 $0xFFFFF000  }
0x81: {  	[spmem:s23@s30], [sflag:s21] =	dma.strided [hbm:s22@s28], $0x200, s26, $0x8   }
0x82: {  	_ =	swait.ge [sflag:s25], $0x200  }
0x83: {  	[sflag:s25] =	ssyncset.done $0x0  }
0x84: {  	[sflag:s25] =	ssyncadd.s32 $0xFFFFFE00  }
0x85: {  	[spmem:s11] =	stream.linear.scatter [tilespmem:s24], [sflag:$0x5], $0x1000, $0x38;
	[tilespmem:$0x18800] =	vst v63  }
0x86: {  	_ =	swait.ge [sflag:s25], $0x1000  }
0x87: {  	s23 =	sld [smem:$0x7FB]  }
0x88: {  	[sflag:s25] =	ssyncset.done $0x0  }
0x89: {  	s22 =	rddreg [dreg:$0x14];
	[sflag:s25] =	ssyncadd.s32 $0xFFFFF000  }
0x8a: {  	[spmem:s23@s30], [sflag:s21] =	dma.strided [hbm:s22@s28], $0x200, s26, $0x8   }
0x8b: {  	_ =	swait.ge [sflag:s25], $0x200  }
0x8c: {  	[sflag:s25] =	ssyncset.done $0x0  }
0x8d: {  	[sflag:s25] =	ssyncadd.s32 $0xFFFFFE00  }
0x8e: {  	[spmem:s12] =	stream.linear.scatter [tilespmem:s24], [sflag:$0x5], $0x1000, $0x38;
	[tilespmem:$0x18800] =	vst v63  }
0x8f: {  	_ =	swait.ge [sflag:s25], $0x1000  }
0x90: {  	s23 =	sld [smem:$0x7FC]  }
0x91: {  	[sflag:s25] =	ssyncset.done $0x0  }
0x92: {  	s22 =	rddreg [dreg:$0x15];
	[sflag:s25] =	ssyncadd.s32 $0xFFFFF000  }
0x93: {  	[spmem:s23@s30], [sflag:s21] =	dma.strided [hbm:s22@s28], $0x200, s26, $0x8   }
0x94: {  	_ =	swait.ge [sflag:s25], $0x200  }
0x95: {  	[sflag:s25] =	ssyncset.done $0x0  }
0x96: {  	[sflag:s25] =	ssyncadd.s32 $0xFFFFFE00  }
0x97: {  	[spmem:s13] =	stream.linear.scatter [tilespmem:s24], [sflag:$0x5], $0x1000, $0x38;
	[tilespmem:$0x18800] =	vst v63  }
0x98: {  	_ =	swait.ge [sflag:s25], $0x1000  }
0x99: {  	s23 =	sld [smem:$0x7FD]  }
0x9a: {  	[sflag:s25] =	ssyncset.done $0x0  }
0x9b: {  	s22 =	rddreg [dreg:$0x16];
	[sflag:s25] =	ssyncadd.s32 $0xFFFFF000  }
0x9c: {  	[spmem:s23@s30], [sflag:s21] =	dma.strided [hbm:s22@s28], $0x200, s26, $0x8   }
0x9d: {  	_ =	swait.ge [sflag:s25], $0x200  }
0x9e: {  	[sflag:s25] =	ssyncset.done $0x0  }
0x9f: {  	[sflag:s25] =	ssyncadd.s32 $0xFFFFFE00  }
0xa0: {  	[bflag:$0x0] =	sbarrier.arrive $0xFFFF  }
0xa1: {  	s21 =	simm.s32 $0x0;
	s23 =	rddreg [dreg:$0x5]  }
0xa2: {  	[tilespmem:s0], [sflag:$0x5] =	stream.linear.gather [hbm4b:s23+s21], $0x1400, $0x38;
	[tilespmem:$0x18800] =	vst v63  }
0xa3: {  	_ =	swait.ge [sflag:s25], $0x1400  }
0xa4: {  	[sflag:s25] =	ssyncset.done $0x0  }
0xa5: {  	s23 =	rddreg [dreg:$0x6];
	[sflag:s25] =	ssyncadd.s32 $0xFFFFEC00  }
0xa6: {  	[tilespmem:s2], [sflag:$0x5] =	stream.linear.gather [hbm4b:s23+s21], $0x1400, $0x38;
	[tilespmem:$0x18800] =	vst v63  }
0xa7: {  	_ =	swait.ge [sflag:s25], $0x1400  }
0xa8: {  	[sflag:s25] =	ssyncset.done $0x0  }
0xa9: {  	[sflag:s25] =	ssyncadd.s32 $0xFFFFEC00  }
0xaa: {  	[tilespmem:s24], [sflag:$0x1] =	stream.indirect.gather [spmem:s31], $0x40, s0, s3, $0xb8;
	[tilespmem:$0x18800] =	vst v63  }
0xab: {  	_ = 	snop  }
0xac: {  	[tilespmem:s14], [sflag:$0x2] =	stream.indirect.gather [spmem:s31], $0x40, s4, s3, $0xb8;
	[tilespmem:$0x18800] =	vst v63  }
0xad: {  	_ =	swait.ge [sflag:s26], $0x1000  }
0xae: {  	[sflag:s26] =	ssyncset.done $0x0  }
0xaf: {  	s23 =	simm.s32 $0x15400;
	[sflag:s26] =	ssyncadd.s32 $0xFFFFF000  }
0xb0: {  	[spmem:s29] =	stream.indirect.scatter.add.f32 [tilespmem:s24], [sflag:$0x3], $0x40, s23, s3, $0xb8;
	[tilespmem:$0x18800] =	vst v63  }
0xb1: {  	_ =	swait.ge [sflag:s15], $0x1000  }
0xb2: {  	[sflag:s15] =	ssyncset.done $0x0  }
0xb3: {  	s22 =	simm.s32 $0x14080;
	[sflag:s15] =	ssyncadd.s32 $0xFFFFF000  }
0xb4: {  	[tilespmem:s24], [sflag:$0x1] =	stream.indirect.gather [spmem:s31], $0x40, s22, s3, $0xb8;
	[tilespmem:$0x18800] =	vst v63  }
0xb5: {  	_ =	swait.ge [sflag:s16], $0x1000  }
0xb6: {  	[sflag:s16] =	ssyncset.done $0x0  }
0xb7: {  	s23 =	simm.s32 $0x15440;
	[sflag:s16] =	ssyncadd.s32 $0xFFFFF000  }
0xb8: {  	[spmem:s29] =	stream.indirect.scatter.add.f32 [tilespmem:s14], [sflag:$0x4], $0x40, s23, s3, $0xb8;
	[tilespmem:$0x18800] =	vst v63  }
0xb9: {  	_ =	swait.ge [sflag:s17], $0x1000  }
0xba: {  	[sflag:s17] =	ssyncset.done $0x0  }
0xbb: {  	s21 =	simm.s32 $0x200;
	s22 =	simm.s32 $0x140C0;
	[sflag:s17] =	ssyncadd.s32 $0xFFFFF000  }
.LBB2_4:
0xbc: {  	[tilespmem:s14], [sflag:$0x2] =	stream.indirect.gather [spmem:s31], $0x40, s22, s3, $0xb8;
	[tilespmem:$0x18800] =	vst v63  }
0xbd: {  	s22 =	smov.u32 s21  }
0xbe: {  	p0 =	sne.s32 s21, $0x4C00;
	s21 =	sadd.s32 $0x200, s21;
	_ =	swait.ge [sflag:s26], $0x1000  }
0xbf: {  	s22 =	sshra.s32 s22, $0x2;
	[sflag:s26] =	ssyncset.done $0x0  }
0xc0: {  	s23 =	sadd.s32 $0x15400, s22;
	[sflag:s26] =	ssyncadd.s32 $0xFFFFF000  }
0xc1: {  	[spmem:s29] =	stream.indirect.scatter.add.f32 [tilespmem:s24], [sflag:$0x3], $0x40, s23, s3, $0xb8;
	[tilespmem:$0x18800] =	vst v63  }
0xc2: {  	_ =	swait.ge [sflag:s15], $0x1000  }
0xc3: {  	[sflag:s15] =	ssyncset.done $0x0  }
0xc4: {  	s23 =	sadd.s32 $0x14080, s22;
	[sflag:s15] =	ssyncadd.s32 $0xFFFFF000  }
0xc5: {  	[tilespmem:s24], [sflag:$0x1] =	stream.indirect.gather [spmem:s31], $0x40, s23, s3, $0xb8;
	[tilespmem:$0x18800] =	vst v63  }
0xc6: {  	_ =	swait.ge [sflag:s16], $0x1000  }
0xc7: {  	[sflag:s16] =	ssyncset.done $0x0  }
.Ltmp1:
0xc8: {  	s23 =	sadd.s32 $0x15440, s22;
	[sflag:s16] =	ssyncadd.s32 $0xFFFFF000;
	(pc) =	sbr.rel @p0 .LBB2_4-.Ltmp1, $4  }
0xc9: {  	[spmem:s29] =	stream.indirect.scatter.add.f32 [tilespmem:s14], [sflag:$0x4], $0x40, s23, s3, $0xb8;
	[tilespmem:$0x18800] =	vst v63  }
0xca: {  	_ =	swait.ge [sflag:s17], $0x1000  }
0xcb: {  	[sflag:s17] =	ssyncset.done $0x0  }
0xcc: {  	s22 =	sadd.s32 $0x140C0, s22;
	[sflag:s17] =	ssyncadd.s32 $0xFFFFF000  }
0xcd: {  	[tilespmem:s14], [sflag:$0x2] =	stream.indirect.gather [spmem:s31], $0x40, s22, s3, $0xb8;
	[tilespmem:$0x18800] =	vst v63  }
0xce: {  	_ =	swait.ge [sflag:s26], $0x1000  }
0xcf: {  	[sflag:s26] =	ssyncset.done $0x0  }
0xd0: {  	[sflag:s26] =	ssyncadd.s32 $0xFFFFF000  }
0xd1: {  	[spmem:s29] =	stream.indirect.scatter.add.f32 [tilespmem:s24], [sflag:$0x3], $0x40, s18, s3, $0xb8;
	[tilespmem:$0x18800] =	vst v63  }
0xd2: {  	_ =	swait.ge [sflag:s16], $0x1000  }
0xd3: {  	[sflag:s16] =	ssyncset.done $0x0  }
0xd4: {  	[sflag:s16] =	ssyncadd.s32 $0xFFFFF000  }
0xd5: {  	[spmem:s29] =	stream.indirect.scatter.add.f32 [tilespmem:s14], [sflag:$0x4], $0x40, s19, s3, $0xb8;
	[tilespmem:$0x18800] =	vst v63  }
0xd6: {  	_ =	swait.ge [sflag:s15], $0x1000  }
0xd7: {  	[sflag:s15] =	ssyncset.done $0x0  }
0xd8: {  	[sflag:s15] =	ssyncadd.s32 $0xFFFFF000  }
0xd9: {  	_ =	swait.ge [sflag:s17], $0x1000  }
0xda: {  	[sflag:s17] =	ssyncset.done $0x0  }
0xdb: {  	s21 =	simm.s32 $0x0;
	s23 =	rddreg [dreg:$0x7];
	[sflag:s17] =	ssyncadd.s32 $0xFFFFF000  }
0xdc: {  	[tilespmem:s0], [sflag:$0x5] =	stream.linear.gather [hbm4b:s23+s21], $0x1400, $0x38;
	[tilespmem:$0x18800] =	vst v63  }
0xdd: {  	_ =	swait.ge [sflag:s25], $0x1400  }
0xde: {  	[sflag:s25] =	ssyncset.done $0x0  }
0xdf: {  	s23 =	rddreg [dreg:$0x8];
	[sflag:s25] =	ssyncadd.s32 $0xFFFFEC00  }
0xe0: {  	[tilespmem:s2], [sflag:$0x5] =	stream.linear.gather [hbm4b:s23+s21], $0x1400, $0x38;
	[tilespmem:$0x18800] =	vst v63  }
0xe1: {  	_ =	swait.ge [sflag:s25], $0x1400  }
0xe2: {  	[sflag:s25] =	ssyncset.done $0x0  }
0xe3: {  	[sflag:s25] =	ssyncadd.s32 $0xFFFFEC00  }
0xe4: {  	[tilespmem:s24], [sflag:$0x1] =	stream.indirect.gather [spmem:s31], $0x40, s0, s3, $0xb8;
	[tilespmem:$0x18800] =	vst v63  }
0xe5: {  	_ = 	snop  }
0xe6: {  	[tilespmem:s14], [sflag:$0x2] =	stream.indirect.gather [spmem:s31], $0x40, s4, s3, $0xb8;
	[tilespmem:$0x18800] =	vst v63  }
0xe7: {  	_ =	swait.ge [sflag:s26], $0x1000  }
0xe8: {  	[sflag:s26] =	ssyncset.done $0x0  }
0xe9: {  	s23 =	simm.s32 $0x15400;
	[sflag:s26] =	ssyncadd.s32 $0xFFFFF000  }
0xea: {  	[spmem:s29] =	stream.indirect.scatter.add.f32 [tilespmem:s24], [sflag:$0x3], $0x40, s23, s3, $0xb8;
	[tilespmem:$0x18800] =	vst v63  }
0xeb: {  	_ =	swait.ge [sflag:s15], $0x1000  }
0xec: {  	[sflag:s15] =	ssyncset.done $0x0  }
0xed: {  	s22 =	simm.s32 $0x14080;
	[sflag:s15] =	ssyncadd.s32 $0xFFFFF000  }
0xee: {  	[tilespmem:s24], [sflag:$0x1] =	stream.indirect.gather [spmem:s31], $0x40, s22, s3, $0xb8;
	[tilespmem:$0x18800] =	vst v63  }
0xef: {  	_ =	swait.ge [sflag:s16], $0x1000  }
0xf0: {  	[sflag:s16] =	ssyncset.done $0x0  }
0xf1: {  	s23 =	simm.s32 $0x15440;
	[sflag:s16] =	ssyncadd.s32 $0xFFFFF000  }
0xf2: {  	[spmem:s29] =	stream.indirect.scatter.add.f32 [tilespmem:s14], [sflag:$0x4], $0x40, s23, s3, $0xb8;
	[tilespmem:$0x18800] =	vst v63  }
0xf3: {  	_ =	swait.ge [sflag:s17], $0x1000  }
0xf4: {  	[sflag:s17] =	ssyncset.done $0x0  }
0xf5: {  	s21 =	simm.s32 $0x200;
	s22 =	simm.s32 $0x140C0;
	[sflag:s17] =	ssyncadd.s32 $0xFFFFF000  }
.LBB2_6:
0xf6: {  	[tilespmem:s14], [sflag:$0x2] =	stream.indirect.gather [spmem:s31], $0x40, s22, s3, $0xb8;
	[tilespmem:$0x18800] =	vst v63  }
0xf7: {  	s22 =	smov.u32 s21  }
0xf8: {  	p0 =	sne.s32 s21, $0x4C00;
	s21 =	sadd.s32 $0x200, s21;
	_ =	swait.ge [sflag:s26], $0x1000  }
0xf9: {  	s22 =	sshra.s32 s22, $0x2;
	[sflag:s26] =	ssyncset.done $0x0  }
0xfa: {  	s23 =	sadd.s32 $0x15400, s22;
	[sflag:s26] =	ssyncadd.s32 $0xFFFFF000  }
0xfb: {  	[spmem:s29] =	stream.indirect.scatter.add.f32 [tilespmem:s24], [sflag:$0x3], $0x40, s23, s3, $0xb8;
	[tilespmem:$0x18800] =	vst v63  }
0xfc: {  	_ =	swait.ge [sflag:s15], $0x1000  }
0xfd: {  	[sflag:s15] =	ssyncset.done $0x0  }
0xfe: {  	s23 =	sadd.s32 $0x14080, s22;
	[sflag:s15] =	ssyncadd.s32 $0xFFFFF000  }
0xff: {  	[tilespmem:s24], [sflag:$0x1] =	stream.indirect.gather [spmem:s31], $0x40, s23, s3, $0xb8;
	[tilespmem:$0x18800] =	vst v63  }
0x100: {  	_ =	swait.ge [sflag:s16], $0x1000  }
0x101: {  	[sflag:s16] =	ssyncset.done $0x0  }
.Ltmp2:
0x102: {  	s23 =	sadd.s32 $0x15440, s22;
	[sflag:s16] =	ssyncadd.s32 $0xFFFFF000;
	(pc) =	sbr.rel @p0 .LBB2_6-.Ltmp2, $4  }
0x103: {  	[spmem:s29] =	stream.indirect.scatter.add.f32 [tilespmem:s14], [sflag:$0x4], $0x40, s23, s3, $0xb8;
	[tilespmem:$0x18800] =	vst v63  }
0x104: {  	_ =	swait.ge [sflag:s17], $0x1000  }
0x105: {  	[sflag:s17] =	ssyncset.done $0x0  }
0x106: {  	s22 =	sadd.s32 $0x140C0, s22;
	[sflag:s17] =	ssyncadd.s32 $0xFFFFF000  }
0x107: {  	[tilespmem:s14], [sflag:$0x2] =	stream.indirect.gather [spmem:s31], $0x40, s22, s3, $0xb8;
	[tilespmem:$0x18800] =	vst v63  }
0x108: {  	_ =	swait.ge [sflag:s26], $0x1000  }
0x109: {  	[sflag:s26] =	ssyncset.done $0x0  }
0x10a: {  	[sflag:s26] =	ssyncadd.s32 $0xFFFFF000  }
0x10b: {  	[spmem:s29] =	stream.indirect.scatter.add.f32 [tilespmem:s24], [sflag:$0x3], $0x40, s18, s3, $0xb8;
	[tilespmem:$0x18800] =	vst v63  }
0x10c: {  	_ =	swait.ge [sflag:s16], $0x1000  }
0x10d: {  	[sflag:s16] =	ssyncset.done $0x0  }
0x10e: {  	[sflag:s16] =	ssyncadd.s32 $0xFFFFF000  }
0x10f: {  	[spmem:s29] =	stream.indirect.scatter.add.f32 [tilespmem:s14], [sflag:$0x4], $0x40, s19, s3, $0xb8;
	[tilespmem:$0x18800] =	vst v63  }
0x110: {  	_ =	swait.ge [sflag:s15], $0x1000  }
0x111: {  	[sflag:s15] =	ssyncset.done $0x0  }
0x112: {  	[sflag:s15] =	ssyncadd.s32 $0xFFFFF000  }
0x113: {  	_ =	swait.ge [sflag:s17], $0x1000  }
0x114: {  	[sflag:s17] =	ssyncset.done $0x0  }
0x115: {  	s21 =	simm.s32 $0x0;
	s23 =	rddreg [dreg:$0x9];
	[sflag:s17] =	ssyncadd.s32 $0xFFFFF000  }
0x116: {  	[tilespmem:s0], [sflag:$0x5] =	stream.linear.gather [hbm4b:s23+s21], $0x1400, $0x38;
	[tilespmem:$0x18800] =	vst v63  }
0x117: {  	_ =	swait.ge [sflag:s25], $0x1400  }
0x118: {  	[sflag:s25] =	ssyncset.done $0x0  }
0x119: {  	s23 =	rddreg [dreg:$0xa];
	[sflag:s25] =	ssyncadd.s32 $0xFFFFEC00  }
0x11a: {  	[tilespmem:s2], [sflag:$0x5] =	stream.linear.gather [hbm4b:s23+s21], $0x1400, $0x38;
	[tilespmem:$0x18800] =	vst v63  }
0x11b: {  	_ =	swait.ge [sflag:s25], $0x1400  }
0x11c: {  	[sflag:s25] =	ssyncset.done $0x0  }
0x11d: {  	[sflag:s25] =	ssyncadd.s32 $0xFFFFEC00  }
0x11e: {  	[tilespmem:s24], [sflag:$0x1] =	stream.indirect.gather [spmem:s31], $0x40, s0, s3, $0xb8;
	[tilespmem:$0x18800] =	vst v63  }
0x11f: {  	_ = 	snop  }
0x120: {  	[tilespmem:s14], [sflag:$0x2] =	stream.indirect.gather [spmem:s31], $0x40, s4, s3, $0xb8;
	[tilespmem:$0x18800] =	vst v63  }
0x121: {  	_ =	swait.ge [sflag:s26], $0x1000  }
0x122: {  	[sflag:s26] =	ssyncset.done $0x0  }
0x123: {  	s23 =	simm.s32 $0x15400;
	[sflag:s26] =	ssyncadd.s32 $0xFFFFF000  }
0x124: {  	[spmem:s29] =	stream.indirect.scatter.add.f32 [tilespmem:s24], [sflag:$0x3], $0x40, s23, s3, $0xb8;
	[tilespmem:$0x18800] =	vst v63  }
0x125: {  	_ =	swait.ge [sflag:s15], $0x1000  }
0x126: {  	[sflag:s15] =	ssyncset.done $0x0  }
0x127: {  	s22 =	simm.s32 $0x14080;
	[sflag:s15] =	ssyncadd.s32 $0xFFFFF000  }
0x128: {  	[tilespmem:s24], [sflag:$0x1] =	stream.indirect.gather [spmem:s31], $0x40, s22, s3, $0xb8;
	[tilespmem:$0x18800] =	vst v63  }
0x129: {  	_ =	swait.ge [sflag:s16], $0x1000  }
0x12a: {  	[sflag:s16] =	ssyncset.done $0x0  }
0x12b: {  	s23 =	simm.s32 $0x15440;
	[sflag:s16] =	ssyncadd.s32 $0xFFFFF000  }
0x12c: {  	[spmem:s29] =	stream.indirect.scatter.add.f32 [tilespmem:s14], [sflag:$0x4], $0x40, s23, s3, $0xb8;
	[tilespmem:$0x18800] =	vst v63  }
0x12d: {  	_ =	swait.ge [sflag:s17], $0x1000  }
0x12e: {  	[sflag:s17] =	ssyncset.done $0x0  }
0x12f: {  	s21 =	simm.s32 $0x200;
	s22 =	simm.s32 $0x140C0;
	[sflag:s17] =	ssyncadd.s32 $0xFFFFF000  }
.LBB2_8:
0x130: {  	[tilespmem:s14], [sflag:$0x2] =	stream.indirect.gather [spmem:s31], $0x40, s22, s3, $0xb8;
	[tilespmem:$0x18800] =	vst v63  }
0x131: {  	s22 =	smov.u32 s21  }
0x132: {  	p0 =	sne.s32 s21, $0x4C00;
	s21 =	sadd.s32 $0x200, s21;
	_ =	swait.ge [sflag:s26], $0x1000  }
0x133: {  	s22 =	sshra.s32 s22, $0x2;
	[sflag:s26] =	ssyncset.done $0x0  }
0x134: {  	s23 =	sadd.s32 $0x15400, s22;
	[sflag:s26] =	ssyncadd.s32 $0xFFFFF000  }
0x135: {  	[spmem:s29] =	stream.indirect.scatter.add.f32 [tilespmem:s24], [sflag:$0x3], $0x40, s23, s3, $0xb8;
	[tilespmem:$0x18800] =	vst v63  }
0x136: {  	_ =	swait.ge [sflag:s15], $0x1000  }
0x137: {  	[sflag:s15] =	ssyncset.done $0x0  }
0x138: {  	s23 =	sadd.s32 $0x14080, s22;
	[sflag:s15] =	ssyncadd.s32 $0xFFFFF000  }
0x139: {  	[tilespmem:s24], [sflag:$0x1] =	stream.indirect.gather [spmem:s31], $0x40, s23, s3, $0xb8;
	[tilespmem:$0x18800] =	vst v63  }
0x13a: {  	_ =	swait.ge [sflag:s16], $0x1000  }
0x13b: {  	[sflag:s16] =	ssyncset.done $0x0  }
.Ltmp3:
0x13c: {  	s23 =	sadd.s32 $0x15440, s22;
	[sflag:s16] =	ssyncadd.s32 $0xFFFFF000;
	(pc) =	sbr.rel @p0 .LBB2_8-.Ltmp3, $4  }
0x13d: {  	[spmem:s29] =	stream.indirect.scatter.add.f32 [tilespmem:s14], [sflag:$0x4], $0x40, s23, s3, $0xb8;
	[tilespmem:$0x18800] =	vst v63  }
0x13e: {  	_ =	swait.ge [sflag:s17], $0x1000  }
0x13f: {  	[sflag:s17] =	ssyncset.done $0x0  }
0x140: {  	s22 =	sadd.s32 $0x140C0, s22;
	[sflag:s17] =	ssyncadd.s32 $0xFFFFF000  }
0x141: {  	[tilespmem:s14], [sflag:$0x2] =	stream.indirect.gather [spmem:s31], $0x40, s22, s3, $0xb8;
	[tilespmem:$0x18800] =	vst v63  }
0x142: {  	_ =	swait.ge [sflag:s26], $0x1000  }
0x143: {  	[sflag:s26] =	ssyncset.done $0x0  }
0x144: {  	[sflag:s26] =	ssyncadd.s32 $0xFFFFF000  }
0x145: {  	[spmem:s29] =	stream.indirect.scatter.add.f32 [tilespmem:s24], [sflag:$0x3], $0x40, s18, s3, $0xb8;
	[tilespmem:$0x18800] =	vst v63  }
0x146: {  	_ =	swait.ge [sflag:s16], $0x1000  }
0x147: {  	[sflag:s16] =	ssyncset.done $0x0  }
0x148: {  	[sflag:s16] =	ssyncadd.s32 $0xFFFFF000  }
0x149: {  	[spmem:s29] =	stream.indirect.scatter.add.f32 [tilespmem:s14], [sflag:$0x4], $0x40, s19, s3, $0xb8;
	[tilespmem:$0x18800] =	vst v63  }
0x14a: {  	_ =	swait.ge [sflag:s15], $0x1000  }
0x14b: {  	[sflag:s15] =	ssyncset.done $0x0  }
0x14c: {  	[sflag:s15] =	ssyncadd.s32 $0xFFFFF000  }
0x14d: {  	_ =	swait.ge [sflag:s17], $0x1000  }
0x14e: {  	[sflag:s17] =	ssyncset.done $0x0  }
0x14f: {  	s21 =	simm.s32 $0x0;
	s23 =	rddreg [dreg:$0xb];
	[sflag:s17] =	ssyncadd.s32 $0xFFFFF000  }
0x150: {  	[tilespmem:s0], [sflag:$0x5] =	stream.linear.gather [hbm4b:s23+s21], $0x1400, $0x38;
	[tilespmem:$0x18800] =	vst v63  }
0x151: {  	_ =	swait.ge [sflag:s25], $0x1400  }
0x152: {  	[sflag:s25] =	ssyncset.done $0x0  }
0x153: {  	s23 =	rddreg [dreg:$0xc];
	[sflag:s25] =	ssyncadd.s32 $0xFFFFEC00  }
0x154: {  	[tilespmem:s2], [sflag:$0x5] =	stream.linear.gather [hbm4b:s23+s21], $0x1400, $0x38;
	[tilespmem:$0x18800] =	vst v63  }
0x155: {  	_ =	swait.ge [sflag:s25], $0x1400  }
0x156: {  	[sflag:s25] =	ssyncset.done $0x0  }
0x157: {  	[sflag:s25] =	ssyncadd.s32 $0xFFFFEC00  }
0x158: {  	[tilespmem:s24], [sflag:$0x1] =	stream.indirect.gather [spmem:s31], $0x40, s0, s3, $0xb8;
	[tilespmem:$0x18800] =	vst v63  }
0x159: {  	_ = 	snop  }
0x15a: {  	[tilespmem:s14], [sflag:$0x2] =	stream.indirect.gather [spmem:s31], $0x40, s4, s3, $0xb8;
	[tilespmem:$0x18800] =	vst v63  }
0x15b: {  	_ =	swait.ge [sflag:s26], $0x1000  }
0x15c: {  	[sflag:s26] =	ssyncset.done $0x0  }
0x15d: {  	s23 =	simm.s32 $0x15400;
	[sflag:s26] =	ssyncadd.s32 $0xFFFFF000  }
0x15e: {  	[spmem:s29] =	stream.indirect.scatter.add.f32 [tilespmem:s24], [sflag:$0x3], $0x40, s23, s3, $0xb8;
	[tilespmem:$0x18800] =	vst v63  }
0x15f: {  	_ =	swait.ge [sflag:s15], $0x1000  }
0x160: {  	[sflag:s15] =	ssyncset.done $0x0  }
0x161: {  	s22 =	simm.s32 $0x14080;
	[sflag:s15] =	ssyncadd.s32 $0xFFFFF000  }
0x162: {  	[tilespmem:s24], [sflag:$0x1] =	stream.indirect.gather [spmem:s31], $0x40, s22, s3, $0xb8;
	[tilespmem:$0x18800] =	vst v63  }
0x163: {  	_ =	swait.ge [sflag:s16], $0x1000  }
0x164: {  	[sflag:s16] =	ssyncset.done $0x0  }
0x165: {  	s23 =	simm.s32 $0x15440;
	[sflag:s16] =	ssyncadd.s32 $0xFFFFF000  }
0x166: {  	[spmem:s29] =	stream.indirect.scatter.add.f32 [tilespmem:s14], [sflag:$0x4], $0x40, s23, s3, $0xb8;
	[tilespmem:$0x18800] =	vst v63  }
0x167: {  	_ =	swait.ge [sflag:s17], $0x1000  }
0x168: {  	[sflag:s17] =	ssyncset.done $0x0  }
0x169: {  	s21 =	simm.s32 $0x200;
	s22 =	simm.s32 $0x140C0;
	[sflag:s17] =	ssyncadd.s32 $0xFFFFF000  }
.LBB2_10:
0x16a: {  	[tilespmem:s14], [sflag:$0x2] =	stream.indirect.gather [spmem:s31], $0x40, s22, s3, $0xb8;
	[tilespmem:$0x18800] =	vst v63  }
0x16b: {  	s22 =	smov.u32 s21  }
0x16c: {  	p0 =	sne.s32 s21, $0x4C00;
	s21 =	sadd.s32 $0x200, s21;
	_ =	swait.ge [sflag:s26], $0x1000  }
0x16d: {  	s22 =	sshra.s32 s22, $0x2;
	[sflag:s26] =	ssyncset.done $0x0  }
0x16e: {  	s23 =	sadd.s32 $0x15400, s22;
	[sflag:s26] =	ssyncadd.s32 $0xFFFFF000  }
0x16f: {  	[spmem:s29] =	stream.indirect.scatter.add.f32 [tilespmem:s24], [sflag:$0x3], $0x40, s23, s3, $0xb8;
	[tilespmem:$0x18800] =	vst v63  }
0x170: {  	_ =	swait.ge [sflag:s15], $0x1000  }
0x171: {  	[sflag:s15] =	ssyncset.done $0x0  }
0x172: {  	s23 =	sadd.s32 $0x14080, s22;
	[sflag:s15] =	ssyncadd.s32 $0xFFFFF000  }
0x173: {  	[tilespmem:s24], [sflag:$0x1] =	stream.indirect.gather [spmem:s31], $0x40, s23, s3, $0xb8;
	[tilespmem:$0x18800] =	vst v63  }
0x174: {  	_ =	swait.ge [sflag:s16], $0x1000  }
0x175: {  	[sflag:s16] =	ssyncset.done $0x0  }
.Ltmp4:
0x176: {  	s23 =	sadd.s32 $0x15440, s22;
	[sflag:s16] =	ssyncadd.s32 $0xFFFFF000;
	(pc) =	sbr.rel @p0 .LBB2_10-.Ltmp4, $4  }
0x177: {  	[spmem:s29] =	stream.indirect.scatter.add.f32 [tilespmem:s14], [sflag:$0x4], $0x40, s23, s3, $0xb8;
	[tilespmem:$0x18800] =	vst v63  }
0x178: {  	_ =	swait.ge [sflag:s17], $0x1000  }
0x179: {  	[sflag:s17] =	ssyncset.done $0x0  }
0x17a: {  	s22 =	sadd.s32 $0x140C0, s22;
	[sflag:s17] =	ssyncadd.s32 $0xFFFFF000  }
0x17b: {  	[tilespmem:s14], [sflag:$0x2] =	stream.indirect.gather [spmem:s31], $0x40, s22, s3, $0xb8;
	[tilespmem:$0x18800] =	vst v63  }
0x17c: {  	_ =	swait.ge [sflag:s26], $0x1000  }
0x17d: {  	[sflag:s26] =	ssyncset.done $0x0  }
0x17e: {  	[sflag:s26] =	ssyncadd.s32 $0xFFFFF000  }
0x17f: {  	[spmem:s29] =	stream.indirect.scatter.add.f32 [tilespmem:s24], [sflag:$0x3], $0x40, s18, s3, $0xb8;
	[tilespmem:$0x18800] =	vst v63  }
0x180: {  	_ =	swait.ge [sflag:s16], $0x1000  }
0x181: {  	[sflag:s16] =	ssyncset.done $0x0  }
0x182: {  	[sflag:s16] =	ssyncadd.s32 $0xFFFFF000  }
0x183: {  	[spmem:s29] =	stream.indirect.scatter.add.f32 [tilespmem:s14], [sflag:$0x4], $0x40, s19, s3, $0xb8;
	[tilespmem:$0x18800] =	vst v63  }
0x184: {  	_ =	swait.ge [sflag:s15], $0x1000  }
0x185: {  	[sflag:s15] =	ssyncset.done $0x0  }
0x186: {  	[sflag:s15] =	ssyncadd.s32 $0xFFFFF000  }
0x187: {  	_ =	swait.ge [sflag:s17], $0x1000  }
0x188: {  	[sflag:s17] =	ssyncset.done $0x0  }
0x189: {  	[sflag:s17] =	ssyncadd.s32 $0xFFFFF000  }
0x18a: {  	[bflag:$0x0] =	sbarrier.arrive $0xFFFF  }
0x18b: {  	s21 =	sld [smem:$0x7F1];
	_ =	sdelay $0x2  }
0x18c: {  	[tilespmem:s24], [sflag:$0x5] =	stream.linear.gather [spmem:s21], $0x1000, $0x38;
	[tilespmem:$0x18800] =	vst v63  }
0x18d: {  	_ =	swait.ge [sflag:s25], $0x1000  }
0x18e: {  	[sflag:s25] =	ssyncset.done $0x0  }
0x18f: {  	s23 =	rddreg [dreg:$0x17];
	[sflag:s25] =	ssyncadd.s32 $0xFFFFF000  }
0x190: {  	[hbm4b:s23+s3] =	stream.strided.scatter [tilespmem:s24], [sflag:$0x5], $0x1000, s20, s3, $0x38;
	[tilespmem:$0x18800] =	vst v63  }
0x191: {  	_ =	swait.ge [sflag:s25], $0x1000  }
0x192: {  	[sflag:s25] =	ssyncset.done $0x0  }
0x193: {  	[sflag:s25] =	ssyncadd.s32 $0xFFFFF000  }
0x194: {  	[tilespmem:s24], [sflag:$0x5] =	stream.linear.gather [spmem:s5], $0x1000, $0x38;
	[tilespmem:$0x18800] =	vst v63  }
0x195: {  	_ =	swait.ge [sflag:s25], $0x1000  }
0x196: {  	[sflag:s25] =	ssyncset.done $0x0  }
0x197: {  	s22 =	rddreg [dreg:$0x18];
	[sflag:s25] =	ssyncadd.s32 $0xFFFFF000  }
0x198: {  	[hbm4b:s22+s3] =	stream.strided.scatter [tilespmem:s24], [sflag:$0x5], $0x1000, s20, s3, $0x38;
	[tilespmem:$0x18800] =	vst v63  }
0x199: {  	_ =	swait.ge [sflag:s25], $0x1000  }
0x19a: {  	[sflag:s25] =	ssyncset.done $0x0  }
0x19b: {  	[sflag:s25] =	ssyncadd.s32 $0xFFFFF000  }
0x19c: {  	[tilespmem:s24], [sflag:$0x5] =	stream.linear.gather [spmem:s6], $0x1000, $0x38;
	[tilespmem:$0x18800] =	vst v63  }
0x19d: {  	_ =	swait.ge [sflag:s25], $0x1000  }
0x19e: {  	[sflag:s25] =	ssyncset.done $0x0  }
0x19f: {  	s23 =	rddreg [dreg:$0x19];
	[sflag:s25] =	ssyncadd.s32 $0xFFFFF000  }
0x1a0: {  	[hbm4b:s23+s3] =	stream.strided.scatter [tilespmem:s24], [sflag:$0x5], $0x1000, s20, s3, $0x38;
	[tilespmem:$0x18800] =	vst v63  }
0x1a1: {  	_ =	swait.ge [sflag:s25], $0x1000  }
0x1a2: {  	[sflag:s25] =	ssyncset.done $0x0  }
0x1a3: {  	[sflag:s25] =	ssyncadd.s32 $0xFFFFF000  }
0x1a4: {  	[tilespmem:s24], [sflag:$0x5] =	stream.linear.gather [spmem:s7], $0x1000, $0x38;
	[tilespmem:$0x18800] =	vst v63  }
0x1a5: {  	_ =	swait.ge [sflag:s25], $0x1000  }
0x1a6: {  	[sflag:s25] =	ssyncset.done $0x0  }
0x1a7: {  	s22 =	rddreg [dreg:$0x1a];
	[sflag:s25] =	ssyncadd.s32 $0xFFFFF000  }
0x1a8: {  	[hbm4b:s22+s3] =	stream.strided.scatter [tilespmem:s24], [sflag:$0x5], $0x1000, s20, s3, $0x38;
	[tilespmem:$0x18800] =	vst v63  }
0x1a9: {  	_ =	swait.ge [sflag:s25], $0x1000  }
0x1aa: {  	[sflag:s25] =	ssyncset.done $0x0  }
0x1ab: {  	[sflag:s25] =	ssyncadd.s32 $0xFFFFF000  }
0x1ac: {  	[tilespmem:s24], [sflag:$0x5] =	stream.linear.gather [spmem:s8], $0x1000, $0x38;
	[tilespmem:$0x18800] =	vst v63  }
0x1ad: {  	_ =	swait.ge [sflag:s25], $0x1000  }
0x1ae: {  	[sflag:s25] =	ssyncset.done $0x0  }
0x1af: {  	s23 =	rddreg [dreg:$0x1b];
	[sflag:s25] =	ssyncadd.s32 $0xFFFFF000  }
0x1b0: {  	[hbm4b:s23+s3] =	stream.strided.scatter [tilespmem:s24], [sflag:$0x5], $0x1000, s20, s3, $0x38;
	[tilespmem:$0x18800] =	vst v63  }
0x1b1: {  	_ =	swait.ge [sflag:s25], $0x1000  }
0x1b2: {  	[sflag:s25] =	ssyncset.done $0x0  }
0x1b3: {  	[sflag:s25] =	ssyncadd.s32 $0xFFFFF000  }
0x1b4: {  	[tilespmem:s24], [sflag:$0x5] =	stream.linear.gather [spmem:s9], $0x1000, $0x38;
	[tilespmem:$0x18800] =	vst v63  }
0x1b5: {  	_ =	swait.ge [sflag:s25], $0x1000  }
0x1b6: {  	[sflag:s25] =	ssyncset.done $0x0  }
0x1b7: {  	s22 =	rddreg [dreg:$0x1c];
	[sflag:s25] =	ssyncadd.s32 $0xFFFFF000  }
0x1b8: {  	[hbm4b:s22+s3] =	stream.strided.scatter [tilespmem:s24], [sflag:$0x5], $0x1000, s20, s3, $0x38;
	[tilespmem:$0x18800] =	vst v63  }
0x1b9: {  	_ =	swait.ge [sflag:s25], $0x1000  }
0x1ba: {  	[sflag:s25] =	ssyncset.done $0x0  }
0x1bb: {  	[sflag:s25] =	ssyncadd.s32 $0xFFFFF000  }
0x1bc: {  	[tilespmem:s24], [sflag:$0x5] =	stream.linear.gather [spmem:s10], $0x1000, $0x38;
	[tilespmem:$0x18800] =	vst v63  }
0x1bd: {  	_ =	swait.ge [sflag:s25], $0x1000  }
0x1be: {  	[sflag:s25] =	ssyncset.done $0x0  }
0x1bf: {  	s23 =	rddreg [dreg:$0x1d];
	[sflag:s25] =	ssyncadd.s32 $0xFFFFF000  }
0x1c0: {  	[hbm4b:s23+s3] =	stream.strided.scatter [tilespmem:s24], [sflag:$0x5], $0x1000, s20, s3, $0x38;
	[tilespmem:$0x18800] =	vst v63  }
0x1c1: {  	_ =	swait.ge [sflag:s25], $0x1000  }
0x1c2: {  	[sflag:s25] =	ssyncset.done $0x0  }
0x1c3: {  	[sflag:s25] =	ssyncadd.s32 $0xFFFFF000  }
0x1c4: {  	[tilespmem:s24], [sflag:$0x5] =	stream.linear.gather [spmem:s11], $0x1000, $0x38;
	[tilespmem:$0x18800] =	vst v63  }
0x1c5: {  	_ =	swait.ge [sflag:s25], $0x1000  }
0x1c6: {  	[sflag:s25] =	ssyncset.done $0x0  }
0x1c7: {  	s22 =	rddreg [dreg:$0x1e];
	[sflag:s25] =	ssyncadd.s32 $0xFFFFF000  }
0x1c8: {  	[hbm4b:s22+s3] =	stream.strided.scatter [tilespmem:s24], [sflag:$0x5], $0x1000, s20, s3, $0x38;
	[tilespmem:$0x18800] =	vst v63  }
0x1c9: {  	_ =	swait.ge [sflag:s25], $0x1000  }
0x1ca: {  	[sflag:s25] =	ssyncset.done $0x0  }
0x1cb: {  	[sflag:s25] =	ssyncadd.s32 $0xFFFFF000  }
0x1cc: {  	[tilespmem:s24], [sflag:$0x5] =	stream.linear.gather [spmem:s12], $0x1000, $0x38;
	[tilespmem:$0x18800] =	vst v63  }
0x1cd: {  	_ =	swait.ge [sflag:s25], $0x1000  }
0x1ce: {  	[sflag:s25] =	ssyncset.done $0x0  }
0x1cf: {  	s23 =	rddreg [dreg:$0x1f];
	[sflag:s25] =	ssyncadd.s32 $0xFFFFF000  }
0x1d0: {  	[hbm4b:s23+s3] =	stream.strided.scatter [tilespmem:s24], [sflag:$0x5], $0x1000, s20, s3, $0x38;
	[tilespmem:$0x18800] =	vst v63  }
0x1d1: {  	_ =	swait.ge [sflag:s25], $0x1000  }
0x1d2: {  	[sflag:s25] =	ssyncset.done $0x0  }
0x1d3: {  	[sflag:s25] =	ssyncadd.s32 $0xFFFFF000  }
0x1d4: {  	[tilespmem:s24], [sflag:$0x5] =	stream.linear.gather [spmem:s13], $0x1000, $0x38;
	[tilespmem:$0x18800] =	vst v63  }
0x1d5: {  	_ =	swait.ge [sflag:s25], $0x1000  }
0x1d6: {  	s22 =	sld [smem:$0x7F0]  }
0x1d7: {  	[sflag:s25] =	ssyncset.done $0x0  }
0x1d8: {  	[sflag:s25] =	ssyncadd.s32 $0xFFFFF000  }
0x1d9: {  	[hbm4b:s22+s3] =	stream.strided.scatter [tilespmem:s24], [sflag:$0x5], $0x1000, s20, s3, $0x38;
	[tilespmem:$0x18800] =	vst v63  }
0x1da: {  	_ =	swait.ge [sflag:s25], $0x1000  }
0x1db: {  	s23 =	sld [smem:$0x7F2];
	_ =	sdelay $0x1  }
0x1dc: {  	s1 =	sadd.s32 $0x1, s1  }
0x1dd: {  	p0 =	sne.s32 s1, s23  }
.Ltmp5:
0x1de: {  	_ = 	snop;
	(pc) =	sbr.rel @p0 .LBB2_1-.Ltmp5, $3  }
0x1df: {  	_ =	sdelay $0x1  }
0x1e0: {  	[sflag:s25] =	ssyncset.done $0x0  }
0x1e1: {  	[sflag:s25] =	ssyncadd.s32 $0xFFFFF000  }
0x1e2: {  	_ =	sfence.sel $0x180000  }
0x1e3: {  	[bflag:$0x0] =	sbarrier.arrive $0xFFFF  }
0x1e4: {  	_ =	strace $0x9000004D  }
0x1e5: {  	s0 =	stileid.u32;
	[bflag:$0x2] =	sbarrier.arrive $0xFFFF  }
0x1e6: {  	p0 =	sne.s32 s0, $0x0;
	s0 =	rddreg [dreg:$0x4]  }
0x1e7: {  	s0 =	sadd.s32 @!p0 $0x100000, s0  }
0x1e8: {  	[sflag:s0] =	ssyncadd.tile.s32 @!p0 $0x1;
	_ =	shalt  }
.Lfunc_end2:
_tile_overlayer_lowered:
.L_overlay_start_2:
0x1e9: {  	(tag) =	ssettag $0x2  }
0x1ea: {  	s0 =	rddreg [dreg:$0x0];
	s2 =	stileid.u32  }
0x1eb: {  	s1 =	rddreg [dreg:$0x1];
	p0 =	sne.s32 s2, $0x0  }
0x1ec: {  	s3 =	rddreg [dreg:$0x2];
	[bflag:$0x3] =	sbarrier.arrive $0xFFFF;
	s2 =	simm.s32 @!p0 $0x1C05  }
0x1ed: {  	[timem:s3], [sflag:s2] =	dma.local @!p0 [hbm:s0], s1  }
0x1ee: {  	s0 =	simm.s32 @!p0 $0x5  }
0x1ef: {  	_ =	swait.ge @!p0 [sflag:s0], s1  }
0x1f0: {  	s1 =	ssub.s32 @!p0 $0x0, s1;
	[sflag:s0] =	ssyncset.done @!p0 $0x0  }
0x1f1: {  	[sflag:s0] =	ssyncadd.s32 @!p0 s1  }
0x1f2: {  	[bflag:$0x3] =	sbarrier.arrive $0xFFFF  }
0x1f3: {  	_ =	shalt  }

// kernel: kernel.19.cloned.1.call-start
scs
__scs_entry_jumppad:
0x0: {  	(pc) =	sbr.rel $0x88, $3  }
0x1: {  	(tag) =	ssettag $0x0;
	lr =	simm.s32 $0x1  }
0x2: {  	[smem:$0x3F99] =	sst lr;
	_ =	strace $0xD0000000  }
0x3: {  	_ = 	snop  }
0x4: {  	_ = 	snop  }
0x5: {  	_ = 	snop  }
0x6: {  	_ = 	snop  }
0x7: {  	_ = 	snop  }
__scs_overlays_trampoline_lowered:
0x8: {  	[smem:$0x3FA8] =	sst s0  }
0x9: {  	[smem:$0x3FA9] =	sst s1  }
0xa: {  	[smem:$0x3FAA] =	sst s2  }
0xb: {  	[smem:$0x3FAB] =	sst s3  }
0xc: {  	[smem:$0x3FAC] =	sst s4  }
0xd: {  	[smem:$0x3FAD] =	sst s5  }
0xe: {  	[smem:$0x3FAE] =	sst s6  }
0xf: {  	[smem:$0x3FAF] =	sst s7  }
0x10: {  	[smem:$0x3FB0] =	sst s8  }
0x11: {  	[smem:$0x3FB1] =	sst s9;
	s0 =	simm.s32 @!p0 $0x0  }
0x12: {  	s1 =	sld [smem:$0x3F97];
	s0 =	simm.s32 @p0 $0x1  }
0x13: {  	[smem:$0x3FB2] =	sst s0;
	s0 =	simm.s32 @!p1 $0x0  }
0x14: {  	s2 =	sld [smem:$0x3F96];
	s0 =	simm.s32 @p1 $0x1  }
0x15: {  	[smem:$0x3FB3] =	sst s0;
	s0 =	simm.s32 @!p2 $0x0  }
0x16: {  	s3 =	sld [smem:$0x3FDB];
	s0 =	simm.s32 @p2 $0x1  }
0x17: {  	s4 =	simm.s32 $0x1BF5;
	[smem:$0x3FB5] =	sst s0  }
0x18: {  	s0 =	sld [smem:$0x3F98];
	_ =	swait.ge [sflag:s4], $0x0  }
0x19: {  	s7 =	sld [smem:$0x3F99]  }
0x1a: {  	s8 =	sadd.s32 $0xFFFFE003, lr  }
0x1b: {  	s9 =	sadd.s32 $0xFFFFFEF7, lr;
	s5 =	simm.s32 $0xFFFFFFFF;
	p2 =	slt.u32 s8, $0xFFFFF086  }
0x1c: {  	p1 =	slt.u32 s9, $0xF7A;
	s5 =	simm.s32 @!p2 $0x0  }
0x1d: {  	s5 =	simm.s32 @p1 $0x1;
	p0 =	seq.s32 s7, s2  }
0x1e: {  	s7 =	smul.u32 @!p0 $0xF7A, s2;
	p2 =	seq.s32 @!p0 s5, $0x0  }
0x1f: {  	s9 =	smul.u32 $0xF7A, s1;
	s8 =	simm.s32 @!p0 $0x1BF5;
	p2 =	por !p2, p0  }
0x20: {  	[sflag:s8] =	ssyncset.s32 @!p0 $0xFFFFF086;
	s6 =	sadd.s32 @!p0 s3, s7;
	s7 =	simm.s32 @!p0 $0x108  }
0x21: {  	s3 =	sadd.s32 s3, s9;
	s6 =	sadd.s32 @!p0 $0x88, s6;
	s7 =	simm.s32 @p2 $0x1082  }
0x22: {  	[simem:s7], [sflag:s8] =	dma.local @!p0 [hbm:s6], $0xF7A  }
0x23: {  	s9 =	sor.u32 $0xD0000000, s2;
	s6 =	simm.s32 $0x108;
	_ =	swait.ge @!p0 [sflag:s8], $0x0  }
0x24: {  	s3 =	sadd.s32 $0x88, s3;
	s6 =	simm.s32 @!p1 $0x1082;
	[sflag:s4] =	ssyncset.s32 $0xFFFFF086  }
0x25: {  	[simem:s6], [sflag:s4] =	dma.local [hbm:s3], $0xF7A  }
0x26: {  	[smem:$0x3F99] =	sst s1;
	(tag) =	ssettag s2;
	_ =	strace s9  }
0x27: {  	s1 =	sld [smem:$0x3FA9]  }
0x28: {  	s2 =	sld [smem:$0x3FAA]  }
0x29: {  	s4 =	sld [smem:$0x3FAC]  }
0x2a: {  	p0 =	seq.s32 s5, $0x0;
	s5 =	sld [smem:$0x3FAD]  }
0x2b: {  	s6 =	sld [smem:$0x3FAE]  }
0x2c: {  	s7 =	sld [smem:$0x3FAF]  }
0x2d: {  	s3 =	simm.s32 $0x108;
	s8 =	sld [smem:$0x3FB0]  }
0x2e: {  	s3 =	simm.s32 @!p0 $0x1082;
	s9 =	sld [smem:$0x3FB1]  }
0x2f: {  	lr =	sadd.s32 s0, s3;
	s0 =	sld [smem:$0x3FA8]  }
0x30: {  	s3 =	sld [smem:$0x3FAB]  }
0x31: {  	[smem:$0x3FB4] =	sst s10  }
0x32: {  	s10 =	sld [smem:$0x3FB2];
	_ =	sdelay $0x3  }
0x33: {  	p0 =	seq.s32 s10, $0x1;
	s10 =	sld [smem:$0x3FB4];
	_ =	sdelay $0x3  }
0x34: {  	[smem:$0x3FB4] =	sst s10  }
0x35: {  	s10 =	sld [smem:$0x3FB3];
	_ =	sdelay $0x3  }
0x36: {  	p1 =	seq.s32 s10, $0x1;
	s10 =	sld [smem:$0x3FB4];
	_ =	sdelay $0x3  }
0x37: {  	[smem:$0x3FB4] =	sst s10  }
0x38: {  	s10 =	sld [smem:$0x3FB5]  }
0x39: {  	_ = 	snop;
	(pc) =	sbr.ind lr, $3  }
0x3a: {  	_ = 	snop  }
0x3b: {  	_ = 	snop  }
0x3c: {  	p2 =	seq.s32 s10, $0x1;
	s10 =	sld [smem:$0x3FB4]  }
0x3d: {  	_ =	shalt  }
0x3e: {  	_ =	shalt  }
0x3f: {  	_ =	shalt  }
0x40: {  	_ =	shalt  }
0x41: {  	_ =	shalt  }
0x42: {  	_ =	shalt  }
0x43: {  	_ =	shalt  }
0x44: {  	_ =	shalt  }
0x45: {  	_ =	shalt  }
0x46: {  	_ =	shalt  }
0x47: {  	_ =	shalt  }
0x48: {  	_ =	shalt  }
0x49: {  	_ =	shalt  }
0x4a: {  	_ =	shalt  }
0x4b: {  	_ =	shalt  }
0x4c: {  	_ =	shalt  }
0x4d: {  	_ =	shalt  }
0x4e: {  	_ =	shalt  }
0x4f: {  	_ =	shalt  }
0x50: {  	_ =	shalt  }
0x51: {  	_ =	shalt  }
0x52: {  	_ =	shalt  }
0x53: {  	_ =	shalt  }
0x54: {  	_ =	shalt  }
0x55: {  	_ =	shalt  }
0x56: {  	_ =	shalt  }
0x57: {  	_ =	shalt  }
0x58: {  	_ =	shalt  }
0x59: {  	_ =	shalt  }
0x5a: {  	_ =	shalt  }
0x5b: {  	_ =	shalt  }
0x5c: {  	_ =	shalt  }
0x5d: {  	_ =	shalt  }
0x5e: {  	_ =	shalt  }
0x5f: {  	_ =	shalt  }
0x60: {  	_ =	shalt  }
0x61: {  	_ =	shalt  }
0x62: {  	_ =	shalt  }
0x63: {  	_ =	shalt  }
0x64: {  	_ =	shalt  }
0x65: {  	_ =	shalt  }
0x66: {  	_ =	shalt  }
0x67: {  	_ =	shalt  }
0x68: {  	_ =	shalt  }
0x69: {  	_ =	shalt  }
0x6a: {  	_ =	shalt  }
0x6b: {  	_ =	shalt  }
0x6c: {  	_ =	shalt  }
0x6d: {  	_ =	shalt  }
0x6e: {  	_ =	shalt  }
0x6f: {  	_ =	shalt  }
0x70: {  	_ =	shalt  }
0x71: {  	_ =	shalt  }
0x72: {  	_ =	shalt  }
0x73: {  	_ =	shalt  }
0x74: {  	_ =	shalt  }
0x75: {  	_ =	shalt  }
0x76: {  	_ =	shalt  }
0x77: {  	_ =	shalt  }
0x78: {  	_ =	shalt  }
0x79: {  	_ =	shalt  }
0x7a: {  	_ =	shalt  }
0x7b: {  	_ =	shalt  }
0x7c: {  	_ =	shalt  }
0x7d: {  	_ =	shalt  }
0x7e: {  	_ =	shalt  }
0x7f: {  	_ =	shalt  }
0x80: {  	_ =	shalt  }
0x81: {  	_ =	shalt  }
0x82: {  	_ =	shalt  }
0x83: {  	_ =	shalt  }
0x84: {  	_ =	shalt  }
0x85: {  	_ =	shalt  }
0x86: {  	_ =	shalt  }
0x87: {  	_ =	shalt  }
.Lfunc_end0:
.L_simem_size_0:
called_computation.3_lowered:
.L_overlay_start_0:
0x88: {  	s2 =	sld [smem:$0x3FD9]  }
0x89: {  	s3 =	sld [smem:$0x3FFE];
	_ =	sdelay $0x1  }
0x8a: {  	s1 =	srdreg.scid  }
0x8b: {  	s0 =	sand.u32 $0x1, s1  }
0x8c: {  	s17 =	sshll.u32 s0, $0xA;
	s2 =	sadd.s32 s3, s2  }
0x8d: {  	s2 =	sadd.s32 s2, s17  }
0x8e: {  	[smem:$0x3FC0] =	sst s2  }
0x8f: {  	_ = 	snop  }
0x90: {  	s2 =	sld [smem:$0x3FD0];
	(tm) =	ssettm $0x1  }
0x91: {  	s18 =	sld [smem:$0x3FFB];
	_ =	sdelay $0x3  }
0x92: {  	_ =	strace s18  }
0x93: {  	s3 =	sld [smem:$0x3FFC];
	_ =	sdelay $0x3  }
0x94: {  	_ =	strace s3  }
0x95: {  	s3 =	sld [smem:$0x3FFD];
	_ =	sdelay $0x3  }
0x96: {  	_ =	strace s3  }
0x97: {  	_ =	strace $0x8FFFFFFF  }
0x98: {  	s19 =	sld [smem:$0x3FDB];
	_ =	sdelay $0x1  }
0x99: {  	s4 =	simm.s32 $_scs_section_size  }
0x9a: {  	s5 =	simm.s32 $_size__tile_overlayer_lowered;
	s6 =	simm.s32 $_tile_overlayer_lowered  }
0x9b: {  	s22 =	simm.s32 $0x1BFF;
	s21 =	sshll.u32 s6, $0x1;
	s3 =	sadd.s32 s4, s19  }
0x9c: {  	s7 =	simm.s32 $0x0;
	s20 =	sshll.u32 s5, $0x1;
	s5 =	sadd.s32 s21, s3  }
0x9d: {  	[timem:s7], [sflag:s22] =	dma.local [hbm:s5], s20  }
0x9e: {  	_ =	swait.ge [sflag:s22], s20  }
0x9f: {  	s4 =	ssub.s32 $0x0, s20;
	[sflag:s22] =	ssyncset.done $0x0  }
0xa0: {  	[sflag:s22] =	ssyncadd.s32 s4;
	_ =	sdelay $0x1  }
0xa1: {  	s23 =	simm.s32 $0x1B8B  }
0xa2: {  	_ =	swait.ge [sflag:s23], $0x1  }
0xa3: {  	[sflag:s23] =	ssyncset.done $0x0  }
0xa4: {  	s25 =	simm.s32 $0x1B8E;
	s24 =	sld [smem:$0x3FFE];
	[sflag:s23] =	ssyncadd.s32 $0xFFFFFFFF  }
0xa5: {  	s26 =	simm.s32 $execute0_lowered;
	[smem:$0x3FD2] =	sst s25  }
0xa6: {  	s5 =	sshll.u32 s26, $0x1;
	_ =	strace $0x8000004F;
	[dreg:$0x1] =	wrdreg $0xFFFFFFFF  }
0xa7: {  	s28 =	simm.s32 $_size_execute0_lowered;
	s3 =	sadd.s32 s3, s5;
	[dreg:$0x0] =	wrdreg $0x0  }
0xa8: {  	s5 =	sshll.u32 s28, $0x1;
	[dreg:$0x2] =	wrdreg s3  }
0xa9: {  	[dreg:$0x3] =	wrdreg s5  }
0xaa: {  	[dreg:$0x4] =	wrdreg $0xC0  }
0xab: {  	_ =	task [dreg:s7], $0x5FFFF  }
0xac: {  	[dreg:$0x1] =	wrdreg $0xFFFFFFFF  }
0xad: {  	[dreg:$0x0] =	wrdreg $0x60  }
0xae: {  	[dreg:$0x2] =	wrdreg s24  }
0xaf: {  	[dreg:$0x3] =	wrdreg s2  }
0xb0: {  	[dreg:$0x4] =	wrdreg $0xA0000  }
0xb1: {  	[dreg:$0x5] =	wrdreg $0x0  }
0xb2: {  	[dreg:$0x6] =	wrdreg $0x9  }
0xb3: {  	_ =	task.clear_ibuf [dreg:s7], $0x7FFFF;
	_ =	strace $0x9000004F  }
0xb4: {  	s29 =	simm.s32 $0x9;
	_ =	strace $0x80000051  }
0xb5: {  	_ =	swait.ge [sflag:s29], $0x1  }
0xb6: {  	[sflag:s29] =	ssyncadd.s32 $0xFFFFFFFF  }
0xb7: {  	_ =	strace $0x90000051  }
0xb8: {  	_ =	sfence  }
0xb9: {  	s30 =	sld [smem:$0x0];
	_ =	sdelay $0x2  }
0xba: {  	s31 =	sshll.u32 s1, $0xD;
	s1 =	sshrl.u32 s1, $0x2  }
0xbb: {  	s3 =	sand.u32 $0x4000, s31;
	s1 =	sadd.s32 s1, s30  }
0xbc: {  	s0 =	sor.u32 s3, s0;
	s1 =	sshll.u32 s1, $0x11  }
0xbd: {  	s0 =	sor.u32 s1, s0  }
0xbe: {  	s0 =	sadd.s32 $0x8F2B, s0  }
0xbf: {  	[sflag:s0] =	ssyncadd.remote.s32 $0x1  }
0xc0: {  	_ =	sfence.sel $0xFFFF  }
0xc1: {  	[dreg:$0x0] =	wrdreg $0xFFFFFFFF;
	(pc) =	sbr.abs _section_cstart, $3  }
0xc2: {  	[dreg:$0x1] =	wrdreg $0xFFFFFFFF  }
0xc3: {  	_ =	task.clear_ibuf [dreg:s7], $0x2FFFF;
	_ =	strace $0x9FFFFFFF  }
0xc4: {  	(tm) =	ssettm $0x7FFFFFFF  }
0xc5: {  	_ =	shalt  }
tec
execute0_lowered:
.L_overlay_start_1:
0x0: {  	(tag) =	ssettag $0x1  }
0x1: {  	s0 =	rddreg [dreg:$0x0]  }
0x2: {  	s2 =	rddreg [dreg:$0x1]  }
0x3: {  	s3 =	srdreg.scid;
	s29 =	rddreg [dreg:$0x2]  }
0x4: {  	s1 =	simm.s32 $0x0;
	s23 =	stileid.u32;
	s31 =	rddreg [dreg:$0x3]  }
0x5: {  	s30 =	simm.s32 $0x8;
	s28 =	simm.s32 $0x10;
	s3 =	sand.u32 $0x1, s3  }
0x6: {  	[smem:$0x7FF] =	sst s1;
	s5 =	smul.u32 $0x5000, s23;
	s6 =	sadd.s32 $0x3A00, s0  }
0x7: {  	s26 =	smul.u32 $0x280, s23;
	s4 =	ssub.s32 $0x2, s3;
	s3 =	sshll.u32 s3, $0x3  }
0x8: {  	s7 =	sshrl.u32 s4, $0x1;
	s3 =	sadd.s32 s3, s0;
	s25 =	sshrl.u32 s5, $0x3  }
0x9: {  	s11 =	sadd.s32 $0x100, s26;
	s12 =	sadd.s32 $0x140, s26;
	s13 =	sadd.s32 $0x180, s26  }
0xa: {  	s14 =	sadd.s32 $0x1C0, s26;
	s0 =	ssub.s32 s4, s7;
	s7 =	sadd.s32 $0xDA00, s3  }
0xb: {  	s8 =	sadd.s32 s6, s25;
	s15 =	sadd.s32 s2, s25;
	s16 =	sadd.s32 $0x280, s25  }
0xc: {  	s9 =	sadd.s32 $0x500, s25;
	s4 =	sadd.s32 $0x780, s25;
	[dreg:$0x5] =	wrdreg s8  }
0xd: {  	s24 =	sshll.u32 s13, $0x4;
	[dreg:$0x6] =	wrdreg s15;
	s10 =	sadd.s32 s6, s16  }
0xe: {  	s25 =	sshll.u32 s14, $0x4;
	s8 =	sadd.s32 s2, s16;
	[dreg:$0x7] =	wrdreg s10  }
0xf: {  	s17 =	sadd.s32 s6, s9;
	s18 =	sadd.s32 s2, s9;
	[dreg:$0x8] =	wrdreg s8  }
0x10: {  	s6 =	sadd.s32 s6, s4;
	s2 =	sadd.s32 s2, s4;
	[dreg:$0x9] =	wrdreg s17  }
0x11: {  	s4 =	sadd.s32 $0x80, s26;
	s15 =	sadd.s32 $0x200, s26;
	[dreg:$0xa] =	wrdreg s18  }
0x12: {  	s8 =	smul.u32 $0x2800, s23;
	[dreg:$0xb] =	wrdreg s6;
	s9 =	sshll.u32 s4, $0x4  }
0x13: {  	[dreg:$0xc] =	wrdreg s2;
	s18 =	sshll.u32 s12, $0x4;
	s21 =	sadd.s32 s9, s7  }
0x14: {  	s2 =	sadd.s32 $0x35A00, s3;
	s22 =	sadd.s32 s18, s7;
	[dreg:$0xf] =	wrdreg s21  }
0x15: {  	s3 =	sor.u32 $0x40, s26;
	s9 =	sadd.s32 s9, s2;
	[dreg:$0x12] =	wrdreg s22  }
0x16: {  	s10 =	sadd.s32 $0xC0, s26;
	s18 =	sadd.s32 s18, s2;
	[dreg:$0x19] =	wrdreg s9  }
0x17: {  	s6 =	sshll.u32 s3, $0x4;
	s19 =	sadd.s32 s8, s7;
	[dreg:$0x1c] =	wrdreg s18  }
0x18: {  	s5 =	sshll.u32 s10, $0x4;
	s20 =	sadd.s32 s6, s7;
	[dreg:$0xd] =	wrdreg s19  }
0x19: {  	s16 =	sadd.s32 $0x240, s26;
	s17 =	sadd.s32 s5, s7;
	[dreg:$0xe] =	wrdreg s20  }
0x1a: {  	s0 =	smax.u32 s0, $0x1;
	s22 =	sadd.s32 s25, s7;
	[dreg:$0x10] =	wrdreg s17  }
0x1b: {  	s21 =	sshll.u32 s15, $0x4;
	s8 =	sadd.s32 s8, s2;
	[dreg:$0x14] =	wrdreg s22  }
0x1c: {  	s6 =	sadd.s32 s6, s2;
	s5 =	sadd.s32 s5, s2;
	[dreg:$0x17] =	wrdreg s8  }
0x1d: {  	s18 =	sshll.u32 s10, $0x6;
	s17 =	sshll.u32 s11, $0x4;
	[dreg:$0x18] =	wrdreg s6  }
0x1e: {  	s20 =	sadd.s32 s24, s7;
	s26 =	sadd.s32 s21, s7;
	[dreg:$0x1a] =	wrdreg s5  }
0x1f: {  	s22 =	sshll.u32 s16, $0x4;
	s8 =	sshll.u32 s3, $0x6;
	[dreg:$0x13] =	wrdreg s20  }
0x20: {  	s19 =	sadd.s32 s17, s7;
	[dreg:$0x15] =	wrdreg s26;
	s7 =	sadd.s32 s22, s7  }
0x21: {  	s17 =	sadd.s32 s17, s2;
	s26 =	sadd.s32 s21, s2;
	[dreg:$0x11] =	wrdreg s19  }
0x22: {  	s5 =	sadd.s32 s8, s29;
	s20 =	sshll.u32 s12, $0x6;
	[dreg:$0x16] =	wrdreg s7  }
0x23: {  	s21 =	sshll.u32 s13, $0x6;
	[dreg:$0x1b] =	wrdreg s17;
	s19 =	sadd.s32 s24, s2  }
0x24: {  	s24 =	sadd.s32 s25, s2;
	s25 =	smul.u32 $0x28000, s23;
	[dreg:$0x1f] =	wrdreg s26  }
0x25: {  	s2 =	sadd.s32 s22, s2;
	s7 =	smul.u32 $0xA000, s23;
	s17 =	sshll.u32 s4, $0x6  }
0x26: {  	s4 =	sadd.s32 s18, s31;
	s22 =	sshll.u32 s14, $0x6;
	[dreg:$0x1d] =	wrdreg s19  }
0x27: {  	s10 =	sadd.s32 s21, s29;
	s23 =	sadd.s32 s21, s31;
	[dreg:$0x1e] =	wrdreg s24  }
0x28: {  	s14 =	simm.s32 $0x17800;
	[smem:$0x7F0] =	sst s2;
	s3 =	sadd.s32 s17, s31  }
0x29: {  	s19 =	sshll.u32 s11, $0x6;
	s11 =	sadd.s32 s22, s29;
	s24 =	sshll.u32 s15, $0x6  }
0x2a: {  	s23 =	sshrl.u32 s23, $0x3;
	_ =	strace $0x80000050;
	s6 =	sshrl.u32 s25, $0x2  }
0x2b: {  	[smem:$0x7F2] =	sst s0;
	s9 =	sadd.s32 s7, s29;
	s0 =	sadd.s32 s8, s31  }
0x2c: {  	s8 =	sadd.s32 s19, s29;
	s25 =	sshll.u32 s16, $0x6;
	s12 =	sadd.s32 s24, s29  }
0x2d: {  	s26 =	sadd.s32 s24, s31;
	s3 =	sshrl.u32 s3, $0x3;
	[smem:$0x7FA] =	sst s23  }
0x2e: {  	s16 =	simm.s32 $0x2;
	s2 =	sadd.s32 s6, s29;
	[smem:$0x7F3] =	sst s9  }
0x2f: {  	s6 =	sadd.s32 s17, s29;
	s17 =	sadd.s32 s19, s31;
	s9 =	sadd.s32 s20, s29  }
0x30: {  	s19 =	sadd.s32 s22, s31;
	s13 =	sadd.s32 s25, s29;
	s15 =	sadd.s32 s25, s31  }
0x31: {  	s0 =	sshrl.u32 s0, $0x3;
	[smem:$0x7F6] =	sst s3;
	s25 =	sshrl.u32 s26, $0x3  }
0x32: {  	s3 =	simm.s32 $0x40;
	[smem:$0x7F1] =	sst s2;
	s2 =	sadd.s32 s7, s31  }
0x33: {  	s7 =	sadd.s32 s18, s29;
	s18 =	sadd.s32 s20, s31;
	[smem:$0x7F5] =	sst s0  }
0x34: {  	s20 =	sshrl.u32 s4, $0x3;
	s21 =	sshrl.u32 s17, $0x3;
	s24 =	sshrl.u32 s19, $0x3  }
0x35: {  	[smem:$0x7FC] =	sst s25;
	s26 =	sshrl.u32 s15, $0x3;
	s25 =	simm.s32 $0x5  }
0x36: {  	s0 =	simm.s32 $0x14000;
	s4 =	simm.s32 $0x14040;
	[smem:$0x7F7] =	sst s20  }
0x37: {  	s15 =	simm.s32 $0x3;
	s17 =	simm.s32 $0x4;
	[smem:$0x7F8] =	sst s21  }
0x38: {  	s19 =	simm.s32 $0x167C0;
	s2 =	sshrl.u32 s2, $0x3;
	[smem:$0x7FB] =	sst s24  }
0x39: {  	s22 =	sshrl.u32 s18, $0x3;
	[smem:$0x7FD] =	sst s26;
	s24 =	simm.s32 $0x16800  }
0x3a: {  	s26 =	simm.s32 $0x1;
	s18 =	simm.s32 $0x16780;
	[smem:$0x7F4] =	sst s2  }
0x3b: {  	v0 =	vimm.f32 $0.0e+00;
	s20 =	simm.s32 $0x80;
	[smem:$0x7F9] =	sst s22;
	s2 =	simm.s32 $0x15400  }
.LBB2_1:
0x3c: {  	s22 =	simm.s32 $0x100;
	s21 =	simm.s32 $0x0  }
.LBB2_2:
0x3d: {  	p0 =	sne.s32 s22, $0x3F00;
	[tilespmem:s21+$0x16830] =	vst v0;
	s23 =	smov.u32 s22;
	s22 =	sadd.s32 $0x100, s22  }
.Ltmp0:
0x3e: {  	[tilespmem:s21+$0x16820] =	vst v0;
	(pc) =	sbr.rel @p0 .LBB2_2-.Ltmp0, $3  }
0x3f: {  	[tilespmem:s21+$0x16800] =	vst v0  }
0x40: {  	[tilespmem:s21+$0x16810] =	vst v0;
	_ =	sdelay $0x1  }
0x41: {  	s21 =	sshra.s32 s23, $0x2  }
0x42: {  	[tilespmem:s21+$0x16830] =	vst v0  }
0x43: {  	[tilespmem:s21+$0x16820] =	vst v0;
	s23 =	sld [smem:$0x7F3]  }
0x44: {  	[tilespmem:s21+$0x16800] =	vst v0  }
0x45: {  	[tilespmem:s21+$0x16810] =	vst v0  }
0x46: {  	[spmem:s23] =	stream.linear.scatter [tilespmem:s24], [sflag:$0x5], $0x1000, $0x38;
	[tilespmem:$0x18800] =	vst v63  }
0x47: {  	_ =	swait.ge [sflag:s25], $0x1000  }
0x48: {  	s22 =	stileid.u32;
	s23 =	sld [smem:$0x7F4]  }
0x49: {  	s21 =	sshll.u32 s22, $0x6;
	[sflag:s25] =	ssyncset.done $0x0  }
0x4a: {  	s21 =	sor.u32 $0x1C05, s21;
	s22 =	rddreg [dreg:$0xd];
	[sflag:s25] =	ssyncadd.s32 $0xFFFFF000  }
0x4b: {  	[spmem:s23@s30], [sflag:s21] =	dma.strided [hbm:s22@s28], $0x200, s26, $0x8   }
0x4c: {  	_ =	swait.ge [sflag:s25], $0x200  }
0x4d: {  	[sflag:s25] =	ssyncset.done $0x0  }
0x4e: {  	[sflag:s25] =	ssyncadd.s32 $0xFFFFFE00  }
0x4f: {  	[spmem:s5] =	stream.linear.scatter [tilespmem:s24], [sflag:$0x5], $0x1000, $0x38;
	[tilespmem:$0x18800] =	vst v63  }
0x50: {  	_ =	swait.ge [sflag:s25], $0x1000  }
0x51: {  	s23 =	sld [smem:$0x7F5]  }
0x52: {  	[sflag:s25] =	ssyncset.done $0x0  }
0x53: {  	s22 =	rddreg [dreg:$0xe];
	[sflag:s25] =	ssyncadd.s32 $0xFFFFF000  }
0x54: {  	[spmem:s23@s30], [sflag:s21] =	dma.strided [hbm:s22@s28], $0x200, s26, $0x8   }
0x55: {  	_ =	swait.ge [sflag:s25], $0x200  }
0x56: {  	[sflag:s25] =	ssyncset.done $0x0  }
0x57: {  	[sflag:s25] =	ssyncadd.s32 $0xFFFFFE00  }
0x58: {  	[spmem:s6] =	stream.linear.scatter [tilespmem:s24], [sflag:$0x5], $0x1000, $0x38;
	[tilespmem:$0x18800] =	vst v63  }
0x59: {  	_ =	swait.ge [sflag:s25], $0x1000  }
0x5a: {  	s23 =	sld [smem:$0x7F6]  }
0x5b: {  	[sflag:s25] =	ssyncset.done $0x0  }
0x5c: {  	s22 =	rddreg [dreg:$0xf];
	[sflag:s25] =	ssyncadd.s32 $0xFFFFF000  }
0x5d: {  	[spmem:s23@s30], [sflag:s21] =	dma.strided [hbm:s22@s28], $0x200, s26, $0x8   }
0x5e: {  	_ =	swait.ge [sflag:s25], $0x200  }
0x5f: {  	[sflag:s25] =	ssyncset.done $0x0  }
0x60: {  	[sflag:s25] =	ssyncadd.s32 $0xFFFFFE00  }
0x61: {  	[spmem:s7] =	stream.linear.scatter [tilespmem:s24], [sflag:$0x5], $0x1000, $0x38;
	[tilespmem:$0x18800] =	vst v63  }
0x62: {  	_ =	swait.ge [sflag:s25], $0x1000  }
0x63: {  	s23 =	sld [smem:$0x7F7]  }
0x64: {  	[sflag:s25] =	ssyncset.done $0x0  }
0x65: {  	s22 =	rddreg [dreg:$0x10];
	[sflag:s25] =	ssyncadd.s32 $0xFFFFF000  }
0x66: {  	[spmem:s23@s30], [sflag:s21] =	dma.strided [hbm:s22@s28], $0x200, s26, $0x8   }
0x67: {  	_ =	swait.ge [sflag:s25], $0x200  }
0x68: {  	[sflag:s25] =	ssyncset.done $0x0  }
0x69: {  	[sflag:s25] =	ssyncadd.s32 $0xFFFFFE00  }
0x6a: {  	[spmem:s8] =	stream.linear.scatter [tilespmem:s24], [sflag:$0x5], $0x1000, $0x38;
	[tilespmem:$0x18800] =	vst v63  }
0x6b: {  	_ =	swait.ge [sflag:s25], $0x1000  }
0x6c: {  	s23 =	sld [smem:$0x7F8]  }
0x6d: {  	[sflag:s25] =	ssyncset.done $0x0  }
0x6e: {  	s22 =	rddreg [dreg:$0x11];
	[sflag:s25] =	ssyncadd.s32 $0xFFFFF000  }
0x6f: {  	[spmem:s23@s30], [sflag:s21] =	dma.strided [hbm:s22@s28], $0x200, s26, $0x8   }
0x70: {  	_ =	swait.ge [sflag:s25], $0x200  }
0x71: {  	[sflag:s25] =	ssyncset.done $0x0  }
0x72: {  	[sflag:s25] =	ssyncadd.s32 $0xFFFFFE00  }
0x73: {  	[spmem:s9] =	stream.linear.scatter [tilespmem:s24], [sflag:$0x5], $0x1000, $0x38;
	[tilespmem:$0x18800] =	vst v63  }
0x74: {  	_ =	swait.ge [sflag:s25], $0x1000  }
0x75: {  	s23 =	sld [smem:$0x7F9]  }
0x76: {  	[sflag:s25] =	ssyncset.done $0x0  }
0x77: {  	s22 =	rddreg [dreg:$0x12];
	[sflag:s25] =	ssyncadd.s32 $0xFFFFF000  }
0x78: {  	[spmem:s23@s30], [sflag:s21] =	dma.strided [hbm:s22@s28], $0x200, s26, $0x8   }
0x79: {  	_ =	swait.ge [sflag:s25], $0x200  }
0x7a: {  	[sflag:s25] =	ssyncset.done $0x0  }
0x7b: {  	[sflag:s25] =	ssyncadd.s32 $0xFFFFFE00  }
0x7c: {  	[spmem:s10] =	stream.linear.scatter [tilespmem:s24], [sflag:$0x5], $0x1000, $0x38;
	[tilespmem:$0x18800] =	vst v63  }
0x7d: {  	_ =	swait.ge [sflag:s25], $0x1000  }
0x7e: {  	s23 =	sld [smem:$0x7FA]  }
0x7f: {  	[sflag:s25] =	ssyncset.done $0x0  }
0x80: {  	s22 =	rddreg [dreg:$0x13];
	[sflag:s25] =	ssyncadd.s32 $0xFFFFF000  }
0x81: {  	[spmem:s23@s30], [sflag:s21] =	dma.strided [hbm:s22@s28], $0x200, s26, $0x8   }
0x82: {  	_ =	swait.ge [sflag:s25], $0x200  }
0x83: {  	[sflag:s25] =	ssyncset.done $0x0  }
0x84: {  	[sflag:s25] =	ssyncadd.s32 $0xFFFFFE00  }
0x85: {  	[spmem:s11] =	stream.linear.scatter [tilespmem:s24], [sflag:$0x5], $0x1000, $0x38;
	[tilespmem:$0x18800] =	vst v63  }
0x86: {  	_ =	swait.ge [sflag:s25], $0x1000  }
0x87: {  	s23 =	sld [smem:$0x7FB]  }
0x88: {  	[sflag:s25] =	ssyncset.done $0x0  }
0x89: {  	s22 =	rddreg [dreg:$0x14];
	[sflag:s25] =	ssyncadd.s32 $0xFFFFF000  }
0x8a: {  	[spmem:s23@s30], [sflag:s21] =	dma.strided [hbm:s22@s28], $0x200, s26, $0x8   }
0x8b: {  	_ =	swait.ge [sflag:s25], $0x200  }
0x8c: {  	[sflag:s25] =	ssyncset.done $0x0  }
0x8d: {  	[sflag:s25] =	ssyncadd.s32 $0xFFFFFE00  }
0x8e: {  	[spmem:s12] =	stream.linear.scatter [tilespmem:s24], [sflag:$0x5], $0x1000, $0x38;
	[tilespmem:$0x18800] =	vst v63  }
0x8f: {  	_ =	swait.ge [sflag:s25], $0x1000  }
0x90: {  	s23 =	sld [smem:$0x7FC]  }
0x91: {  	[sflag:s25] =	ssyncset.done $0x0  }
0x92: {  	s22 =	rddreg [dreg:$0x15];
	[sflag:s25] =	ssyncadd.s32 $0xFFFFF000  }
0x93: {  	[spmem:s23@s30], [sflag:s21] =	dma.strided [hbm:s22@s28], $0x200, s26, $0x8   }
0x94: {  	_ =	swait.ge [sflag:s25], $0x200  }
0x95: {  	[sflag:s25] =	ssyncset.done $0x0  }
0x96: {  	[sflag:s25] =	ssyncadd.s32 $0xFFFFFE00  }
0x97: {  	[spmem:s13] =	stream.linear.scatter [tilespmem:s24], [sflag:$0x5], $0x1000, $0x38;
	[tilespmem:$0x18800] =	vst v63  }
0x98: {  	_ =	swait.ge [sflag:s25], $0x1000  }
0x99: {  	s23 =	sld [smem:$0x7FD]  }
0x9a: {  	[sflag:s25] =	ssyncset.done $0x0  }
0x9b: {  	s22 =	rddreg [dreg:$0x16];
	[sflag:s25] =	ssyncadd.s32 $0xFFFFF000  }
0x9c: {  	[spmem:s23@s30], [sflag:s21] =	dma.strided [hbm:s22@s28], $0x200, s26, $0x8   }
0x9d: {  	_ =	swait.ge [sflag:s25], $0x200  }
0x9e: {  	[sflag:s25] =	ssyncset.done $0x0  }
0x9f: {  	[sflag:s25] =	ssyncadd.s32 $0xFFFFFE00  }
0xa0: {  	[bflag:$0x0] =	sbarrier.arrive $0xFFFF  }
0xa1: {  	s21 =	simm.s32 $0x0;
	s23 =	rddreg [dreg:$0x5]  }
0xa2: {  	[tilespmem:s0], [sflag:$0x5] =	stream.linear.gather [hbm4b:s23+s21], $0x1400, $0x38;
	[tilespmem:$0x18800] =	vst v63  }
0xa3: {  	_ =	swait.ge [sflag:s25], $0x1400  }
0xa4: {  	[sflag:s25] =	ssyncset.done $0x0  }
0xa5: {  	s23 =	rddreg [dreg:$0x6];
	[sflag:s25] =	ssyncadd.s32 $0xFFFFEC00  }
0xa6: {  	[tilespmem:s2], [sflag:$0x5] =	stream.linear.gather [hbm4b:s23+s21], $0x1400, $0x38;
	[tilespmem:$0x18800] =	vst v63  }
0xa7: {  	_ =	swait.ge [sflag:s25], $0x1400  }
0xa8: {  	[sflag:s25] =	ssyncset.done $0x0  }
0xa9: {  	[sflag:s25] =	ssyncadd.s32 $0xFFFFEC00  }
0xaa: {  	[tilespmem:s24], [sflag:$0x1] =	stream.indirect.gather [spmem:s31], $0x40, s0, s3, $0xb8;
	[tilespmem:$0x18800] =	vst v63  }
0xab: {  	_ = 	snop  }
0xac: {  	[tilespmem:s14], [sflag:$0x2] =	stream.indirect.gather [spmem:s31], $0x40, s4, s3, $0xb8;
	[tilespmem:$0x18800] =	vst v63  }
0xad: {  	_ =	swait.ge [sflag:s26], $0x1000  }
0xae: {  	[sflag:s26] =	ssyncset.done $0x0  }
0xaf: {  	s23 =	simm.s32 $0x15400;
	[sflag:s26] =	ssyncadd.s32 $0xFFFFF000  }
0xb0: {  	[spmem:s29] =	stream.indirect.scatter.add.f32 [tilespmem:s24], [sflag:$0x3], $0x40, s23, s3, $0xb8;
	[tilespmem:$0x18800] =	vst v63  }
0xb1: {  	_ =	swait.ge [sflag:s15], $0x1000  }
0xb2: {  	[sflag:s15] =	ssyncset.done $0x0  }
0xb3: {  	s22 =	simm.s32 $0x14080;
	[sflag:s15] =	ssyncadd.s32 $0xFFFFF000  }
0xb4: {  	[tilespmem:s24], [sflag:$0x1] =	stream.indirect.gather [spmem:s31], $0x40, s22, s3, $0xb8;
	[tilespmem:$0x18800] =	vst v63  }
0xb5: {  	_ =	swait.ge [sflag:s16], $0x1000  }
0xb6: {  	[sflag:s16] =	ssyncset.done $0x0  }
0xb7: {  	s23 =	simm.s32 $0x15440;
	[sflag:s16] =	ssyncadd.s32 $0xFFFFF000  }
0xb8: {  	[spmem:s29] =	stream.indirect.scatter.add.f32 [tilespmem:s14], [sflag:$0x4], $0x40, s23, s3, $0xb8;
	[tilespmem:$0x18800] =	vst v63  }
0xb9: {  	_ =	swait.ge [sflag:s17], $0x1000  }
0xba: {  	[sflag:s17] =	ssyncset.done $0x0  }
0xbb: {  	s21 =	simm.s32 $0x200;
	s22 =	simm.s32 $0x140C0;
	[sflag:s17] =	ssyncadd.s32 $0xFFFFF000  }
.LBB2_4:
0xbc: {  	[tilespmem:s14], [sflag:$0x2] =	stream.indirect.gather [spmem:s31], $0x40, s22, s3, $0xb8;
	[tilespmem:$0x18800] =	vst v63  }
0xbd: {  	s22 =	smov.u32 s21  }
0xbe: {  	p0 =	sne.s32 s21, $0x4C00;
	s21 =	sadd.s32 $0x200, s21;
	_ =	swait.ge [sflag:s26], $0x1000  }
0xbf: {  	s22 =	sshra.s32 s22, $0x2;
	[sflag:s26] =	ssyncset.done $0x0  }
0xc0: {  	s23 =	sadd.s32 $0x15400, s22;
	[sflag:s26] =	ssyncadd.s32 $0xFFFFF000  }
0xc1: {  	[spmem:s29] =	stream.indirect.scatter.add.f32 [tilespmem:s24], [sflag:$0x3], $0x40, s23, s3, $0xb8;
	[tilespmem:$0x18800] =	vst v63  }
0xc2: {  	_ =	swait.ge [sflag:s15], $0x1000  }
0xc3: {  	[sflag:s15] =	ssyncset.done $0x0  }
0xc4: {  	s23 =	sadd.s32 $0x14080, s22;
	[sflag:s15] =	ssyncadd.s32 $0xFFFFF000  }
0xc5: {  	[tilespmem:s24], [sflag:$0x1] =	stream.indirect.gather [spmem:s31], $0x40, s23, s3, $0xb8;
	[tilespmem:$0x18800] =	vst v63  }
0xc6: {  	_ =	swait.ge [sflag:s16], $0x1000  }
0xc7: {  	[sflag:s16] =	ssyncset.done $0x0  }
.Ltmp1:
0xc8: {  	s23 =	sadd.s32 $0x15440, s22;
	[sflag:s16] =	ssyncadd.s32 $0xFFFFF000;
	(pc) =	sbr.rel @p0 .LBB2_4-.Ltmp1, $4  }
0xc9: {  	[spmem:s29] =	stream.indirect.scatter.add.f32 [tilespmem:s14], [sflag:$0x4], $0x40, s23, s3, $0xb8;
	[tilespmem:$0x18800] =	vst v63  }
0xca: {  	_ =	swait.ge [sflag:s17], $0x1000  }
0xcb: {  	[sflag:s17] =	ssyncset.done $0x0  }
0xcc: {  	s22 =	sadd.s32 $0x140C0, s22;
	[sflag:s17] =	ssyncadd.s32 $0xFFFFF000  }
0xcd: {  	[tilespmem:s14], [sflag:$0x2] =	stream.indirect.gather [spmem:s31], $0x40, s22, s3, $0xb8;
	[tilespmem:$0x18800] =	vst v63  }
0xce: {  	_ =	swait.ge [sflag:s26], $0x1000  }
0xcf: {  	[sflag:s26] =	ssyncset.done $0x0  }
0xd0: {  	[sflag:s26] =	ssyncadd.s32 $0xFFFFF000  }
0xd1: {  	[spmem:s29] =	stream.indirect.scatter.add.f32 [tilespmem:s24], [sflag:$0x3], $0x40, s18, s3, $0xb8;
	[tilespmem:$0x18800] =	vst v63  }
0xd2: {  	_ =	swait.ge [sflag:s16], $0x1000  }
0xd3: {  	[sflag:s16] =	ssyncset.done $0x0  }
0xd4: {  	[sflag:s16] =	ssyncadd.s32 $0xFFFFF000  }
0xd5: {  	[spmem:s29] =	stream.indirect.scatter.add.f32 [tilespmem:s14], [sflag:$0x4], $0x40, s19, s3, $0xb8;
	[tilespmem:$0x18800] =	vst v63  }
0xd6: {  	_ =	swait.ge [sflag:s15], $0x1000  }
0xd7: {  	[sflag:s15] =	ssyncset.done $0x0  }
0xd8: {  	[sflag:s15] =	ssyncadd.s32 $0xFFFFF000  }
0xd9: {  	_ =	swait.ge [sflag:s17], $0x1000  }
0xda: {  	[sflag:s17] =	ssyncset.done $0x0  }
0xdb: {  	s21 =	simm.s32 $0x0;
	s23 =	rddreg [dreg:$0x7];
	[sflag:s17] =	ssyncadd.s32 $0xFFFFF000  }
0xdc: {  	[tilespmem:s0], [sflag:$0x5] =	stream.linear.gather [hbm4b:s23+s21], $0x1400, $0x38;
	[tilespmem:$0x18800] =	vst v63  }
0xdd: {  	_ =	swait.ge [sflag:s25], $0x1400  }
0xde: {  	[sflag:s25] =	ssyncset.done $0x0  }
0xdf: {  	s23 =	rddreg [dreg:$0x8];
	[sflag:s25] =	ssyncadd.s32 $0xFFFFEC00  }
0xe0: {  	[tilespmem:s2], [sflag:$0x5] =	stream.linear.gather [hbm4b:s23+s21], $0x1400, $0x38;
	[tilespmem:$0x18800] =	vst v63  }
0xe1: {  	_ =	swait.ge [sflag:s25], $0x1400  }
0xe2: {  	[sflag:s25] =	ssyncset.done $0x0  }
0xe3: {  	[sflag:s25] =	ssyncadd.s32 $0xFFFFEC00  }
0xe4: {  	[tilespmem:s24], [sflag:$0x1] =	stream.indirect.gather [spmem:s31], $0x40, s0, s3, $0xb8;
	[tilespmem:$0x18800] =	vst v63  }
0xe5: {  	_ = 	snop  }
0xe6: {  	[tilespmem:s14], [sflag:$0x2] =	stream.indirect.gather [spmem:s31], $0x40, s4, s3, $0xb8;
	[tilespmem:$0x18800] =	vst v63  }
0xe7: {  	_ =	swait.ge [sflag:s26], $0x1000  }
0xe8: {  	[sflag:s26] =	ssyncset.done $0x0  }
0xe9: {  	s23 =	simm.s32 $0x15400;
	[sflag:s26] =	ssyncadd.s32 $0xFFFFF000  }
0xea: {  	[spmem:s29] =	stream.indirect.scatter.add.f32 [tilespmem:s24], [sflag:$0x3], $0x40, s23, s3, $0xb8;
	[tilespmem:$0x18800] =	vst v63  }
0xeb: {  	_ =	swait.ge [sflag:s15], $0x1000  }
0xec: {  	[sflag:s15] =	ssyncset.done $0x0  }
0xed: {  	s22 =	simm.s32 $0x14080;
	[sflag:s15] =	ssyncadd.s32 $0xFFFFF000  }
0xee: {  	[tilespmem:s24], [sflag:$0x1] =	stream.indirect.gather [spmem:s31], $0x40, s22, s3, $0xb8;
	[tilespmem:$0x18800] =	vst v63  }
0xef: {  	_ =	swait.ge [sflag:s16], $0x1000  }
0xf0: {  	[sflag:s16] =	ssyncset.done $0x0  }
0xf1: {  	s23 =	simm.s32 $0x15440;
	[sflag:s16] =	ssyncadd.s32 $0xFFFFF000  }
0xf2: {  	[spmem:s29] =	stream.indirect.scatter.add.f32 [tilespmem:s14], [sflag:$0x4], $0x40, s23, s3, $0xb8;
	[tilespmem:$0x18800] =	vst v63  }
0xf3: {  	_ =	swait.ge [sflag:s17], $0x1000  }
0xf4: {  	[sflag:s17] =	ssyncset.done $0x0  }
0xf5: {  	s21 =	simm.s32 $0x200;
	s22 =	simm.s32 $0x140C0;
	[sflag:s17] =	ssyncadd.s32 $0xFFFFF000  }
.LBB2_6:
0xf6: {  	[tilespmem:s14], [sflag:$0x2] =	stream.indirect.gather [spmem:s31], $0x40, s22, s3, $0xb8;
	[tilespmem:$0x18800] =	vst v63  }
0xf7: {  	s22 =	smov.u32 s21  }
0xf8: {  	p0 =	sne.s32 s21, $0x4C00;
	s21 =	sadd.s32 $0x200, s21;
	_ =	swait.ge [sflag:s26], $0x1000  }
0xf9: {  	s22 =	sshra.s32 s22, $0x2;
	[sflag:s26] =	ssyncset.done $0x0  }
0xfa: {  	s23 =	sadd.s32 $0x15400, s22;
	[sflag:s26] =	ssyncadd.s32 $0xFFFFF000  }
0xfb: {  	[spmem:s29] =	stream.indirect.scatter.add.f32 [tilespmem:s24], [sflag:$0x3], $0x40, s23, s3, $0xb8;
	[tilespmem:$0x18800] =	vst v63  }
0xfc: {  	_ =	swait.ge [sflag:s15], $0x1000  }
0xfd: {  	[sflag:s15] =	ssyncset.done $0x0  }
0xfe: {  	s23 =	sadd.s32 $0x14080, s22;
	[sflag:s15] =	ssyncadd.s32 $0xFFFFF000  }
0xff: {  	[tilespmem:s24], [sflag:$0x1] =	stream.indirect.gather [spmem:s31], $0x40, s23, s3, $0xb8;
	[tilespmem:$0x18800] =	vst v63  }
0x100: {  	_ =	swait.ge [sflag:s16], $0x1000  }
0x101: {  	[sflag:s16] =	ssyncset.done $0x0  }
.Ltmp2:
0x102: {  	s23 =	sadd.s32 $0x15440, s22;
	[sflag:s16] =	ssyncadd.s32 $0xFFFFF000;
	(pc) =	sbr.rel @p0 .LBB2_6-.Ltmp2, $4  }
0x103: {  	[spmem:s29] =	stream.indirect.scatter.add.f32 [tilespmem:s14], [sflag:$0x4], $0x40, s23, s3, $0xb8;
	[tilespmem:$0x18800] =	vst v63  }
0x104: {  	_ =	swait.ge [sflag:s17], $0x1000  }
0x105: {  	[sflag:s17] =	ssyncset.done $0x0  }
0x106: {  	s22 =	sadd.s32 $0x140C0, s22;
	[sflag:s17] =	ssyncadd.s32 $0xFFFFF000  }
0x107: {  	[tilespmem:s14], [sflag:$0x2] =	stream.indirect.gather [spmem:s31], $0x40, s22, s3, $0xb8;
	[tilespmem:$0x18800] =	vst v63  }
0x108: {  	_ =	swait.ge [sflag:s26], $0x1000  }
0x109: {  	[sflag:s26] =	ssyncset.done $0x0  }
0x10a: {  	[sflag:s26] =	ssyncadd.s32 $0xFFFFF000  }
0x10b: {  	[spmem:s29] =	stream.indirect.scatter.add.f32 [tilespmem:s24], [sflag:$0x3], $0x40, s18, s3, $0xb8;
	[tilespmem:$0x18800] =	vst v63  }
0x10c: {  	_ =	swait.ge [sflag:s16], $0x1000  }
0x10d: {  	[sflag:s16] =	ssyncset.done $0x0  }
0x10e: {  	[sflag:s16] =	ssyncadd.s32 $0xFFFFF000  }
0x10f: {  	[spmem:s29] =	stream.indirect.scatter.add.f32 [tilespmem:s14], [sflag:$0x4], $0x40, s19, s3, $0xb8;
	[tilespmem:$0x18800] =	vst v63  }
0x110: {  	_ =	swait.ge [sflag:s15], $0x1000  }
0x111: {  	[sflag:s15] =	ssyncset.done $0x0  }
0x112: {  	[sflag:s15] =	ssyncadd.s32 $0xFFFFF000  }
0x113: {  	_ =	swait.ge [sflag:s17], $0x1000  }
0x114: {  	[sflag:s17] =	ssyncset.done $0x0  }
0x115: {  	s21 =	simm.s32 $0x0;
	s23 =	rddreg [dreg:$0x9];
	[sflag:s17] =	ssyncadd.s32 $0xFFFFF000  }
0x116: {  	[tilespmem:s0], [sflag:$0x5] =	stream.linear.gather [hbm4b:s23+s21], $0x1400, $0x38;
	[tilespmem:$0x18800] =	vst v63  }
0x117: {  	_ =	swait.ge [sflag:s25], $0x1400  }
0x118: {  	[sflag:s25] =	ssyncset.done $0x0  }
0x119: {  	s23 =	rddreg [dreg:$0xa];
	[sflag:s25] =	ssyncadd.s32 $0xFFFFEC00  }
0x11a: {  	[tilespmem:s2], [sflag:$0x5] =	stream.linear.gather [hbm4b:s23+s21], $0x1400, $0x38;
	[tilespmem:$0x18800] =	vst v63  }
0x11b: {  	_ =	swait.ge [sflag:s25], $0x1400  }
0x11c: {  	[sflag:s25] =	ssyncset.done $0x0  }
0x11d: {  	[sflag:s25] =	ssyncadd.s32 $0xFFFFEC00  }
0x11e: {  	[tilespmem:s24], [sflag:$0x1] =	stream.indirect.gather [spmem:s31], $0x40, s0, s3, $0xb8;
	[tilespmem:$0x18800] =	vst v63  }
0x11f: {  	_ = 	snop  }
0x120: {  	[tilespmem:s14], [sflag:$0x2] =	stream.indirect.gather [spmem:s31], $0x40, s4, s3, $0xb8;
	[tilespmem:$0x18800] =	vst v63  }
0x121: {  	_ =	swait.ge [sflag:s26], $0x1000  }
0x122: {  	[sflag:s26] =	ssyncset.done $0x0  }
0x123: {  	s23 =	simm.s32 $0x15400;
	[sflag:s26] =	ssyncadd.s32 $0xFFFFF000  }
0x124: {  	[spmem:s29] =	stream.indirect.scatter.add.f32 [tilespmem:s24], [sflag:$0x3], $0x40, s23, s3, $0xb8;
	[tilespmem:$0x18800] =	vst v63  }
0x125: {  	_ =	swait.ge [sflag:s15], $0x1000  }
0x126: {  	[sflag:s15] =	ssyncset.done $0x0  }
0x127: {  	s22 =	simm.s32 $0x14080;
	[sflag:s15] =	ssyncadd.s32 $0xFFFFF000  }
0x128: {  	[tilespmem:s24], [sflag:$0x1] =	stream.indirect.gather [spmem:s31], $0x40, s22, s3, $0xb8;
	[tilespmem:$0x18800] =	vst v63  }
0x129: {  	_ =	swait.ge [sflag:s16], $0x1000  }
0x12a: {  	[sflag:s16] =	ssyncset.done $0x0  }
0x12b: {  	s23 =	simm.s32 $0x15440;
	[sflag:s16] =	ssyncadd.s32 $0xFFFFF000  }
0x12c: {  	[spmem:s29] =	stream.indirect.scatter.add.f32 [tilespmem:s14], [sflag:$0x4], $0x40, s23, s3, $0xb8;
	[tilespmem:$0x18800] =	vst v63  }
0x12d: {  	_ =	swait.ge [sflag:s17], $0x1000  }
0x12e: {  	[sflag:s17] =	ssyncset.done $0x0  }
0x12f: {  	s21 =	simm.s32 $0x200;
	s22 =	simm.s32 $0x140C0;
	[sflag:s17] =	ssyncadd.s32 $0xFFFFF000  }
.LBB2_8:
0x130: {  	[tilespmem:s14], [sflag:$0x2] =	stream.indirect.gather [spmem:s31], $0x40, s22, s3, $0xb8;
	[tilespmem:$0x18800] =	vst v63  }
0x131: {  	s22 =	smov.u32 s21  }
0x132: {  	p0 =	sne.s32 s21, $0x4C00;
	s21 =	sadd.s32 $0x200, s21;
	_ =	swait.ge [sflag:s26], $0x1000  }
0x133: {  	s22 =	sshra.s32 s22, $0x2;
	[sflag:s26] =	ssyncset.done $0x0  }
0x134: {  	s23 =	sadd.s32 $0x15400, s22;
	[sflag:s26] =	ssyncadd.s32 $0xFFFFF000  }
0x135: {  	[spmem:s29] =	stream.indirect.scatter.add.f32 [tilespmem:s24], [sflag:$0x3], $0x40, s23, s3, $0xb8;
	[tilespmem:$0x18800] =	vst v63  }
0x136: {  	_ =	swait.ge [sflag:s15], $0x1000  }
0x137: {  	[sflag:s15] =	ssyncset.done $0x0  }
0x138: {  	s23 =	sadd.s32 $0x14080, s22;
	[sflag:s15] =	ssyncadd.s32 $0xFFFFF000  }
0x139: {  	[tilespmem:s24], [sflag:$0x1] =	stream.indirect.gather [spmem:s31], $0x40, s23, s3, $0xb8;
	[tilespmem:$0x18800] =	vst v63  }
0x13a: {  	_ =	swait.ge [sflag:s16], $0x1000  }
0x13b: {  	[sflag:s16] =	ssyncset.done $0x0  }
.Ltmp3:
0x13c: {  	s23 =	sadd.s32 $0x15440, s22;
	[sflag:s16] =	ssyncadd.s32 $0xFFFFF000;
	(pc) =	sbr.rel @p0 .LBB2_8-.Ltmp3, $4  }
0x13d: {  	[spmem:s29] =	stream.indirect.scatter.add.f32 [tilespmem:s14], [sflag:$0x4], $0x40, s23, s3, $0xb8;
	[tilespmem:$0x18800] =	vst v63  }
0x13e: {  	_ =	swait.ge [sflag:s17], $0x1000  }
0x13f: {  	[sflag:s17] =	ssyncset.done $0x0  }
0x140: {  	s22 =	sadd.s32 $0x140C0, s22;
	[sflag:s17] =	ssyncadd.s32 $0xFFFFF000  }
0x141: {  	[tilespmem:s14], [sflag:$0x2] =	stream.indirect.gather [spmem:s31], $0x40, s22, s3, $0xb8;
	[tilespmem:$0x18800] =	vst v63  }
0x142: {  	_ =	swait.ge [sflag:s26], $0x1000  }
0x143: {  	[sflag:s26] =	ssyncset.done $0x0  }
0x144: {  	[sflag:s26] =	ssyncadd.s32 $0xFFFFF000  }
0x145: {  	[spmem:s29] =	stream.indirect.scatter.add.f32 [tilespmem:s24], [sflag:$0x3], $0x40, s18, s3, $0xb8;
	[tilespmem:$0x18800] =	vst v63  }
0x146: {  	_ =	swait.ge [sflag:s16], $0x1000  }
0x147: {  	[sflag:s16] =	ssyncset.done $0x0  }
0x148: {  	[sflag:s16] =	ssyncadd.s32 $0xFFFFF000  }
0x149: {  	[spmem:s29] =	stream.indirect.scatter.add.f32 [tilespmem:s14], [sflag:$0x4], $0x40, s19, s3, $0xb8;
	[tilespmem:$0x18800] =	vst v63  }
0x14a: {  	_ =	swait.ge [sflag:s15], $0x1000  }
0x14b: {  	[sflag:s15] =	ssyncset.done $0x0  }
0x14c: {  	[sflag:s15] =	ssyncadd.s32 $0xFFFFF000  }
0x14d: {  	_ =	swait.ge [sflag:s17], $0x1000  }
0x14e: {  	[sflag:s17] =	ssyncset.done $0x0  }
0x14f: {  	s21 =	simm.s32 $0x0;
	s23 =	rddreg [dreg:$0xb];
	[sflag:s17] =	ssyncadd.s32 $0xFFFFF000  }
0x150: {  	[tilespmem:s0], [sflag:$0x5] =	stream.linear.gather [hbm4b:s23+s21], $0x1400, $0x38;
	[tilespmem:$0x18800] =	vst v63  }
0x151: {  	_ =	swait.ge [sflag:s25], $0x1400  }
0x152: {  	[sflag:s25] =	ssyncset.done $0x0  }
0x153: {  	s23 =	rddreg [dreg:$0xc];
	[sflag:s25] =	ssyncadd.s32 $0xFFFFEC00  }
0x154: {  	[tilespmem:s2], [sflag:$0x5] =	stream.linear.gather [hbm4b:s23+s21], $0x1400, $0x38;
	[tilespmem:$0x18800] =	vst v63  }
0x155: {  	_ =	swait.ge [sflag:s25], $0x1400  }
0x156: {  	[sflag:s25] =	ssyncset.done $0x0  }
0x157: {  	[sflag:s25] =	ssyncadd.s32 $0xFFFFEC00  }
0x158: {  	[tilespmem:s24], [sflag:$0x1] =	stream.indirect.gather [spmem:s31], $0x40, s0, s3, $0xb8;
	[tilespmem:$0x18800] =	vst v63  }
0x159: {  	_ = 	snop  }
0x15a: {  	[tilespmem:s14], [sflag:$0x2] =	stream.indirect.gather [spmem:s31], $0x40, s4, s3, $0xb8;
	[tilespmem:$0x18800] =	vst v63  }
0x15b: {  	_ =	swait.ge [sflag:s26], $0x1000  }
0x15c: {  	[sflag:s26] =	ssyncset.done $0x0  }
0x15d: {  	s23 =	simm.s32 $0x15400;
	[sflag:s26] =	ssyncadd.s32 $0xFFFFF000  }
0x15e: {  	[spmem:s29] =	stream.indirect.scatter.add.f32 [tilespmem:s24], [sflag:$0x3], $0x40, s23, s3, $0xb8;
	[tilespmem:$0x18800] =	vst v63  }
0x15f: {  	_ =	swait.ge [sflag:s15], $0x1000  }
0x160: {  	[sflag:s15] =	ssyncset.done $0x0  }
0x161: {  	s22 =	simm.s32 $0x14080;
	[sflag:s15] =	ssyncadd.s32 $0xFFFFF000  }
0x162: {  	[tilespmem:s24], [sflag:$0x1] =	stream.indirect.gather [spmem:s31], $0x40, s22, s3, $0xb8;
	[tilespmem:$0x18800] =	vst v63  }
0x163: {  	_ =	swait.ge [sflag:s16], $0x1000  }
0x164: {  	[sflag:s16] =	ssyncset.done $0x0  }
0x165: {  	s23 =	simm.s32 $0x15440;
	[sflag:s16] =	ssyncadd.s32 $0xFFFFF000  }
0x166: {  	[spmem:s29] =	stream.indirect.scatter.add.f32 [tilespmem:s14], [sflag:$0x4], $0x40, s23, s3, $0xb8;
	[tilespmem:$0x18800] =	vst v63  }
0x167: {  	_ =	swait.ge [sflag:s17], $0x1000  }
0x168: {  	[sflag:s17] =	ssyncset.done $0x0  }
0x169: {  	s21 =	simm.s32 $0x200;
	s22 =	simm.s32 $0x140C0;
	[sflag:s17] =	ssyncadd.s32 $0xFFFFF000  }
.LBB2_10:
0x16a: {  	[tilespmem:s14], [sflag:$0x2] =	stream.indirect.gather [spmem:s31], $0x40, s22, s3, $0xb8;
	[tilespmem:$0x18800] =	vst v63  }
0x16b: {  	s22 =	smov.u32 s21  }
0x16c: {  	p0 =	sne.s32 s21, $0x4C00;
	s21 =	sadd.s32 $0x200, s21;
	_ =	swait.ge [sflag:s26], $0x1000  }
0x16d: {  	s22 =	sshra.s32 s22, $0x2;
	[sflag:s26] =	ssyncset.done $0x0  }
0x16e: {  	s23 =	sadd.s32 $0x15400, s22;
	[sflag:s26] =	ssyncadd.s32 $0xFFFFF000  }
0x16f: {  	[spmem:s29] =	stream.indirect.scatter.add.f32 [tilespmem:s24], [sflag:$0x3], $0x40, s23, s3, $0xb8;
	[tilespmem:$0x18800] =	vst v63  }
0x170: {  	_ =	swait.ge [sflag:s15], $0x1000  }
0x171: {  	[sflag:s15] =	ssyncset.done $0x0  }
0x172: {  	s23 =	sadd.s32 $0x14080, s22;
	[sflag:s15] =	ssyncadd.s32 $0xFFFFF000  }
0x173: {  	[tilespmem:s24], [sflag:$0x1] =	stream.indirect.gather [spmem:s31], $0x40, s23, s3, $0xb8;
	[tilespmem:$0x18800] =	vst v63  }
0x174: {  	_ =	swait.ge [sflag:s16], $0x1000  }
0x175: {  	[sflag:s16] =	ssyncset.done $0x0  }
.Ltmp4:
0x176: {  	s23 =	sadd.s32 $0x15440, s22;
	[sflag:s16] =	ssyncadd.s32 $0xFFFFF000;
	(pc) =	sbr.rel @p0 .LBB2_10-.Ltmp4, $4  }
0x177: {  	[spmem:s29] =	stream.indirect.scatter.add.f32 [tilespmem:s14], [sflag:$0x4], $0x40, s23, s3, $0xb8;
	[tilespmem:$0x18800] =	vst v63  }
0x178: {  	_ =	swait.ge [sflag:s17], $0x1000  }
0x179: {  	[sflag:s17] =	ssyncset.done $0x0  }
0x17a: {  	s22 =	sadd.s32 $0x140C0, s22;
	[sflag:s17] =	ssyncadd.s32 $0xFFFFF000  }
0x17b: {  	[tilespmem:s14], [sflag:$0x2] =	stream.indirect.gather [spmem:s31], $0x40, s22, s3, $0xb8;
	[tilespmem:$0x18800] =	vst v63  }
0x17c: {  	_ =	swait.ge [sflag:s26], $0x1000  }
0x17d: {  	[sflag:s26] =	ssyncset.done $0x0  }
0x17e: {  	[sflag:s26] =	ssyncadd.s32 $0xFFFFF000  }
0x17f: {  	[spmem:s29] =	stream.indirect.scatter.add.f32 [tilespmem:s24], [sflag:$0x3], $0x40, s18, s3, $0xb8;
	[tilespmem:$0x18800] =	vst v63  }
0x180: {  	_ =	swait.ge [sflag:s16], $0x1000  }
0x181: {  	[sflag:s16] =	ssyncset.done $0x0  }
0x182: {  	[sflag:s16] =	ssyncadd.s32 $0xFFFFF000  }
0x183: {  	[spmem:s29] =	stream.indirect.scatter.add.f32 [tilespmem:s14], [sflag:$0x4], $0x40, s19, s3, $0xb8;
	[tilespmem:$0x18800] =	vst v63  }
0x184: {  	_ =	swait.ge [sflag:s15], $0x1000  }
0x185: {  	[sflag:s15] =	ssyncset.done $0x0  }
0x186: {  	[sflag:s15] =	ssyncadd.s32 $0xFFFFF000  }
0x187: {  	_ =	swait.ge [sflag:s17], $0x1000  }
0x188: {  	[sflag:s17] =	ssyncset.done $0x0  }
0x189: {  	[sflag:s17] =	ssyncadd.s32 $0xFFFFF000  }
0x18a: {  	[bflag:$0x0] =	sbarrier.arrive $0xFFFF  }
0x18b: {  	s21 =	sld [smem:$0x7F1];
	_ =	sdelay $0x2  }
0x18c: {  	[tilespmem:s24], [sflag:$0x5] =	stream.linear.gather [spmem:s21], $0x1000, $0x38;
	[tilespmem:$0x18800] =	vst v63  }
0x18d: {  	_ =	swait.ge [sflag:s25], $0x1000  }
0x18e: {  	[sflag:s25] =	ssyncset.done $0x0  }
0x18f: {  	s23 =	rddreg [dreg:$0x17];
	[sflag:s25] =	ssyncadd.s32 $0xFFFFF000  }
0x190: {  	[hbm4b:s23+s3] =	stream.strided.scatter [tilespmem:s24], [sflag:$0x5], $0x1000, s20, s3, $0x38;
	[tilespmem:$0x18800] =	vst v63  }
0x191: {  	_ =	swait.ge [sflag:s25], $0x1000  }
0x192: {  	[sflag:s25] =	ssyncset.done $0x0  }
0x193: {  	[sflag:s25] =	ssyncadd.s32 $0xFFFFF000  }
0x194: {  	[tilespmem:s24], [sflag:$0x5] =	stream.linear.gather [spmem:s5], $0x1000, $0x38;
	[tilespmem:$0x18800] =	vst v63  }
0x195: {  	_ =	swait.ge [sflag:s25], $0x1000  }
0x196: {  	[sflag:s25] =	ssyncset.done $0x0  }
0x197: {  	s22 =	rddreg [dreg:$0x18];
	[sflag:s25] =	ssyncadd.s32 $0xFFFFF000  }
0x198: {  	[hbm4b:s22+s3] =	stream.strided.scatter [tilespmem:s24], [sflag:$0x5], $0x1000, s20, s3, $0x38;
	[tilespmem:$0x18800] =	vst v63  }
0x199: {  	_ =	swait.ge [sflag:s25], $0x1000  }
0x19a: {  	[sflag:s25] =	ssyncset.done $0x0  }
0x19b: {  	[sflag:s25] =	ssyncadd.s32 $0xFFFFF000  }
0x19c: {  	[tilespmem:s24], [sflag:$0x5] =	stream.linear.gather [spmem:s6], $0x1000, $0x38;
	[tilespmem:$0x18800] =	vst v63  }
0x19d: {  	_ =	swait.ge [sflag:s25], $0x1000  }
0x19e: {  	[sflag:s25] =	ssyncset.done $0x0  }
0x19f: {  	s23 =	rddreg [dreg:$0x19];
	[sflag:s25] =	ssyncadd.s32 $0xFFFFF000  }
0x1a0: {  	[hbm4b:s23+s3] =	stream.strided.scatter [tilespmem:s24], [sflag:$0x5], $0x1000, s20, s3, $0x38;
	[tilespmem:$0x18800] =	vst v63  }
0x1a1: {  	_ =	swait.ge [sflag:s25], $0x1000  }
0x1a2: {  	[sflag:s25] =	ssyncset.done $0x0  }
0x1a3: {  	[sflag:s25] =	ssyncadd.s32 $0xFFFFF000  }
0x1a4: {  	[tilespmem:s24], [sflag:$0x5] =	stream.linear.gather [spmem:s7], $0x1000, $0x38;
	[tilespmem:$0x18800] =	vst v63  }
0x1a5: {  	_ =	swait.ge [sflag:s25], $0x1000  }
0x1a6: {  	[sflag:s25] =	ssyncset.done $0x0  }
0x1a7: {  	s22 =	rddreg [dreg:$0x1a];
	[sflag:s25] =	ssyncadd.s32 $0xFFFFF000  }
0x1a8: {  	[hbm4b:s22+s3] =	stream.strided.scatter [tilespmem:s24], [sflag:$0x5], $0x1000, s20, s3, $0x38;
	[tilespmem:$0x18800] =	vst v63  }
0x1a9: {  	_ =	swait.ge [sflag:s25], $0x1000  }
0x1aa: {  	[sflag:s25] =	ssyncset.done $0x0  }
0x1ab: {  	[sflag:s25] =	ssyncadd.s32 $0xFFFFF000  }
0x1ac: {  	[tilespmem:s24], [sflag:$0x5] =	stream.linear.gather [spmem:s8], $0x1000, $0x38;
	[tilespmem:$0x18800] =	vst v63  }
0x1ad: {  	_ =	swait.ge [sflag:s25], $0x1000  }
0x1ae: {  	[sflag:s25] =	ssyncset.done $0x0  }
0x1af: {  	s23 =	rddreg [dreg:$0x1b];
	[sflag:s25] =	ssyncadd.s32 $0xFFFFF000  }
0x1b0: {  	[hbm4b:s23+s3] =	stream.strided.scatter [tilespmem:s24], [sflag:$0x5], $0x1000, s20, s3, $0x38;
	[tilespmem:$0x18800] =	vst v63  }
0x1b1: {  	_ =	swait.ge [sflag:s25], $0x1000  }
0x1b2: {  	[sflag:s25] =	ssyncset.done $0x0  }
0x1b3: {  	[sflag:s25] =	ssyncadd.s32 $0xFFFFF000  }
0x1b4: {  	[tilespmem:s24], [sflag:$0x5] =	stream.linear.gather [spmem:s9], $0x1000, $0x38;
	[tilespmem:$0x18800] =	vst v63  }
0x1b5: {  	_ =	swait.ge [sflag:s25], $0x1000  }
0x1b6: {  	[sflag:s25] =	ssyncset.done $0x0  }
0x1b7: {  	s22 =	rddreg [dreg:$0x1c];
	[sflag:s25] =	ssyncadd.s32 $0xFFFFF000  }
0x1b8: {  	[hbm4b:s22+s3] =	stream.strided.scatter [tilespmem:s24], [sflag:$0x5], $0x1000, s20, s3, $0x38;
	[tilespmem:$0x18800] =	vst v63  }
0x1b9: {  	_ =	swait.ge [sflag:s25], $0x1000  }
0x1ba: {  	[sflag:s25] =	ssyncset.done $0x0  }
0x1bb: {  	[sflag:s25] =	ssyncadd.s32 $0xFFFFF000  }
0x1bc: {  	[tilespmem:s24], [sflag:$0x5] =	stream.linear.gather [spmem:s10], $0x1000, $0x38;
	[tilespmem:$0x18800] =	vst v63  }
0x1bd: {  	_ =	swait.ge [sflag:s25], $0x1000  }
0x1be: {  	[sflag:s25] =	ssyncset.done $0x0  }
0x1bf: {  	s23 =	rddreg [dreg:$0x1d];
	[sflag:s25] =	ssyncadd.s32 $0xFFFFF000  }
0x1c0: {  	[hbm4b:s23+s3] =	stream.strided.scatter [tilespmem:s24], [sflag:$0x5], $0x1000, s20, s3, $0x38;
	[tilespmem:$0x18800] =	vst v63  }
0x1c1: {  	_ =	swait.ge [sflag:s25], $0x1000  }
0x1c2: {  	[sflag:s25] =	ssyncset.done $0x0  }
0x1c3: {  	[sflag:s25] =	ssyncadd.s32 $0xFFFFF000  }
0x1c4: {  	[tilespmem:s24], [sflag:$0x5] =	stream.linear.gather [spmem:s11], $0x1000, $0x38;
	[tilespmem:$0x18800] =	vst v63  }
0x1c5: {  	_ =	swait.ge [sflag:s25], $0x1000  }
0x1c6: {  	[sflag:s25] =	ssyncset.done $0x0  }
0x1c7: {  	s22 =	rddreg [dreg:$0x1e];
	[sflag:s25] =	ssyncadd.s32 $0xFFFFF000  }
0x1c8: {  	[hbm4b:s22+s3] =	stream.strided.scatter [tilespmem:s24], [sflag:$0x5], $0x1000, s20, s3, $0x38;
	[tilespmem:$0x18800] =	vst v63  }
0x1c9: {  	_ =	swait.ge [sflag:s25], $0x1000  }
0x1ca: {  	[sflag:s25] =	ssyncset.done $0x0  }
0x1cb: {  	[sflag:s25] =	ssyncadd.s32 $0xFFFFF000  }
0x1cc: {  	[tilespmem:s24], [sflag:$0x5] =	stream.linear.gather [spmem:s12], $0x1000, $0x38;
	[tilespmem:$0x18800] =	vst v63  }
0x1cd: {  	_ =	swait.ge [sflag:s25], $0x1000  }
0x1ce: {  	[sflag:s25] =	ssyncset.done $0x0  }
0x1cf: {  	s23 =	rddreg [dreg:$0x1f];
	[sflag:s25] =	ssyncadd.s32 $0xFFFFF000  }
0x1d0: {  	[hbm4b:s23+s3] =	stream.strided.scatter [tilespmem:s24], [sflag:$0x5], $0x1000, s20, s3, $0x38;
	[tilespmem:$0x18800] =	vst v63  }
0x1d1: {  	_ =	swait.ge [sflag:s25], $0x1000  }
0x1d2: {  	[sflag:s25] =	ssyncset.done $0x0  }
0x1d3: {  	[sflag:s25] =	ssyncadd.s32 $0xFFFFF000  }
0x1d4: {  	[tilespmem:s24], [sflag:$0x5] =	stream.linear.gather [spmem:s13], $0x1000, $0x38;
	[tilespmem:$0x18800] =	vst v63  }
0x1d5: {  	_ =	swait.ge [sflag:s25], $0x1000  }
0x1d6: {  	s22 =	sld [smem:$0x7F0]  }
0x1d7: {  	[sflag:s25] =	ssyncset.done $0x0  }
0x1d8: {  	[sflag:s25] =	ssyncadd.s32 $0xFFFFF000  }
0x1d9: {  	[hbm4b:s22+s3] =	stream.strided.scatter [tilespmem:s24], [sflag:$0x5], $0x1000, s20, s3, $0x38;
	[tilespmem:$0x18800] =	vst v63  }
0x1da: {  	_ =	swait.ge [sflag:s25], $0x1000  }
0x1db: {  	s23 =	sld [smem:$0x7F2];
	_ =	sdelay $0x1  }
0x1dc: {  	s1 =	sadd.s32 $0x1, s1  }
0x1dd: {  	p0 =	sne.s32 s1, s23  }
.Ltmp5:
0x1de: {  	_ = 	snop;
	(pc) =	sbr.rel @p0 .LBB2_1-.Ltmp5, $3  }
0x1df: {  	_ =	sdelay $0x1  }
0x1e0: {  	[sflag:s25] =	ssyncset.done $0x0  }
0x1e1: {  	[sflag:s25] =	ssyncadd.s32 $0xFFFFF000  }
0x1e2: {  	_ =	sfence.sel $0x180000  }
0x1e3: {  	[bflag:$0x0] =	sbarrier.arrive $0xFFFF  }
0x1e4: {  	_ =	strace $0x90000050  }
0x1e5: {  	s0 =	stileid.u32;
	[bflag:$0x2] =	sbarrier.arrive $0xFFFF  }
0x1e6: {  	p0 =	sne.s32 s0, $0x0;
	s0 =	rddreg [dreg:$0x4]  }
0x1e7: {  	s0 =	sadd.s32 @!p0 $0x100000, s0  }
0x1e8: {  	[sflag:s0] =	ssyncadd.tile.s32 @!p0 $0x1;
	_ =	shalt  }
.Lfunc_end2:
_tile_overlayer_lowered:
.L_overlay_start_2:
0x1e9: {  	(tag) =	ssettag $0x2  }
0x1ea: {  	s0 =	rddreg [dreg:$0x0];
	s2 =	stileid.u32  }
0x1eb: {  	s1 =	rddreg [dreg:$0x1];
	p0 =	sne.s32 s2, $0x0  }
0x1ec: {  	s3 =	rddreg [dreg:$0x2];
	[bflag:$0x3] =	sbarrier.arrive $0xFFFF;
	s2 =	simm.s32 @!p0 $0x1C05  }
0x1ed: {  	[timem:s3], [sflag:s2] =	dma.local @!p0 [hbm:s0], s1  }
0x1ee: {  	s0 =	simm.s32 @!p0 $0x5  }
0x1ef: {  	_ =	swait.ge @!p0 [sflag:s0], s1  }
0x1f0: {  	s1 =	ssub.s32 @!p0 $0x0, s1;
	[sflag:s0] =	ssyncset.done @!p0 $0x0  }
0x1f1: {  	[sflag:s0] =	ssyncadd.s32 @!p0 s1  }
0x1f2: {  	[bflag:$0x3] =	sbarrier.arrive $0xFFFF  }
0x1f3: {  	_ =	shalt  }

</sc_bundles>
